<compile_context>
chip_gen: v7x
topology: tpu7x:2x2x1
jax: 0.10.2.dev20260603
libtpu: 0.0.44.dev20260713+nightly
codegen_flags: <defaults>
</compile_context>

<pallas_src>
import functools

import jax
import jax.numpy as jnp
from jax import lax
from jax.experimental import pallas as pl
from jax.experimental.pallas import tpu as pltpu
from jax.experimental.pallas import tpu_sc as plsc

N_NODES = 10000
N_PAD = 10112
N_EDGES = 160000
IN_DIM = 256
HID = 512
OUT_DIM = 256

NC = 2
NS = 16
ROWS_PER_TILE = N_PAD // NS
EDGES_PER_SC = N_EDGES // NC
EDGES_PER_TILE = EDGES_PER_SC // NS
CHUNK = 64
N_FULL = EDGES_PER_TILE // CHUNK
TAIL = EDGES_PER_TILE - N_FULL * CHUNK
NB = 4

F = 128

_dot = functools.partial(jnp.dot, preferred_element_type=jnp.float32)


def _make_spmm(num_slabs, with_deg):
    mesh = plsc.VectorSubcoreMesh(core_axis_name="c", subcore_axis_name="s")
    n_out = num_slabs + (1 if with_deg else 0)
    n_in = num_slabs + (4 if with_deg else 3)
    out_t = tuple(jax.ShapeDtypeStruct((NC, N_PAD, F), jnp.float32)
                  for _ in range(n_out))
    assert N_FULL % 2 == 0 and (N_FULL - (NB + 2)) % NB == 0
    scratch = [
        pltpu.VMEM((N_FULL * CHUNK,), jnp.int32),
        pltpu.VMEM((N_FULL, CHUNK), jnp.int32),
        [pltpu.VMEM((CHUNK, F), jnp.float32) for _ in range(NB)],
        pltpu.VMEM((TAIL,), jnp.int32),
        pltpu.VMEM((TAIL,), jnp.int32),
        pltpu.VMEM((TAIL, F), jnp.float32),
        pltpu.VMEM_SHARED((N_PAD, F), jnp.float32),
        [pltpu.SemaphoreType.DMA for _ in range(NB)],
        pltpu.SemaphoreType.DMA,
        pltpu.SemaphoreType.DMA,
    ]

    def body(*refs):
        tbls = refs[:num_slabs]
        src, dst, zeros = refs[num_slabs:num_slabs + 3]
        outs = refs[n_in:n_in + n_out]
        (dbuf2, sbuf2, rows, dbuf_t, sbuf_t, rows_t, acc,
         sems, sem_i, sem_d) = refs[n_in + n_out:]
        ones_buf = rows[0]
        c = lax.axis_index("c")
        t = lax.axis_index("s")
        stripe = pl.ds(t * ROWS_PER_TILE, ROWS_PER_TILE)
        ebase = c * EDGES_PER_SC + t * EDGES_PER_TILE
        tail_off = ebase + N_FULL * CHUNK

        def g_issue(tbl, k, j):
            pltpu.async_copy(tbl.at[dbuf2.at[pl.ds(k * CHUNK, CHUNK)]],
                             rows[j], sems[j])

        def g_wait(tbl, j):
            pltpu.make_async_copy(tbl.at[dbuf2.at[pl.ds(0, CHUNK)]], rows[j],
                                  sems[j]).wait()

        def scat(k, j):
            pltpu.sync_copy(rows[j], acc.at[sbuf2.at[k]], add=True)

        def zero_stripe():
            pltpu.sync_copy(zeros.at[stripe], acc.at[stripe])

        def flush(o):
            pltpu.sync_copy(acc.at[stripe], o.at[c, stripe])

        def prologue(tbl):
            for j in range(NB - 1):
                g_issue(tbl, j, j)

        pltpu.async_copy(dst.at[pl.ds(ebase, N_FULL * CHUNK)], dbuf2, sem_d)

        def iload(g, carry):
            pltpu.async_copy(src.at[pl.ds(ebase + g * CHUNK, CHUNK)],
                             sbuf2.at[g], sem_i)
            return carry

        lax.fori_loop(0, N_FULL, iload, 0)
        pltpu.async_copy(dst.at[pl.ds(tail_off, TAIL)], dbuf_t, sem_i)
        pltpu.async_copy(src.at[pl.ds(tail_off, TAIL)], sbuf_t, sem_i)

        def idrain(g, carry):
            pltpu.make_async_copy(src.at[pl.ds(ebase, CHUNK)],
                                  sbuf2.at[g], sem_i).wait()
            return carry

        lax.fori_loop(0, N_FULL, idrain, 0)
        pltpu.make_async_copy(dst.at[pl.ds(tail_off, TAIL)], dbuf_t,
                              sem_i).wait()
        pltpu.make_async_copy(src.at[pl.ds(tail_off, TAIL)], sbuf_t,
                              sem_i).wait()
        pltpu.make_async_copy(dst.at[pl.ds(ebase, N_FULL * CHUNK)], dbuf2,
                              sem_d).wait()

        if with_deg:
            ones = refs[num_slabs + 3]
            pltpu.sync_copy(ones, ones_buf)
            zero_stripe()
            plsc.subcore_barrier()

            def d_issue(k, sem):
                pltpu.async_copy(ones_buf, acc.at[sbuf2.at[k]], sem,
                                 add=True)

            def d_wait(sem):
                pltpu.make_async_copy(ones_buf, acc.at[sbuf2.at[0]],
                                      sem).wait()

            d_issue(0, sem_d)
            d_issue(1, sem_i)

            def dchunk(g, carry):
                d_wait(sem_d)
                d_issue(2 * g + 2, sem_d)
                d_wait(sem_i)
                d_issue(2 * g + 3, sem_i)
                return carry

            lax.fori_loop(0, (N_FULL - 2) // 2, dchunk, 0)
            d_wait(sem_d)
            d_wait(sem_i)
            pltpu.async_copy(ones_buf.at[pl.ds(0, TAIL)], acc.at[sbuf_t],
                             sem_i, add=True)
            pltpu.make_async_copy(ones_buf.at[pl.ds(0, TAIL)],
                                  acc.at[sbuf_t], sem_i).wait()
            plsc.subcore_barrier()
            prologue(tbls[0])
            flush(outs[num_slabs])
            zero_stripe()
            plsc.subcore_barrier()

        for slab in range(num_slabs):
            tbl = tbls[slab]
            if slab == 0 and not with_deg:
                zero_stripe()
                plsc.subcore_barrier()
                prologue(tbl)

            def chunkn(g, carry):
                for j in range(NB):
                    k = NB * g + j
                    g_issue(tbl, k + NB - 1, (j + NB - 1) % NB)
                    g_wait(tbl, j)
                    scat(k, j)
                return carry

            lax.fori_loop(0, (N_FULL - 2 * (NB - 1)) // NB, chunkn, 0)
            for k in range(N_FULL - 2 * (NB - 1), N_FULL):
                if k + NB - 1 < N_FULL:
                    g_issue(tbl, k + NB - 1, (k + NB - 1) % NB)
                g_wait(tbl, k % NB)
                scat(k, k % NB)
            pltpu.async_copy(tbl.at[dbuf_t], rows_t, sem_d).wait()
            pltpu.sync_copy(rows_t, acc.at[sbuf_t], add=True)
            plsc.subcore_barrier()
            if slab + 1 < num_slabs:
                prologue(tbls[slab + 1])
                flush(outs[slab])
                zero_stripe()
                plsc.subcore_barrier()
            else:
                flush(outs[slab])

    return pl.kernel(body, out_type=out_t, mesh=mesh, scratch_types=scratch)


_spmm1 = _make_spmm(2, with_deg=True)
_spmm2 = _make_spmm(4, with_deg=False)

R1 = 2000


def _tc1_body(p0, p1, pd, w1, b1, w2, b2, o0, o1, o2, o3):
    a0 = p0[0] + p0[1]
    a1 = p1[0] + p1[1]
    deg = pd[0][:, 0:1] + pd[1][:, 0:1]
    h = _dot(a0, w1[:F]) + _dot(a1, w1[F:]) + deg * b1[...]
    h = jnp.maximum(h, 0.0)
    o = _dot(h, w2[...]) + b2[...]
    o0[...] = o[:, 0:128]
    o1[...] = o[:, 128:256]
    o2[...] = o[:, 256:384]
    o3[...] = o[:, 384:512]


_tc1 = pl.pallas_call(
    _tc1_body,
    grid=(N_NODES // R1,),
    in_specs=[
        pl.BlockSpec((NC, R1, F), lambda i: (0, i, 0)),
        pl.BlockSpec((NC, R1, F), lambda i: (0, i, 0)),
        pl.BlockSpec((NC, R1, F), lambda i: (0, i, 0)),
        pl.BlockSpec((IN_DIM, HID), lambda i: (0, 0)),
        pl.BlockSpec((1, HID), lambda i: (0, 0)),
        pl.BlockSpec((HID, HID), lambda i: (0, 0)),
        pl.BlockSpec((1, HID), lambda i: (0, 0)),
    ],
    out_specs=[pl.BlockSpec((R1, F), lambda i: (i, 0)) for _ in range(4)],
    out_shape=[jax.ShapeDtypeStruct((N_NODES, F), jnp.float32)
               for _ in range(4)],
)


def _tc2_body(q0, q1, q2, q3, wp1, bp1, wp2, bp2, out):
    n2 = jnp.zeros((R1, 1), jnp.float32)
    acc = jnp.zeros((R1, HID), jnp.float32)
    for s, q in enumerate((q0, q1, q2, q3)):
        r = jnp.maximum(q[0] + q[1], 0.0)
        n2 = n2 + jnp.sum(r * r, axis=1, keepdims=True)
        acc = acc + _dot(r, wp1[s * F:(s + 1) * F])
    norm = jnp.maximum(jnp.sqrt(n2), 1e-12)
    h3 = acc / norm + bp1[...]
    h4 = _dot(h3, wp2[...]) + bp2[...]
    m = jnp.max(h4, axis=1, keepdims=True)
    lse = jnp.log(jnp.sum(jnp.exp(h4 - m), axis=1, keepdims=True)) + m
    out[...] = h4 - lse


_tc2 = pl.pallas_call(
    _tc2_body,
    grid=(N_NODES // R1,),
    in_specs=[
        pl.BlockSpec((NC, R1, F), lambda i: (0, i, 0)),
        pl.BlockSpec((NC, R1, F), lambda i: (0, i, 0)),
        pl.BlockSpec((NC, R1, F), lambda i: (0, i, 0)),
        pl.BlockSpec((NC, R1, F), lambda i: (0, i, 0)),
        pl.BlockSpec((HID, HID), lambda i: (0, 0)),
        pl.BlockSpec((1, HID), lambda i: (0, 0)),
        pl.BlockSpec((HID, OUT_DIM), lambda i: (0, 0)),
        pl.BlockSpec((1, OUT_DIM), lambda i: (0, 0)),
    ],
    out_specs=pl.BlockSpec((R1, OUT_DIM), lambda i: (i, 0)),
    out_shape=jax.ShapeDtypeStruct((N_NODES, OUT_DIM), jnp.float32),
)


def kernel(x, edge_index, W1, b1, W2, b2, Wp1, bp1, Wp2, bp2):
    f32 = jnp.float32
    src = edge_index[0]
    dst = edge_index[1]
    t0 = x[:, :F]
    t1 = x[:, F:]
    zeros = jnp.zeros((N_PAD, F), f32)
    ones = jnp.ones((CHUNK, F), f32)

    p0, p1, pdeg = _spmm1(t0, t1, src, dst, zeros, ones)
    h0, h1, h2, h3 = _tc1(p0, p1, pdeg, W1, b1.reshape(1, HID), W2,
                          b2.reshape(1, HID))
    q0, q1, q2, q3 = _spmm2(h0, h1, h2, h3, src, dst, zeros)
    return _tc2(q0, q1, q2, q3, Wp1, bp1.reshape(1, HID), Wp2,
                bp2.reshape(1, OUT_DIM))

# --- scband reference (transcript-rebuilt; emitter-appended) ---
"""Pipeline reference for scband-rex-gcnconv-1803886265679 (READ-ONLY COPY).

The authoritative reference and input builder live on the scoring server;
editing this copy changes nothing except your own understanding.
"""

import jax, jax.numpy as jnp
import numpy as np

N = 10000
E = 160000
IN_DIM = 256
HID = 512
OUT = 256


def setup_inputs(seed: int = 0) -> dict:
    key = jax.random.key(seed)
    ks = jax.random.split(key, 12)
    x = jax.random.normal(ks[0], (N, IN_DIM), dtype=jnp.float32)
    edge_index = jax.random.randint(ks[1], (2, E), 0, N, dtype=jnp.int32)
    def glorot(k, fan_in, fan_out):
        return jax.random.normal(k, (fan_in, fan_out), dtype=jnp.float32) * (1.0 / np.sqrt(fan_in))
    W1 = glorot(ks[2], IN_DIM, HID)
    b1 = jnp.zeros((HID,), dtype=jnp.float32)
    W2 = glorot(ks[3], HID, HID)
    b2 = jnp.zeros((HID,), dtype=jnp.float32)
    Wp1 = glorot(ks[4], HID, HID)
    bp1 = jnp.zeros((HID,), dtype=jnp.float32)
    Wp2 = glorot(ks[5], HID, OUT)
    bp2 = jnp.zeros((OUT,), dtype=jnp.float32)
    return {"x": x, "edge_index": edge_index, "W1": W1, "b1": b1, "W2": W2, "b2": b2, "Wp1": Wp1, "bp1": bp1, "Wp2": Wp2, "bp2": bp2}


def _graph_conv(h, edge_index, W, b, num_nodes):
    # GraphConvolution: linear (dropout is identity in eval) -> spmm(adj, h) -> relu
    # adj[i, j] = 1 for each edge (i=edge_index[0], j=edge_index[1])
    # (adj @ h)[i] = sum over edges with row i of h[edge_index[1]]
    h = h @ W + b
    msgs = jnp.take(h, edge_index[1], axis=0)
    agg = jax.ops.segment_sum(msgs, edge_index[0], num_segments=num_nodes)
    return jax.nn.relu(agg)


def reference(x, edge_index, W1, b1, W2, b2, Wp1, bp1, Wp2, bp2):
    num_nodes = x.shape[0]
    h = _graph_conv(x, edge_index, W1, b1, num_nodes)
    h = _graph_conv(h, edge_index, W2, b2, num_nodes)
    # F.normalize(h, p=2, dim=1)
    norm = jnp.maximum(jnp.linalg.norm(h, axis=1, keepdims=True), 1e-12)
    h = h / norm
    # post_mp: Linear -> Dropout(identity in eval) -> Linear
    h = h @ Wp1 + bp1
    h = h @ Wp2 + bp2
    return jax.nn.log_softmax(h, axis=1)

if __name__ == "__main__":
    import jax
    _d = setup_inputs()
    print(jax.jit(kernel)(*tuple(_d.values())))

</pallas_src>

<mosaic_0001>
#map = affine_map<(d0, d1) -> (0, 0)>
#map1 = affine_map<(d0, d1) -> (0)>
#map2 = affine_map<(d0, d1) -> (0, 0, 0)>
module attributes {stable_mosaic.version = 14 : i64} {
  func.func @body(%arg0: i32, %arg1: i32, %arg2: memref<10000x128xf32, #tpu.memory_space<hbm>>, %arg3: memref<10000x128xf32, #tpu.memory_space<hbm>>, %arg4: memref<10000x128xf32, #tpu.memory_space<hbm>>, %arg5: memref<10000x128xf32, #tpu.memory_space<hbm>>, %arg6: memref<160000xi32, #tpu.memory_space<hbm>>, %arg7: memref<160000xi32, #tpu.memory_space<hbm>>, %arg8: memref<10112x128xf32, #tpu.memory_space<hbm>>, %arg9: memref<2x10112x128xf32, #tpu.memory_space<hbm>>, %arg10: memref<2x10112x128xf32, #tpu.memory_space<hbm>>, %arg11: memref<2x10112x128xf32, #tpu.memory_space<hbm>>, %arg12: memref<2x10112x128xf32, #tpu.memory_space<hbm>>, %arg13: memref<4992xi32, #tpu.memory_space<vmem>>, %arg14: memref<78x64xi32, #tpu.memory_space<vmem>>, %arg15: memref<64x128xf32, #tpu.memory_space<vmem>>, %arg16: memref<64x128xf32, #tpu.memory_space<vmem>>, %arg17: memref<64x128xf32, #tpu.memory_space<vmem>>, %arg18: memref<64x128xf32, #tpu.memory_space<vmem>>, %arg19: memref<8xi32, #tpu.memory_space<vmem>>, %arg20: memref<8xi32, #tpu.memory_space<vmem>>, %arg21: memref<8x128xf32, #tpu.memory_space<vmem>>, %arg22: memref<10112x128xf32, #tpu.memory_space<vmem_shared>>, %arg23: memref<!tpu.dma_semaphore, #tpu.memory_space<semaphore_mem>>, %arg24: memref<!tpu.dma_semaphore, #tpu.memory_space<semaphore_mem>>, %arg25: memref<!tpu.dma_semaphore, #tpu.memory_space<semaphore_mem>>, %arg26: memref<!tpu.dma_semaphore, #tpu.memory_space<semaphore_mem>>, %arg27: memref<!tpu.dma_semaphore, #tpu.memory_space<semaphore_mem>>, %arg28: memref<!tpu.dma_semaphore, #tpu.memory_space<semaphore_mem>>) attributes {dimension_semantics = [#tpu.dimension_semantics<core_parallel>, #tpu.dimension_semantics<subcore_parallel>], iteration_bounds = array<i64: 2, 16>, scalar_prefetch = 0 : i64, scratch_operands = 16 : i64, tpu.core_type = #tpu.core_type<sc_vector_subcore>, window_params = [{transform_indices = #map}, {transform_indices = #map}, {transform_indices = #map}, {transform_indices = #map}, {transform_indices = #map1}, {transform_indices = #map1}, {transform_indices = #map}, {transform_indices = #map2}, {transform_indices = #map2}, {transform_indices = #map2}, {transform_indices = #map2}]} {
    %mul3A = arith.constant 632 : i32
    %mul3A_0 = arith.muli %arg1, %mul3A : i32
    %mul3A_1 = arith.constant 80000 : i32
    %mul3A_2 = arith.muli %arg0, %mul3A_1 : i32
    %mul3A_3 = arith.constant 5000 : i32
    %mul3A_4 = arith.muli %arg1, %mul3A_3 : i32
    %add3A = arith.addi %mul3A_2, %mul3A_4 : i32
    %add3A_5 = arith.constant 4992 : i32
    %add3A_6 = arith.addi %add3A, %add3A_5 : i32
    %dma_start3A = tpu.memref_slice %arg7[%add3A] : memref<160000xi32, #tpu.memory_space<hbm>> -> memref<4992xi32, #tpu.memory_space<hbm>>
    %dma_start3A_7 = tpu.memref_slice %arg7[%add3A] : memref<160000xi32, #tpu.memory_space<hbm>> -> memref<4992xi32, #tpu.memory_space<hbm>>
    tpu.enqueue_dma source(%dma_start3A_7 : memref<4992xi32, #tpu.memory_space<hbm>>) target(%arg13 : memref<4992xi32, #tpu.memory_space<vmem>>) target_semaphore(%arg28 : memref<!tpu.dma_semaphore, #tpu.memory_space<semaphore_mem>>)
    %scan3A = arith.constant 0 : i32
    %scan3A_8 = arith.constant 0 : i32
    %scan3A_9 = arith.constant 78 : i32
    %scan3A_10 = arith.addi %scan3A_8, %scan3A_9 : i32
    %scan3A_11 = arith.constant 1 : i32
    scf.for %scan3A_346 = %scan3A_8 to %scan3A_10 step %scan3A_11  : i32 {
      %mul3A_347 = arith.constant 64 : i32
      %mul3A_348 = arith.muli %scan3A_346, %mul3A_347 : i32
      %add3A_349 = arith.addi %add3A, %mul3A_348 : i32
      %dma_start3A_350 = arith.constant 0 : i32
      %dma_start3A_351 = tpu.memref_slice %arg14[%scan3A_346, %dma_start3A_350] : memref<78x64xi32, #tpu.memory_space<vmem>> -> memref<1x64xi32, #tpu.memory_space<vmem>>
      %dma_start3A_352 = tpu.memref_squeeze %dma_start3A_351 : memref<1x64xi32, #tpu.memory_space<vmem>> -> memref<64xi32, #tpu.memory_space<vmem>>
      %dma_start3A_353 = tpu.memref_slice %arg6[%add3A_349] : memref<160000xi32, #tpu.memory_space<hbm>> -> memref<64xi32, #tpu.memory_space<hbm>>
      %dma_start3A_354 = arith.constant 0 : i32
      %dma_start3A_355 = tpu.memref_slice %arg14[%scan3A_346, %dma_start3A_354] : memref<78x64xi32, #tpu.memory_space<vmem>> -> memref<1x64xi32, #tpu.memory_space<vmem>>
      %dma_start3A_356 = tpu.memref_squeeze %dma_start3A_355 : memref<1x64xi32, #tpu.memory_space<vmem>> -> memref<64xi32, #tpu.memory_space<vmem>>
      %dma_start3A_357 = tpu.memref_slice %arg6[%add3A_349] : memref<160000xi32, #tpu.memory_space<hbm>> -> memref<64xi32, #tpu.memory_space<hbm>>
      tpu.enqueue_dma source(%dma_start3A_357 : memref<64xi32, #tpu.memory_space<hbm>>) target(%dma_start3A_356 : memref<64xi32, #tpu.memory_space<vmem>>) target_semaphore(%arg27 : memref<!tpu.dma_semaphore, #tpu.memory_space<semaphore_mem>>)
    }
    %scan3A_12 = arith.constant 78 : i32
    %dma_start3A_13 = tpu.memref_slice %arg7[%add3A_6] : memref<160000xi32, #tpu.memory_space<hbm>> -> memref<8xi32, #tpu.memory_space<hbm>>
    %dma_start3A_14 = tpu.memref_slice %arg7[%add3A_6] : memref<160000xi32, #tpu.memory_space<hbm>> -> memref<8xi32, #tpu.memory_space<hbm>>
    tpu.enqueue_dma source(%dma_start3A_14 : memref<8xi32, #tpu.memory_space<hbm>>) target(%arg19 : memref<8xi32, #tpu.memory_space<vmem>>) target_semaphore(%arg27 : memref<!tpu.dma_semaphore, #tpu.memory_space<semaphore_mem>>)
    %dma_start3A_15 = tpu.memref_slice %arg6[%add3A_6] : memref<160000xi32, #tpu.memory_space<hbm>> -> memref<8xi32, #tpu.memory_space<hbm>>
    %dma_start3A_16 = tpu.memref_slice %arg6[%add3A_6] : memref<160000xi32, #tpu.memory_space<hbm>> -> memref<8xi32, #tpu.memory_space<hbm>>
    tpu.enqueue_dma source(%dma_start3A_16 : memref<8xi32, #tpu.memory_space<hbm>>) target(%arg20 : memref<8xi32, #tpu.memory_space<vmem>>) target_semaphore(%arg27 : memref<!tpu.dma_semaphore, #tpu.memory_space<semaphore_mem>>)
    %scan3A_17 = arith.constant 0 : i32
    %scan3A_18 = arith.constant 0 : i32
    %scan3A_19 = arith.constant 78 : i32
    %scan3A_20 = arith.addi %scan3A_18, %scan3A_19 : i32
    %scan3A_21 = arith.constant 1 : i32
    scf.for %scan3A_346 = %scan3A_18 to %scan3A_20 step %scan3A_21  : i32 {
      %dma_wait3A_347 = arith.constant 0 : i32
      %dma_wait3A_348 = tpu.memref_slice %arg14[%scan3A_346, %dma_wait3A_347] : memref<78x64xi32, #tpu.memory_space<vmem>> -> memref<1x64xi32, #tpu.memory_space<vmem>>
      %dma_wait3A_349 = tpu.memref_squeeze %dma_wait3A_348 : memref<1x64xi32, #tpu.memory_space<vmem>> -> memref<64xi32, #tpu.memory_space<vmem>>
      %dma_wait3A_350 = tpu.memref_slice %arg6[%add3A] : memref<160000xi32, #tpu.memory_space<hbm>> -> memref<64xi32, #tpu.memory_space<hbm>>
      %dma_wait3A_351 = arith.constant 0 : i32
      %dma_wait3A_352 = tpu.memref_slice %arg14[%scan3A_346, %dma_wait3A_351] : memref<78x64xi32, #tpu.memory_space<vmem>> -> memref<1x64xi32, #tpu.memory_space<vmem>>
      %dma_wait3A_353 = tpu.memref_squeeze %dma_wait3A_352 : memref<1x64xi32, #tpu.memory_space<vmem>> -> memref<64xi32, #tpu.memory_space<vmem>>
      %dma_wait3A_354 = tpu.memref_slice %arg6[%add3A] : memref<160000xi32, #tpu.memory_space<hbm>> -> memref<64xi32, #tpu.memory_space<hbm>>
      tpu.wait_dma2 semaphore(%arg27 : memref<!tpu.dma_semaphore, #tpu.memory_space<semaphore_mem>>) src(%dma_wait3A_354 : memref<64xi32, #tpu.memory_space<hbm>>) dst(%dma_wait3A_353 : memref<64xi32, #tpu.memory_space<vmem>>)
    }
    %scan3A_22 = arith.constant 78 : i32
    %dma_wait3A = tpu.memref_slice %arg7[%add3A_6] : memref<160000xi32, #tpu.memory_space<hbm>> -> memref<8xi32, #tpu.memory_space<hbm>>
    %dma_wait3A_23 = tpu.memref_slice %arg7[%add3A_6] : memref<160000xi32, #tpu.memory_space<hbm>> -> memref<8xi32, #tpu.memory_space<hbm>>
    tpu.wait_dma2 semaphore(%arg27 : memref<!tpu.dma_semaphore, #tpu.memory_space<semaphore_mem>>) src(%dma_wait3A_23 : memref<8xi32, #tpu.memory_space<hbm>>) dst(%arg19 : memref<8xi32, #tpu.memory_space<vmem>>)
    %dma_wait3A_24 = tpu.memref_slice %arg6[%add3A_6] : memref<160000xi32, #tpu.memory_space<hbm>> -> memref<8xi32, #tpu.memory_space<hbm>>
    %dma_wait3A_25 = tpu.memref_slice %arg6[%add3A_6] : memref<160000xi32, #tpu.memory_space<hbm>> -> memref<8xi32, #tpu.memory_space<hbm>>
    tpu.wait_dma2 semaphore(%arg27 : memref<!tpu.dma_semaphore, #tpu.memory_space<semaphore_mem>>) src(%dma_wait3A_25 : memref<8xi32, #tpu.memory_space<hbm>>) dst(%arg20 : memref<8xi32, #tpu.memory_space<vmem>>)
    %dma_wait3A_26 = tpu.memref_slice %arg7[%add3A] : memref<160000xi32, #tpu.memory_space<hbm>> -> memref<4992xi32, #tpu.memory_space<hbm>>
    %dma_wait3A_27 = tpu.memref_slice %arg7[%add3A] : memref<160000xi32, #tpu.memory_space<hbm>> -> memref<4992xi32, #tpu.memory_space<hbm>>
    tpu.wait_dma2 semaphore(%arg28 : memref<!tpu.dma_semaphore, #tpu.memory_space<semaphore_mem>>) src(%dma_wait3A_27 : memref<4992xi32, #tpu.memory_space<hbm>>) dst(%arg13 : memref<4992xi32, #tpu.memory_space<vmem>>)
    "tpu.region"() ({
      %run_scoped3A_346 = tpu.sem_alloc : memref<!tpu.dma_semaphore, #tpu.memory_space<semaphore_mem>>
      %dma_start3A_347 = arith.constant 0 : i32
      %dma_start3A_348 = tpu.memref_slice %arg22[%mul3A_0, %dma_start3A_347] : memref<10112x128xf32, #tpu.memory_space<vmem_shared>> -> memref<632x128xf32, #tpu.memory_space<vmem_shared>>
      %dma_start3A_349 = arith.constant 0 : i32
      %dma_start3A_350 = tpu.memref_slice %arg8[%mul3A_0, %dma_start3A_349] : memref<10112x128xf32, #tpu.memory_space<hbm>> -> memref<632x128xf32, #tpu.memory_space<hbm>>
      tpu.enqueue_dma source(%dma_start3A_350 : memref<632x128xf32, #tpu.memory_space<hbm>>) target(%dma_start3A_348 : memref<632x128xf32, #tpu.memory_space<vmem_shared>>) target_semaphore(%run_scoped3A_346 : memref<!tpu.dma_semaphore, #tpu.memory_space<semaphore_mem>>)
      %dma_wait3A_351 = arith.constant 0 : i32
      %dma_wait3A_352 = tpu.memref_slice %arg22[%mul3A_0, %dma_wait3A_351] : memref<10112x128xf32, #tpu.memory_space<vmem_shared>> -> memref<632x128xf32, #tpu.memory_space<vmem_shared>>
      %dma_wait3A_353 = arith.constant 0 : i32
      %dma_wait3A_354 = tpu.memref_slice %arg8[%mul3A_0, %dma_wait3A_353] : memref<10112x128xf32, #tpu.memory_space<hbm>> -> memref<632x128xf32, #tpu.memory_space<hbm>>
      tpu.wait_dma2 semaphore(%run_scoped3A_346 : memref<!tpu.dma_semaphore, #tpu.memory_space<semaphore_mem>>) src(%dma_wait3A_354 : memref<632x128xf32, #tpu.memory_space<hbm>>) dst(%dma_wait3A_352 : memref<632x128xf32, #tpu.memory_space<vmem_shared>>)
      tpu.yield
    }) : () -> ()
    %barrier3A = arith.constant 0 : index
    tpu.barrier barrier_id(%barrier3A)
    %dma_start3A_28 = arith.constant 0 : i32
    %dma_start3A_29 = tpu.memref_slice %arg13[%dma_start3A_28] : memref<4992xi32, #tpu.memory_space<vmem>> -> memref<64xi32, #tpu.memory_space<vmem>>
    %dma_start3A_30 = arith.constant 0 : i32
    %dma_start3A_31 = arith.constant 0 : i32
    %dma_start3A_32 = tpu.memref_slice %arg2[%dma_start3A_30, %dma_start3A_31] : memref<10000x128xf32, #tpu.memory_space<hbm>> -> memref<10000x128xf32, #tpu.memory_space<hbm>>
    tpu.enqueue_indirect_dma source(%dma_start3A_32 : memref<10000x128xf32, #tpu.memory_space<hbm>>) target(%arg15 : memref<64x128xf32, #tpu.memory_space<vmem>>) offsets(%dma_start3A_29 : memref<64xi32, #tpu.memory_space<vmem>>) semaphore(%arg23 : memref<!tpu.dma_semaphore, #tpu.memory_space<semaphore_mem>>)
    %dma_start3A_33 = arith.constant 64 : i32
    %dma_start3A_34 = tpu.memref_slice %arg13[%dma_start3A_33] : memref<4992xi32, #tpu.memory_space<vmem>> -> memref<64xi32, #tpu.memory_space<vmem>>
    %dma_start3A_35 = arith.constant 0 : i32
    %dma_start3A_36 = arith.constant 0 : i32
    %dma_start3A_37 = tpu.memref_slice %arg2[%dma_start3A_35, %dma_start3A_36] : memref<10000x128xf32, #tpu.memory_space<hbm>> -> memref<10000x128xf32, #tpu.memory_space<hbm>>
    tpu.enqueue_indirect_dma source(%dma_start3A_37 : memref<10000x128xf32, #tpu.memory_space<hbm>>) target(%arg16 : memref<64x128xf32, #tpu.memory_space<vmem>>) offsets(%dma_start3A_34 : memref<64xi32, #tpu.memory_space<vmem>>) semaphore(%arg24 : memref<!tpu.dma_semaphore, #tpu.memory_space<semaphore_mem>>)
    %dma_start3A_38 = arith.constant 128 : i32
    %dma_start3A_39 = tpu.memref_slice %arg13[%dma_start3A_38] : memref<4992xi32, #tpu.memory_space<vmem>> -> memref<64xi32, #tpu.memory_space<vmem>>
    %dma_start3A_40 = arith.constant 0 : i32
    %dma_start3A_41 = arith.constant 0 : i32
    %dma_start3A_42 = tpu.memref_slice %arg2[%dma_start3A_40, %dma_start3A_41] : memref<10000x128xf32, #tpu.memory_space<hbm>> -> memref<10000x128xf32, #tpu.memory_space<hbm>>
    tpu.enqueue_indirect_dma source(%dma_start3A_42 : memref<10000x128xf32, #tpu.memory_space<hbm>>) target(%arg17 : memref<64x128xf32, #tpu.memory_space<vmem>>) offsets(%dma_start3A_39 : memref<64xi32, #tpu.memory_space<vmem>>) semaphore(%arg25 : memref<!tpu.dma_semaphore, #tpu.memory_space<semaphore_mem>>)
    %scan3A_43 = arith.constant 0 : i32
    %scan3A_44 = arith.constant 0 : i32
    %scan3A_45 = arith.constant 18 : i32
    %scan3A_46 = arith.addi %scan3A_44, %scan3A_45 : i32
    %scan3A_47 = arith.constant 1 : i32
    scf.for %scan3A_346 = %scan3A_44 to %scan3A_46 step %scan3A_47  : i32 {
      %mul3A_347 = arith.constant 4 : i32
      %mul3A_348 = arith.muli %mul3A_347, %scan3A_346 : i32
      %add3A_349 = arith.constant 0 : i32
      %add3A_350 = arith.addi %mul3A_348, %add3A_349 : i32
      %add3A_351 = arith.constant 4 : i32
      %add3A_352 = arith.addi %add3A_350, %add3A_351 : i32
      %sub3A = arith.constant 1 : i32
      %sub3A_353 = arith.subi %add3A_352, %sub3A : i32
      %mul3A_354 = arith.constant 64 : i32
      %mul3A_355 = arith.muli %sub3A_353, %mul3A_354 : i32
      %dma_start3A_356 = tpu.memref_slice %arg13[%mul3A_355] : memref<4992xi32, #tpu.memory_space<vmem>> -> memref<64xi32, #tpu.memory_space<vmem>>
      %dma_start3A_357 = arith.constant 0 : i32
      %dma_start3A_358 = arith.constant 0 : i32
      %dma_start3A_359 = tpu.memref_slice %arg2[%dma_start3A_357, %dma_start3A_358] : memref<10000x128xf32, #tpu.memory_space<hbm>> -> memref<10000x128xf32, #tpu.memory_space<hbm>>
      tpu.enqueue_indirect_dma source(%dma_start3A_359 : memref<10000x128xf32, #tpu.memory_space<hbm>>) target(%arg18 : memref<64x128xf32, #tpu.memory_space<vmem>>) offsets(%dma_start3A_356 : memref<64xi32, #tpu.memory_space<vmem>>) semaphore(%arg26 : memref<!tpu.dma_semaphore, #tpu.memory_space<semaphore_mem>>)
      %dma_wait3A_360 = arith.constant 0 : i32
      %dma_wait3A_361 = tpu.memref_slice %arg13[%dma_wait3A_360] : memref<4992xi32, #tpu.memory_space<vmem>> -> memref<64xi32, #tpu.memory_space<vmem>>
      %dma_wait3A_362 = arith.constant 0 : i32
      %dma_wait3A_363 = arith.constant 0 : i32
      %dma_wait3A_364 = tpu.memref_slice %arg2[%dma_wait3A_362, %dma_wait3A_363] : memref<10000x128xf32, #tpu.memory_space<hbm>> -> memref<10000x128xf32, #tpu.memory_space<hbm>>
      tpu.wait_indirect_dma semaphore(%arg23 : memref<!tpu.dma_semaphore, #tpu.memory_space<semaphore_mem>>) src(%dma_wait3A_364 : memref<10000x128xf32, #tpu.memory_space<hbm>>) dst(%arg15 : memref<64x128xf32, #tpu.memory_space<vmem>>)
      "tpu.region"() ({
        %run_scoped3A_422 = tpu.sem_alloc : memref<!tpu.dma_semaphore, #tpu.memory_space<semaphore_mem>>
        %dma_start3A_423 = arith.constant 0 : i32
        %dma_start3A_424 = tpu.memref_slice %arg14[%add3A_350, %dma_start3A_423] : memref<78x64xi32, #tpu.memory_space<vmem>> -> memref<1x64xi32, #tpu.memory_space<vmem>>
        %dma_start3A_425 = tpu.memref_squeeze %dma_start3A_424 : memref<1x64xi32, #tpu.memory_space<vmem>> -> memref<64xi32, #tpu.memory_space<vmem>>
        %dma_start3A_426 = arith.constant 0 : i32
        %dma_start3A_427 = arith.constant 0 : i32
        %dma_start3A_428 = tpu.memref_slice %arg22[%dma_start3A_426, %dma_start3A_427] : memref<10112x128xf32, #tpu.memory_space<vmem_shared>> -> memref<10112x128xf32, #tpu.memory_space<vmem_shared>>
        tpu.enqueue_indirect_dma source(%arg15 : memref<64x128xf32, #tpu.memory_space<vmem>>) target(%dma_start3A_428 : memref<10112x128xf32, #tpu.memory_space<vmem_shared>>) offsets(%dma_start3A_425 : memref<64xi32, #tpu.memory_space<vmem>>) semaphore(%run_scoped3A_422 : memref<!tpu.dma_semaphore, #tpu.memory_space<semaphore_mem>>) {add = true}
        %dma_wait3A_429 = arith.constant 0 : i32
        %dma_wait3A_430 = tpu.memref_slice %arg14[%add3A_350, %dma_wait3A_429] : memref<78x64xi32, #tpu.memory_space<vmem>> -> memref<1x64xi32, #tpu.memory_space<vmem>>
        %dma_wait3A_431 = tpu.memref_squeeze %dma_wait3A_430 : memref<1x64xi32, #tpu.memory_space<vmem>> -> memref<64xi32, #tpu.memory_space<vmem>>
        %dma_wait3A_432 = arith.constant 0 : i32
        %dma_wait3A_433 = arith.constant 0 : i32
        %dma_wait3A_434 = tpu.memref_slice %arg22[%dma_wait3A_432, %dma_wait3A_433] : memref<10112x128xf32, #tpu.memory_space<vmem_shared>> -> memref<10112x128xf32, #tpu.memory_space<vmem_shared>>
        tpu.wait_indirect_dma semaphore(%run_scoped3A_422 : memref<!tpu.dma_semaphore, #tpu.memory_space<semaphore_mem>>) src(%arg15 : memref<64x128xf32, #tpu.memory_space<vmem>>) dst(%dma_wait3A_434 : memref<10112x128xf32, #tpu.memory_space<vmem_shared>>)
        tpu.yield
      }) : () -> ()
      %mul3A_365 = arith.constant 4 : i32
      %mul3A_366 = arith.muli %mul3A_365, %scan3A_346 : i32
      %add3A_367 = arith.constant 1 : i32
      %add3A_368 = arith.addi %mul3A_366, %add3A_367 : i32
      %add3A_369 = arith.constant 4 : i32
      %add3A_370 = arith.addi %add3A_368, %add3A_369 : i32
      %sub3A_371 = arith.constant 1 : i32
      %sub3A_372 = arith.subi %add3A_370, %sub3A_371 : i32
      %mul3A_373 = arith.constant 64 : i32
      %mul3A_374 = arith.muli %sub3A_372, %mul3A_373 : i32
      %dma_start3A_375 = tpu.memref_slice %arg13[%mul3A_374] : memref<4992xi32, #tpu.memory_space<vmem>> -> memref<64xi32, #tpu.memory_space<vmem>>
      %dma_start3A_376 = arith.constant 0 : i32
      %dma_start3A_377 = arith.constant 0 : i32
      %dma_start3A_378 = tpu.memref_slice %arg2[%dma_start3A_376, %dma_start3A_377] : memref<10000x128xf32, #tpu.memory_space<hbm>> -> memref<10000x128xf32, #tpu.memory_space<hbm>>
      tpu.enqueue_indirect_dma source(%dma_start3A_378 : memref<10000x128xf32, #tpu.memory_space<hbm>>) target(%arg15 : memref<64x128xf32, #tpu.memory_space<vmem>>) offsets(%dma_start3A_375 : memref<64xi32, #tpu.memory_space<vmem>>) semaphore(%arg23 : memref<!tpu.dma_semaphore, #tpu.memory_space<semaphore_mem>>)
      %dma_wait3A_379 = arith.constant 0 : i32
      %dma_wait3A_380 = tpu.memref_slice %arg13[%dma_wait3A_379] : memref<4992xi32, #tpu.memory_space<vmem>> -> memref<64xi32, #tpu.memory_space<vmem>>
      %dma_wait3A_381 = arith.constant 0 : i32
      %dma_wait3A_382 = arith.constant 0 : i32
      %dma_wait3A_383 = tpu.memref_slice %arg2[%dma_wait3A_381, %dma_wait3A_382] : memref<10000x128xf32, #tpu.memory_space<hbm>> -> memref<10000x128xf32, #tpu.memory_space<hbm>>
      tpu.wait_indirect_dma semaphore(%arg24 : memref<!tpu.dma_semaphore, #tpu.memory_space<semaphore_mem>>) src(%dma_wait3A_383 : memref<10000x128xf32, #tpu.memory_space<hbm>>) dst(%arg16 : memref<64x128xf32, #tpu.memory_space<vmem>>)
      "tpu.region"() ({
        %run_scoped3A_422 = tpu.sem_alloc : memref<!tpu.dma_semaphore, #tpu.memory_space<semaphore_mem>>
        %dma_start3A_423 = arith.constant 0 : i32
        %dma_start3A_424 = tpu.memref_slice %arg14[%add3A_368, %dma_start3A_423] : memref<78x64xi32, #tpu.memory_space<vmem>> -> memref<1x64xi32, #tpu.memory_space<vmem>>
        %dma_start3A_425 = tpu.memref_squeeze %dma_start3A_424 : memref<1x64xi32, #tpu.memory_space<vmem>> -> memref<64xi32, #tpu.memory_space<vmem>>
        %dma_start3A_426 = arith.constant 0 : i32
        %dma_start3A_427 = arith.constant 0 : i32
        %dma_start3A_428 = tpu.memref_slice %arg22[%dma_start3A_426, %dma_start3A_427] : memref<10112x128xf32, #tpu.memory_space<vmem_shared>> -> memref<10112x128xf32, #tpu.memory_space<vmem_shared>>
        tpu.enqueue_indirect_dma source(%arg16 : memref<64x128xf32, #tpu.memory_space<vmem>>) target(%dma_start3A_428 : memref<10112x128xf32, #tpu.memory_space<vmem_shared>>) offsets(%dma_start3A_425 : memref<64xi32, #tpu.memory_space<vmem>>) semaphore(%run_scoped3A_422 : memref<!tpu.dma_semaphore, #tpu.memory_space<semaphore_mem>>) {add = true}
        %dma_wait3A_429 = arith.constant 0 : i32
        %dma_wait3A_430 = tpu.memref_slice %arg14[%add3A_368, %dma_wait3A_429] : memref<78x64xi32, #tpu.memory_space<vmem>> -> memref<1x64xi32, #tpu.memory_space<vmem>>
        %dma_wait3A_431 = tpu.memref_squeeze %dma_wait3A_430 : memref<1x64xi32, #tpu.memory_space<vmem>> -> memref<64xi32, #tpu.memory_space<vmem>>
        %dma_wait3A_432 = arith.constant 0 : i32
        %dma_wait3A_433 = arith.constant 0 : i32
        %dma_wait3A_434 = tpu.memref_slice %arg22[%dma_wait3A_432, %dma_wait3A_433] : memref<10112x128xf32, #tpu.memory_space<vmem_shared>> -> memref<10112x128xf32, #tpu.memory_space<vmem_shared>>
        tpu.wait_indirect_dma semaphore(%run_scoped3A_422 : memref<!tpu.dma_semaphore, #tpu.memory_space<semaphore_mem>>) src(%arg16 : memref<64x128xf32, #tpu.memory_space<vmem>>) dst(%dma_wait3A_434 : memref<10112x128xf32, #tpu.memory_space<vmem_shared>>)
        tpu.yield
      }) : () -> ()
      %mul3A_384 = arith.constant 4 : i32
      %mul3A_385 = arith.muli %mul3A_384, %scan3A_346 : i32
      %add3A_386 = arith.constant 2 : i32
      %add3A_387 = arith.addi %mul3A_385, %add3A_386 : i32
      %add3A_388 = arith.constant 4 : i32
      %add3A_389 = arith.addi %add3A_387, %add3A_388 : i32
      %sub3A_390 = arith.constant 1 : i32
      %sub3A_391 = arith.subi %add3A_389, %sub3A_390 : i32
      %mul3A_392 = arith.constant 64 : i32
      %mul3A_393 = arith.muli %sub3A_391, %mul3A_392 : i32
      %dma_start3A_394 = tpu.memref_slice %arg13[%mul3A_393] : memref<4992xi32, #tpu.memory_space<vmem>> -> memref<64xi32, #tpu.memory_space<vmem>>
      %dma_start3A_395 = arith.constant 0 : i32
      %dma_start3A_396 = arith.constant 0 : i32
      %dma_start3A_397 = tpu.memref_slice %arg2[%dma_start3A_395, %dma_start3A_396] : memref<10000x128xf32, #tpu.memory_space<hbm>> -> memref<10000x128xf32, #tpu.memory_space<hbm>>
      tpu.enqueue_indirect_dma source(%dma_start3A_397 : memref<10000x128xf32, #tpu.memory_space<hbm>>) target(%arg16 : memref<64x128xf32, #tpu.memory_space<vmem>>) offsets(%dma_start3A_394 : memref<64xi32, #tpu.memory_space<vmem>>) semaphore(%arg24 : memref<!tpu.dma_semaphore, #tpu.memory_space<semaphore_mem>>)
      %dma_wait3A_398 = arith.constant 0 : i32
      %dma_wait3A_399 = tpu.memref_slice %arg13[%dma_wait3A_398] : memref<4992xi32, #tpu.memory_space<vmem>> -> memref<64xi32, #tpu.memory_space<vmem>>
      %dma_wait3A_400 = arith.constant 0 : i32
      %dma_wait3A_401 = arith.constant 0 : i32
      %dma_wait3A_402 = tpu.memref_slice %arg2[%dma_wait3A_400, %dma_wait3A_401] : memref<10000x128xf32, #tpu.memory_space<hbm>> -> memref<10000x128xf32, #tpu.memory_space<hbm>>
      tpu.wait_indirect_dma semaphore(%arg25 : memref<!tpu.dma_semaphore, #tpu.memory_space<semaphore_mem>>) src(%dma_wait3A_402 : memref<10000x128xf32, #tpu.memory_space<hbm>>) dst(%arg17 : memref<64x128xf32, #tpu.memory_space<vmem>>)
      "tpu.region"() ({
        %run_scoped3A_422 = tpu.sem_alloc : memref<!tpu.dma_semaphore, #tpu.memory_space<semaphore_mem>>
        %dma_start3A_423 = arith.constant 0 : i32
        %dma_start3A_424 = tpu.memref_slice %arg14[%add3A_387, %dma_start3A_423] : memref<78x64xi32, #tpu.memory_space<vmem>> -> memref<1x64xi32, #tpu.memory_space<vmem>>
        %dma_start3A_425 = tpu.memref_squeeze %dma_start3A_424 : memref<1x64xi32, #tpu.memory_space<vmem>> -> memref<64xi32, #tpu.memory_space<vmem>>
        %dma_start3A_426 = arith.constant 0 : i32
        %dma_start3A_427 = arith.constant 0 : i32
        %dma_start3A_428 = tpu.memref_slice %arg22[%dma_start3A_426, %dma_start3A_427] : memref<10112x128xf32, #tpu.memory_space<vmem_shared>> -> memref<10112x128xf32, #tpu.memory_space<vmem_shared>>
        tpu.enqueue_indirect_dma source(%arg17 : memref<64x128xf32, #tpu.memory_space<vmem>>) target(%dma_start3A_428 : memref<10112x128xf32, #tpu.memory_space<vmem_shared>>) offsets(%dma_start3A_425 : memref<64xi32, #tpu.memory_space<vmem>>) semaphore(%run_scoped3A_422 : memref<!tpu.dma_semaphore, #tpu.memory_space<semaphore_mem>>) {add = true}
        %dma_wait3A_429 = arith.constant 0 : i32
        %dma_wait3A_430 = tpu.memref_slice %arg14[%add3A_387, %dma_wait3A_429] : memref<78x64xi32, #tpu.memory_space<vmem>> -> memref<1x64xi32, #tpu.memory_space<vmem>>
        %dma_wait3A_431 = tpu.memref_squeeze %dma_wait3A_430 : memref<1x64xi32, #tpu.memory_space<vmem>> -> memref<64xi32, #tpu.memory_space<vmem>>
        %dma_wait3A_432 = arith.constant 0 : i32
        %dma_wait3A_433 = arith.constant 0 : i32
        %dma_wait3A_434 = tpu.memref_slice %arg22[%dma_wait3A_432, %dma_wait3A_433] : memref<10112x128xf32, #tpu.memory_space<vmem_shared>> -> memref<10112x128xf32, #tpu.memory_space<vmem_shared>>
        tpu.wait_indirect_dma semaphore(%run_scoped3A_422 : memref<!tpu.dma_semaphore, #tpu.memory_space<semaphore_mem>>) src(%arg17 : memref<64x128xf32, #tpu.memory_space<vmem>>) dst(%dma_wait3A_434 : memref<10112x128xf32, #tpu.memory_space<vmem_shared>>)
        tpu.yield
      }) : () -> ()
      %mul3A_403 = arith.constant 4 : i32
      %mul3A_404 = arith.muli %mul3A_403, %scan3A_346 : i32
      %add3A_405 = arith.constant 3 : i32
      %add3A_406 = arith.addi %mul3A_404, %add3A_405 : i32
      %add3A_407 = arith.constant 4 : i32
      %add3A_408 = arith.addi %add3A_406, %add3A_407 : i32
      %sub3A_409 = arith.constant 1 : i32
      %sub3A_410 = arith.subi %add3A_408, %sub3A_409 : i32
      %mul3A_411 = arith.constant 64 : i32
      %mul3A_412 = arith.muli %sub3A_410, %mul3A_411 : i32
      %dma_start3A_413 = tpu.memref_slice %arg13[%mul3A_412] : memref<4992xi32, #tpu.memory_space<vmem>> -> memref<64xi32, #tpu.memory_space<vmem>>
      %dma_start3A_414 = arith.constant 0 : i32
      %dma_start3A_415 = arith.constant 0 : i32
      %dma_start3A_416 = tpu.memref_slice %arg2[%dma_start3A_414, %dma_start3A_415] : memref<10000x128xf32, #tpu.memory_space<hbm>> -> memref<10000x128xf32, #tpu.memory_space<hbm>>
      tpu.enqueue_indirect_dma source(%dma_start3A_416 : memref<10000x128xf32, #tpu.memory_space<hbm>>) target(%arg17 : memref<64x128xf32, #tpu.memory_space<vmem>>) offsets(%dma_start3A_413 : memref<64xi32, #tpu.memory_space<vmem>>) semaphore(%arg25 : memref<!tpu.dma_semaphore, #tpu.memory_space<semaphore_mem>>)
      %dma_wait3A_417 = arith.constant 0 : i32
      %dma_wait3A_418 = tpu.memref_slice %arg13[%dma_wait3A_417] : memref<4992xi32, #tpu.memory_space<vmem>> -> memref<64xi32, #tpu.memory_space<vmem>>
      %dma_wait3A_419 = arith.constant 0 : i32
      %dma_wait3A_420 = arith.constant 0 : i32
      %dma_wait3A_421 = tpu.memref_slice %arg2[%dma_wait3A_419, %dma_wait3A_420] : memref<10000x128xf32, #tpu.memory_space<hbm>> -> memref<10000x128xf32, #tpu.memory_space<hbm>>
      tpu.wait_indirect_dma semaphore(%arg26 : memref<!tpu.dma_semaphore, #tpu.memory_space<semaphore_mem>>) src(%dma_wait3A_421 : memref<10000x128xf32, #tpu.memory_space<hbm>>) dst(%arg18 : memref<64x128xf32, #tpu.memory_space<vmem>>)
      "tpu.region"() ({
        %run_scoped3A_422 = tpu.sem_alloc : memref<!tpu.dma_semaphore, #tpu.memory_space<semaphore_mem>>
        %dma_start3A_423 = arith.constant 0 : i32
        %dma_start3A_424 = tpu.memref_slice %arg14[%add3A_406, %dma_start3A_423] : memref<78x64xi32, #tpu.memory_space<vmem>> -> memref<1x64xi32, #tpu.memory_space<vmem>>
        %dma_start3A_425 = tpu.memref_squeeze %dma_start3A_424 : memref<1x64xi32, #tpu.memory_space<vmem>> -> memref<64xi32, #tpu.memory_space<vmem>>
        %dma_start3A_426 = arith.constant 0 : i32
        %dma_start3A_427 = arith.constant 0 : i32
        %dma_start3A_428 = tpu.memref_slice %arg22[%dma_start3A_426, %dma_start3A_427] : memref<10112x128xf32, #tpu.memory_space<vmem_shared>> -> memref<10112x128xf32, #tpu.memory_space<vmem_shared>>
        tpu.enqueue_indirect_dma source(%arg18 : memref<64x128xf32, #tpu.memory_space<vmem>>) target(%dma_start3A_428 : memref<10112x128xf32, #tpu.memory_space<vmem_shared>>) offsets(%dma_start3A_425 : memref<64xi32, #tpu.memory_space<vmem>>) semaphore(%run_scoped3A_422 : memref<!tpu.dma_semaphore, #tpu.memory_space<semaphore_mem>>) {add = true}
        %dma_wait3A_429 = arith.constant 0 : i32
        %dma_wait3A_430 = tpu.memref_slice %arg14[%add3A_406, %dma_wait3A_429] : memref<78x64xi32, #tpu.memory_space<vmem>> -> memref<1x64xi32, #tpu.memory_space<vmem>>
        %dma_wait3A_431 = tpu.memref_squeeze %dma_wait3A_430 : memref<1x64xi32, #tpu.memory_space<vmem>> -> memref<64xi32, #tpu.memory_space<vmem>>
        %dma_wait3A_432 = arith.constant 0 : i32
        %dma_wait3A_433 = arith.constant 0 : i32
        %dma_wait3A_434 = tpu.memref_slice %arg22[%dma_wait3A_432, %dma_wait3A_433] : memref<10112x128xf32, #tpu.memory_space<vmem_shared>> -> memref<10112x128xf32, #tpu.memory_space<vmem_shared>>
        tpu.wait_indirect_dma semaphore(%run_scoped3A_422 : memref<!tpu.dma_semaphore, #tpu.memory_space<semaphore_mem>>) src(%arg18 : memref<64x128xf32, #tpu.memory_space<vmem>>) dst(%dma_wait3A_434 : memref<10112x128xf32, #tpu.memory_space<vmem_shared>>)
        tpu.yield
      }) : () -> ()
    }
    %scan3A_48 = arith.constant 18 : i32
    %dma_start3A_49 = arith.constant 4800 : i32
    %dma_start3A_50 = tpu.memref_slice %arg13[%dma_start3A_49] : memref<4992xi32, #tpu.memory_space<vmem>> -> memref<64xi32, #tpu.memory_space<vmem>>
    %dma_start3A_51 = arith.constant 0 : i32
    %dma_start3A_52 = arith.constant 0 : i32
    %dma_start3A_53 = tpu.memref_slice %arg2[%dma_start3A_51, %dma_start3A_52] : memref<10000x128xf32, #tpu.memory_space<hbm>> -> memref<10000x128xf32, #tpu.memory_space<hbm>>
    tpu.enqueue_indirect_dma source(%dma_start3A_53 : memref<10000x128xf32, #tpu.memory_space<hbm>>) target(%arg18 : memref<64x128xf32, #tpu.memory_space<vmem>>) offsets(%dma_start3A_50 : memref<64xi32, #tpu.memory_space<vmem>>) semaphore(%arg26 : memref<!tpu.dma_semaphore, #tpu.memory_space<semaphore_mem>>)
    %dma_wait3A_54 = arith.constant 0 : i32
    %dma_wait3A_55 = tpu.memref_slice %arg13[%dma_wait3A_54] : memref<4992xi32, #tpu.memory_space<vmem>> -> memref<64xi32, #tpu.memory_space<vmem>>
    %dma_wait3A_56 = arith.constant 0 : i32
    %dma_wait3A_57 = arith.constant 0 : i32
    %dma_wait3A_58 = tpu.memref_slice %arg2[%dma_wait3A_56, %dma_wait3A_57] : memref<10000x128xf32, #tpu.memory_space<hbm>> -> memref<10000x128xf32, #tpu.memory_space<hbm>>
    tpu.wait_indirect_dma semaphore(%arg23 : memref<!tpu.dma_semaphore, #tpu.memory_space<semaphore_mem>>) src(%dma_wait3A_58 : memref<10000x128xf32, #tpu.memory_space<hbm>>) dst(%arg15 : memref<64x128xf32, #tpu.memory_space<vmem>>)
    %run_scoped3A = arith.constant 72 : i32
    "tpu.region"() ({
      %run_scoped3A_346 = tpu.sem_alloc : memref<!tpu.dma_semaphore, #tpu.memory_space<semaphore_mem>>
      %dma_start3A_347 = arith.constant 0 : i32
      %dma_start3A_348 = tpu.memref_slice %arg14[%run_scoped3A, %dma_start3A_347] : memref<78x64xi32, #tpu.memory_space<vmem>> -> memref<1x64xi32, #tpu.memory_space<vmem>>
      %dma_start3A_349 = tpu.memref_squeeze %dma_start3A_348 : memref<1x64xi32, #tpu.memory_space<vmem>> -> memref<64xi32, #tpu.memory_space<vmem>>
      %dma_start3A_350 = arith.constant 0 : i32
      %dma_start3A_351 = arith.constant 0 : i32
      %dma_start3A_352 = tpu.memref_slice %arg22[%dma_start3A_350, %dma_start3A_351] : memref<10112x128xf32, #tpu.memory_space<vmem_shared>> -> memref<10112x128xf32, #tpu.memory_space<vmem_shared>>
      tpu.enqueue_indirect_dma source(%arg15 : memref<64x128xf32, #tpu.memory_space<vmem>>) target(%dma_start3A_352 : memref<10112x128xf32, #tpu.memory_space<vmem_shared>>) offsets(%dma_start3A_349 : memref<64xi32, #tpu.memory_space<vmem>>) semaphore(%run_scoped3A_346 : memref<!tpu.dma_semaphore, #tpu.memory_space<semaphore_mem>>) {add = true}
      %dma_wait3A_353 = arith.constant 0 : i32
      %dma_wait3A_354 = tpu.memref_slice %arg14[%run_scoped3A, %dma_wait3A_353] : memref<78x64xi32, #tpu.memory_space<vmem>> -> memref<1x64xi32, #tpu.memory_space<vmem>>
      %dma_wait3A_355 = tpu.memref_squeeze %dma_wait3A_354 : memref<1x64xi32, #tpu.memory_space<vmem>> -> memref<64xi32, #tpu.memory_space<vmem>>
      %dma_wait3A_356 = arith.constant 0 : i32
      %dma_wait3A_357 = arith.constant 0 : i32
      %dma_wait3A_358 = tpu.memref_slice %arg22[%dma_wait3A_356, %dma_wait3A_357] : memref<10112x128xf32, #tpu.memory_space<vmem_shared>> -> memref<10112x128xf32, #tpu.memory_space<vmem_shared>>
      tpu.wait_indirect_dma semaphore(%run_scoped3A_346 : memref<!tpu.dma_semaphore, #tpu.memory_space<semaphore_mem>>) src(%arg15 : memref<64x128xf32, #tpu.memory_space<vmem>>) dst(%dma_wait3A_358 : memref<10112x128xf32, #tpu.memory_space<vmem_shared>>)
      tpu.yield
    }) : () -> ()
    %dma_start3A_59 = arith.constant 4864 : i32
    %dma_start3A_60 = tpu.memref_slice %arg13[%dma_start3A_59] : memref<4992xi32, #tpu.memory_space<vmem>> -> memref<64xi32, #tpu.memory_space<vmem>>
    %dma_start3A_61 = arith.constant 0 : i32
    %dma_start3A_62 = arith.constant 0 : i32
    %dma_start3A_63 = tpu.memref_slice %arg2[%dma_start3A_61, %dma_start3A_62] : memref<10000x128xf32, #tpu.memory_space<hbm>> -> memref<10000x128xf32, #tpu.memory_space<hbm>>
    tpu.enqueue_indirect_dma source(%dma_start3A_63 : memref<10000x128xf32, #tpu.memory_space<hbm>>) target(%arg15 : memref<64x128xf32, #tpu.memory_space<vmem>>) offsets(%dma_start3A_60 : memref<64xi32, #tpu.memory_space<vmem>>) semaphore(%arg23 : memref<!tpu.dma_semaphore, #tpu.memory_space<semaphore_mem>>)
    %dma_wait3A_64 = arith.constant 0 : i32
    %dma_wait3A_65 = tpu.memref_slice %arg13[%dma_wait3A_64] : memref<4992xi32, #tpu.memory_space<vmem>> -> memref<64xi32, #tpu.memory_space<vmem>>
    %dma_wait3A_66 = arith.constant 0 : i32
    %dma_wait3A_67 = arith.constant 0 : i32
    %dma_wait3A_68 = tpu.memref_slice %arg2[%dma_wait3A_66, %dma_wait3A_67] : memref<10000x128xf32, #tpu.memory_space<hbm>> -> memref<10000x128xf32, #tpu.memory_space<hbm>>
    tpu.wait_indirect_dma semaphore(%arg24 : memref<!tpu.dma_semaphore, #tpu.memory_space<semaphore_mem>>) src(%dma_wait3A_68 : memref<10000x128xf32, #tpu.memory_space<hbm>>) dst(%arg16 : memref<64x128xf32, #tpu.memory_space<vmem>>)
    %run_scoped3A_69 = arith.constant 73 : i32
    "tpu.region"() ({
      %run_scoped3A_346 = tpu.sem_alloc : memref<!tpu.dma_semaphore, #tpu.memory_space<semaphore_mem>>
      %dma_start3A_347 = arith.constant 0 : i32
      %dma_start3A_348 = tpu.memref_slice %arg14[%run_scoped3A_69, %dma_start3A_347] : memref<78x64xi32, #tpu.memory_space<vmem>> -> memref<1x64xi32, #tpu.memory_space<vmem>>
      %dma_start3A_349 = tpu.memref_squeeze %dma_start3A_348 : memref<1x64xi32, #tpu.memory_space<vmem>> -> memref<64xi32, #tpu.memory_space<vmem>>
      %dma_start3A_350 = arith.constant 0 : i32
      %dma_start3A_351 = arith.constant 0 : i32
      %dma_start3A_352 = tpu.memref_slice %arg22[%dma_start3A_350, %dma_start3A_351] : memref<10112x128xf32, #tpu.memory_space<vmem_shared>> -> memref<10112x128xf32, #tpu.memory_space<vmem_shared>>
      tpu.enqueue_indirect_dma source(%arg16 : memref<64x128xf32, #tpu.memory_space<vmem>>) target(%dma_start3A_352 : memref<10112x128xf32, #tpu.memory_space<vmem_shared>>) offsets(%dma_start3A_349 : memref<64xi32, #tpu.memory_space<vmem>>) semaphore(%run_scoped3A_346 : memref<!tpu.dma_semaphore, #tpu.memory_space<semaphore_mem>>) {add = true}
      %dma_wait3A_353 = arith.constant 0 : i32
      %dma_wait3A_354 = tpu.memref_slice %arg14[%run_scoped3A_69, %dma_wait3A_353] : memref<78x64xi32, #tpu.memory_space<vmem>> -> memref<1x64xi32, #tpu.memory_space<vmem>>
      %dma_wait3A_355 = tpu.memref_squeeze %dma_wait3A_354 : memref<1x64xi32, #tpu.memory_space<vmem>> -> memref<64xi32, #tpu.memory_space<vmem>>
      %dma_wait3A_356 = arith.constant 0 : i32
      %dma_wait3A_357 = arith.constant 0 : i32
      %dma_wait3A_358 = tpu.memref_slice %arg22[%dma_wait3A_356, %dma_wait3A_357] : memref<10112x128xf32, #tpu.memory_space<vmem_shared>> -> memref<10112x128xf32, #tpu.memory_space<vmem_shared>>
      tpu.wait_indirect_dma semaphore(%run_scoped3A_346 : memref<!tpu.dma_semaphore, #tpu.memory_space<semaphore_mem>>) src(%arg16 : memref<64x128xf32, #tpu.memory_space<vmem>>) dst(%dma_wait3A_358 : memref<10112x128xf32, #tpu.memory_space<vmem_shared>>)
      tpu.yield
    }) : () -> ()
    %dma_start3A_70 = arith.constant 4928 : i32
    %dma_start3A_71 = tpu.memref_slice %arg13[%dma_start3A_70] : memref<4992xi32, #tpu.memory_space<vmem>> -> memref<64xi32, #tpu.memory_space<vmem>>
    %dma_start3A_72 = arith.constant 0 : i32
    %dma_start3A_73 = arith.constant 0 : i32
    %dma_start3A_74 = tpu.memref_slice %arg2[%dma_start3A_72, %dma_start3A_73] : memref<10000x128xf32, #tpu.memory_space<hbm>> -> memref<10000x128xf32, #tpu.memory_space<hbm>>
    tpu.enqueue_indirect_dma source(%dma_start3A_74 : memref<10000x128xf32, #tpu.memory_space<hbm>>) target(%arg16 : memref<64x128xf32, #tpu.memory_space<vmem>>) offsets(%dma_start3A_71 : memref<64xi32, #tpu.memory_space<vmem>>) semaphore(%arg24 : memref<!tpu.dma_semaphore, #tpu.memory_space<semaphore_mem>>)
    %dma_wait3A_75 = arith.constant 0 : i32
    %dma_wait3A_76 = tpu.memref_slice %arg13[%dma_wait3A_75] : memref<4992xi32, #tpu.memory_space<vmem>> -> memref<64xi32, #tpu.memory_space<vmem>>
    %dma_wait3A_77 = arith.constant 0 : i32
    %dma_wait3A_78 = arith.constant 0 : i32
    %dma_wait3A_79 = tpu.memref_slice %arg2[%dma_wait3A_77, %dma_wait3A_78] : memref<10000x128xf32, #tpu.memory_space<hbm>> -> memref<10000x128xf32, #tpu.memory_space<hbm>>
    tpu.wait_indirect_dma semaphore(%arg25 : memref<!tpu.dma_semaphore, #tpu.memory_space<semaphore_mem>>) src(%dma_wait3A_79 : memref<10000x128xf32, #tpu.memory_space<hbm>>) dst(%arg17 : memref<64x128xf32, #tpu.memory_space<vmem>>)
    %run_scoped3A_80 = arith.constant 74 : i32
    "tpu.region"() ({
      %run_scoped3A_346 = tpu.sem_alloc : memref<!tpu.dma_semaphore, #tpu.memory_space<semaphore_mem>>
      %dma_start3A_347 = arith.constant 0 : i32
      %dma_start3A_348 = tpu.memref_slice %arg14[%run_scoped3A_80, %dma_start3A_347] : memref<78x64xi32, #tpu.memory_space<vmem>> -> memref<1x64xi32, #tpu.memory_space<vmem>>
      %dma_start3A_349 = tpu.memref_squeeze %dma_start3A_348 : memref<1x64xi32, #tpu.memory_space<vmem>> -> memref<64xi32, #tpu.memory_space<vmem>>
      %dma_start3A_350 = arith.constant 0 : i32
      %dma_start3A_351 = arith.constant 0 : i32
      %dma_start3A_352 = tpu.memref_slice %arg22[%dma_start3A_350, %dma_start3A_351] : memref<10112x128xf32, #tpu.memory_space<vmem_shared>> -> memref<10112x128xf32, #tpu.memory_space<vmem_shared>>
      tpu.enqueue_indirect_dma source(%arg17 : memref<64x128xf32, #tpu.memory_space<vmem>>) target(%dma_start3A_352 : memref<10112x128xf32, #tpu.memory_space<vmem_shared>>) offsets(%dma_start3A_349 : memref<64xi32, #tpu.memory_space<vmem>>) semaphore(%run_scoped3A_346 : memref<!tpu.dma_semaphore, #tpu.memory_space<semaphore_mem>>) {add = true}
      %dma_wait3A_353 = arith.constant 0 : i32
      %dma_wait3A_354 = tpu.memref_slice %arg14[%run_scoped3A_80, %dma_wait3A_353] : memref<78x64xi32, #tpu.memory_space<vmem>> -> memref<1x64xi32, #tpu.memory_space<vmem>>
      %dma_wait3A_355 = tpu.memref_squeeze %dma_wait3A_354 : memref<1x64xi32, #tpu.memory_space<vmem>> -> memref<64xi32, #tpu.memory_space<vmem>>
      %dma_wait3A_356 = arith.constant 0 : i32
      %dma_wait3A_357 = arith.constant 0 : i32
      %dma_wait3A_358 = tpu.memref_slice %arg22[%dma_wait3A_356, %dma_wait3A_357] : memref<10112x128xf32, #tpu.memory_space<vmem_shared>> -> memref<10112x128xf32, #tpu.memory_space<vmem_shared>>
      tpu.wait_indirect_dma semaphore(%run_scoped3A_346 : memref<!tpu.dma_semaphore, #tpu.memory_space<semaphore_mem>>) src(%arg17 : memref<64x128xf32, #tpu.memory_space<vmem>>) dst(%dma_wait3A_358 : memref<10112x128xf32, #tpu.memory_space<vmem_shared>>)
      tpu.yield
    }) : () -> ()
    %dma_wait3A_81 = arith.constant 0 : i32
    %dma_wait3A_82 = tpu.memref_slice %arg13[%dma_wait3A_81] : memref<4992xi32, #tpu.memory_space<vmem>> -> memref<64xi32, #tpu.memory_space<vmem>>
    %dma_wait3A_83 = arith.constant 0 : i32
    %dma_wait3A_84 = arith.constant 0 : i32
    %dma_wait3A_85 = tpu.memref_slice %arg2[%dma_wait3A_83, %dma_wait3A_84] : memref<10000x128xf32, #tpu.memory_space<hbm>> -> memref<10000x128xf32, #tpu.memory_space<hbm>>
    tpu.wait_indirect_dma semaphore(%arg26 : memref<!tpu.dma_semaphore, #tpu.memory_space<semaphore_mem>>) src(%dma_wait3A_85 : memref<10000x128xf32, #tpu.memory_space<hbm>>) dst(%arg18 : memref<64x128xf32, #tpu.memory_space<vmem>>)
    %run_scoped3A_86 = arith.constant 75 : i32
    "tpu.region"() ({
      %run_scoped3A_346 = tpu.sem_alloc : memref<!tpu.dma_semaphore, #tpu.memory_space<semaphore_mem>>
      %dma_start3A_347 = arith.constant 0 : i32
      %dma_start3A_348 = tpu.memref_slice %arg14[%run_scoped3A_86, %dma_start3A_347] : memref<78x64xi32, #tpu.memory_space<vmem>> -> memref<1x64xi32, #tpu.memory_space<vmem>>
      %dma_start3A_349 = tpu.memref_squeeze %dma_start3A_348 : memref<1x64xi32, #tpu.memory_space<vmem>> -> memref<64xi32, #tpu.memory_space<vmem>>
      %dma_start3A_350 = arith.constant 0 : i32
      %dma_start3A_351 = arith.constant 0 : i32
      %dma_start3A_352 = tpu.memref_slice %arg22[%dma_start3A_350, %dma_start3A_351] : memref<10112x128xf32, #tpu.memory_space<vmem_shared>> -> memref<10112x128xf32, #tpu.memory_space<vmem_shared>>
      tpu.enqueue_indirect_dma source(%arg18 : memref<64x128xf32, #tpu.memory_space<vmem>>) target(%dma_start3A_352 : memref<10112x128xf32, #tpu.memory_space<vmem_shared>>) offsets(%dma_start3A_349 : memref<64xi32, #tpu.memory_space<vmem>>) semaphore(%run_scoped3A_346 : memref<!tpu.dma_semaphore, #tpu.memory_space<semaphore_mem>>) {add = true}
      %dma_wait3A_353 = arith.constant 0 : i32
      %dma_wait3A_354 = tpu.memref_slice %arg14[%run_scoped3A_86, %dma_wait3A_353] : memref<78x64xi32, #tpu.memory_space<vmem>> -> memref<1x64xi32, #tpu.memory_space<vmem>>
      %dma_wait3A_355 = tpu.memref_squeeze %dma_wait3A_354 : memref<1x64xi32, #tpu.memory_space<vmem>> -> memref<64xi32, #tpu.memory_space<vmem>>
      %dma_wait3A_356 = arith.constant 0 : i32
      %dma_wait3A_357 = arith.constant 0 : i32
      %dma_wait3A_358 = tpu.memref_slice %arg22[%dma_wait3A_356, %dma_wait3A_357] : memref<10112x128xf32, #tpu.memory_space<vmem_shared>> -> memref<10112x128xf32, #tpu.memory_space<vmem_shared>>
      tpu.wait_indirect_dma semaphore(%run_scoped3A_346 : memref<!tpu.dma_semaphore, #tpu.memory_space<semaphore_mem>>) src(%arg18 : memref<64x128xf32, #tpu.memory_space<vmem>>) dst(%dma_wait3A_358 : memref<10112x128xf32, #tpu.memory_space<vmem_shared>>)
      tpu.yield
    }) : () -> ()
    %dma_wait3A_87 = arith.constant 0 : i32
    %dma_wait3A_88 = tpu.memref_slice %arg13[%dma_wait3A_87] : memref<4992xi32, #tpu.memory_space<vmem>> -> memref<64xi32, #tpu.memory_space<vmem>>
    %dma_wait3A_89 = arith.constant 0 : i32
    %dma_wait3A_90 = arith.constant 0 : i32
    %dma_wait3A_91 = tpu.memref_slice %arg2[%dma_wait3A_89, %dma_wait3A_90] : memref<10000x128xf32, #tpu.memory_space<hbm>> -> memref<10000x128xf32, #tpu.memory_space<hbm>>
    tpu.wait_indirect_dma semaphore(%arg23 : memref<!tpu.dma_semaphore, #tpu.memory_space<semaphore_mem>>) src(%dma_wait3A_91 : memref<10000x128xf32, #tpu.memory_space<hbm>>) dst(%arg15 : memref<64x128xf32, #tpu.memory_space<vmem>>)
    %run_scoped3A_92 = arith.constant 76 : i32
    "tpu.region"() ({
      %run_scoped3A_346 = tpu.sem_alloc : memref<!tpu.dma_semaphore, #tpu.memory_space<semaphore_mem>>
      %dma_start3A_347 = arith.constant 0 : i32
      %dma_start3A_348 = tpu.memref_slice %arg14[%run_scoped3A_92, %dma_start3A_347] : memref<78x64xi32, #tpu.memory_space<vmem>> -> memref<1x64xi32, #tpu.memory_space<vmem>>
      %dma_start3A_349 = tpu.memref_squeeze %dma_start3A_348 : memref<1x64xi32, #tpu.memory_space<vmem>> -> memref<64xi32, #tpu.memory_space<vmem>>
      %dma_start3A_350 = arith.constant 0 : i32
      %dma_start3A_351 = arith.constant 0 : i32
      %dma_start3A_352 = tpu.memref_slice %arg22[%dma_start3A_350, %dma_start3A_351] : memref<10112x128xf32, #tpu.memory_space<vmem_shared>> -> memref<10112x128xf32, #tpu.memory_space<vmem_shared>>
      tpu.enqueue_indirect_dma source(%arg15 : memref<64x128xf32, #tpu.memory_space<vmem>>) target(%dma_start3A_352 : memref<10112x128xf32, #tpu.memory_space<vmem_shared>>) offsets(%dma_start3A_349 : memref<64xi32, #tpu.memory_space<vmem>>) semaphore(%run_scoped3A_346 : memref<!tpu.dma_semaphore, #tpu.memory_space<semaphore_mem>>) {add = true}
      %dma_wait3A_353 = arith.constant 0 : i32
      %dma_wait3A_354 = tpu.memref_slice %arg14[%run_scoped3A_92, %dma_wait3A_353] : memref<78x64xi32, #tpu.memory_space<vmem>> -> memref<1x64xi32, #tpu.memory_space<vmem>>
      %dma_wait3A_355 = tpu.memref_squeeze %dma_wait3A_354 : memref<1x64xi32, #tpu.memory_space<vmem>> -> memref<64xi32, #tpu.memory_space<vmem>>
      %dma_wait3A_356 = arith.constant 0 : i32
      %dma_wait3A_357 = arith.constant 0 : i32
      %dma_wait3A_358 = tpu.memref_slice %arg22[%dma_wait3A_356, %dma_wait3A_357] : memref<10112x128xf32, #tpu.memory_space<vmem_shared>> -> memref<10112x128xf32, #tpu.memory_space<vmem_shared>>
      tpu.wait_indirect_dma semaphore(%run_scoped3A_346 : memref<!tpu.dma_semaphore, #tpu.memory_space<semaphore_mem>>) src(%arg15 : memref<64x128xf32, #tpu.memory_space<vmem>>) dst(%dma_wait3A_358 : memref<10112x128xf32, #tpu.memory_space<vmem_shared>>)
      tpu.yield
    }) : () -> ()
    %dma_wait3A_93 = arith.constant 0 : i32
    %dma_wait3A_94 = tpu.memref_slice %arg13[%dma_wait3A_93] : memref<4992xi32, #tpu.memory_space<vmem>> -> memref<64xi32, #tpu.memory_space<vmem>>
    %dma_wait3A_95 = arith.constant 0 : i32
    %dma_wait3A_96 = arith.constant 0 : i32
    %dma_wait3A_97 = tpu.memref_slice %arg2[%dma_wait3A_95, %dma_wait3A_96] : memref<10000x128xf32, #tpu.memory_space<hbm>> -> memref<10000x128xf32, #tpu.memory_space<hbm>>
    tpu.wait_indirect_dma semaphore(%arg24 : memref<!tpu.dma_semaphore, #tpu.memory_space<semaphore_mem>>) src(%dma_wait3A_97 : memref<10000x128xf32, #tpu.memory_space<hbm>>) dst(%arg16 : memref<64x128xf32, #tpu.memory_space<vmem>>)
    %run_scoped3A_98 = arith.constant 77 : i32
    "tpu.region"() ({
      %run_scoped3A_346 = tpu.sem_alloc : memref<!tpu.dma_semaphore, #tpu.memory_space<semaphore_mem>>
      %dma_start3A_347 = arith.constant 0 : i32
      %dma_start3A_348 = tpu.memref_slice %arg14[%run_scoped3A_98, %dma_start3A_347] : memref<78x64xi32, #tpu.memory_space<vmem>> -> memref<1x64xi32, #tpu.memory_space<vmem>>
      %dma_start3A_349 = tpu.memref_squeeze %dma_start3A_348 : memref<1x64xi32, #tpu.memory_space<vmem>> -> memref<64xi32, #tpu.memory_space<vmem>>
      %dma_start3A_350 = arith.constant 0 : i32
      %dma_start3A_351 = arith.constant 0 : i32
      %dma_start3A_352 = tpu.memref_slice %arg22[%dma_start3A_350, %dma_start3A_351] : memref<10112x128xf32, #tpu.memory_space<vmem_shared>> -> memref<10112x128xf32, #tpu.memory_space<vmem_shared>>
      tpu.enqueue_indirect_dma source(%arg16 : memref<64x128xf32, #tpu.memory_space<vmem>>) target(%dma_start3A_352 : memref<10112x128xf32, #tpu.memory_space<vmem_shared>>) offsets(%dma_start3A_349 : memref<64xi32, #tpu.memory_space<vmem>>) semaphore(%run_scoped3A_346 : memref<!tpu.dma_semaphore, #tpu.memory_space<semaphore_mem>>) {add = true}
      %dma_wait3A_353 = arith.constant 0 : i32
      %dma_wait3A_354 = tpu.memref_slice %arg14[%run_scoped3A_98, %dma_wait3A_353] : memref<78x64xi32, #tpu.memory_space<vmem>> -> memref<1x64xi32, #tpu.memory_space<vmem>>
      %dma_wait3A_355 = tpu.memref_squeeze %dma_wait3A_354 : memref<1x64xi32, #tpu.memory_space<vmem>> -> memref<64xi32, #tpu.memory_space<vmem>>
      %dma_wait3A_356 = arith.constant 0 : i32
      %dma_wait3A_357 = arith.constant 0 : i32
      %dma_wait3A_358 = tpu.memref_slice %arg22[%dma_wait3A_356, %dma_wait3A_357] : memref<10112x128xf32, #tpu.memory_space<vmem_shared>> -> memref<10112x128xf32, #tpu.memory_space<vmem_shared>>
      tpu.wait_indirect_dma semaphore(%run_scoped3A_346 : memref<!tpu.dma_semaphore, #tpu.memory_space<semaphore_mem>>) src(%arg16 : memref<64x128xf32, #tpu.memory_space<vmem>>) dst(%dma_wait3A_358 : memref<10112x128xf32, #tpu.memory_space<vmem_shared>>)
      tpu.yield
    }) : () -> ()
    %dma_start3A_99 = arith.constant 0 : i32
    %dma_start3A_100 = arith.constant 0 : i32
    %dma_start3A_101 = tpu.memref_slice %arg2[%dma_start3A_99, %dma_start3A_100] : memref<10000x128xf32, #tpu.memory_space<hbm>> -> memref<10000x128xf32, #tpu.memory_space<hbm>>
    tpu.enqueue_indirect_dma source(%dma_start3A_101 : memref<10000x128xf32, #tpu.memory_space<hbm>>) target(%arg21 : memref<8x128xf32, #tpu.memory_space<vmem>>) offsets(%arg19 : memref<8xi32, #tpu.memory_space<vmem>>) semaphore(%arg28 : memref<!tpu.dma_semaphore, #tpu.memory_space<semaphore_mem>>)
    %dma_wait3A_102 = arith.constant 0 : i32
    %dma_wait3A_103 = arith.constant 0 : i32
    %dma_wait3A_104 = tpu.memref_slice %arg2[%dma_wait3A_102, %dma_wait3A_103] : memref<10000x128xf32, #tpu.memory_space<hbm>> -> memref<10000x128xf32, #tpu.memory_space<hbm>>
    tpu.wait_indirect_dma semaphore(%arg28 : memref<!tpu.dma_semaphore, #tpu.memory_space<semaphore_mem>>) src(%dma_wait3A_104 : memref<10000x128xf32, #tpu.memory_space<hbm>>) dst(%arg21 : memref<8x128xf32, #tpu.memory_space<vmem>>)
    "tpu.region"() ({
      %run_scoped3A_346 = tpu.sem_alloc : memref<!tpu.dma_semaphore, #tpu.memory_space<semaphore_mem>>
      %dma_start3A_347 = arith.constant 0 : i32
      %dma_start3A_348 = arith.constant 0 : i32
      %dma_start3A_349 = tpu.memref_slice %arg22[%dma_start3A_347, %dma_start3A_348] : memref<10112x128xf32, #tpu.memory_space<vmem_shared>> -> memref<10112x128xf32, #tpu.memory_space<vmem_shared>>
      tpu.enqueue_indirect_dma source(%arg21 : memref<8x128xf32, #tpu.memory_space<vmem>>) target(%dma_start3A_349 : memref<10112x128xf32, #tpu.memory_space<vmem_shared>>) offsets(%arg20 : memref<8xi32, #tpu.memory_space<vmem>>) semaphore(%run_scoped3A_346 : memref<!tpu.dma_semaphore, #tpu.memory_space<semaphore_mem>>) {add = true}
      %dma_wait3A_350 = arith.constant 0 : i32
      %dma_wait3A_351 = arith.constant 0 : i32
      %dma_wait3A_352 = tpu.memref_slice %arg22[%dma_wait3A_350, %dma_wait3A_351] : memref<10112x128xf32, #tpu.memory_space<vmem_shared>> -> memref<10112x128xf32, #tpu.memory_space<vmem_shared>>
      tpu.wait_indirect_dma semaphore(%run_scoped3A_346 : memref<!tpu.dma_semaphore, #tpu.memory_space<semaphore_mem>>) src(%arg21 : memref<8x128xf32, #tpu.memory_space<vmem>>) dst(%dma_wait3A_352 : memref<10112x128xf32, #tpu.memory_space<vmem_shared>>)
      tpu.yield
    }) : () -> ()
    %barrier3A_105 = arith.constant 0 : index
    tpu.barrier barrier_id(%barrier3A_105)
    %dma_start3A_106 = arith.constant 0 : i32
    %dma_start3A_107 = tpu.memref_slice %arg13[%dma_start3A_106] : memref<4992xi32, #tpu.memory_space<vmem>> -> memref<64xi32, #tpu.memory_space<vmem>>
    %dma_start3A_108 = arith.constant 0 : i32
    %dma_start3A_109 = arith.constant 0 : i32
    %dma_start3A_110 = tpu.memref_slice %arg3[%dma_start3A_108, %dma_start3A_109] : memref<10000x128xf32, #tpu.memory_space<hbm>> -> memref<10000x128xf32, #tpu.memory_space<hbm>>
    tpu.enqueue_indirect_dma source(%dma_start3A_110 : memref<10000x128xf32, #tpu.memory_space<hbm>>) target(%arg15 : memref<64x128xf32, #tpu.memory_space<vmem>>) offsets(%dma_start3A_107 : memref<64xi32, #tpu.memory_space<vmem>>) semaphore(%arg23 : memref<!tpu.dma_semaphore, #tpu.memory_space<semaphore_mem>>)
    %dma_start3A_111 = arith.constant 64 : i32
    %dma_start3A_112 = tpu.memref_slice %arg13[%dma_start3A_111] : memref<4992xi32, #tpu.memory_space<vmem>> -> memref<64xi32, #tpu.memory_space<vmem>>
    %dma_start3A_113 = arith.constant 0 : i32
    %dma_start3A_114 = arith.constant 0 : i32
    %dma_start3A_115 = tpu.memref_slice %arg3[%dma_start3A_113, %dma_start3A_114] : memref<10000x128xf32, #tpu.memory_space<hbm>> -> memref<10000x128xf32, #tpu.memory_space<hbm>>
    tpu.enqueue_indirect_dma source(%dma_start3A_115 : memref<10000x128xf32, #tpu.memory_space<hbm>>) target(%arg16 : memref<64x128xf32, #tpu.memory_space<vmem>>) offsets(%dma_start3A_112 : memref<64xi32, #tpu.memory_space<vmem>>) semaphore(%arg24 : memref<!tpu.dma_semaphore, #tpu.memory_space<semaphore_mem>>)
    %dma_start3A_116 = arith.constant 128 : i32
    %dma_start3A_117 = tpu.memref_slice %arg13[%dma_start3A_116] : memref<4992xi32, #tpu.memory_space<vmem>> -> memref<64xi32, #tpu.memory_space<vmem>>
    %dma_start3A_118 = arith.constant 0 : i32
    %dma_start3A_119 = arith.constant 0 : i32
    %dma_start3A_120 = tpu.memref_slice %arg3[%dma_start3A_118, %dma_start3A_119] : memref<10000x128xf32, #tpu.memory_space<hbm>> -> memref<10000x128xf32, #tpu.memory_space<hbm>>
    tpu.enqueue_indirect_dma source(%dma_start3A_120 : memref<10000x128xf32, #tpu.memory_space<hbm>>) target(%arg17 : memref<64x128xf32, #tpu.memory_space<vmem>>) offsets(%dma_start3A_117 : memref<64xi32, #tpu.memory_space<vmem>>) semaphore(%arg25 : memref<!tpu.dma_semaphore, #tpu.memory_space<semaphore_mem>>)
    "tpu.region"() ({
      %run_scoped3A_346 = tpu.sem_alloc : memref<!tpu.dma_semaphore, #tpu.memory_space<semaphore_mem>>
      %dma_start3A_347 = arith.constant 0 : i32
      %dma_start3A_348 = tpu.memref_slice %arg9[%arg0, %mul3A_0, %dma_start3A_347] : memref<2x10112x128xf32, #tpu.memory_space<hbm>> -> memref<1x632x128xf32, #tpu.memory_space<hbm>>
      %dma_start3A_349 = tpu.memref_squeeze %dma_start3A_348 : memref<1x632x128xf32, #tpu.memory_space<hbm>> -> memref<632x128xf32, #tpu.memory_space<hbm>>
      %dma_start3A_350 = arith.constant 0 : i32
      %dma_start3A_351 = tpu.memref_slice %arg22[%mul3A_0, %dma_start3A_350] : memref<10112x128xf32, #tpu.memory_space<vmem_shared>> -> memref<632x128xf32, #tpu.memory_space<vmem_shared>>
      tpu.enqueue_dma source(%dma_start3A_351 : memref<632x128xf32, #tpu.memory_space<vmem_shared>>) target(%dma_start3A_349 : memref<632x128xf32, #tpu.memory_space<hbm>>) target_semaphore(%run_scoped3A_346 : memref<!tpu.dma_semaphore, #tpu.memory_space<semaphore_mem>>)
      %dma_wait3A_352 = arith.constant 0 : i32
      %dma_wait3A_353 = tpu.memref_slice %arg9[%arg0, %mul3A_0, %dma_wait3A_352] : memref<2x10112x128xf32, #tpu.memory_space<hbm>> -> memref<1x632x128xf32, #tpu.memory_space<hbm>>
      %dma_wait3A_354 = tpu.memref_squeeze %dma_wait3A_353 : memref<1x632x128xf32, #tpu.memory_space<hbm>> -> memref<632x128xf32, #tpu.memory_space<hbm>>
      %dma_wait3A_355 = arith.constant 0 : i32
      %dma_wait3A_356 = tpu.memref_slice %arg22[%mul3A_0, %dma_wait3A_355] : memref<10112x128xf32, #tpu.memory_space<vmem_shared>> -> memref<632x128xf32, #tpu.memory_space<vmem_shared>>
      tpu.wait_dma2 semaphore(%run_scoped3A_346 : memref<!tpu.dma_semaphore, #tpu.memory_space<semaphore_mem>>) src(%dma_wait3A_356 : memref<632x128xf32, #tpu.memory_space<vmem_shared>>) dst(%dma_wait3A_354 : memref<632x128xf32, #tpu.memory_space<hbm>>)
      tpu.yield
    }) : () -> ()
    "tpu.region"() ({
      %run_scoped3A_346 = tpu.sem_alloc : memref<!tpu.dma_semaphore, #tpu.memory_space<semaphore_mem>>
      %dma_start3A_347 = arith.constant 0 : i32
      %dma_start3A_348 = tpu.memref_slice %arg22[%mul3A_0, %dma_start3A_347] : memref<10112x128xf32, #tpu.memory_space<vmem_shared>> -> memref<632x128xf32, #tpu.memory_space<vmem_shared>>
      %dma_start3A_349 = arith.constant 0 : i32
      %dma_start3A_350 = tpu.memref_slice %arg8[%mul3A_0, %dma_start3A_349] : memref<10112x128xf32, #tpu.memory_space<hbm>> -> memref<632x128xf32, #tpu.memory_space<hbm>>
      tpu.enqueue_dma source(%dma_start3A_350 : memref<632x128xf32, #tpu.memory_space<hbm>>) target(%dma_start3A_348 : memref<632x128xf32, #tpu.memory_space<vmem_shared>>) target_semaphore(%run_scoped3A_346 : memref<!tpu.dma_semaphore, #tpu.memory_space<semaphore_mem>>)
      %dma_wait3A_351 = arith.constant 0 : i32
      %dma_wait3A_352 = tpu.memref_slice %arg22[%mul3A_0, %dma_wait3A_351] : memref<10112x128xf32, #tpu.memory_space<vmem_shared>> -> memref<632x128xf32, #tpu.memory_space<vmem_shared>>
      %dma_wait3A_353 = arith.constant 0 : i32
      %dma_wait3A_354 = tpu.memref_slice %arg8[%mul3A_0, %dma_wait3A_353] : memref<10112x128xf32, #tpu.memory_space<hbm>> -> memref<632x128xf32, #tpu.memory_space<hbm>>
      tpu.wait_dma2 semaphore(%run_scoped3A_346 : memref<!tpu.dma_semaphore, #tpu.memory_space<semaphore_mem>>) src(%dma_wait3A_354 : memref<632x128xf32, #tpu.memory_space<hbm>>) dst(%dma_wait3A_352 : memref<632x128xf32, #tpu.memory_space<vmem_shared>>)
      tpu.yield
    }) : () -> ()
    %barrier3A_121 = arith.constant 0 : index
    tpu.barrier barrier_id(%barrier3A_121)
    %scan3A_122 = arith.constant 0 : i32
    %scan3A_123 = arith.constant 0 : i32
    %scan3A_124 = arith.constant 18 : i32
    %scan3A_125 = arith.addi %scan3A_123, %scan3A_124 : i32
    %scan3A_126 = arith.constant 1 : i32
    scf.for %scan3A_346 = %scan3A_123 to %scan3A_125 step %scan3A_126  : i32 {
      %mul3A_347 = arith.constant 4 : i32
      %mul3A_348 = arith.muli %mul3A_347, %scan3A_346 : i32
      %add3A_349 = arith.constant 0 : i32
      %add3A_350 = arith.addi %mul3A_348, %add3A_349 : i32
      %add3A_351 = arith.constant 4 : i32
      %add3A_352 = arith.addi %add3A_350, %add3A_351 : i32
      %sub3A = arith.constant 1 : i32
      %sub3A_353 = arith.subi %add3A_352, %sub3A : i32
      %mul3A_354 = arith.constant 64 : i32
      %mul3A_355 = arith.muli %sub3A_353, %mul3A_354 : i32
      %dma_start3A_356 = tpu.memref_slice %arg13[%mul3A_355] : memref<4992xi32, #tpu.memory_space<vmem>> -> memref<64xi32, #tpu.memory_space<vmem>>
      %dma_start3A_357 = arith.constant 0 : i32
      %dma_start3A_358 = arith.constant 0 : i32
      %dma_start3A_359 = tpu.memref_slice %arg3[%dma_start3A_357, %dma_start3A_358] : memref<10000x128xf32, #tpu.memory_space<hbm>> -> memref<10000x128xf32, #tpu.memory_space<hbm>>
      tpu.enqueue_indirect_dma source(%dma_start3A_359 : memref<10000x128xf32, #tpu.memory_space<hbm>>) target(%arg18 : memref<64x128xf32, #tpu.memory_space<vmem>>) offsets(%dma_start3A_356 : memref<64xi32, #tpu.memory_space<vmem>>) semaphore(%arg26 : memref<!tpu.dma_semaphore, #tpu.memory_space<semaphore_mem>>)
      %dma_wait3A_360 = arith.constant 0 : i32
      %dma_wait3A_361 = tpu.memref_slice %arg13[%dma_wait3A_360] : memref<4992xi32, #tpu.memory_space<vmem>> -> memref<64xi32, #tpu.memory_space<vmem>>
      %dma_wait3A_362 = arith.constant 0 : i32
      %dma_wait3A_363 = arith.constant 0 : i32
      %dma_wait3A_364 = tpu.memref_slice %arg3[%dma_wait3A_362, %dma_wait3A_363] : memref<10000x128xf32, #tpu.memory_space<hbm>> -> memref<10000x128xf32, #tpu.memory_space<hbm>>
      tpu.wait_indirect_dma semaphore(%arg23 : memref<!tpu.dma_semaphore, #tpu.memory_space<semaphore_mem>>) src(%dma_wait3A_364 : memref<10000x128xf32, #tpu.memory_space<hbm>>) dst(%arg15 : memref<64x128xf32, #tpu.memory_space<vmem>>)
      "tpu.region"() ({
        %run_scoped3A_422 = tpu.sem_alloc : memref<!tpu.dma_semaphore, #tpu.memory_space<semaphore_mem>>
        %dma_start3A_423 = arith.constant 0 : i32
        %dma_start3A_424 = tpu.memref_slice %arg14[%add3A_350, %dma_start3A_423] : memref<78x64xi32, #tpu.memory_space<vmem>> -> memref<1x64xi32, #tpu.memory_space<vmem>>
        %dma_start3A_425 = tpu.memref_squeeze %dma_start3A_424 : memref<1x64xi32, #tpu.memory_space<vmem>> -> memref<64xi32, #tpu.memory_space<vmem>>
        %dma_start3A_426 = arith.constant 0 : i32
        %dma_start3A_427 = arith.constant 0 : i32
        %dma_start3A_428 = tpu.memref_slice %arg22[%dma_start3A_426, %dma_start3A_427] : memref<10112x128xf32, #tpu.memory_space<vmem_shared>> -> memref<10112x128xf32, #tpu.memory_space<vmem_shared>>
        tpu.enqueue_indirect_dma source(%arg15 : memref<64x128xf32, #tpu.memory_space<vmem>>) target(%dma_start3A_428 : memref<10112x128xf32, #tpu.memory_space<vmem_shared>>) offsets(%dma_start3A_425 : memref<64xi32, #tpu.memory_space<vmem>>) semaphore(%run_scoped3A_422 : memref<!tpu.dma_semaphore, #tpu.memory_space<semaphore_mem>>) {add = true}
        %dma_wait3A_429 = arith.constant 0 : i32
        %dma_wait3A_430 = tpu.memref_slice %arg14[%add3A_350, %dma_wait3A_429] : memref<78x64xi32, #tpu.memory_space<vmem>> -> memref<1x64xi32, #tpu.memory_space<vmem>>
        %dma_wait3A_431 = tpu.memref_squeeze %dma_wait3A_430 : memref<1x64xi32, #tpu.memory_space<vmem>> -> memref<64xi32, #tpu.memory_space<vmem>>
        %dma_wait3A_432 = arith.constant 0 : i32
        %dma_wait3A_433 = arith.constant 0 : i32
        %dma_wait3A_434 = tpu.memref_slice %arg22[%dma_wait3A_432, %dma_wait3A_433] : memref<10112x128xf32, #tpu.memory_space<vmem_shared>> -> memref<10112x128xf32, #tpu.memory_space<vmem_shared>>
        tpu.wait_indirect_dma semaphore(%run_scoped3A_422 : memref<!tpu.dma_semaphore, #tpu.memory_space<semaphore_mem>>) src(%arg15 : memref<64x128xf32, #tpu.memory_space<vmem>>) dst(%dma_wait3A_434 : memref<10112x128xf32, #tpu.memory_space<vmem_shared>>)
        tpu.yield
      }) : () -> ()
      %mul3A_365 = arith.constant 4 : i32
      %mul3A_366 = arith.muli %mul3A_365, %scan3A_346 : i32
      %add3A_367 = arith.constant 1 : i32
      %add3A_368 = arith.addi %mul3A_366, %add3A_367 : i32
      %add3A_369 = arith.constant 4 : i32
      %add3A_370 = arith.addi %add3A_368, %add3A_369 : i32
      %sub3A_371 = arith.constant 1 : i32
      %sub3A_372 = arith.subi %add3A_370, %sub3A_371 : i32
      %mul3A_373 = arith.constant 64 : i32
      %mul3A_374 = arith.muli %sub3A_372, %mul3A_373 : i32
      %dma_start3A_375 = tpu.memref_slice %arg13[%mul3A_374] : memref<4992xi32, #tpu.memory_space<vmem>> -> memref<64xi32, #tpu.memory_space<vmem>>
      %dma_start3A_376 = arith.constant 0 : i32
      %dma_start3A_377 = arith.constant 0 : i32
      %dma_start3A_378 = tpu.memref_slice %arg3[%dma_start3A_376, %dma_start3A_377] : memref<10000x128xf32, #tpu.memory_space<hbm>> -> memref<10000x128xf32, #tpu.memory_space<hbm>>
      tpu.enqueue_indirect_dma source(%dma_start3A_378 : memref<10000x128xf32, #tpu.memory_space<hbm>>) target(%arg15 : memref<64x128xf32, #tpu.memory_space<vmem>>) offsets(%dma_start3A_375 : memref<64xi32, #tpu.memory_space<vmem>>) semaphore(%arg23 : memref<!tpu.dma_semaphore, #tpu.memory_space<semaphore_mem>>)
      %dma_wait3A_379 = arith.constant 0 : i32
      %dma_wait3A_380 = tpu.memref_slice %arg13[%dma_wait3A_379] : memref<4992xi32, #tpu.memory_space<vmem>> -> memref<64xi32, #tpu.memory_space<vmem>>
      %dma_wait3A_381 = arith.constant 0 : i32
      %dma_wait3A_382 = arith.constant 0 : i32
      %dma_wait3A_383 = tpu.memref_slice %arg3[%dma_wait3A_381, %dma_wait3A_382] : memref<10000x128xf32, #tpu.memory_space<hbm>> -> memref<10000x128xf32, #tpu.memory_space<hbm>>
      tpu.wait_indirect_dma semaphore(%arg24 : memref<!tpu.dma_semaphore, #tpu.memory_space<semaphore_mem>>) src(%dma_wait3A_383 : memref<10000x128xf32, #tpu.memory_space<hbm>>) dst(%arg16 : memref<64x128xf32, #tpu.memory_space<vmem>>)
      "tpu.region"() ({
        %run_scoped3A_422 = tpu.sem_alloc : memref<!tpu.dma_semaphore, #tpu.memory_space<semaphore_mem>>
        %dma_start3A_423 = arith.constant 0 : i32
        %dma_start3A_424 = tpu.memref_slice %arg14[%add3A_368, %dma_start3A_423] : memref<78x64xi32, #tpu.memory_space<vmem>> -> memref<1x64xi32, #tpu.memory_space<vmem>>
        %dma_start3A_425 = tpu.memref_squeeze %dma_start3A_424 : memref<1x64xi32, #tpu.memory_space<vmem>> -> memref<64xi32, #tpu.memory_space<vmem>>
        %dma_start3A_426 = arith.constant 0 : i32
        %dma_start3A_427 = arith.constant 0 : i32
        %dma_start3A_428 = tpu.memref_slice %arg22[%dma_start3A_426, %dma_start3A_427] : memref<10112x128xf32, #tpu.memory_space<vmem_shared>> -> memref<10112x128xf32, #tpu.memory_space<vmem_shared>>
        tpu.enqueue_indirect_dma source(%arg16 : memref<64x128xf32, #tpu.memory_space<vmem>>) target(%dma_start3A_428 : memref<10112x128xf32, #tpu.memory_space<vmem_shared>>) offsets(%dma_start3A_425 : memref<64xi32, #tpu.memory_space<vmem>>) semaphore(%run_scoped3A_422 : memref<!tpu.dma_semaphore, #tpu.memory_space<semaphore_mem>>) {add = true}
        %dma_wait3A_429 = arith.constant 0 : i32
        %dma_wait3A_430 = tpu.memref_slice %arg14[%add3A_368, %dma_wait3A_429] : memref<78x64xi32, #tpu.memory_space<vmem>> -> memref<1x64xi32, #tpu.memory_space<vmem>>
        %dma_wait3A_431 = tpu.memref_squeeze %dma_wait3A_430 : memref<1x64xi32, #tpu.memory_space<vmem>> -> memref<64xi32, #tpu.memory_space<vmem>>
        %dma_wait3A_432 = arith.constant 0 : i32
        %dma_wait3A_433 = arith.constant 0 : i32
        %dma_wait3A_434 = tpu.memref_slice %arg22[%dma_wait3A_432, %dma_wait3A_433] : memref<10112x128xf32, #tpu.memory_space<vmem_shared>> -> memref<10112x128xf32, #tpu.memory_space<vmem_shared>>
        tpu.wait_indirect_dma semaphore(%run_scoped3A_422 : memref<!tpu.dma_semaphore, #tpu.memory_space<semaphore_mem>>) src(%arg16 : memref<64x128xf32, #tpu.memory_space<vmem>>) dst(%dma_wait3A_434 : memref<10112x128xf32, #tpu.memory_space<vmem_shared>>)
        tpu.yield
      }) : () -> ()
      %mul3A_384 = arith.constant 4 : i32
      %mul3A_385 = arith.muli %mul3A_384, %scan3A_346 : i32
      %add3A_386 = arith.constant 2 : i32
      %add3A_387 = arith.addi %mul3A_385, %add3A_386 : i32
      %add3A_388 = arith.constant 4 : i32
      %add3A_389 = arith.addi %add3A_387, %add3A_388 : i32
      %sub3A_390 = arith.constant 1 : i32
      %sub3A_391 = arith.subi %add3A_389, %sub3A_390 : i32
      %mul3A_392 = arith.constant 64 : i32
      %mul3A_393 = arith.muli %sub3A_391, %mul3A_392 : i32
      %dma_start3A_394 = tpu.memref_slice %arg13[%mul3A_393] : memref<4992xi32, #tpu.memory_space<vmem>> -> memref<64xi32, #tpu.memory_space<vmem>>
      %dma_start3A_395 = arith.constant 0 : i32
      %dma_start3A_396 = arith.constant 0 : i32
      %dma_start3A_397 = tpu.memref_slice %arg3[%dma_start3A_395, %dma_start3A_396] : memref<10000x128xf32, #tpu.memory_space<hbm>> -> memref<10000x128xf32, #tpu.memory_space<hbm>>
      tpu.enqueue_indirect_dma source(%dma_start3A_397 : memref<10000x128xf32, #tpu.memory_space<hbm>>) target(%arg16 : memref<64x128xf32, #tpu.memory_space<vmem>>) offsets(%dma_start3A_394 : memref<64xi32, #tpu.memory_space<vmem>>) semaphore(%arg24 : memref<!tpu.dma_semaphore, #tpu.memory_space<semaphore_mem>>)
      %dma_wait3A_398 = arith.constant 0 : i32
      %dma_wait3A_399 = tpu.memref_slice %arg13[%dma_wait3A_398] : memref<4992xi32, #tpu.memory_space<vmem>> -> memref<64xi32, #tpu.memory_space<vmem>>
      %dma_wait3A_400 = arith.constant 0 : i32
      %dma_wait3A_401 = arith.constant 0 : i32
      %dma_wait3A_402 = tpu.memref_slice %arg3[%dma_wait3A_400, %dma_wait3A_401] : memref<10000x128xf32, #tpu.memory_space<hbm>> -> memref<10000x128xf32, #tpu.memory_space<hbm>>
      tpu.wait_indirect_dma semaphore(%arg25 : memref<!tpu.dma_semaphore, #tpu.memory_space<semaphore_mem>>) src(%dma_wait3A_402 : memref<10000x128xf32, #tpu.memory_space<hbm>>) dst(%arg17 : memref<64x128xf32, #tpu.memory_space<vmem>>)
      "tpu.region"() ({
        %run_scoped3A_422 = tpu.sem_alloc : memref<!tpu.dma_semaphore, #tpu.memory_space<semaphore_mem>>
        %dma_start3A_423 = arith.constant 0 : i32
        %dma_start3A_424 = tpu.memref_slice %arg14[%add3A_387, %dma_start3A_423] : memref<78x64xi32, #tpu.memory_space<vmem>> -> memref<1x64xi32, #tpu.memory_space<vmem>>
        %dma_start3A_425 = tpu.memref_squeeze %dma_start3A_424 : memref<1x64xi32, #tpu.memory_space<vmem>> -> memref<64xi32, #tpu.memory_space<vmem>>
        %dma_start3A_426 = arith.constant 0 : i32
        %dma_start3A_427 = arith.constant 0 : i32
        %dma_start3A_428 = tpu.memref_slice %arg22[%dma_start3A_426, %dma_start3A_427] : memref<10112x128xf32, #tpu.memory_space<vmem_shared>> -> memref<10112x128xf32, #tpu.memory_space<vmem_shared>>
        tpu.enqueue_indirect_dma source(%arg17 : memref<64x128xf32, #tpu.memory_space<vmem>>) target(%dma_start3A_428 : memref<10112x128xf32, #tpu.memory_space<vmem_shared>>) offsets(%dma_start3A_425 : memref<64xi32, #tpu.memory_space<vmem>>) semaphore(%run_scoped3A_422 : memref<!tpu.dma_semaphore, #tpu.memory_space<semaphore_mem>>) {add = true}
        %dma_wait3A_429 = arith.constant 0 : i32
        %dma_wait3A_430 = tpu.memref_slice %arg14[%add3A_387, %dma_wait3A_429] : memref<78x64xi32, #tpu.memory_space<vmem>> -> memref<1x64xi32, #tpu.memory_space<vmem>>
        %dma_wait3A_431 = tpu.memref_squeeze %dma_wait3A_430 : memref<1x64xi32, #tpu.memory_space<vmem>> -> memref<64xi32, #tpu.memory_space<vmem>>
        %dma_wait3A_432 = arith.constant 0 : i32
        %dma_wait3A_433 = arith.constant 0 : i32
        %dma_wait3A_434 = tpu.memref_slice %arg22[%dma_wait3A_432, %dma_wait3A_433] : memref<10112x128xf32, #tpu.memory_space<vmem_shared>> -> memref<10112x128xf32, #tpu.memory_space<vmem_shared>>
        tpu.wait_indirect_dma semaphore(%run_scoped3A_422 : memref<!tpu.dma_semaphore, #tpu.memory_space<semaphore_mem>>) src(%arg17 : memref<64x128xf32, #tpu.memory_space<vmem>>) dst(%dma_wait3A_434 : memref<10112x128xf32, #tpu.memory_space<vmem_shared>>)
        tpu.yield
      }) : () -> ()
      %mul3A_403 = arith.constant 4 : i32
      %mul3A_404 = arith.muli %mul3A_403, %scan3A_346 : i32
      %add3A_405 = arith.constant 3 : i32
      %add3A_406 = arith.addi %mul3A_404, %add3A_405 : i32
      %add3A_407 = arith.constant 4 : i32
      %add3A_408 = arith.addi %add3A_406, %add3A_407 : i32
      %sub3A_409 = arith.constant 1 : i32
      %sub3A_410 = arith.subi %add3A_408, %sub3A_409 : i32
      %mul3A_411 = arith.constant 64 : i32
      %mul3A_412 = arith.muli %sub3A_410, %mul3A_411 : i32
      %dma_start3A_413 = tpu.memref_slice %arg13[%mul3A_412] : memref<4992xi32, #tpu.memory_space<vmem>> -> memref<64xi32, #tpu.memory_space<vmem>>
      %dma_start3A_414 = arith.constant 0 : i32
      %dma_start3A_415 = arith.constant 0 : i32
      %dma_start3A_416 = tpu.memref_slice %arg3[%dma_start3A_414, %dma_start3A_415] : memref<10000x128xf32, #tpu.memory_space<hbm>> -> memref<10000x128xf32, #tpu.memory_space<hbm>>
      tpu.enqueue_indirect_dma source(%dma_start3A_416 : memref<10000x128xf32, #tpu.memory_space<hbm>>) target(%arg17 : memref<64x128xf32, #tpu.memory_space<vmem>>) offsets(%dma_start3A_413 : memref<64xi32, #tpu.memory_space<vmem>>) semaphore(%arg25 : memref<!tpu.dma_semaphore, #tpu.memory_space<semaphore_mem>>)
      %dma_wait3A_417 = arith.constant 0 : i32
      %dma_wait3A_418 = tpu.memref_slice %arg13[%dma_wait3A_417] : memref<4992xi32, #tpu.memory_space<vmem>> -> memref<64xi32, #tpu.memory_space<vmem>>
      %dma_wait3A_419 = arith.constant 0 : i32
      %dma_wait3A_420 = arith.constant 0 : i32
      %dma_wait3A_421 = tpu.memref_slice %arg3[%dma_wait3A_419, %dma_wait3A_420] : memref<10000x128xf32, #tpu.memory_space<hbm>> -> memref<10000x128xf32, #tpu.memory_space<hbm>>
      tpu.wait_indirect_dma semaphore(%arg26 : memref<!tpu.dma_semaphore, #tpu.memory_space<semaphore_mem>>) src(%dma_wait3A_421 : memref<10000x128xf32, #tpu.memory_space<hbm>>) dst(%arg18 : memref<64x128xf32, #tpu.memory_space<vmem>>)
      "tpu.region"() ({
        %run_scoped3A_422 = tpu.sem_alloc : memref<!tpu.dma_semaphore, #tpu.memory_space<semaphore_mem>>
        %dma_start3A_423 = arith.constant 0 : i32
        %dma_start3A_424 = tpu.memref_slice %arg14[%add3A_406, %dma_start3A_423] : memref<78x64xi32, #tpu.memory_space<vmem>> -> memref<1x64xi32, #tpu.memory_space<vmem>>
        %dma_start3A_425 = tpu.memref_squeeze %dma_start3A_424 : memref<1x64xi32, #tpu.memory_space<vmem>> -> memref<64xi32, #tpu.memory_space<vmem>>
        %dma_start3A_426 = arith.constant 0 : i32
        %dma_start3A_427 = arith.constant 0 : i32
        %dma_start3A_428 = tpu.memref_slice %arg22[%dma_start3A_426, %dma_start3A_427] : memref<10112x128xf32, #tpu.memory_space<vmem_shared>> -> memref<10112x128xf32, #tpu.memory_space<vmem_shared>>
        tpu.enqueue_indirect_dma source(%arg18 : memref<64x128xf32, #tpu.memory_space<vmem>>) target(%dma_start3A_428 : memref<10112x128xf32, #tpu.memory_space<vmem_shared>>) offsets(%dma_start3A_425 : memref<64xi32, #tpu.memory_space<vmem>>) semaphore(%run_scoped3A_422 : memref<!tpu.dma_semaphore, #tpu.memory_space<semaphore_mem>>) {add = true}
        %dma_wait3A_429 = arith.constant 0 : i32
        %dma_wait3A_430 = tpu.memref_slice %arg14[%add3A_406, %dma_wait3A_429] : memref<78x64xi32, #tpu.memory_space<vmem>> -> memref<1x64xi32, #tpu.memory_space<vmem>>
        %dma_wait3A_431 = tpu.memref_squeeze %dma_wait3A_430 : memref<1x64xi32, #tpu.memory_space<vmem>> -> memref<64xi32, #tpu.memory_space<vmem>>
        %dma_wait3A_432 = arith.constant 0 : i32
        %dma_wait3A_433 = arith.constant 0 : i32
        %dma_wait3A_434 = tpu.memref_slice %arg22[%dma_wait3A_432, %dma_wait3A_433] : memref<10112x128xf32, #tpu.memory_space<vmem_shared>> -> memref<10112x128xf32, #tpu.memory_space<vmem_shared>>
        tpu.wait_indirect_dma semaphore(%run_scoped3A_422 : memref<!tpu.dma_semaphore, #tpu.memory_space<semaphore_mem>>) src(%arg18 : memref<64x128xf32, #tpu.memory_space<vmem>>) dst(%dma_wait3A_434 : memref<10112x128xf32, #tpu.memory_space<vmem_shared>>)
        tpu.yield
      }) : () -> ()
    }
    %scan3A_127 = arith.constant 18 : i32
    %dma_start3A_128 = arith.constant 4800 : i32
    %dma_start3A_129 = tpu.memref_slice %arg13[%dma_start3A_128] : memref<4992xi32, #tpu.memory_space<vmem>> -> memref<64xi32, #tpu.memory_space<vmem>>
    %dma_start3A_130 = arith.constant 0 : i32
    %dma_start3A_131 = arith.constant 0 : i32
    %dma_start3A_132 = tpu.memref_slice %arg3[%dma_start3A_130, %dma_start3A_131] : memref<10000x128xf32, #tpu.memory_space<hbm>> -> memref<10000x128xf32, #tpu.memory_space<hbm>>
    tpu.enqueue_indirect_dma source(%dma_start3A_132 : memref<10000x128xf32, #tpu.memory_space<hbm>>) target(%arg18 : memref<64x128xf32, #tpu.memory_space<vmem>>) offsets(%dma_start3A_129 : memref<64xi32, #tpu.memory_space<vmem>>) semaphore(%arg26 : memref<!tpu.dma_semaphore, #tpu.memory_space<semaphore_mem>>)
    %dma_wait3A_133 = arith.constant 0 : i32
    %dma_wait3A_134 = tpu.memref_slice %arg13[%dma_wait3A_133] : memref<4992xi32, #tpu.memory_space<vmem>> -> memref<64xi32, #tpu.memory_space<vmem>>
    %dma_wait3A_135 = arith.constant 0 : i32
    %dma_wait3A_136 = arith.constant 0 : i32
    %dma_wait3A_137 = tpu.memref_slice %arg3[%dma_wait3A_135, %dma_wait3A_136] : memref<10000x128xf32, #tpu.memory_space<hbm>> -> memref<10000x128xf32, #tpu.memory_space<hbm>>
    tpu.wait_indirect_dma semaphore(%arg23 : memref<!tpu.dma_semaphore, #tpu.memory_space<semaphore_mem>>) src(%dma_wait3A_137 : memref<10000x128xf32, #tpu.memory_space<hbm>>) dst(%arg15 : memref<64x128xf32, #tpu.memory_space<vmem>>)
    %run_scoped3A_138 = arith.constant 72 : i32
    "tpu.region"() ({
      %run_scoped3A_346 = tpu.sem_alloc : memref<!tpu.dma_semaphore, #tpu.memory_space<semaphore_mem>>
      %dma_start3A_347 = arith.constant 0 : i32
      %dma_start3A_348 = tpu.memref_slice %arg14[%run_scoped3A_138, %dma_start3A_347] : memref<78x64xi32, #tpu.memory_space<vmem>> -> memref<1x64xi32, #tpu.memory_space<vmem>>
      %dma_start3A_349 = tpu.memref_squeeze %dma_start3A_348 : memref<1x64xi32, #tpu.memory_space<vmem>> -> memref<64xi32, #tpu.memory_space<vmem>>
      %dma_start3A_350 = arith.constant 0 : i32
      %dma_start3A_351 = arith.constant 0 : i32
      %dma_start3A_352 = tpu.memref_slice %arg22[%dma_start3A_350, %dma_start3A_351] : memref<10112x128xf32, #tpu.memory_space<vmem_shared>> -> memref<10112x128xf32, #tpu.memory_space<vmem_shared>>
      tpu.enqueue_indirect_dma source(%arg15 : memref<64x128xf32, #tpu.memory_space<vmem>>) target(%dma_start3A_352 : memref<10112x128xf32, #tpu.memory_space<vmem_shared>>) offsets(%dma_start3A_349 : memref<64xi32, #tpu.memory_space<vmem>>) semaphore(%run_scoped3A_346 : memref<!tpu.dma_semaphore, #tpu.memory_space<semaphore_mem>>) {add = true}
      %dma_wait3A_353 = arith.constant 0 : i32
      %dma_wait3A_354 = tpu.memref_slice %arg14[%run_scoped3A_138, %dma_wait3A_353] : memref<78x64xi32, #tpu.memory_space<vmem>> -> memref<1x64xi32, #tpu.memory_space<vmem>>
      %dma_wait3A_355 = tpu.memref_squeeze %dma_wait3A_354 : memref<1x64xi32, #tpu.memory_space<vmem>> -> memref<64xi32, #tpu.memory_space<vmem>>
      %dma_wait3A_356 = arith.constant 0 : i32
      %dma_wait3A_357 = arith.constant 0 : i32
      %dma_wait3A_358 = tpu.memref_slice %arg22[%dma_wait3A_356, %dma_wait3A_357] : memref<10112x128xf32, #tpu.memory_space<vmem_shared>> -> memref<10112x128xf32, #tpu.memory_space<vmem_shared>>
      tpu.wait_indirect_dma semaphore(%run_scoped3A_346 : memref<!tpu.dma_semaphore, #tpu.memory_space<semaphore_mem>>) src(%arg15 : memref<64x128xf32, #tpu.memory_space<vmem>>) dst(%dma_wait3A_358 : memref<10112x128xf32, #tpu.memory_space<vmem_shared>>)
      tpu.yield
    }) : () -> ()
    %dma_start3A_139 = arith.constant 4864 : i32
    %dma_start3A_140 = tpu.memref_slice %arg13[%dma_start3A_139] : memref<4992xi32, #tpu.memory_space<vmem>> -> memref<64xi32, #tpu.memory_space<vmem>>
    %dma_start3A_141 = arith.constant 0 : i32
    %dma_start3A_142 = arith.constant 0 : i32
    %dma_start3A_143 = tpu.memref_slice %arg3[%dma_start3A_141, %dma_start3A_142] : memref<10000x128xf32, #tpu.memory_space<hbm>> -> memref<10000x128xf32, #tpu.memory_space<hbm>>
    tpu.enqueue_indirect_dma source(%dma_start3A_143 : memref<10000x128xf32, #tpu.memory_space<hbm>>) target(%arg15 : memref<64x128xf32, #tpu.memory_space<vmem>>) offsets(%dma_start3A_140 : memref<64xi32, #tpu.memory_space<vmem>>) semaphore(%arg23 : memref<!tpu.dma_semaphore, #tpu.memory_space<semaphore_mem>>)
    %dma_wait3A_144 = arith.constant 0 : i32
    %dma_wait3A_145 = tpu.memref_slice %arg13[%dma_wait3A_144] : memref<4992xi32, #tpu.memory_space<vmem>> -> memref<64xi32, #tpu.memory_space<vmem>>
    %dma_wait3A_146 = arith.constant 0 : i32
    %dma_wait3A_147 = arith.constant 0 : i32
    %dma_wait3A_148 = tpu.memref_slice %arg3[%dma_wait3A_146, %dma_wait3A_147] : memref<10000x128xf32, #tpu.memory_space<hbm>> -> memref<10000x128xf32, #tpu.memory_space<hbm>>
    tpu.wait_indirect_dma semaphore(%arg24 : memref<!tpu.dma_semaphore, #tpu.memory_space<semaphore_mem>>) src(%dma_wait3A_148 : memref<10000x128xf32, #tpu.memory_space<hbm>>) dst(%arg16 : memref<64x128xf32, #tpu.memory_space<vmem>>)
    %run_scoped3A_149 = arith.constant 73 : i32
    "tpu.region"() ({
      %run_scoped3A_346 = tpu.sem_alloc : memref<!tpu.dma_semaphore, #tpu.memory_space<semaphore_mem>>
      %dma_start3A_347 = arith.constant 0 : i32
      %dma_start3A_348 = tpu.memref_slice %arg14[%run_scoped3A_149, %dma_start3A_347] : memref<78x64xi32, #tpu.memory_space<vmem>> -> memref<1x64xi32, #tpu.memory_space<vmem>>
      %dma_start3A_349 = tpu.memref_squeeze %dma_start3A_348 : memref<1x64xi32, #tpu.memory_space<vmem>> -> memref<64xi32, #tpu.memory_space<vmem>>
      %dma_start3A_350 = arith.constant 0 : i32
      %dma_start3A_351 = arith.constant 0 : i32
      %dma_start3A_352 = tpu.memref_slice %arg22[%dma_start3A_350, %dma_start3A_351] : memref<10112x128xf32, #tpu.memory_space<vmem_shared>> -> memref<10112x128xf32, #tpu.memory_space<vmem_shared>>
      tpu.enqueue_indirect_dma source(%arg16 : memref<64x128xf32, #tpu.memory_space<vmem>>) target(%dma_start3A_352 : memref<10112x128xf32, #tpu.memory_space<vmem_shared>>) offsets(%dma_start3A_349 : memref<64xi32, #tpu.memory_space<vmem>>) semaphore(%run_scoped3A_346 : memref<!tpu.dma_semaphore, #tpu.memory_space<semaphore_mem>>) {add = true}
      %dma_wait3A_353 = arith.constant 0 : i32
      %dma_wait3A_354 = tpu.memref_slice %arg14[%run_scoped3A_149, %dma_wait3A_353] : memref<78x64xi32, #tpu.memory_space<vmem>> -> memref<1x64xi32, #tpu.memory_space<vmem>>
      %dma_wait3A_355 = tpu.memref_squeeze %dma_wait3A_354 : memref<1x64xi32, #tpu.memory_space<vmem>> -> memref<64xi32, #tpu.memory_space<vmem>>
      %dma_wait3A_356 = arith.constant 0 : i32
      %dma_wait3A_357 = arith.constant 0 : i32
      %dma_wait3A_358 = tpu.memref_slice %arg22[%dma_wait3A_356, %dma_wait3A_357] : memref<10112x128xf32, #tpu.memory_space<vmem_shared>> -> memref<10112x128xf32, #tpu.memory_space<vmem_shared>>
      tpu.wait_indirect_dma semaphore(%run_scoped3A_346 : memref<!tpu.dma_semaphore, #tpu.memory_space<semaphore_mem>>) src(%arg16 : memref<64x128xf32, #tpu.memory_space<vmem>>) dst(%dma_wait3A_358 : memref<10112x128xf32, #tpu.memory_space<vmem_shared>>)
      tpu.yield
    }) : () -> ()
    %dma_start3A_150 = arith.constant 4928 : i32
    %dma_start3A_151 = tpu.memref_slice %arg13[%dma_start3A_150] : memref<4992xi32, #tpu.memory_space<vmem>> -> memref<64xi32, #tpu.memory_space<vmem>>
    %dma_start3A_152 = arith.constant 0 : i32
    %dma_start3A_153 = arith.constant 0 : i32
    %dma_start3A_154 = tpu.memref_slice %arg3[%dma_start3A_152, %dma_start3A_153] : memref<10000x128xf32, #tpu.memory_space<hbm>> -> memref<10000x128xf32, #tpu.memory_space<hbm>>
    tpu.enqueue_indirect_dma source(%dma_start3A_154 : memref<10000x128xf32, #tpu.memory_space<hbm>>) target(%arg16 : memref<64x128xf32, #tpu.memory_space<vmem>>) offsets(%dma_start3A_151 : memref<64xi32, #tpu.memory_space<vmem>>) semaphore(%arg24 : memref<!tpu.dma_semaphore, #tpu.memory_space<semaphore_mem>>)
    %dma_wait3A_155 = arith.constant 0 : i32
    %dma_wait3A_156 = tpu.memref_slice %arg13[%dma_wait3A_155] : memref<4992xi32, #tpu.memory_space<vmem>> -> memref<64xi32, #tpu.memory_space<vmem>>
    %dma_wait3A_157 = arith.constant 0 : i32
    %dma_wait3A_158 = arith.constant 0 : i32
    %dma_wait3A_159 = tpu.memref_slice %arg3[%dma_wait3A_157, %dma_wait3A_158] : memref<10000x128xf32, #tpu.memory_space<hbm>> -> memref<10000x128xf32, #tpu.memory_space<hbm>>
    tpu.wait_indirect_dma semaphore(%arg25 : memref<!tpu.dma_semaphore, #tpu.memory_space<semaphore_mem>>) src(%dma_wait3A_159 : memref<10000x128xf32, #tpu.memory_space<hbm>>) dst(%arg17 : memref<64x128xf32, #tpu.memory_space<vmem>>)
    %run_scoped3A_160 = arith.constant 74 : i32
    "tpu.region"() ({
      %run_scoped3A_346 = tpu.sem_alloc : memref<!tpu.dma_semaphore, #tpu.memory_space<semaphore_mem>>
      %dma_start3A_347 = arith.constant 0 : i32
      %dma_start3A_348 = tpu.memref_slice %arg14[%run_scoped3A_160, %dma_start3A_347] : memref<78x64xi32, #tpu.memory_space<vmem>> -> memref<1x64xi32, #tpu.memory_space<vmem>>
      %dma_start3A_349 = tpu.memref_squeeze %dma_start3A_348 : memref<1x64xi32, #tpu.memory_space<vmem>> -> memref<64xi32, #tpu.memory_space<vmem>>
      %dma_start3A_350 = arith.constant 0 : i32
      %dma_start3A_351 = arith.constant 0 : i32
      %dma_start3A_352 = tpu.memref_slice %arg22[%dma_start3A_350, %dma_start3A_351] : memref<10112x128xf32, #tpu.memory_space<vmem_shared>> -> memref<10112x128xf32, #tpu.memory_space<vmem_shared>>
      tpu.enqueue_indirect_dma source(%arg17 : memref<64x128xf32, #tpu.memory_space<vmem>>) target(%dma_start3A_352 : memref<10112x128xf32, #tpu.memory_space<vmem_shared>>) offsets(%dma_start3A_349 : memref<64xi32, #tpu.memory_space<vmem>>) semaphore(%run_scoped3A_346 : memref<!tpu.dma_semaphore, #tpu.memory_space<semaphore_mem>>) {add = true}
      %dma_wait3A_353 = arith.constant 0 : i32
      %dma_wait3A_354 = tpu.memref_slice %arg14[%run_scoped3A_160, %dma_wait3A_353] : memref<78x64xi32, #tpu.memory_space<vmem>> -> memref<1x64xi32, #tpu.memory_space<vmem>>
      %dma_wait3A_355 = tpu.memref_squeeze %dma_wait3A_354 : memref<1x64xi32, #tpu.memory_space<vmem>> -> memref<64xi32, #tpu.memory_space<vmem>>
      %dma_wait3A_356 = arith.constant 0 : i32
      %dma_wait3A_357 = arith.constant 0 : i32
      %dma_wait3A_358 = tpu.memref_slice %arg22[%dma_wait3A_356, %dma_wait3A_357] : memref<10112x128xf32, #tpu.memory_space<vmem_shared>> -> memref<10112x128xf32, #tpu.memory_space<vmem_shared>>
      tpu.wait_indirect_dma semaphore(%run_scoped3A_346 : memref<!tpu.dma_semaphore, #tpu.memory_space<semaphore_mem>>) src(%arg17 : memref<64x128xf32, #tpu.memory_space<vmem>>) dst(%dma_wait3A_358 : memref<10112x128xf32, #tpu.memory_space<vmem_shared>>)
      tpu.yield
    }) : () -> ()
    %dma_wait3A_161 = arith.constant 0 : i32
    %dma_wait3A_162 = tpu.memref_slice %arg13[%dma_wait3A_161] : memref<4992xi32, #tpu.memory_space<vmem>> -> memref<64xi32, #tpu.memory_space<vmem>>
    %dma_wait3A_163 = arith.constant 0 : i32
    %dma_wait3A_164 = arith.constant 0 : i32
    %dma_wait3A_165 = tpu.memref_slice %arg3[%dma_wait3A_163, %dma_wait3A_164] : memref<10000x128xf32, #tpu.memory_space<hbm>> -> memref<10000x128xf32, #tpu.memory_space<hbm>>
    tpu.wait_indirect_dma semaphore(%arg26 : memref<!tpu.dma_semaphore, #tpu.memory_space<semaphore_mem>>) src(%dma_wait3A_165 : memref<10000x128xf32, #tpu.memory_space<hbm>>) dst(%arg18 : memref<64x128xf32, #tpu.memory_space<vmem>>)
    %run_scoped3A_166 = arith.constant 75 : i32
    "tpu.region"() ({
      %run_scoped3A_346 = tpu.sem_alloc : memref<!tpu.dma_semaphore, #tpu.memory_space<semaphore_mem>>
      %dma_start3A_347 = arith.constant 0 : i32
      %dma_start3A_348 = tpu.memref_slice %arg14[%run_scoped3A_166, %dma_start3A_347] : memref<78x64xi32, #tpu.memory_space<vmem>> -> memref<1x64xi32, #tpu.memory_space<vmem>>
      %dma_start3A_349 = tpu.memref_squeeze %dma_start3A_348 : memref<1x64xi32, #tpu.memory_space<vmem>> -> memref<64xi32, #tpu.memory_space<vmem>>
      %dma_start3A_350 = arith.constant 0 : i32
      %dma_start3A_351 = arith.constant 0 : i32
      %dma_start3A_352 = tpu.memref_slice %arg22[%dma_start3A_350, %dma_start3A_351] : memref<10112x128xf32, #tpu.memory_space<vmem_shared>> -> memref<10112x128xf32, #tpu.memory_space<vmem_shared>>
      tpu.enqueue_indirect_dma source(%arg18 : memref<64x128xf32, #tpu.memory_space<vmem>>) target(%dma_start3A_352 : memref<10112x128xf32, #tpu.memory_space<vmem_shared>>) offsets(%dma_start3A_349 : memref<64xi32, #tpu.memory_space<vmem>>) semaphore(%run_scoped3A_346 : memref<!tpu.dma_semaphore, #tpu.memory_space<semaphore_mem>>) {add = true}
      %dma_wait3A_353 = arith.constant 0 : i32
      %dma_wait3A_354 = tpu.memref_slice %arg14[%run_scoped3A_166, %dma_wait3A_353] : memref<78x64xi32, #tpu.memory_space<vmem>> -> memref<1x64xi32, #tpu.memory_space<vmem>>
      %dma_wait3A_355 = tpu.memref_squeeze %dma_wait3A_354 : memref<1x64xi32, #tpu.memory_space<vmem>> -> memref<64xi32, #tpu.memory_space<vmem>>
      %dma_wait3A_356 = arith.constant 0 : i32
      %dma_wait3A_357 = arith.constant 0 : i32
      %dma_wait3A_358 = tpu.memref_slice %arg22[%dma_wait3A_356, %dma_wait3A_357] : memref<10112x128xf32, #tpu.memory_space<vmem_shared>> -> memref<10112x128xf32, #tpu.memory_space<vmem_shared>>
      tpu.wait_indirect_dma semaphore(%run_scoped3A_346 : memref<!tpu.dma_semaphore, #tpu.memory_space<semaphore_mem>>) src(%arg18 : memref<64x128xf32, #tpu.memory_space<vmem>>) dst(%dma_wait3A_358 : memref<10112x128xf32, #tpu.memory_space<vmem_shared>>)
      tpu.yield
    }) : () -> ()
    %dma_wait3A_167 = arith.constant 0 : i32
    %dma_wait3A_168 = tpu.memref_slice %arg13[%dma_wait3A_167] : memref<4992xi32, #tpu.memory_space<vmem>> -> memref<64xi32, #tpu.memory_space<vmem>>
    %dma_wait3A_169 = arith.constant 0 : i32
    %dma_wait3A_170 = arith.constant 0 : i32
    %dma_wait3A_171 = tpu.memref_slice %arg3[%dma_wait3A_169, %dma_wait3A_170] : memref<10000x128xf32, #tpu.memory_space<hbm>> -> memref<10000x128xf32, #tpu.memory_space<hbm>>
    tpu.wait_indirect_dma semaphore(%arg23 : memref<!tpu.dma_semaphore, #tpu.memory_space<semaphore_mem>>) src(%dma_wait3A_171 : memref<10000x128xf32, #tpu.memory_space<hbm>>) dst(%arg15 : memref<64x128xf32, #tpu.memory_space<vmem>>)
    %run_scoped3A_172 = arith.constant 76 : i32
    "tpu.region"() ({
      %run_scoped3A_346 = tpu.sem_alloc : memref<!tpu.dma_semaphore, #tpu.memory_space<semaphore_mem>>
      %dma_start3A_347 = arith.constant 0 : i32
      %dma_start3A_348 = tpu.memref_slice %arg14[%run_scoped3A_172, %dma_start3A_347] : memref<78x64xi32, #tpu.memory_space<vmem>> -> memref<1x64xi32, #tpu.memory_space<vmem>>
      %dma_start3A_349 = tpu.memref_squeeze %dma_start3A_348 : memref<1x64xi32, #tpu.memory_space<vmem>> -> memref<64xi32, #tpu.memory_space<vmem>>
      %dma_start3A_350 = arith.constant 0 : i32
      %dma_start3A_351 = arith.constant 0 : i32
      %dma_start3A_352 = tpu.memref_slice %arg22[%dma_start3A_350, %dma_start3A_351] : memref<10112x128xf32, #tpu.memory_space<vmem_shared>> -> memref<10112x128xf32, #tpu.memory_space<vmem_shared>>
      tpu.enqueue_indirect_dma source(%arg15 : memref<64x128xf32, #tpu.memory_space<vmem>>) target(%dma_start3A_352 : memref<10112x128xf32, #tpu.memory_space<vmem_shared>>) offsets(%dma_start3A_349 : memref<64xi32, #tpu.memory_space<vmem>>) semaphore(%run_scoped3A_346 : memref<!tpu.dma_semaphore, #tpu.memory_space<semaphore_mem>>) {add = true}
      %dma_wait3A_353 = arith.constant 0 : i32
      %dma_wait3A_354 = tpu.memref_slice %arg14[%run_scoped3A_172, %dma_wait3A_353] : memref<78x64xi32, #tpu.memory_space<vmem>> -> memref<1x64xi32, #tpu.memory_space<vmem>>
      %dma_wait3A_355 = tpu.memref_squeeze %dma_wait3A_354 : memref<1x64xi32, #tpu.memory_space<vmem>> -> memref<64xi32, #tpu.memory_space<vmem>>
      %dma_wait3A_356 = arith.constant 0 : i32
      %dma_wait3A_357 = arith.constant 0 : i32
      %dma_wait3A_358 = tpu.memref_slice %arg22[%dma_wait3A_356, %dma_wait3A_357] : memref<10112x128xf32, #tpu.memory_space<vmem_shared>> -> memref<10112x128xf32, #tpu.memory_space<vmem_shared>>
      tpu.wait_indirect_dma semaphore(%run_scoped3A_346 : memref<!tpu.dma_semaphore, #tpu.memory_space<semaphore_mem>>) src(%arg15 : memref<64x128xf32, #tpu.memory_space<vmem>>) dst(%dma_wait3A_358 : memref<10112x128xf32, #tpu.memory_space<vmem_shared>>)
      tpu.yield
    }) : () -> ()
    %dma_wait3A_173 = arith.constant 0 : i32
    %dma_wait3A_174 = tpu.memref_slice %arg13[%dma_wait3A_173] : memref<4992xi32, #tpu.memory_space<vmem>> -> memref<64xi32, #tpu.memory_space<vmem>>
    %dma_wait3A_175 = arith.constant 0 : i32
    %dma_wait3A_176 = arith.constant 0 : i32
    %dma_wait3A_177 = tpu.memref_slice %arg3[%dma_wait3A_175, %dma_wait3A_176] : memref<10000x128xf32, #tpu.memory_space<hbm>> -> memref<10000x128xf32, #tpu.memory_space<hbm>>
    tpu.wait_indirect_dma semaphore(%arg24 : memref<!tpu.dma_semaphore, #tpu.memory_space<semaphore_mem>>) src(%dma_wait3A_177 : memref<10000x128xf32, #tpu.memory_space<hbm>>) dst(%arg16 : memref<64x128xf32, #tpu.memory_space<vmem>>)
    %run_scoped3A_178 = arith.constant 77 : i32
    "tpu.region"() ({
      %run_scoped3A_346 = tpu.sem_alloc : memref<!tpu.dma_semaphore, #tpu.memory_space<semaphore_mem>>
      %dma_start3A_347 = arith.constant 0 : i32
      %dma_start3A_348 = tpu.memref_slice %arg14[%run_scoped3A_178, %dma_start3A_347] : memref<78x64xi32, #tpu.memory_space<vmem>> -> memref<1x64xi32, #tpu.memory_space<vmem>>
      %dma_start3A_349 = tpu.memref_squeeze %dma_start3A_348 : memref<1x64xi32, #tpu.memory_space<vmem>> -> memref<64xi32, #tpu.memory_space<vmem>>
      %dma_start3A_350 = arith.constant 0 : i32
      %dma_start3A_351 = arith.constant 0 : i32
      %dma_start3A_352 = tpu.memref_slice %arg22[%dma_start3A_350, %dma_start3A_351] : memref<10112x128xf32, #tpu.memory_space<vmem_shared>> -> memref<10112x128xf32, #tpu.memory_space<vmem_shared>>
      tpu.enqueue_indirect_dma source(%arg16 : memref<64x128xf32, #tpu.memory_space<vmem>>) target(%dma_start3A_352 : memref<10112x128xf32, #tpu.memory_space<vmem_shared>>) offsets(%dma_start3A_349 : memref<64xi32, #tpu.memory_space<vmem>>) semaphore(%run_scoped3A_346 : memref<!tpu.dma_semaphore, #tpu.memory_space<semaphore_mem>>) {add = true}
      %dma_wait3A_353 = arith.constant 0 : i32
      %dma_wait3A_354 = tpu.memref_slice %arg14[%run_scoped3A_178, %dma_wait3A_353] : memref<78x64xi32, #tpu.memory_space<vmem>> -> memref<1x64xi32, #tpu.memory_space<vmem>>
      %dma_wait3A_355 = tpu.memref_squeeze %dma_wait3A_354 : memref<1x64xi32, #tpu.memory_space<vmem>> -> memref<64xi32, #tpu.memory_space<vmem>>
      %dma_wait3A_356 = arith.constant 0 : i32
      %dma_wait3A_357 = arith.constant 0 : i32
      %dma_wait3A_358 = tpu.memref_slice %arg22[%dma_wait3A_356, %dma_wait3A_357] : memref<10112x128xf32, #tpu.memory_space<vmem_shared>> -> memref<10112x128xf32, #tpu.memory_space<vmem_shared>>
      tpu.wait_indirect_dma semaphore(%run_scoped3A_346 : memref<!tpu.dma_semaphore, #tpu.memory_space<semaphore_mem>>) src(%arg16 : memref<64x128xf32, #tpu.memory_space<vmem>>) dst(%dma_wait3A_358 : memref<10112x128xf32, #tpu.memory_space<vmem_shared>>)
      tpu.yield
    }) : () -> ()
    %dma_start3A_179 = arith.constant 0 : i32
    %dma_start3A_180 = arith.constant 0 : i32
    %dma_start3A_181 = tpu.memref_slice %arg3[%dma_start3A_179, %dma_start3A_180] : memref<10000x128xf32, #tpu.memory_space<hbm>> -> memref<10000x128xf32, #tpu.memory_space<hbm>>
    tpu.enqueue_indirect_dma source(%dma_start3A_181 : memref<10000x128xf32, #tpu.memory_space<hbm>>) target(%arg21 : memref<8x128xf32, #tpu.memory_space<vmem>>) offsets(%arg19 : memref<8xi32, #tpu.memory_space<vmem>>) semaphore(%arg28 : memref<!tpu.dma_semaphore, #tpu.memory_space<semaphore_mem>>)
    %dma_wait3A_182 = arith.constant 0 : i32
    %dma_wait3A_183 = arith.constant 0 : i32
    %dma_wait3A_184 = tpu.memref_slice %arg3[%dma_wait3A_182, %dma_wait3A_183] : memref<10000x128xf32, #tpu.memory_space<hbm>> -> memref<10000x128xf32, #tpu.memory_space<hbm>>
    tpu.wait_indirect_dma semaphore(%arg28 : memref<!tpu.dma_semaphore, #tpu.memory_space<semaphore_mem>>) src(%dma_wait3A_184 : memref<10000x128xf32, #tpu.memory_space<hbm>>) dst(%arg21 : memref<8x128xf32, #tpu.memory_space<vmem>>)
    "tpu.region"() ({
      %run_scoped3A_346 = tpu.sem_alloc : memref<!tpu.dma_semaphore, #tpu.memory_space<semaphore_mem>>
      %dma_start3A_347 = arith.constant 0 : i32
      %dma_start3A_348 = arith.constant 0 : i32
      %dma_start3A_349 = tpu.memref_slice %arg22[%dma_start3A_347, %dma_start3A_348] : memref<10112x128xf32, #tpu.memory_space<vmem_shared>> -> memref<10112x128xf32, #tpu.memory_space<vmem_shared>>
      tpu.enqueue_indirect_dma source(%arg21 : memref<8x128xf32, #tpu.memory_space<vmem>>) target(%dma_start3A_349 : memref<10112x128xf32, #tpu.memory_space<vmem_shared>>) offsets(%arg20 : memref<8xi32, #tpu.memory_space<vmem>>) semaphore(%run_scoped3A_346 : memref<!tpu.dma_semaphore, #tpu.memory_space<semaphore_mem>>) {add = true}
      %dma_wait3A_350 = arith.constant 0 : i32
      %dma_wait3A_351 = arith.constant 0 : i32
      %dma_wait3A_352 = tpu.memref_slice %arg22[%dma_wait3A_350, %dma_wait3A_351] : memref<10112x128xf32, #tpu.memory_space<vmem_shared>> -> memref<10112x128xf32, #tpu.memory_space<vmem_shared>>
      tpu.wait_indirect_dma semaphore(%run_scoped3A_346 : memref<!tpu.dma_semaphore, #tpu.memory_space<semaphore_mem>>) src(%arg21 : memref<8x128xf32, #tpu.memory_space<vmem>>) dst(%dma_wait3A_352 : memref<10112x128xf32, #tpu.memory_space<vmem_shared>>)
      tpu.yield
    }) : () -> ()
    %barrier3A_185 = arith.constant 0 : index
    tpu.barrier barrier_id(%barrier3A_185)
    %dma_start3A_186 = arith.constant 0 : i32
    %dma_start3A_187 = tpu.memref_slice %arg13[%dma_start3A_186] : memref<4992xi32, #tpu.memory_space<vmem>> -> memref<64xi32, #tpu.memory_space<vmem>>
    %dma_start3A_188 = arith.constant 0 : i32
    %dma_start3A_189 = arith.constant 0 : i32
    %dma_start3A_190 = tpu.memref_slice %arg4[%dma_start3A_188, %dma_start3A_189] : memref<10000x128xf32, #tpu.memory_space<hbm>> -> memref<10000x128xf32, #tpu.memory_space<hbm>>
    tpu.enqueue_indirect_dma source(%dma_start3A_190 : memref<10000x128xf32, #tpu.memory_space<hbm>>) target(%arg15 : memref<64x128xf32, #tpu.memory_space<vmem>>) offsets(%dma_start3A_187 : memref<64xi32, #tpu.memory_space<vmem>>) semaphore(%arg23 : memref<!tpu.dma_semaphore, #tpu.memory_space<semaphore_mem>>)
    %dma_start3A_191 = arith.constant 64 : i32
    %dma_start3A_192 = tpu.memref_slice %arg13[%dma_start3A_191] : memref<4992xi32, #tpu.memory_space<vmem>> -> memref<64xi32, #tpu.memory_space<vmem>>
    %dma_start3A_193 = arith.constant 0 : i32
    %dma_start3A_194 = arith.constant 0 : i32
    %dma_start3A_195 = tpu.memref_slice %arg4[%dma_start3A_193, %dma_start3A_194] : memref<10000x128xf32, #tpu.memory_space<hbm>> -> memref<10000x128xf32, #tpu.memory_space<hbm>>
    tpu.enqueue_indirect_dma source(%dma_start3A_195 : memref<10000x128xf32, #tpu.memory_space<hbm>>) target(%arg16 : memref<64x128xf32, #tpu.memory_space<vmem>>) offsets(%dma_start3A_192 : memref<64xi32, #tpu.memory_space<vmem>>) semaphore(%arg24 : memref<!tpu.dma_semaphore, #tpu.memory_space<semaphore_mem>>)
    %dma_start3A_196 = arith.constant 128 : i32
    %dma_start3A_197 = tpu.memref_slice %arg13[%dma_start3A_196] : memref<4992xi32, #tpu.memory_space<vmem>> -> memref<64xi32, #tpu.memory_space<vmem>>
    %dma_start3A_198 = arith.constant 0 : i32
    %dma_start3A_199 = arith.constant 0 : i32
    %dma_start3A_200 = tpu.memref_slice %arg4[%dma_start3A_198, %dma_start3A_199] : memref<10000x128xf32, #tpu.memory_space<hbm>> -> memref<10000x128xf32, #tpu.memory_space<hbm>>
    tpu.enqueue_indirect_dma source(%dma_start3A_200 : memref<10000x128xf32, #tpu.memory_space<hbm>>) target(%arg17 : memref<64x128xf32, #tpu.memory_space<vmem>>) offsets(%dma_start3A_197 : memref<64xi32, #tpu.memory_space<vmem>>) semaphore(%arg25 : memref<!tpu.dma_semaphore, #tpu.memory_space<semaphore_mem>>)
    "tpu.region"() ({
      %run_scoped3A_346 = tpu.sem_alloc : memref<!tpu.dma_semaphore, #tpu.memory_space<semaphore_mem>>
      %dma_start3A_347 = arith.constant 0 : i32
      %dma_start3A_348 = tpu.memref_slice %arg10[%arg0, %mul3A_0, %dma_start3A_347] : memref<2x10112x128xf32, #tpu.memory_space<hbm>> -> memref<1x632x128xf32, #tpu.memory_space<hbm>>
      %dma_start3A_349 = tpu.memref_squeeze %dma_start3A_348 : memref<1x632x128xf32, #tpu.memory_space<hbm>> -> memref<632x128xf32, #tpu.memory_space<hbm>>
      %dma_start3A_350 = arith.constant 0 : i32
      %dma_start3A_351 = tpu.memref_slice %arg22[%mul3A_0, %dma_start3A_350] : memref<10112x128xf32, #tpu.memory_space<vmem_shared>> -> memref<632x128xf32, #tpu.memory_space<vmem_shared>>
      tpu.enqueue_dma source(%dma_start3A_351 : memref<632x128xf32, #tpu.memory_space<vmem_shared>>) target(%dma_start3A_349 : memref<632x128xf32, #tpu.memory_space<hbm>>) target_semaphore(%run_scoped3A_346 : memref<!tpu.dma_semaphore, #tpu.memory_space<semaphore_mem>>)
      %dma_wait3A_352 = arith.constant 0 : i32
      %dma_wait3A_353 = tpu.memref_slice %arg10[%arg0, %mul3A_0, %dma_wait3A_352] : memref<2x10112x128xf32, #tpu.memory_space<hbm>> -> memref<1x632x128xf32, #tpu.memory_space<hbm>>
      %dma_wait3A_354 = tpu.memref_squeeze %dma_wait3A_353 : memref<1x632x128xf32, #tpu.memory_space<hbm>> -> memref<632x128xf32, #tpu.memory_space<hbm>>
      %dma_wait3A_355 = arith.constant 0 : i32
      %dma_wait3A_356 = tpu.memref_slice %arg22[%mul3A_0, %dma_wait3A_355] : memref<10112x128xf32, #tpu.memory_space<vmem_shared>> -> memref<632x128xf32, #tpu.memory_space<vmem_shared>>
      tpu.wait_dma2 semaphore(%run_scoped3A_346 : memref<!tpu.dma_semaphore, #tpu.memory_space<semaphore_mem>>) src(%dma_wait3A_356 : memref<632x128xf32, #tpu.memory_space<vmem_shared>>) dst(%dma_wait3A_354 : memref<632x128xf32, #tpu.memory_space<hbm>>)
      tpu.yield
    }) : () -> ()
    "tpu.region"() ({
      %run_scoped3A_346 = tpu.sem_alloc : memref<!tpu.dma_semaphore, #tpu.memory_space<semaphore_mem>>
      %dma_start3A_347 = arith.constant 0 : i32
      %dma_start3A_348 = tpu.memref_slice %arg22[%mul3A_0, %dma_start3A_347] : memref<10112x128xf32, #tpu.memory_space<vmem_shared>> -> memref<632x128xf32, #tpu.memory_space<vmem_shared>>
      %dma_start3A_349 = arith.constant 0 : i32
      %dma_start3A_350 = tpu.memref_slice %arg8[%mul3A_0, %dma_start3A_349] : memref<10112x128xf32, #tpu.memory_space<hbm>> -> memref<632x128xf32, #tpu.memory_space<hbm>>
      tpu.enqueue_dma source(%dma_start3A_350 : memref<632x128xf32, #tpu.memory_space<hbm>>) target(%dma_start3A_348 : memref<632x128xf32, #tpu.memory_space<vmem_shared>>) target_semaphore(%run_scoped3A_346 : memref<!tpu.dma_semaphore, #tpu.memory_space<semaphore_mem>>)
      %dma_wait3A_351 = arith.constant 0 : i32
      %dma_wait3A_352 = tpu.memref_slice %arg22[%mul3A_0, %dma_wait3A_351] : memref<10112x128xf32, #tpu.memory_space<vmem_shared>> -> memref<632x128xf32, #tpu.memory_space<vmem_shared>>
      %dma_wait3A_353 = arith.constant 0 : i32
      %dma_wait3A_354 = tpu.memref_slice %arg8[%mul3A_0, %dma_wait3A_353] : memref<10112x128xf32, #tpu.memory_space<hbm>> -> memref<632x128xf32, #tpu.memory_space<hbm>>
      tpu.wait_dma2 semaphore(%run_scoped3A_346 : memref<!tpu.dma_semaphore, #tpu.memory_space<semaphore_mem>>) src(%dma_wait3A_354 : memref<632x128xf32, #tpu.memory_space<hbm>>) dst(%dma_wait3A_352 : memref<632x128xf32, #tpu.memory_space<vmem_shared>>)
      tpu.yield
    }) : () -> ()
    %barrier3A_201 = arith.constant 0 : index
    tpu.barrier barrier_id(%barrier3A_201)
    %scan3A_202 = arith.constant 0 : i32
    %scan3A_203 = arith.constant 0 : i32
    %scan3A_204 = arith.constant 18 : i32
    %scan3A_205 = arith.addi %scan3A_203, %scan3A_204 : i32
    %scan3A_206 = arith.constant 1 : i32
    scf.for %scan3A_346 = %scan3A_203 to %scan3A_205 step %scan3A_206  : i32 {
      %mul3A_347 = arith.constant 4 : i32
      %mul3A_348 = arith.muli %mul3A_347, %scan3A_346 : i32
      %add3A_349 = arith.constant 0 : i32
      %add3A_350 = arith.addi %mul3A_348, %add3A_349 : i32
      %add3A_351 = arith.constant 4 : i32
      %add3A_352 = arith.addi %add3A_350, %add3A_351 : i32
      %sub3A = arith.constant 1 : i32
      %sub3A_353 = arith.subi %add3A_352, %sub3A : i32
      %mul3A_354 = arith.constant 64 : i32
      %mul3A_355 = arith.muli %sub3A_353, %mul3A_354 : i32
      %dma_start3A_356 = tpu.memref_slice %arg13[%mul3A_355] : memref<4992xi32, #tpu.memory_space<vmem>> -> memref<64xi32, #tpu.memory_space<vmem>>
      %dma_start3A_357 = arith.constant 0 : i32
      %dma_start3A_358 = arith.constant 0 : i32
      %dma_start3A_359 = tpu.memref_slice %arg4[%dma_start3A_357, %dma_start3A_358] : memref<10000x128xf32, #tpu.memory_space<hbm>> -> memref<10000x128xf32, #tpu.memory_space<hbm>>
      tpu.enqueue_indirect_dma source(%dma_start3A_359 : memref<10000x128xf32, #tpu.memory_space<hbm>>) target(%arg18 : memref<64x128xf32, #tpu.memory_space<vmem>>) offsets(%dma_start3A_356 : memref<64xi32, #tpu.memory_space<vmem>>) semaphore(%arg26 : memref<!tpu.dma_semaphore, #tpu.memory_space<semaphore_mem>>)
      %dma_wait3A_360 = arith.constant 0 : i32
      %dma_wait3A_361 = tpu.memref_slice %arg13[%dma_wait3A_360] : memref<4992xi32, #tpu.memory_space<vmem>> -> memref<64xi32, #tpu.memory_space<vmem>>
      %dma_wait3A_362 = arith.constant 0 : i32
      %dma_wait3A_363 = arith.constant 0 : i32
      %dma_wait3A_364 = tpu.memref_slice %arg4[%dma_wait3A_362, %dma_wait3A_363] : memref<10000x128xf32, #tpu.memory_space<hbm>> -> memref<10000x128xf32, #tpu.memory_space<hbm>>
      tpu.wait_indirect_dma semaphore(%arg23 : memref<!tpu.dma_semaphore, #tpu.memory_space<semaphore_mem>>) src(%dma_wait3A_364 : memref<10000x128xf32, #tpu.memory_space<hbm>>) dst(%arg15 : memref<64x128xf32, #tpu.memory_space<vmem>>)
      "tpu.region"() ({
        %run_scoped3A_422 = tpu.sem_alloc : memref<!tpu.dma_semaphore, #tpu.memory_space<semaphore_mem>>
        %dma_start3A_423 = arith.constant 0 : i32
        %dma_start3A_424 = tpu.memref_slice %arg14[%add3A_350, %dma_start3A_423] : memref<78x64xi32, #tpu.memory_space<vmem>> -> memref<1x64xi32, #tpu.memory_space<vmem>>
        %dma_start3A_425 = tpu.memref_squeeze %dma_start3A_424 : memref<1x64xi32, #tpu.memory_space<vmem>> -> memref<64xi32, #tpu.memory_space<vmem>>
        %dma_start3A_426 = arith.constant 0 : i32
        %dma_start3A_427 = arith.constant 0 : i32
        %dma_start3A_428 = tpu.memref_slice %arg22[%dma_start3A_426, %dma_start3A_427] : memref<10112x128xf32, #tpu.memory_space<vmem_shared>> -> memref<10112x128xf32, #tpu.memory_space<vmem_shared>>
        tpu.enqueue_indirect_dma source(%arg15 : memref<64x128xf32, #tpu.memory_space<vmem>>) target(%dma_start3A_428 : memref<10112x128xf32, #tpu.memory_space<vmem_shared>>) offsets(%dma_start3A_425 : memref<64xi32, #tpu.memory_space<vmem>>) semaphore(%run_scoped3A_422 : memref<!tpu.dma_semaphore, #tpu.memory_space<semaphore_mem>>) {add = true}
        %dma_wait3A_429 = arith.constant 0 : i32
        %dma_wait3A_430 = tpu.memref_slice %arg14[%add3A_350, %dma_wait3A_429] : memref<78x64xi32, #tpu.memory_space<vmem>> -> memref<1x64xi32, #tpu.memory_space<vmem>>
        %dma_wait3A_431 = tpu.memref_squeeze %dma_wait3A_430 : memref<1x64xi32, #tpu.memory_space<vmem>> -> memref<64xi32, #tpu.memory_space<vmem>>
        %dma_wait3A_432 = arith.constant 0 : i32
        %dma_wait3A_433 = arith.constant 0 : i32
        %dma_wait3A_434 = tpu.memref_slice %arg22[%dma_wait3A_432, %dma_wait3A_433] : memref<10112x128xf32, #tpu.memory_space<vmem_shared>> -> memref<10112x128xf32, #tpu.memory_space<vmem_shared>>
        tpu.wait_indirect_dma semaphore(%run_scoped3A_422 : memref<!tpu.dma_semaphore, #tpu.memory_space<semaphore_mem>>) src(%arg15 : memref<64x128xf32, #tpu.memory_space<vmem>>) dst(%dma_wait3A_434 : memref<10112x128xf32, #tpu.memory_space<vmem_shared>>)
        tpu.yield
      }) : () -> ()
      %mul3A_365 = arith.constant 4 : i32
      %mul3A_366 = arith.muli %mul3A_365, %scan3A_346 : i32
      %add3A_367 = arith.constant 1 : i32
      %add3A_368 = arith.addi %mul3A_366, %add3A_367 : i32
      %add3A_369 = arith.constant 4 : i32
      %add3A_370 = arith.addi %add3A_368, %add3A_369 : i32
      %sub3A_371 = arith.constant 1 : i32
      %sub3A_372 = arith.subi %add3A_370, %sub3A_371 : i32
      %mul3A_373 = arith.constant 64 : i32
      %mul3A_374 = arith.muli %sub3A_372, %mul3A_373 : i32
      %dma_start3A_375 = tpu.memref_slice %arg13[%mul3A_374] : memref<4992xi32, #tpu.memory_space<vmem>> -> memref<64xi32, #tpu.memory_space<vmem>>
      %dma_start3A_376 = arith.constant 0 : i32
      %dma_start3A_377 = arith.constant 0 : i32
      %dma_start3A_378 = tpu.memref_slice %arg4[%dma_start3A_376, %dma_start3A_377] : memref<10000x128xf32, #tpu.memory_space<hbm>> -> memref<10000x128xf32, #tpu.memory_space<hbm>>
      tpu.enqueue_indirect_dma source(%dma_start3A_378 : memref<10000x128xf32, #tpu.memory_space<hbm>>) target(%arg15 : memref<64x128xf32, #tpu.memory_space<vmem>>) offsets(%dma_start3A_375 : memref<64xi32, #tpu.memory_space<vmem>>) semaphore(%arg23 : memref<!tpu.dma_semaphore, #tpu.memory_space<semaphore_mem>>)
      %dma_wait3A_379 = arith.constant 0 : i32
      %dma_wait3A_380 = tpu.memref_slice %arg13[%dma_wait3A_379] : memref<4992xi32, #tpu.memory_space<vmem>> -> memref<64xi32, #tpu.memory_space<vmem>>
      %dma_wait3A_381 = arith.constant 0 : i32
      %dma_wait3A_382 = arith.constant 0 : i32
      %dma_wait3A_383 = tpu.memref_slice %arg4[%dma_wait3A_381, %dma_wait3A_382] : memref<10000x128xf32, #tpu.memory_space<hbm>> -> memref<10000x128xf32, #tpu.memory_space<hbm>>
      tpu.wait_indirect_dma semaphore(%arg24 : memref<!tpu.dma_semaphore, #tpu.memory_space<semaphore_mem>>) src(%dma_wait3A_383 : memref<10000x128xf32, #tpu.memory_space<hbm>>) dst(%arg16 : memref<64x128xf32, #tpu.memory_space<vmem>>)
      "tpu.region"() ({
        %run_scoped3A_422 = tpu.sem_alloc : memref<!tpu.dma_semaphore, #tpu.memory_space<semaphore_mem>>
        %dma_start3A_423 = arith.constant 0 : i32
        %dma_start3A_424 = tpu.memref_slice %arg14[%add3A_368, %dma_start3A_423] : memref<78x64xi32, #tpu.memory_space<vmem>> -> memref<1x64xi32, #tpu.memory_space<vmem>>
        %dma_start3A_425 = tpu.memref_squeeze %dma_start3A_424 : memref<1x64xi32, #tpu.memory_space<vmem>> -> memref<64xi32, #tpu.memory_space<vmem>>
        %dma_start3A_426 = arith.constant 0 : i32
        %dma_start3A_427 = arith.constant 0 : i32
        %dma_start3A_428 = tpu.memref_slice %arg22[%dma_start3A_426, %dma_start3A_427] : memref<10112x128xf32, #tpu.memory_space<vmem_shared>> -> memref<10112x128xf32, #tpu.memory_space<vmem_shared>>
        tpu.enqueue_indirect_dma source(%arg16 : memref<64x128xf32, #tpu.memory_space<vmem>>) target(%dma_start3A_428 : memref<10112x128xf32, #tpu.memory_space<vmem_shared>>) offsets(%dma_start3A_425 : memref<64xi32, #tpu.memory_space<vmem>>) semaphore(%run_scoped3A_422 : memref<!tpu.dma_semaphore, #tpu.memory_space<semaphore_mem>>) {add = true}
        %dma_wait3A_429 = arith.constant 0 : i32
        %dma_wait3A_430 = tpu.memref_slice %arg14[%add3A_368, %dma_wait3A_429] : memref<78x64xi32, #tpu.memory_space<vmem>> -> memref<1x64xi32, #tpu.memory_space<vmem>>
        %dma_wait3A_431 = tpu.memref_squeeze %dma_wait3A_430 : memref<1x64xi32, #tpu.memory_space<vmem>> -> memref<64xi32, #tpu.memory_space<vmem>>
        %dma_wait3A_432 = arith.constant 0 : i32
        %dma_wait3A_433 = arith.constant 0 : i32
        %dma_wait3A_434 = tpu.memref_slice %arg22[%dma_wait3A_432, %dma_wait3A_433] : memref<10112x128xf32, #tpu.memory_space<vmem_shared>> -> memref<10112x128xf32, #tpu.memory_space<vmem_shared>>
        tpu.wait_indirect_dma semaphore(%run_scoped3A_422 : memref<!tpu.dma_semaphore, #tpu.memory_space<semaphore_mem>>) src(%arg16 : memref<64x128xf32, #tpu.memory_space<vmem>>) dst(%dma_wait3A_434 : memref<10112x128xf32, #tpu.memory_space<vmem_shared>>)
        tpu.yield
      }) : () -> ()
      %mul3A_384 = arith.constant 4 : i32
      %mul3A_385 = arith.muli %mul3A_384, %scan3A_346 : i32
      %add3A_386 = arith.constant 2 : i32
      %add3A_387 = arith.addi %mul3A_385, %add3A_386 : i32
      %add3A_388 = arith.constant 4 : i32
      %add3A_389 = arith.addi %add3A_387, %add3A_388 : i32
      %sub3A_390 = arith.constant 1 : i32
      %sub3A_391 = arith.subi %add3A_389, %sub3A_390 : i32
      %mul3A_392 = arith.constant 64 : i32
      %mul3A_393 = arith.muli %sub3A_391, %mul3A_392 : i32
      %dma_start3A_394 = tpu.memref_slice %arg13[%mul3A_393] : memref<4992xi32, #tpu.memory_space<vmem>> -> memref<64xi32, #tpu.memory_space<vmem>>
      %dma_start3A_395 = arith.constant 0 : i32
      %dma_start3A_396 = arith.constant 0 : i32
      %dma_start3A_397 = tpu.memref_slice %arg4[%dma_start3A_395, %dma_start3A_396] : memref<10000x128xf32, #tpu.memory_space<hbm>> -> memref<10000x128xf32, #tpu.memory_space<hbm>>
      tpu.enqueue_indirect_dma source(%dma_start3A_397 : memref<10000x128xf32, #tpu.memory_space<hbm>>) target(%arg16 : memref<64x128xf32, #tpu.memory_space<vmem>>) offsets(%dma_start3A_394 : memref<64xi32, #tpu.memory_space<vmem>>) semaphore(%arg24 : memref<!tpu.dma_semaphore, #tpu.memory_space<semaphore_mem>>)
      %dma_wait3A_398 = arith.constant 0 : i32
      %dma_wait3A_399 = tpu.memref_slice %arg13[%dma_wait3A_398] : memref<4992xi32, #tpu.memory_space<vmem>> -> memref<64xi32, #tpu.memory_space<vmem>>
      %dma_wait3A_400 = arith.constant 0 : i32
      %dma_wait3A_401 = arith.constant 0 : i32
      %dma_wait3A_402 = tpu.memref_slice %arg4[%dma_wait3A_400, %dma_wait3A_401] : memref<10000x128xf32, #tpu.memory_space<hbm>> -> memref<10000x128xf32, #tpu.memory_space<hbm>>
      tpu.wait_indirect_dma semaphore(%arg25 : memref<!tpu.dma_semaphore, #tpu.memory_space<semaphore_mem>>) src(%dma_wait3A_402 : memref<10000x128xf32, #tpu.memory_space<hbm>>) dst(%arg17 : memref<64x128xf32, #tpu.memory_space<vmem>>)
      "tpu.region"() ({
        %run_scoped3A_422 = tpu.sem_alloc : memref<!tpu.dma_semaphore, #tpu.memory_space<semaphore_mem>>
        %dma_start3A_423 = arith.constant 0 : i32
        %dma_start3A_424 = tpu.memref_slice %arg14[%add3A_387, %dma_start3A_423] : memref<78x64xi32, #tpu.memory_space<vmem>> -> memref<1x64xi32, #tpu.memory_space<vmem>>
        %dma_start3A_425 = tpu.memref_squeeze %dma_start3A_424 : memref<1x64xi32, #tpu.memory_space<vmem>> -> memref<64xi32, #tpu.memory_space<vmem>>
        %dma_start3A_426 = arith.constant 0 : i32
        %dma_start3A_427 = arith.constant 0 : i32
        %dma_start3A_428 = tpu.memref_slice %arg22[%dma_start3A_426, %dma_start3A_427] : memref<10112x128xf32, #tpu.memory_space<vmem_shared>> -> memref<10112x128xf32, #tpu.memory_space<vmem_shared>>
        tpu.enqueue_indirect_dma source(%arg17 : memref<64x128xf32, #tpu.memory_space<vmem>>) target(%dma_start3A_428 : memref<10112x128xf32, #tpu.memory_space<vmem_shared>>) offsets(%dma_start3A_425 : memref<64xi32, #tpu.memory_space<vmem>>) semaphore(%run_scoped3A_422 : memref<!tpu.dma_semaphore, #tpu.memory_space<semaphore_mem>>) {add = true}
        %dma_wait3A_429 = arith.constant 0 : i32
        %dma_wait3A_430 = tpu.memref_slice %arg14[%add3A_387, %dma_wait3A_429] : memref<78x64xi32, #tpu.memory_space<vmem>> -> memref<1x64xi32, #tpu.memory_space<vmem>>
        %dma_wait3A_431 = tpu.memref_squeeze %dma_wait3A_430 : memref<1x64xi32, #tpu.memory_space<vmem>> -> memref<64xi32, #tpu.memory_space<vmem>>
        %dma_wait3A_432 = arith.constant 0 : i32
        %dma_wait3A_433 = arith.constant 0 : i32
        %dma_wait3A_434 = tpu.memref_slice %arg22[%dma_wait3A_432, %dma_wait3A_433] : memref<10112x128xf32, #tpu.memory_space<vmem_shared>> -> memref<10112x128xf32, #tpu.memory_space<vmem_shared>>
        tpu.wait_indirect_dma semaphore(%run_scoped3A_422 : memref<!tpu.dma_semaphore, #tpu.memory_space<semaphore_mem>>) src(%arg17 : memref<64x128xf32, #tpu.memory_space<vmem>>) dst(%dma_wait3A_434 : memref<10112x128xf32, #tpu.memory_space<vmem_shared>>)
        tpu.yield
      }) : () -> ()
      %mul3A_403 = arith.constant 4 : i32
      %mul3A_404 = arith.muli %mul3A_403, %scan3A_346 : i32
      %add3A_405 = arith.constant 3 : i32
      %add3A_406 = arith.addi %mul3A_404, %add3A_405 : i32
      %add3A_407 = arith.constant 4 : i32
      %add3A_408 = arith.addi %add3A_406, %add3A_407 : i32
      %sub3A_409 = arith.constant 1 : i32
      %sub3A_410 = arith.subi %add3A_408, %sub3A_409 : i32
      %mul3A_411 = arith.constant 64 : i32
      %mul3A_412 = arith.muli %sub3A_410, %mul3A_411 : i32
      %dma_start3A_413 = tpu.memref_slice %arg13[%mul3A_412] : memref<4992xi32, #tpu.memory_space<vmem>> -> memref<64xi32, #tpu.memory_space<vmem>>
      %dma_start3A_414 = arith.constant 0 : i32
      %dma_start3A_415 = arith.constant 0 : i32
      %dma_start3A_416 = tpu.memref_slice %arg4[%dma_start3A_414, %dma_start3A_415] : memref<10000x128xf32, #tpu.memory_space<hbm>> -> memref<10000x128xf32, #tpu.memory_space<hbm>>
      tpu.enqueue_indirect_dma source(%dma_start3A_416 : memref<10000x128xf32, #tpu.memory_space<hbm>>) target(%arg17 : memref<64x128xf32, #tpu.memory_space<vmem>>) offsets(%dma_start3A_413 : memref<64xi32, #tpu.memory_space<vmem>>) semaphore(%arg25 : memref<!tpu.dma_semaphore, #tpu.memory_space<semaphore_mem>>)
      %dma_wait3A_417 = arith.constant 0 : i32
      %dma_wait3A_418 = tpu.memref_slice %arg13[%dma_wait3A_417] : memref<4992xi32, #tpu.memory_space<vmem>> -> memref<64xi32, #tpu.memory_space<vmem>>
      %dma_wait3A_419 = arith.constant 0 : i32
      %dma_wait3A_420 = arith.constant 0 : i32
      %dma_wait3A_421 = tpu.memref_slice %arg4[%dma_wait3A_419, %dma_wait3A_420] : memref<10000x128xf32, #tpu.memory_space<hbm>> -> memref<10000x128xf32, #tpu.memory_space<hbm>>
      tpu.wait_indirect_dma semaphore(%arg26 : memref<!tpu.dma_semaphore, #tpu.memory_space<semaphore_mem>>) src(%dma_wait3A_421 : memref<10000x128xf32, #tpu.memory_space<hbm>>) dst(%arg18 : memref<64x128xf32, #tpu.memory_space<vmem>>)
      "tpu.region"() ({
        %run_scoped3A_422 = tpu.sem_alloc : memref<!tpu.dma_semaphore, #tpu.memory_space<semaphore_mem>>
        %dma_start3A_423 = arith.constant 0 : i32
        %dma_start3A_424 = tpu.memref_slice %arg14[%add3A_406, %dma_start3A_423] : memref<78x64xi32, #tpu.memory_space<vmem>> -> memref<1x64xi32, #tpu.memory_space<vmem>>
        %dma_start3A_425 = tpu.memref_squeeze %dma_start3A_424 : memref<1x64xi32, #tpu.memory_space<vmem>> -> memref<64xi32, #tpu.memory_space<vmem>>
        %dma_start3A_426 = arith.constant 0 : i32
        %dma_start3A_427 = arith.constant 0 : i32
        %dma_start3A_428 = tpu.memref_slice %arg22[%dma_start3A_426, %dma_start3A_427] : memref<10112x128xf32, #tpu.memory_space<vmem_shared>> -> memref<10112x128xf32, #tpu.memory_space<vmem_shared>>
        tpu.enqueue_indirect_dma source(%arg18 : memref<64x128xf32, #tpu.memory_space<vmem>>) target(%dma_start3A_428 : memref<10112x128xf32, #tpu.memory_space<vmem_shared>>) offsets(%dma_start3A_425 : memref<64xi32, #tpu.memory_space<vmem>>) semaphore(%run_scoped3A_422 : memref<!tpu.dma_semaphore, #tpu.memory_space<semaphore_mem>>) {add = true}
        %dma_wait3A_429 = arith.constant 0 : i32
        %dma_wait3A_430 = tpu.memref_slice %arg14[%add3A_406, %dma_wait3A_429] : memref<78x64xi32, #tpu.memory_space<vmem>> -> memref<1x64xi32, #tpu.memory_space<vmem>>
        %dma_wait3A_431 = tpu.memref_squeeze %dma_wait3A_430 : memref<1x64xi32, #tpu.memory_space<vmem>> -> memref<64xi32, #tpu.memory_space<vmem>>
        %dma_wait3A_432 = arith.constant 0 : i32
        %dma_wait3A_433 = arith.constant 0 : i32
        %dma_wait3A_434 = tpu.memref_slice %arg22[%dma_wait3A_432, %dma_wait3A_433] : memref<10112x128xf32, #tpu.memory_space<vmem_shared>> -> memref<10112x128xf32, #tpu.memory_space<vmem_shared>>
        tpu.wait_indirect_dma semaphore(%run_scoped3A_422 : memref<!tpu.dma_semaphore, #tpu.memory_space<semaphore_mem>>) src(%arg18 : memref<64x128xf32, #tpu.memory_space<vmem>>) dst(%dma_wait3A_434 : memref<10112x128xf32, #tpu.memory_space<vmem_shared>>)
        tpu.yield
      }) : () -> ()
    }
    %scan3A_207 = arith.constant 18 : i32
    %dma_start3A_208 = arith.constant 4800 : i32
    %dma_start3A_209 = tpu.memref_slice %arg13[%dma_start3A_208] : memref<4992xi32, #tpu.memory_space<vmem>> -> memref<64xi32, #tpu.memory_space<vmem>>
    %dma_start3A_210 = arith.constant 0 : i32
    %dma_start3A_211 = arith.constant 0 : i32
    %dma_start3A_212 = tpu.memref_slice %arg4[%dma_start3A_210, %dma_start3A_211] : memref<10000x128xf32, #tpu.memory_space<hbm>> -> memref<10000x128xf32, #tpu.memory_space<hbm>>
    tpu.enqueue_indirect_dma source(%dma_start3A_212 : memref<10000x128xf32, #tpu.memory_space<hbm>>) target(%arg18 : memref<64x128xf32, #tpu.memory_space<vmem>>) offsets(%dma_start3A_209 : memref<64xi32, #tpu.memory_space<vmem>>) semaphore(%arg26 : memref<!tpu.dma_semaphore, #tpu.memory_space<semaphore_mem>>)
    %dma_wait3A_213 = arith.constant 0 : i32
    %dma_wait3A_214 = tpu.memref_slice %arg13[%dma_wait3A_213] : memref<4992xi32, #tpu.memory_space<vmem>> -> memref<64xi32, #tpu.memory_space<vmem>>
    %dma_wait3A_215 = arith.constant 0 : i32
    %dma_wait3A_216 = arith.constant 0 : i32
    %dma_wait3A_217 = tpu.memref_slice %arg4[%dma_wait3A_215, %dma_wait3A_216] : memref<10000x128xf32, #tpu.memory_space<hbm>> -> memref<10000x128xf32, #tpu.memory_space<hbm>>
    tpu.wait_indirect_dma semaphore(%arg23 : memref<!tpu.dma_semaphore, #tpu.memory_space<semaphore_mem>>) src(%dma_wait3A_217 : memref<10000x128xf32, #tpu.memory_space<hbm>>) dst(%arg15 : memref<64x128xf32, #tpu.memory_space<vmem>>)
    %run_scoped3A_218 = arith.constant 72 : i32
    "tpu.region"() ({
      %run_scoped3A_346 = tpu.sem_alloc : memref<!tpu.dma_semaphore, #tpu.memory_space<semaphore_mem>>
      %dma_start3A_347 = arith.constant 0 : i32
      %dma_start3A_348 = tpu.memref_slice %arg14[%run_scoped3A_218, %dma_start3A_347] : memref<78x64xi32, #tpu.memory_space<vmem>> -> memref<1x64xi32, #tpu.memory_space<vmem>>
      %dma_start3A_349 = tpu.memref_squeeze %dma_start3A_348 : memref<1x64xi32, #tpu.memory_space<vmem>> -> memref<64xi32, #tpu.memory_space<vmem>>
      %dma_start3A_350 = arith.constant 0 : i32
      %dma_start3A_351 = arith.constant 0 : i32
      %dma_start3A_352 = tpu.memref_slice %arg22[%dma_start3A_350, %dma_start3A_351] : memref<10112x128xf32, #tpu.memory_space<vmem_shared>> -> memref<10112x128xf32, #tpu.memory_space<vmem_shared>>
      tpu.enqueue_indirect_dma source(%arg15 : memref<64x128xf32, #tpu.memory_space<vmem>>) target(%dma_start3A_352 : memref<10112x128xf32, #tpu.memory_space<vmem_shared>>) offsets(%dma_start3A_349 : memref<64xi32, #tpu.memory_space<vmem>>) semaphore(%run_scoped3A_346 : memref<!tpu.dma_semaphore, #tpu.memory_space<semaphore_mem>>) {add = true}
      %dma_wait3A_353 = arith.constant 0 : i32
      %dma_wait3A_354 = tpu.memref_slice %arg14[%run_scoped3A_218, %dma_wait3A_353] : memref<78x64xi32, #tpu.memory_space<vmem>> -> memref<1x64xi32, #tpu.memory_space<vmem>>
      %dma_wait3A_355 = tpu.memref_squeeze %dma_wait3A_354 : memref<1x64xi32, #tpu.memory_space<vmem>> -> memref<64xi32, #tpu.memory_space<vmem>>
      %dma_wait3A_356 = arith.constant 0 : i32
      %dma_wait3A_357 = arith.constant 0 : i32
      %dma_wait3A_358 = tpu.memref_slice %arg22[%dma_wait3A_356, %dma_wait3A_357] : memref<10112x128xf32, #tpu.memory_space<vmem_shared>> -> memref<10112x128xf32, #tpu.memory_space<vmem_shared>>
      tpu.wait_indirect_dma semaphore(%run_scoped3A_346 : memref<!tpu.dma_semaphore, #tpu.memory_space<semaphore_mem>>) src(%arg15 : memref<64x128xf32, #tpu.memory_space<vmem>>) dst(%dma_wait3A_358 : memref<10112x128xf32, #tpu.memory_space<vmem_shared>>)
      tpu.yield
    }) : () -> ()
    %dma_start3A_219 = arith.constant 4864 : i32
    %dma_start3A_220 = tpu.memref_slice %arg13[%dma_start3A_219] : memref<4992xi32, #tpu.memory_space<vmem>> -> memref<64xi32, #tpu.memory_space<vmem>>
    %dma_start3A_221 = arith.constant 0 : i32
    %dma_start3A_222 = arith.constant 0 : i32
    %dma_start3A_223 = tpu.memref_slice %arg4[%dma_start3A_221, %dma_start3A_222] : memref<10000x128xf32, #tpu.memory_space<hbm>> -> memref<10000x128xf32, #tpu.memory_space<hbm>>
    tpu.enqueue_indirect_dma source(%dma_start3A_223 : memref<10000x128xf32, #tpu.memory_space<hbm>>) target(%arg15 : memref<64x128xf32, #tpu.memory_space<vmem>>) offsets(%dma_start3A_220 : memref<64xi32, #tpu.memory_space<vmem>>) semaphore(%arg23 : memref<!tpu.dma_semaphore, #tpu.memory_space<semaphore_mem>>)
    %dma_wait3A_224 = arith.constant 0 : i32
    %dma_wait3A_225 = tpu.memref_slice %arg13[%dma_wait3A_224] : memref<4992xi32, #tpu.memory_space<vmem>> -> memref<64xi32, #tpu.memory_space<vmem>>
    %dma_wait3A_226 = arith.constant 0 : i32
    %dma_wait3A_227 = arith.constant 0 : i32
    %dma_wait3A_228 = tpu.memref_slice %arg4[%dma_wait3A_226, %dma_wait3A_227] : memref<10000x128xf32, #tpu.memory_space<hbm>> -> memref<10000x128xf32, #tpu.memory_space<hbm>>
    tpu.wait_indirect_dma semaphore(%arg24 : memref<!tpu.dma_semaphore, #tpu.memory_space<semaphore_mem>>) src(%dma_wait3A_228 : memref<10000x128xf32, #tpu.memory_space<hbm>>) dst(%arg16 : memref<64x128xf32, #tpu.memory_space<vmem>>)
    %run_scoped3A_229 = arith.constant 73 : i32
    "tpu.region"() ({
      %run_scoped3A_346 = tpu.sem_alloc : memref<!tpu.dma_semaphore, #tpu.memory_space<semaphore_mem>>
      %dma_start3A_347 = arith.constant 0 : i32
      %dma_start3A_348 = tpu.memref_slice %arg14[%run_scoped3A_229, %dma_start3A_347] : memref<78x64xi32, #tpu.memory_space<vmem>> -> memref<1x64xi32, #tpu.memory_space<vmem>>
      %dma_start3A_349 = tpu.memref_squeeze %dma_start3A_348 : memref<1x64xi32, #tpu.memory_space<vmem>> -> memref<64xi32, #tpu.memory_space<vmem>>
      %dma_start3A_350 = arith.constant 0 : i32
      %dma_start3A_351 = arith.constant 0 : i32
      %dma_start3A_352 = tpu.memref_slice %arg22[%dma_start3A_350, %dma_start3A_351] : memref<10112x128xf32, #tpu.memory_space<vmem_shared>> -> memref<10112x128xf32, #tpu.memory_space<vmem_shared>>
      tpu.enqueue_indirect_dma source(%arg16 : memref<64x128xf32, #tpu.memory_space<vmem>>) target(%dma_start3A_352 : memref<10112x128xf32, #tpu.memory_space<vmem_shared>>) offsets(%dma_start3A_349 : memref<64xi32, #tpu.memory_space<vmem>>) semaphore(%run_scoped3A_346 : memref<!tpu.dma_semaphore, #tpu.memory_space<semaphore_mem>>) {add = true}
      %dma_wait3A_353 = arith.constant 0 : i32
      %dma_wait3A_354 = tpu.memref_slice %arg14[%run_scoped3A_229, %dma_wait3A_353] : memref<78x64xi32, #tpu.memory_space<vmem>> -> memref<1x64xi32, #tpu.memory_space<vmem>>
      %dma_wait3A_355 = tpu.memref_squeeze %dma_wait3A_354 : memref<1x64xi32, #tpu.memory_space<vmem>> -> memref<64xi32, #tpu.memory_space<vmem>>
      %dma_wait3A_356 = arith.constant 0 : i32
      %dma_wait3A_357 = arith.constant 0 : i32
      %dma_wait3A_358 = tpu.memref_slice %arg22[%dma_wait3A_356, %dma_wait3A_357] : memref<10112x128xf32, #tpu.memory_space<vmem_shared>> -> memref<10112x128xf32, #tpu.memory_space<vmem_shared>>
      tpu.wait_indirect_dma semaphore(%run_scoped3A_346 : memref<!tpu.dma_semaphore, #tpu.memory_space<semaphore_mem>>) src(%arg16 : memref<64x128xf32, #tpu.memory_space<vmem>>) dst(%dma_wait3A_358 : memref<10112x128xf32, #tpu.memory_space<vmem_shared>>)
      tpu.yield
    }) : () -> ()
    %dma_start3A_230 = arith.constant 4928 : i32
    %dma_start3A_231 = tpu.memref_slice %arg13[%dma_start3A_230] : memref<4992xi32, #tpu.memory_space<vmem>> -> memref<64xi32, #tpu.memory_space<vmem>>
    %dma_start3A_232 = arith.constant 0 : i32
    %dma_start3A_233 = arith.constant 0 : i32
    %dma_start3A_234 = tpu.memref_slice %arg4[%dma_start3A_232, %dma_start3A_233] : memref<10000x128xf32, #tpu.memory_space<hbm>> -> memref<10000x128xf32, #tpu.memory_space<hbm>>
    tpu.enqueue_indirect_dma source(%dma_start3A_234 : memref<10000x128xf32, #tpu.memory_space<hbm>>) target(%arg16 : memref<64x128xf32, #tpu.memory_space<vmem>>) offsets(%dma_start3A_231 : memref<64xi32, #tpu.memory_space<vmem>>) semaphore(%arg24 : memref<!tpu.dma_semaphore, #tpu.memory_space<semaphore_mem>>)
    %dma_wait3A_235 = arith.constant 0 : i32
    %dma_wait3A_236 = tpu.memref_slice %arg13[%dma_wait3A_235] : memref<4992xi32, #tpu.memory_space<vmem>> -> memref<64xi32, #tpu.memory_space<vmem>>
    %dma_wait3A_237 = arith.constant 0 : i32
    %dma_wait3A_238 = arith.constant 0 : i32
    %dma_wait3A_239 = tpu.memref_slice %arg4[%dma_wait3A_237, %dma_wait3A_238] : memref<10000x128xf32, #tpu.memory_space<hbm>> -> memref<10000x128xf32, #tpu.memory_space<hbm>>
    tpu.wait_indirect_dma semaphore(%arg25 : memref<!tpu.dma_semaphore, #tpu.memory_space<semaphore_mem>>) src(%dma_wait3A_239 : memref<10000x128xf32, #tpu.memory_space<hbm>>) dst(%arg17 : memref<64x128xf32, #tpu.memory_space<vmem>>)
    %run_scoped3A_240 = arith.constant 74 : i32
    "tpu.region"() ({
      %run_scoped3A_346 = tpu.sem_alloc : memref<!tpu.dma_semaphore, #tpu.memory_space<semaphore_mem>>
      %dma_start3A_347 = arith.constant 0 : i32
      %dma_start3A_348 = tpu.memref_slice %arg14[%run_scoped3A_240, %dma_start3A_347] : memref<78x64xi32, #tpu.memory_space<vmem>> -> memref<1x64xi32, #tpu.memory_space<vmem>>
      %dma_start3A_349 = tpu.memref_squeeze %dma_start3A_348 : memref<1x64xi32, #tpu.memory_space<vmem>> -> memref<64xi32, #tpu.memory_space<vmem>>
      %dma_start3A_350 = arith.constant 0 : i32
      %dma_start3A_351 = arith.constant 0 : i32
      %dma_start3A_352 = tpu.memref_slice %arg22[%dma_start3A_350, %dma_start3A_351] : memref<10112x128xf32, #tpu.memory_space<vmem_shared>> -> memref<10112x128xf32, #tpu.memory_space<vmem_shared>>
      tpu.enqueue_indirect_dma source(%arg17 : memref<64x128xf32, #tpu.memory_space<vmem>>) target(%dma_start3A_352 : memref<10112x128xf32, #tpu.memory_space<vmem_shared>>) offsets(%dma_start3A_349 : memref<64xi32, #tpu.memory_space<vmem>>) semaphore(%run_scoped3A_346 : memref<!tpu.dma_semaphore, #tpu.memory_space<semaphore_mem>>) {add = true}
      %dma_wait3A_353 = arith.constant 0 : i32
      %dma_wait3A_354 = tpu.memref_slice %arg14[%run_scoped3A_240, %dma_wait3A_353] : memref<78x64xi32, #tpu.memory_space<vmem>> -> memref<1x64xi32, #tpu.memory_space<vmem>>
      %dma_wait3A_355 = tpu.memref_squeeze %dma_wait3A_354 : memref<1x64xi32, #tpu.memory_space<vmem>> -> memref<64xi32, #tpu.memory_space<vmem>>
      %dma_wait3A_356 = arith.constant 0 : i32
      %dma_wait3A_357 = arith.constant 0 : i32
      %dma_wait3A_358 = tpu.memref_slice %arg22[%dma_wait3A_356, %dma_wait3A_357] : memref<10112x128xf32, #tpu.memory_space<vmem_shared>> -> memref<10112x128xf32, #tpu.memory_space<vmem_shared>>
      tpu.wait_indirect_dma semaphore(%run_scoped3A_346 : memref<!tpu.dma_semaphore, #tpu.memory_space<semaphore_mem>>) src(%arg17 : memref<64x128xf32, #tpu.memory_space<vmem>>) dst(%dma_wait3A_358 : memref<10112x128xf32, #tpu.memory_space<vmem_shared>>)
      tpu.yield
    }) : () -> ()
    %dma_wait3A_241 = arith.constant 0 : i32
    %dma_wait3A_242 = tpu.memref_slice %arg13[%dma_wait3A_241] : memref<4992xi32, #tpu.memory_space<vmem>> -> memref<64xi32, #tpu.memory_space<vmem>>
    %dma_wait3A_243 = arith.constant 0 : i32
    %dma_wait3A_244 = arith.constant 0 : i32
    %dma_wait3A_245 = tpu.memref_slice %arg4[%dma_wait3A_243, %dma_wait3A_244] : memref<10000x128xf32, #tpu.memory_space<hbm>> -> memref<10000x128xf32, #tpu.memory_space<hbm>>
    tpu.wait_indirect_dma semaphore(%arg26 : memref<!tpu.dma_semaphore, #tpu.memory_space<semaphore_mem>>) src(%dma_wait3A_245 : memref<10000x128xf32, #tpu.memory_space<hbm>>) dst(%arg18 : memref<64x128xf32, #tpu.memory_space<vmem>>)
    %run_scoped3A_246 = arith.constant 75 : i32
    "tpu.region"() ({
      %run_scoped3A_346 = tpu.sem_alloc : memref<!tpu.dma_semaphore, #tpu.memory_space<semaphore_mem>>
      %dma_start3A_347 = arith.constant 0 : i32
      %dma_start3A_348 = tpu.memref_slice %arg14[%run_scoped3A_246, %dma_start3A_347] : memref<78x64xi32, #tpu.memory_space<vmem>> -> memref<1x64xi32, #tpu.memory_space<vmem>>
      %dma_start3A_349 = tpu.memref_squeeze %dma_start3A_348 : memref<1x64xi32, #tpu.memory_space<vmem>> -> memref<64xi32, #tpu.memory_space<vmem>>
      %dma_start3A_350 = arith.constant 0 : i32
      %dma_start3A_351 = arith.constant 0 : i32
      %dma_start3A_352 = tpu.memref_slice %arg22[%dma_start3A_350, %dma_start3A_351] : memref<10112x128xf32, #tpu.memory_space<vmem_shared>> -> memref<10112x128xf32, #tpu.memory_space<vmem_shared>>
      tpu.enqueue_indirect_dma source(%arg18 : memref<64x128xf32, #tpu.memory_space<vmem>>) target(%dma_start3A_352 : memref<10112x128xf32, #tpu.memory_space<vmem_shared>>) offsets(%dma_start3A_349 : memref<64xi32, #tpu.memory_space<vmem>>) semaphore(%run_scoped3A_346 : memref<!tpu.dma_semaphore, #tpu.memory_space<semaphore_mem>>) {add = true}
      %dma_wait3A_353 = arith.constant 0 : i32
      %dma_wait3A_354 = tpu.memref_slice %arg14[%run_scoped3A_246, %dma_wait3A_353] : memref<78x64xi32, #tpu.memory_space<vmem>> -> memref<1x64xi32, #tpu.memory_space<vmem>>
      %dma_wait3A_355 = tpu.memref_squeeze %dma_wait3A_354 : memref<1x64xi32, #tpu.memory_space<vmem>> -> memref<64xi32, #tpu.memory_space<vmem>>
      %dma_wait3A_356 = arith.constant 0 : i32
      %dma_wait3A_357 = arith.constant 0 : i32
      %dma_wait3A_358 = tpu.memref_slice %arg22[%dma_wait3A_356, %dma_wait3A_357] : memref<10112x128xf32, #tpu.memory_space<vmem_shared>> -> memref<10112x128xf32, #tpu.memory_space<vmem_shared>>
      tpu.wait_indirect_dma semaphore(%run_scoped3A_346 : memref<!tpu.dma_semaphore, #tpu.memory_space<semaphore_mem>>) src(%arg18 : memref<64x128xf32, #tpu.memory_space<vmem>>) dst(%dma_wait3A_358 : memref<10112x128xf32, #tpu.memory_space<vmem_shared>>)
      tpu.yield
    }) : () -> ()
    %dma_wait3A_247 = arith.constant 0 : i32
    %dma_wait3A_248 = tpu.memref_slice %arg13[%dma_wait3A_247] : memref<4992xi32, #tpu.memory_space<vmem>> -> memref<64xi32, #tpu.memory_space<vmem>>
    %dma_wait3A_249 = arith.constant 0 : i32
    %dma_wait3A_250 = arith.constant 0 : i32
    %dma_wait3A_251 = tpu.memref_slice %arg4[%dma_wait3A_249, %dma_wait3A_250] : memref<10000x128xf32, #tpu.memory_space<hbm>> -> memref<10000x128xf32, #tpu.memory_space<hbm>>
    tpu.wait_indirect_dma semaphore(%arg23 : memref<!tpu.dma_semaphore, #tpu.memory_space<semaphore_mem>>) src(%dma_wait3A_251 : memref<10000x128xf32, #tpu.memory_space<hbm>>) dst(%arg15 : memref<64x128xf32, #tpu.memory_space<vmem>>)
    %run_scoped3A_252 = arith.constant 76 : i32
    "tpu.region"() ({
      %run_scoped3A_346 = tpu.sem_alloc : memref<!tpu.dma_semaphore, #tpu.memory_space<semaphore_mem>>
      %dma_start3A_347 = arith.constant 0 : i32
      %dma_start3A_348 = tpu.memref_slice %arg14[%run_scoped3A_252, %dma_start3A_347] : memref<78x64xi32, #tpu.memory_space<vmem>> -> memref<1x64xi32, #tpu.memory_space<vmem>>
      %dma_start3A_349 = tpu.memref_squeeze %dma_start3A_348 : memref<1x64xi32, #tpu.memory_space<vmem>> -> memref<64xi32, #tpu.memory_space<vmem>>
      %dma_start3A_350 = arith.constant 0 : i32
      %dma_start3A_351 = arith.constant 0 : i32
      %dma_start3A_352 = tpu.memref_slice %arg22[%dma_start3A_350, %dma_start3A_351] : memref<10112x128xf32, #tpu.memory_space<vmem_shared>> -> memref<10112x128xf32, #tpu.memory_space<vmem_shared>>
      tpu.enqueue_indirect_dma source(%arg15 : memref<64x128xf32, #tpu.memory_space<vmem>>) target(%dma_start3A_352 : memref<10112x128xf32, #tpu.memory_space<vmem_shared>>) offsets(%dma_start3A_349 : memref<64xi32, #tpu.memory_space<vmem>>) semaphore(%run_scoped3A_346 : memref<!tpu.dma_semaphore, #tpu.memory_space<semaphore_mem>>) {add = true}
      %dma_wait3A_353 = arith.constant 0 : i32
      %dma_wait3A_354 = tpu.memref_slice %arg14[%run_scoped3A_252, %dma_wait3A_353] : memref<78x64xi32, #tpu.memory_space<vmem>> -> memref<1x64xi32, #tpu.memory_space<vmem>>
      %dma_wait3A_355 = tpu.memref_squeeze %dma_wait3A_354 : memref<1x64xi32, #tpu.memory_space<vmem>> -> memref<64xi32, #tpu.memory_space<vmem>>
      %dma_wait3A_356 = arith.constant 0 : i32
      %dma_wait3A_357 = arith.constant 0 : i32
      %dma_wait3A_358 = tpu.memref_slice %arg22[%dma_wait3A_356, %dma_wait3A_357] : memref<10112x128xf32, #tpu.memory_space<vmem_shared>> -> memref<10112x128xf32, #tpu.memory_space<vmem_shared>>
      tpu.wait_indirect_dma semaphore(%run_scoped3A_346 : memref<!tpu.dma_semaphore, #tpu.memory_space<semaphore_mem>>) src(%arg15 : memref<64x128xf32, #tpu.memory_space<vmem>>) dst(%dma_wait3A_358 : memref<10112x128xf32, #tpu.memory_space<vmem_shared>>)
      tpu.yield
    }) : () -> ()
    %dma_wait3A_253 = arith.constant 0 : i32
    %dma_wait3A_254 = tpu.memref_slice %arg13[%dma_wait3A_253] : memref<4992xi32, #tpu.memory_space<vmem>> -> memref<64xi32, #tpu.memory_space<vmem>>
    %dma_wait3A_255 = arith.constant 0 : i32
    %dma_wait3A_256 = arith.constant 0 : i32
    %dma_wait3A_257 = tpu.memref_slice %arg4[%dma_wait3A_255, %dma_wait3A_256] : memref<10000x128xf32, #tpu.memory_space<hbm>> -> memref<10000x128xf32, #tpu.memory_space<hbm>>
    tpu.wait_indirect_dma semaphore(%arg24 : memref<!tpu.dma_semaphore, #tpu.memory_space<semaphore_mem>>) src(%dma_wait3A_257 : memref<10000x128xf32, #tpu.memory_space<hbm>>) dst(%arg16 : memref<64x128xf32, #tpu.memory_space<vmem>>)
    %run_scoped3A_258 = arith.constant 77 : i32
    "tpu.region"() ({
      %run_scoped3A_346 = tpu.sem_alloc : memref<!tpu.dma_semaphore, #tpu.memory_space<semaphore_mem>>
      %dma_start3A_347 = arith.constant 0 : i32
      %dma_start3A_348 = tpu.memref_slice %arg14[%run_scoped3A_258, %dma_start3A_347] : memref<78x64xi32, #tpu.memory_space<vmem>> -> memref<1x64xi32, #tpu.memory_space<vmem>>
      %dma_start3A_349 = tpu.memref_squeeze %dma_start3A_348 : memref<1x64xi32, #tpu.memory_space<vmem>> -> memref<64xi32, #tpu.memory_space<vmem>>
      %dma_start3A_350 = arith.constant 0 : i32
      %dma_start3A_351 = arith.constant 0 : i32
      %dma_start3A_352 = tpu.memref_slice %arg22[%dma_start3A_350, %dma_start3A_351] : memref<10112x128xf32, #tpu.memory_space<vmem_shared>> -> memref<10112x128xf32, #tpu.memory_space<vmem_shared>>
      tpu.enqueue_indirect_dma source(%arg16 : memref<64x128xf32, #tpu.memory_space<vmem>>) target(%dma_start3A_352 : memref<10112x128xf32, #tpu.memory_space<vmem_shared>>) offsets(%dma_start3A_349 : memref<64xi32, #tpu.memory_space<vmem>>) semaphore(%run_scoped3A_346 : memref<!tpu.dma_semaphore, #tpu.memory_space<semaphore_mem>>) {add = true}
      %dma_wait3A_353 = arith.constant 0 : i32
      %dma_wait3A_354 = tpu.memref_slice %arg14[%run_scoped3A_258, %dma_wait3A_353] : memref<78x64xi32, #tpu.memory_space<vmem>> -> memref<1x64xi32, #tpu.memory_space<vmem>>
      %dma_wait3A_355 = tpu.memref_squeeze %dma_wait3A_354 : memref<1x64xi32, #tpu.memory_space<vmem>> -> memref<64xi32, #tpu.memory_space<vmem>>
      %dma_wait3A_356 = arith.constant 0 : i32
      %dma_wait3A_357 = arith.constant 0 : i32
      %dma_wait3A_358 = tpu.memref_slice %arg22[%dma_wait3A_356, %dma_wait3A_357] : memref<10112x128xf32, #tpu.memory_space<vmem_shared>> -> memref<10112x128xf32, #tpu.memory_space<vmem_shared>>
      tpu.wait_indirect_dma semaphore(%run_scoped3A_346 : memref<!tpu.dma_semaphore, #tpu.memory_space<semaphore_mem>>) src(%arg16 : memref<64x128xf32, #tpu.memory_space<vmem>>) dst(%dma_wait3A_358 : memref<10112x128xf32, #tpu.memory_space<vmem_shared>>)
      tpu.yield
    }) : () -> ()
    %dma_start3A_259 = arith.constant 0 : i32
    %dma_start3A_260 = arith.constant 0 : i32
    %dma_start3A_261 = tpu.memref_slice %arg4[%dma_start3A_259, %dma_start3A_260] : memref<10000x128xf32, #tpu.memory_space<hbm>> -> memref<10000x128xf32, #tpu.memory_space<hbm>>
    tpu.enqueue_indirect_dma source(%dma_start3A_261 : memref<10000x128xf32, #tpu.memory_space<hbm>>) target(%arg21 : memref<8x128xf32, #tpu.memory_space<vmem>>) offsets(%arg19 : memref<8xi32, #tpu.memory_space<vmem>>) semaphore(%arg28 : memref<!tpu.dma_semaphore, #tpu.memory_space<semaphore_mem>>)
    %dma_wait3A_262 = arith.constant 0 : i32
    %dma_wait3A_263 = arith.constant 0 : i32
    %dma_wait3A_264 = tpu.memref_slice %arg4[%dma_wait3A_262, %dma_wait3A_263] : memref<10000x128xf32, #tpu.memory_space<hbm>> -> memref<10000x128xf32, #tpu.memory_space<hbm>>
    tpu.wait_indirect_dma semaphore(%arg28 : memref<!tpu.dma_semaphore, #tpu.memory_space<semaphore_mem>>) src(%dma_wait3A_264 : memref<10000x128xf32, #tpu.memory_space<hbm>>) dst(%arg21 : memref<8x128xf32, #tpu.memory_space<vmem>>)
    "tpu.region"() ({
      %run_scoped3A_346 = tpu.sem_alloc : memref<!tpu.dma_semaphore, #tpu.memory_space<semaphore_mem>>
      %dma_start3A_347 = arith.constant 0 : i32
      %dma_start3A_348 = arith.constant 0 : i32
      %dma_start3A_349 = tpu.memref_slice %arg22[%dma_start3A_347, %dma_start3A_348] : memref<10112x128xf32, #tpu.memory_space<vmem_shared>> -> memref<10112x128xf32, #tpu.memory_space<vmem_shared>>
      tpu.enqueue_indirect_dma source(%arg21 : memref<8x128xf32, #tpu.memory_space<vmem>>) target(%dma_start3A_349 : memref<10112x128xf32, #tpu.memory_space<vmem_shared>>) offsets(%arg20 : memref<8xi32, #tpu.memory_space<vmem>>) semaphore(%run_scoped3A_346 : memref<!tpu.dma_semaphore, #tpu.memory_space<semaphore_mem>>) {add = true}
      %dma_wait3A_350 = arith.constant 0 : i32
      %dma_wait3A_351 = arith.constant 0 : i32
      %dma_wait3A_352 = tpu.memref_slice %arg22[%dma_wait3A_350, %dma_wait3A_351] : memref<10112x128xf32, #tpu.memory_space<vmem_shared>> -> memref<10112x128xf32, #tpu.memory_space<vmem_shared>>
      tpu.wait_indirect_dma semaphore(%run_scoped3A_346 : memref<!tpu.dma_semaphore, #tpu.memory_space<semaphore_mem>>) src(%arg21 : memref<8x128xf32, #tpu.memory_space<vmem>>) dst(%dma_wait3A_352 : memref<10112x128xf32, #tpu.memory_space<vmem_shared>>)
      tpu.yield
    }) : () -> ()
    %barrier3A_265 = arith.constant 0 : index
    tpu.barrier barrier_id(%barrier3A_265)
    %dma_start3A_266 = arith.constant 0 : i32
    %dma_start3A_267 = tpu.memref_slice %arg13[%dma_start3A_266] : memref<4992xi32, #tpu.memory_space<vmem>> -> memref<64xi32, #tpu.memory_space<vmem>>
    %dma_start3A_268 = arith.constant 0 : i32
    %dma_start3A_269 = arith.constant 0 : i32
    %dma_start3A_270 = tpu.memref_slice %arg5[%dma_start3A_268, %dma_start3A_269] : memref<10000x128xf32, #tpu.memory_space<hbm>> -> memref<10000x128xf32, #tpu.memory_space<hbm>>
    tpu.enqueue_indirect_dma source(%dma_start3A_270 : memref<10000x128xf32, #tpu.memory_space<hbm>>) target(%arg15 : memref<64x128xf32, #tpu.memory_space<vmem>>) offsets(%dma_start3A_267 : memref<64xi32, #tpu.memory_space<vmem>>) semaphore(%arg23 : memref<!tpu.dma_semaphore, #tpu.memory_space<semaphore_mem>>)
    %dma_start3A_271 = arith.constant 64 : i32
    %dma_start3A_272 = tpu.memref_slice %arg13[%dma_start3A_271] : memref<4992xi32, #tpu.memory_space<vmem>> -> memref<64xi32, #tpu.memory_space<vmem>>
    %dma_start3A_273 = arith.constant 0 : i32
    %dma_start3A_274 = arith.constant 0 : i32
    %dma_start3A_275 = tpu.memref_slice %arg5[%dma_start3A_273, %dma_start3A_274] : memref<10000x128xf32, #tpu.memory_space<hbm>> -> memref<10000x128xf32, #tpu.memory_space<hbm>>
    tpu.enqueue_indirect_dma source(%dma_start3A_275 : memref<10000x128xf32, #tpu.memory_space<hbm>>) target(%arg16 : memref<64x128xf32, #tpu.memory_space<vmem>>) offsets(%dma_start3A_272 : memref<64xi32, #tpu.memory_space<vmem>>) semaphore(%arg24 : memref<!tpu.dma_semaphore, #tpu.memory_space<semaphore_mem>>)
    %dma_start3A_276 = arith.constant 128 : i32
    %dma_start3A_277 = tpu.memref_slice %arg13[%dma_start3A_276] : memref<4992xi32, #tpu.memory_space<vmem>> -> memref<64xi32, #tpu.memory_space<vmem>>
    %dma_start3A_278 = arith.constant 0 : i32
    %dma_start3A_279 = arith.constant 0 : i32
    %dma_start3A_280 = tpu.memref_slice %arg5[%dma_start3A_278, %dma_start3A_279] : memref<10000x128xf32, #tpu.memory_space<hbm>> -> memref<10000x128xf32, #tpu.memory_space<hbm>>
    tpu.enqueue_indirect_dma source(%dma_start3A_280 : memref<10000x128xf32, #tpu.memory_space<hbm>>) target(%arg17 : memref<64x128xf32, #tpu.memory_space<vmem>>) offsets(%dma_start3A_277 : memref<64xi32, #tpu.memory_space<vmem>>) semaphore(%arg25 : memref<!tpu.dma_semaphore, #tpu.memory_space<semaphore_mem>>)
    "tpu.region"() ({
      %run_scoped3A_346 = tpu.sem_alloc : memref<!tpu.dma_semaphore, #tpu.memory_space<semaphore_mem>>
      %dma_start3A_347 = arith.constant 0 : i32
      %dma_start3A_348 = tpu.memref_slice %arg11[%arg0, %mul3A_0, %dma_start3A_347] : memref<2x10112x128xf32, #tpu.memory_space<hbm>> -> memref<1x632x128xf32, #tpu.memory_space<hbm>>
      %dma_start3A_349 = tpu.memref_squeeze %dma_start3A_348 : memref<1x632x128xf32, #tpu.memory_space<hbm>> -> memref<632x128xf32, #tpu.memory_space<hbm>>
      %dma_start3A_350 = arith.constant 0 : i32
      %dma_start3A_351 = tpu.memref_slice %arg22[%mul3A_0, %dma_start3A_350] : memref<10112x128xf32, #tpu.memory_space<vmem_shared>> -> memref<632x128xf32, #tpu.memory_space<vmem_shared>>
      tpu.enqueue_dma source(%dma_start3A_351 : memref<632x128xf32, #tpu.memory_space<vmem_shared>>) target(%dma_start3A_349 : memref<632x128xf32, #tpu.memory_space<hbm>>) target_semaphore(%run_scoped3A_346 : memref<!tpu.dma_semaphore, #tpu.memory_space<semaphore_mem>>)
      %dma_wait3A_352 = arith.constant 0 : i32
      %dma_wait3A_353 = tpu.memref_slice %arg11[%arg0, %mul3A_0, %dma_wait3A_352] : memref<2x10112x128xf32, #tpu.memory_space<hbm>> -> memref<1x632x128xf32, #tpu.memory_space<hbm>>
      %dma_wait3A_354 = tpu.memref_squeeze %dma_wait3A_353 : memref<1x632x128xf32, #tpu.memory_space<hbm>> -> memref<632x128xf32, #tpu.memory_space<hbm>>
      %dma_wait3A_355 = arith.constant 0 : i32
      %dma_wait3A_356 = tpu.memref_slice %arg22[%mul3A_0, %dma_wait3A_355] : memref<10112x128xf32, #tpu.memory_space<vmem_shared>> -> memref<632x128xf32, #tpu.memory_space<vmem_shared>>
      tpu.wait_dma2 semaphore(%run_scoped3A_346 : memref<!tpu.dma_semaphore, #tpu.memory_space<semaphore_mem>>) src(%dma_wait3A_356 : memref<632x128xf32, #tpu.memory_space<vmem_shared>>) dst(%dma_wait3A_354 : memref<632x128xf32, #tpu.memory_space<hbm>>)
      tpu.yield
    }) : () -> ()
    "tpu.region"() ({
      %run_scoped3A_346 = tpu.sem_alloc : memref<!tpu.dma_semaphore, #tpu.memory_space<semaphore_mem>>
      %dma_start3A_347 = arith.constant 0 : i32
      %dma_start3A_348 = tpu.memref_slice %arg22[%mul3A_0, %dma_start3A_347] : memref<10112x128xf32, #tpu.memory_space<vmem_shared>> -> memref<632x128xf32, #tpu.memory_space<vmem_shared>>
      %dma_start3A_349 = arith.constant 0 : i32
      %dma_start3A_350 = tpu.memref_slice %arg8[%mul3A_0, %dma_start3A_349] : memref<10112x128xf32, #tpu.memory_space<hbm>> -> memref<632x128xf32, #tpu.memory_space<hbm>>
      tpu.enqueue_dma source(%dma_start3A_350 : memref<632x128xf32, #tpu.memory_space<hbm>>) target(%dma_start3A_348 : memref<632x128xf32, #tpu.memory_space<vmem_shared>>) target_semaphore(%run_scoped3A_346 : memref<!tpu.dma_semaphore, #tpu.memory_space<semaphore_mem>>)
      %dma_wait3A_351 = arith.constant 0 : i32
      %dma_wait3A_352 = tpu.memref_slice %arg22[%mul3A_0, %dma_wait3A_351] : memref<10112x128xf32, #tpu.memory_space<vmem_shared>> -> memref<632x128xf32, #tpu.memory_space<vmem_shared>>
      %dma_wait3A_353 = arith.constant 0 : i32
      %dma_wait3A_354 = tpu.memref_slice %arg8[%mul3A_0, %dma_wait3A_353] : memref<10112x128xf32, #tpu.memory_space<hbm>> -> memref<632x128xf32, #tpu.memory_space<hbm>>
      tpu.wait_dma2 semaphore(%run_scoped3A_346 : memref<!tpu.dma_semaphore, #tpu.memory_space<semaphore_mem>>) src(%dma_wait3A_354 : memref<632x128xf32, #tpu.memory_space<hbm>>) dst(%dma_wait3A_352 : memref<632x128xf32, #tpu.memory_space<vmem_shared>>)
      tpu.yield
    }) : () -> ()
    %barrier3A_281 = arith.constant 0 : index
    tpu.barrier barrier_id(%barrier3A_281)
    %scan3A_282 = arith.constant 0 : i32
    %scan3A_283 = arith.constant 0 : i32
    %scan3A_284 = arith.constant 18 : i32
    %scan3A_285 = arith.addi %scan3A_283, %scan3A_284 : i32
    %scan3A_286 = arith.constant 1 : i32
    scf.for %scan3A_346 = %scan3A_283 to %scan3A_285 step %scan3A_286  : i32 {
      %mul3A_347 = arith.constant 4 : i32
      %mul3A_348 = arith.muli %mul3A_347, %scan3A_346 : i32
      %add3A_349 = arith.constant 0 : i32
      %add3A_350 = arith.addi %mul3A_348, %add3A_349 : i32
      %add3A_351 = arith.constant 4 : i32
      %add3A_352 = arith.addi %add3A_350, %add3A_351 : i32
      %sub3A = arith.constant 1 : i32
      %sub3A_353 = arith.subi %add3A_352, %sub3A : i32
      %mul3A_354 = arith.constant 64 : i32
      %mul3A_355 = arith.muli %sub3A_353, %mul3A_354 : i32
      %dma_start3A_356 = tpu.memref_slice %arg13[%mul3A_355] : memref<4992xi32, #tpu.memory_space<vmem>> -> memref<64xi32, #tpu.memory_space<vmem>>
      %dma_start3A_357 = arith.constant 0 : i32
      %dma_start3A_358 = arith.constant 0 : i32
      %dma_start3A_359 = tpu.memref_slice %arg5[%dma_start3A_357, %dma_start3A_358] : memref<10000x128xf32, #tpu.memory_space<hbm>> -> memref<10000x128xf32, #tpu.memory_space<hbm>>
      tpu.enqueue_indirect_dma source(%dma_start3A_359 : memref<10000x128xf32, #tpu.memory_space<hbm>>) target(%arg18 : memref<64x128xf32, #tpu.memory_space<vmem>>) offsets(%dma_start3A_356 : memref<64xi32, #tpu.memory_space<vmem>>) semaphore(%arg26 : memref<!tpu.dma_semaphore, #tpu.memory_space<semaphore_mem>>)
      %dma_wait3A_360 = arith.constant 0 : i32
      %dma_wait3A_361 = tpu.memref_slice %arg13[%dma_wait3A_360] : memref<4992xi32, #tpu.memory_space<vmem>> -> memref<64xi32, #tpu.memory_space<vmem>>
      %dma_wait3A_362 = arith.constant 0 : i32
      %dma_wait3A_363 = arith.constant 0 : i32
      %dma_wait3A_364 = tpu.memref_slice %arg5[%dma_wait3A_362, %dma_wait3A_363] : memref<10000x128xf32, #tpu.memory_space<hbm>> -> memref<10000x128xf32, #tpu.memory_space<hbm>>
      tpu.wait_indirect_dma semaphore(%arg23 : memref<!tpu.dma_semaphore, #tpu.memory_space<semaphore_mem>>) src(%dma_wait3A_364 : memref<10000x128xf32, #tpu.memory_space<hbm>>) dst(%arg15 : memref<64x128xf32, #tpu.memory_space<vmem>>)
      "tpu.region"() ({
        %run_scoped3A_422 = tpu.sem_alloc : memref<!tpu.dma_semaphore, #tpu.memory_space<semaphore_mem>>
        %dma_start3A_423 = arith.constant 0 : i32
        %dma_start3A_424 = tpu.memref_slice %arg14[%add3A_350, %dma_start3A_423] : memref<78x64xi32, #tpu.memory_space<vmem>> -> memref<1x64xi32, #tpu.memory_space<vmem>>
        %dma_start3A_425 = tpu.memref_squeeze %dma_start3A_424 : memref<1x64xi32, #tpu.memory_space<vmem>> -> memref<64xi32, #tpu.memory_space<vmem>>
        %dma_start3A_426 = arith.constant 0 : i32
        %dma_start3A_427 = arith.constant 0 : i32
        %dma_start3A_428 = tpu.memref_slice %arg22[%dma_start3A_426, %dma_start3A_427] : memref<10112x128xf32, #tpu.memory_space<vmem_shared>> -> memref<10112x128xf32, #tpu.memory_space<vmem_shared>>
        tpu.enqueue_indirect_dma source(%arg15 : memref<64x128xf32, #tpu.memory_space<vmem>>) target(%dma_start3A_428 : memref<10112x128xf32, #tpu.memory_space<vmem_shared>>) offsets(%dma_start3A_425 : memref<64xi32, #tpu.memory_space<vmem>>) semaphore(%run_scoped3A_422 : memref<!tpu.dma_semaphore, #tpu.memory_space<semaphore_mem>>) {add = true}
        %dma_wait3A_429 = arith.constant 0 : i32
        %dma_wait3A_430 = tpu.memref_slice %arg14[%add3A_350, %dma_wait3A_429] : memref<78x64xi32, #tpu.memory_space<vmem>> -> memref<1x64xi32, #tpu.memory_space<vmem>>
        %dma_wait3A_431 = tpu.memref_squeeze %dma_wait3A_430 : memref<1x64xi32, #tpu.memory_space<vmem>> -> memref<64xi32, #tpu.memory_space<vmem>>
        %dma_wait3A_432 = arith.constant 0 : i32
        %dma_wait3A_433 = arith.constant 0 : i32
        %dma_wait3A_434 = tpu.memref_slice %arg22[%dma_wait3A_432, %dma_wait3A_433] : memref<10112x128xf32, #tpu.memory_space<vmem_shared>> -> memref<10112x128xf32, #tpu.memory_space<vmem_shared>>
        tpu.wait_indirect_dma semaphore(%run_scoped3A_422 : memref<!tpu.dma_semaphore, #tpu.memory_space<semaphore_mem>>) src(%arg15 : memref<64x128xf32, #tpu.memory_space<vmem>>) dst(%dma_wait3A_434 : memref<10112x128xf32, #tpu.memory_space<vmem_shared>>)
        tpu.yield
      }) : () -> ()
      %mul3A_365 = arith.constant 4 : i32
      %mul3A_366 = arith.muli %mul3A_365, %scan3A_346 : i32
      %add3A_367 = arith.constant 1 : i32
      %add3A_368 = arith.addi %mul3A_366, %add3A_367 : i32
      %add3A_369 = arith.constant 4 : i32
      %add3A_370 = arith.addi %add3A_368, %add3A_369 : i32
      %sub3A_371 = arith.constant 1 : i32
      %sub3A_372 = arith.subi %add3A_370, %sub3A_371 : i32
      %mul3A_373 = arith.constant 64 : i32
      %mul3A_374 = arith.muli %sub3A_372, %mul3A_373 : i32
      %dma_start3A_375 = tpu.memref_slice %arg13[%mul3A_374] : memref<4992xi32, #tpu.memory_space<vmem>> -> memref<64xi32, #tpu.memory_space<vmem>>
      %dma_start3A_376 = arith.constant 0 : i32
      %dma_start3A_377 = arith.constant 0 : i32
      %dma_start3A_378 = tpu.memref_slice %arg5[%dma_start3A_376, %dma_start3A_377] : memref<10000x128xf32, #tpu.memory_space<hbm>> -> memref<10000x128xf32, #tpu.memory_space<hbm>>
      tpu.enqueue_indirect_dma source(%dma_start3A_378 : memref<10000x128xf32, #tpu.memory_space<hbm>>) target(%arg15 : memref<64x128xf32, #tpu.memory_space<vmem>>) offsets(%dma_start3A_375 : memref<64xi32, #tpu.memory_space<vmem>>) semaphore(%arg23 : memref<!tpu.dma_semaphore, #tpu.memory_space<semaphore_mem>>)
      %dma_wait3A_379 = arith.constant 0 : i32
      %dma_wait3A_380 = tpu.memref_slice %arg13[%dma_wait3A_379] : memref<4992xi32, #tpu.memory_space<vmem>> -> memref<64xi32, #tpu.memory_space<vmem>>
      %dma_wait3A_381 = arith.constant 0 : i32
      %dma_wait3A_382 = arith.constant 0 : i32
      %dma_wait3A_383 = tpu.memref_slice %arg5[%dma_wait3A_381, %dma_wait3A_382] : memref<10000x128xf32, #tpu.memory_space<hbm>> -> memref<10000x128xf32, #tpu.memory_space<hbm>>
      tpu.wait_indirect_dma semaphore(%arg24 : memref<!tpu.dma_semaphore, #tpu.memory_space<semaphore_mem>>) src(%dma_wait3A_383 : memref<10000x128xf32, #tpu.memory_space<hbm>>) dst(%arg16 : memref<64x128xf32, #tpu.memory_space<vmem>>)
      "tpu.region"() ({
        %run_scoped3A_422 = tpu.sem_alloc : memref<!tpu.dma_semaphore, #tpu.memory_space<semaphore_mem>>
        %dma_start3A_423 = arith.constant 0 : i32
        %dma_start3A_424 = tpu.memref_slice %arg14[%add3A_368, %dma_start3A_423] : memref<78x64xi32, #tpu.memory_space<vmem>> -> memref<1x64xi32, #tpu.memory_space<vmem>>
        %dma_start3A_425 = tpu.memref_squeeze %dma_start3A_424 : memref<1x64xi32, #tpu.memory_space<vmem>> -> memref<64xi32, #tpu.memory_space<vmem>>
        %dma_start3A_426 = arith.constant 0 : i32
        %dma_start3A_427 = arith.constant 0 : i32
        %dma_start3A_428 = tpu.memref_slice %arg22[%dma_start3A_426, %dma_start3A_427] : memref<10112x128xf32, #tpu.memory_space<vmem_shared>> -> memref<10112x128xf32, #tpu.memory_space<vmem_shared>>
        tpu.enqueue_indirect_dma source(%arg16 : memref<64x128xf32, #tpu.memory_space<vmem>>) target(%dma_start3A_428 : memref<10112x128xf32, #tpu.memory_space<vmem_shared>>) offsets(%dma_start3A_425 : memref<64xi32, #tpu.memory_space<vmem>>) semaphore(%run_scoped3A_422 : memref<!tpu.dma_semaphore, #tpu.memory_space<semaphore_mem>>) {add = true}
        %dma_wait3A_429 = arith.constant 0 : i32
        %dma_wait3A_430 = tpu.memref_slice %arg14[%add3A_368, %dma_wait3A_429] : memref<78x64xi32, #tpu.memory_space<vmem>> -> memref<1x64xi32, #tpu.memory_space<vmem>>
        %dma_wait3A_431 = tpu.memref_squeeze %dma_wait3A_430 : memref<1x64xi32, #tpu.memory_space<vmem>> -> memref<64xi32, #tpu.memory_space<vmem>>
        %dma_wait3A_432 = arith.constant 0 : i32
        %dma_wait3A_433 = arith.constant 0 : i32
        %dma_wait3A_434 = tpu.memref_slice %arg22[%dma_wait3A_432, %dma_wait3A_433] : memref<10112x128xf32, #tpu.memory_space<vmem_shared>> -> memref<10112x128xf32, #tpu.memory_space<vmem_shared>>
        tpu.wait_indirect_dma semaphore(%run_scoped3A_422 : memref<!tpu.dma_semaphore, #tpu.memory_space<semaphore_mem>>) src(%arg16 : memref<64x128xf32, #tpu.memory_space<vmem>>) dst(%dma_wait3A_434 : memref<10112x128xf32, #tpu.memory_space<vmem_shared>>)
        tpu.yield
      }) : () -> ()
      %mul3A_384 = arith.constant 4 : i32
      %mul3A_385 = arith.muli %mul3A_384, %scan3A_346 : i32
      %add3A_386 = arith.constant 2 : i32
      %add3A_387 = arith.addi %mul3A_385, %add3A_386 : i32
      %add3A_388 = arith.constant 4 : i32
      %add3A_389 = arith.addi %add3A_387, %add3A_388 : i32
      %sub3A_390 = arith.constant 1 : i32
      %sub3A_391 = arith.subi %add3A_389, %sub3A_390 : i32
      %mul3A_392 = arith.constant 64 : i32
      %mul3A_393 = arith.muli %sub3A_391, %mul3A_392 : i32
      %dma_start3A_394 = tpu.memref_slice %arg13[%mul3A_393] : memref<4992xi32, #tpu.memory_space<vmem>> -> memref<64xi32, #tpu.memory_space<vmem>>
      %dma_start3A_395 = arith.constant 0 : i32
      %dma_start3A_396 = arith.constant 0 : i32
      %dma_start3A_397 = tpu.memref_slice %arg5[%dma_start3A_395, %dma_start3A_396] : memref<10000x128xf32, #tpu.memory_space<hbm>> -> memref<10000x128xf32, #tpu.memory_space<hbm>>
      tpu.enqueue_indirect_dma source(%dma_start3A_397 : memref<10000x128xf32, #tpu.memory_space<hbm>>) target(%arg16 : memref<64x128xf32, #tpu.memory_space<vmem>>) offsets(%dma_start3A_394 : memref<64xi32, #tpu.memory_space<vmem>>) semaphore(%arg24 : memref<!tpu.dma_semaphore, #tpu.memory_space<semaphore_mem>>)
      %dma_wait3A_398 = arith.constant 0 : i32
      %dma_wait3A_399 = tpu.memref_slice %arg13[%dma_wait3A_398] : memref<4992xi32, #tpu.memory_space<vmem>> -> memref<64xi32, #tpu.memory_space<vmem>>
      %dma_wait3A_400 = arith.constant 0 : i32
      %dma_wait3A_401 = arith.constant 0 : i32
      %dma_wait3A_402 = tpu.memref_slice %arg5[%dma_wait3A_400, %dma_wait3A_401] : memref<10000x128xf32, #tpu.memory_space<hbm>> -> memref<10000x128xf32, #tpu.memory_space<hbm>>
      tpu.wait_indirect_dma semaphore(%arg25 : memref<!tpu.dma_semaphore, #tpu.memory_space<semaphore_mem>>) src(%dma_wait3A_402 : memref<10000x128xf32, #tpu.memory_space<hbm>>) dst(%arg17 : memref<64x128xf32, #tpu.memory_space<vmem>>)
      "tpu.region"() ({
        %run_scoped3A_422 = tpu.sem_alloc : memref<!tpu.dma_semaphore, #tpu.memory_space<semaphore_mem>>
        %dma_start3A_423 = arith.constant 0 : i32
        %dma_start3A_424 = tpu.memref_slice %arg14[%add3A_387, %dma_start3A_423] : memref<78x64xi32, #tpu.memory_space<vmem>> -> memref<1x64xi32, #tpu.memory_space<vmem>>
        %dma_start3A_425 = tpu.memref_squeeze %dma_start3A_424 : memref<1x64xi32, #tpu.memory_space<vmem>> -> memref<64xi32, #tpu.memory_space<vmem>>
        %dma_start3A_426 = arith.constant 0 : i32
        %dma_start3A_427 = arith.constant 0 : i32
        %dma_start3A_428 = tpu.memref_slice %arg22[%dma_start3A_426, %dma_start3A_427] : memref<10112x128xf32, #tpu.memory_space<vmem_shared>> -> memref<10112x128xf32, #tpu.memory_space<vmem_shared>>
        tpu.enqueue_indirect_dma source(%arg17 : memref<64x128xf32, #tpu.memory_space<vmem>>) target(%dma_start3A_428 : memref<10112x128xf32, #tpu.memory_space<vmem_shared>>) offsets(%dma_start3A_425 : memref<64xi32, #tpu.memory_space<vmem>>) semaphore(%run_scoped3A_422 : memref<!tpu.dma_semaphore, #tpu.memory_space<semaphore_mem>>) {add = true}
        %dma_wait3A_429 = arith.constant 0 : i32
        %dma_wait3A_430 = tpu.memref_slice %arg14[%add3A_387, %dma_wait3A_429] : memref<78x64xi32, #tpu.memory_space<vmem>> -> memref<1x64xi32, #tpu.memory_space<vmem>>
        %dma_wait3A_431 = tpu.memref_squeeze %dma_wait3A_430 : memref<1x64xi32, #tpu.memory_space<vmem>> -> memref<64xi32, #tpu.memory_space<vmem>>
        %dma_wait3A_432 = arith.constant 0 : i32
        %dma_wait3A_433 = arith.constant 0 : i32
        %dma_wait3A_434 = tpu.memref_slice %arg22[%dma_wait3A_432, %dma_wait3A_433] : memref<10112x128xf32, #tpu.memory_space<vmem_shared>> -> memref<10112x128xf32, #tpu.memory_space<vmem_shared>>
        tpu.wait_indirect_dma semaphore(%run_scoped3A_422 : memref<!tpu.dma_semaphore, #tpu.memory_space<semaphore_mem>>) src(%arg17 : memref<64x128xf32, #tpu.memory_space<vmem>>) dst(%dma_wait3A_434 : memref<10112x128xf32, #tpu.memory_space<vmem_shared>>)
        tpu.yield
      }) : () -> ()
      %mul3A_403 = arith.constant 4 : i32
      %mul3A_404 = arith.muli %mul3A_403, %scan3A_346 : i32
      %add3A_405 = arith.constant 3 : i32
      %add3A_406 = arith.addi %mul3A_404, %add3A_405 : i32
      %add3A_407 = arith.constant 4 : i32
      %add3A_408 = arith.addi %add3A_406, %add3A_407 : i32
      %sub3A_409 = arith.constant 1 : i32
      %sub3A_410 = arith.subi %add3A_408, %sub3A_409 : i32
      %mul3A_411 = arith.constant 64 : i32
      %mul3A_412 = arith.muli %sub3A_410, %mul3A_411 : i32
      %dma_start3A_413 = tpu.memref_slice %arg13[%mul3A_412] : memref<4992xi32, #tpu.memory_space<vmem>> -> memref<64xi32, #tpu.memory_space<vmem>>
      %dma_start3A_414 = arith.constant 0 : i32
      %dma_start3A_415 = arith.constant 0 : i32
      %dma_start3A_416 = tpu.memref_slice %arg5[%dma_start3A_414, %dma_start3A_415] : memref<10000x128xf32, #tpu.memory_space<hbm>> -> memref<10000x128xf32, #tpu.memory_space<hbm>>
      tpu.enqueue_indirect_dma source(%dma_start3A_416 : memref<10000x128xf32, #tpu.memory_space<hbm>>) target(%arg17 : memref<64x128xf32, #tpu.memory_space<vmem>>) offsets(%dma_start3A_413 : memref<64xi32, #tpu.memory_space<vmem>>) semaphore(%arg25 : memref<!tpu.dma_semaphore, #tpu.memory_space<semaphore_mem>>)
      %dma_wait3A_417 = arith.constant 0 : i32
      %dma_wait3A_418 = tpu.memref_slice %arg13[%dma_wait3A_417] : memref<4992xi32, #tpu.memory_space<vmem>> -> memref<64xi32, #tpu.memory_space<vmem>>
      %dma_wait3A_419 = arith.constant 0 : i32
      %dma_wait3A_420 = arith.constant 0 : i32
      %dma_wait3A_421 = tpu.memref_slice %arg5[%dma_wait3A_419, %dma_wait3A_420] : memref<10000x128xf32, #tpu.memory_space<hbm>> -> memref<10000x128xf32, #tpu.memory_space<hbm>>
      tpu.wait_indirect_dma semaphore(%arg26 : memref<!tpu.dma_semaphore, #tpu.memory_space<semaphore_mem>>) src(%dma_wait3A_421 : memref<10000x128xf32, #tpu.memory_space<hbm>>) dst(%arg18 : memref<64x128xf32, #tpu.memory_space<vmem>>)
      "tpu.region"() ({
        %run_scoped3A_422 = tpu.sem_alloc : memref<!tpu.dma_semaphore, #tpu.memory_space<semaphore_mem>>
        %dma_start3A_423 = arith.constant 0 : i32
        %dma_start3A_424 = tpu.memref_slice %arg14[%add3A_406, %dma_start3A_423] : memref<78x64xi32, #tpu.memory_space<vmem>> -> memref<1x64xi32, #tpu.memory_space<vmem>>
        %dma_start3A_425 = tpu.memref_squeeze %dma_start3A_424 : memref<1x64xi32, #tpu.memory_space<vmem>> -> memref<64xi32, #tpu.memory_space<vmem>>
        %dma_start3A_426 = arith.constant 0 : i32
        %dma_start3A_427 = arith.constant 0 : i32
        %dma_start3A_428 = tpu.memref_slice %arg22[%dma_start3A_426, %dma_start3A_427] : memref<10112x128xf32, #tpu.memory_space<vmem_shared>> -> memref<10112x128xf32, #tpu.memory_space<vmem_shared>>
        tpu.enqueue_indirect_dma source(%arg18 : memref<64x128xf32, #tpu.memory_space<vmem>>) target(%dma_start3A_428 : memref<10112x128xf32, #tpu.memory_space<vmem_shared>>) offsets(%dma_start3A_425 : memref<64xi32, #tpu.memory_space<vmem>>) semaphore(%run_scoped3A_422 : memref<!tpu.dma_semaphore, #tpu.memory_space<semaphore_mem>>) {add = true}
        %dma_wait3A_429 = arith.constant 0 : i32
        %dma_wait3A_430 = tpu.memref_slice %arg14[%add3A_406, %dma_wait3A_429] : memref<78x64xi32, #tpu.memory_space<vmem>> -> memref<1x64xi32, #tpu.memory_space<vmem>>
        %dma_wait3A_431 = tpu.memref_squeeze %dma_wait3A_430 : memref<1x64xi32, #tpu.memory_space<vmem>> -> memref<64xi32, #tpu.memory_space<vmem>>
        %dma_wait3A_432 = arith.constant 0 : i32
        %dma_wait3A_433 = arith.constant 0 : i32
        %dma_wait3A_434 = tpu.memref_slice %arg22[%dma_wait3A_432, %dma_wait3A_433] : memref<10112x128xf32, #tpu.memory_space<vmem_shared>> -> memref<10112x128xf32, #tpu.memory_space<vmem_shared>>
        tpu.wait_indirect_dma semaphore(%run_scoped3A_422 : memref<!tpu.dma_semaphore, #tpu.memory_space<semaphore_mem>>) src(%arg18 : memref<64x128xf32, #tpu.memory_space<vmem>>) dst(%dma_wait3A_434 : memref<10112x128xf32, #tpu.memory_space<vmem_shared>>)
        tpu.yield
      }) : () -> ()
    }
    %scan3A_287 = arith.constant 18 : i32
    %dma_start3A_288 = arith.constant 4800 : i32
    %dma_start3A_289 = tpu.memref_slice %arg13[%dma_start3A_288] : memref<4992xi32, #tpu.memory_space<vmem>> -> memref<64xi32, #tpu.memory_space<vmem>>
    %dma_start3A_290 = arith.constant 0 : i32
    %dma_start3A_291 = arith.constant 0 : i32
    %dma_start3A_292 = tpu.memref_slice %arg5[%dma_start3A_290, %dma_start3A_291] : memref<10000x128xf32, #tpu.memory_space<hbm>> -> memref<10000x128xf32, #tpu.memory_space<hbm>>
    tpu.enqueue_indirect_dma source(%dma_start3A_292 : memref<10000x128xf32, #tpu.memory_space<hbm>>) target(%arg18 : memref<64x128xf32, #tpu.memory_space<vmem>>) offsets(%dma_start3A_289 : memref<64xi32, #tpu.memory_space<vmem>>) semaphore(%arg26 : memref<!tpu.dma_semaphore, #tpu.memory_space<semaphore_mem>>)
    %dma_wait3A_293 = arith.constant 0 : i32
    %dma_wait3A_294 = tpu.memref_slice %arg13[%dma_wait3A_293] : memref<4992xi32, #tpu.memory_space<vmem>> -> memref<64xi32, #tpu.memory_space<vmem>>
    %dma_wait3A_295 = arith.constant 0 : i32
    %dma_wait3A_296 = arith.constant 0 : i32
    %dma_wait3A_297 = tpu.memref_slice %arg5[%dma_wait3A_295, %dma_wait3A_296] : memref<10000x128xf32, #tpu.memory_space<hbm>> -> memref<10000x128xf32, #tpu.memory_space<hbm>>
    tpu.wait_indirect_dma semaphore(%arg23 : memref<!tpu.dma_semaphore, #tpu.memory_space<semaphore_mem>>) src(%dma_wait3A_297 : memref<10000x128xf32, #tpu.memory_space<hbm>>) dst(%arg15 : memref<64x128xf32, #tpu.memory_space<vmem>>)
    %run_scoped3A_298 = arith.constant 72 : i32
    "tpu.region"() ({
      %run_scoped3A_346 = tpu.sem_alloc : memref<!tpu.dma_semaphore, #tpu.memory_space<semaphore_mem>>
      %dma_start3A_347 = arith.constant 0 : i32
      %dma_start3A_348 = tpu.memref_slice %arg14[%run_scoped3A_298, %dma_start3A_347] : memref<78x64xi32, #tpu.memory_space<vmem>> -> memref<1x64xi32, #tpu.memory_space<vmem>>
      %dma_start3A_349 = tpu.memref_squeeze %dma_start3A_348 : memref<1x64xi32, #tpu.memory_space<vmem>> -> memref<64xi32, #tpu.memory_space<vmem>>
      %dma_start3A_350 = arith.constant 0 : i32
      %dma_start3A_351 = arith.constant 0 : i32
      %dma_start3A_352 = tpu.memref_slice %arg22[%dma_start3A_350, %dma_start3A_351] : memref<10112x128xf32, #tpu.memory_space<vmem_shared>> -> memref<10112x128xf32, #tpu.memory_space<vmem_shared>>
      tpu.enqueue_indirect_dma source(%arg15 : memref<64x128xf32, #tpu.memory_space<vmem>>) target(%dma_start3A_352 : memref<10112x128xf32, #tpu.memory_space<vmem_shared>>) offsets(%dma_start3A_349 : memref<64xi32, #tpu.memory_space<vmem>>) semaphore(%run_scoped3A_346 : memref<!tpu.dma_semaphore, #tpu.memory_space<semaphore_mem>>) {add = true}
      %dma_wait3A_353 = arith.constant 0 : i32
      %dma_wait3A_354 = tpu.memref_slice %arg14[%run_scoped3A_298, %dma_wait3A_353] : memref<78x64xi32, #tpu.memory_space<vmem>> -> memref<1x64xi32, #tpu.memory_space<vmem>>
      %dma_wait3A_355 = tpu.memref_squeeze %dma_wait3A_354 : memref<1x64xi32, #tpu.memory_space<vmem>> -> memref<64xi32, #tpu.memory_space<vmem>>
      %dma_wait3A_356 = arith.constant 0 : i32
      %dma_wait3A_357 = arith.constant 0 : i32
      %dma_wait3A_358 = tpu.memref_slice %arg22[%dma_wait3A_356, %dma_wait3A_357] : memref<10112x128xf32, #tpu.memory_space<vmem_shared>> -> memref<10112x128xf32, #tpu.memory_space<vmem_shared>>
      tpu.wait_indirect_dma semaphore(%run_scoped3A_346 : memref<!tpu.dma_semaphore, #tpu.memory_space<semaphore_mem>>) src(%arg15 : memref<64x128xf32, #tpu.memory_space<vmem>>) dst(%dma_wait3A_358 : memref<10112x128xf32, #tpu.memory_space<vmem_shared>>)
      tpu.yield
    }) : () -> ()
    %dma_start3A_299 = arith.constant 4864 : i32
    %dma_start3A_300 = tpu.memref_slice %arg13[%dma_start3A_299] : memref<4992xi32, #tpu.memory_space<vmem>> -> memref<64xi32, #tpu.memory_space<vmem>>
    %dma_start3A_301 = arith.constant 0 : i32
    %dma_start3A_302 = arith.constant 0 : i32
    %dma_start3A_303 = tpu.memref_slice %arg5[%dma_start3A_301, %dma_start3A_302] : memref<10000x128xf32, #tpu.memory_space<hbm>> -> memref<10000x128xf32, #tpu.memory_space<hbm>>
    tpu.enqueue_indirect_dma source(%dma_start3A_303 : memref<10000x128xf32, #tpu.memory_space<hbm>>) target(%arg15 : memref<64x128xf32, #tpu.memory_space<vmem>>) offsets(%dma_start3A_300 : memref<64xi32, #tpu.memory_space<vmem>>) semaphore(%arg23 : memref<!tpu.dma_semaphore, #tpu.memory_space<semaphore_mem>>)
    %dma_wait3A_304 = arith.constant 0 : i32
    %dma_wait3A_305 = tpu.memref_slice %arg13[%dma_wait3A_304] : memref<4992xi32, #tpu.memory_space<vmem>> -> memref<64xi32, #tpu.memory_space<vmem>>
    %dma_wait3A_306 = arith.constant 0 : i32
    %dma_wait3A_307 = arith.constant 0 : i32
    %dma_wait3A_308 = tpu.memref_slice %arg5[%dma_wait3A_306, %dma_wait3A_307] : memref<10000x128xf32, #tpu.memory_space<hbm>> -> memref<10000x128xf32, #tpu.memory_space<hbm>>
    tpu.wait_indirect_dma semaphore(%arg24 : memref<!tpu.dma_semaphore, #tpu.memory_space<semaphore_mem>>) src(%dma_wait3A_308 : memref<10000x128xf32, #tpu.memory_space<hbm>>) dst(%arg16 : memref<64x128xf32, #tpu.memory_space<vmem>>)
    %run_scoped3A_309 = arith.constant 73 : i32
    "tpu.region"() ({
      %run_scoped3A_346 = tpu.sem_alloc : memref<!tpu.dma_semaphore, #tpu.memory_space<semaphore_mem>>
      %dma_start3A_347 = arith.constant 0 : i32
      %dma_start3A_348 = tpu.memref_slice %arg14[%run_scoped3A_309, %dma_start3A_347] : memref<78x64xi32, #tpu.memory_space<vmem>> -> memref<1x64xi32, #tpu.memory_space<vmem>>
      %dma_start3A_349 = tpu.memref_squeeze %dma_start3A_348 : memref<1x64xi32, #tpu.memory_space<vmem>> -> memref<64xi32, #tpu.memory_space<vmem>>
      %dma_start3A_350 = arith.constant 0 : i32
      %dma_start3A_351 = arith.constant 0 : i32
      %dma_start3A_352 = tpu.memref_slice %arg22[%dma_start3A_350, %dma_start3A_351] : memref<10112x128xf32, #tpu.memory_space<vmem_shared>> -> memref<10112x128xf32, #tpu.memory_space<vmem_shared>>
      tpu.enqueue_indirect_dma source(%arg16 : memref<64x128xf32, #tpu.memory_space<vmem>>) target(%dma_start3A_352 : memref<10112x128xf32, #tpu.memory_space<vmem_shared>>) offsets(%dma_start3A_349 : memref<64xi32, #tpu.memory_space<vmem>>) semaphore(%run_scoped3A_346 : memref<!tpu.dma_semaphore, #tpu.memory_space<semaphore_mem>>) {add = true}
      %dma_wait3A_353 = arith.constant 0 : i32
      %dma_wait3A_354 = tpu.memref_slice %arg14[%run_scoped3A_309, %dma_wait3A_353] : memref<78x64xi32, #tpu.memory_space<vmem>> -> memref<1x64xi32, #tpu.memory_space<vmem>>
      %dma_wait3A_355 = tpu.memref_squeeze %dma_wait3A_354 : memref<1x64xi32, #tpu.memory_space<vmem>> -> memref<64xi32, #tpu.memory_space<vmem>>
      %dma_wait3A_356 = arith.constant 0 : i32
      %dma_wait3A_357 = arith.constant 0 : i32
      %dma_wait3A_358 = tpu.memref_slice %arg22[%dma_wait3A_356, %dma_wait3A_357] : memref<10112x128xf32, #tpu.memory_space<vmem_shared>> -> memref<10112x128xf32, #tpu.memory_space<vmem_shared>>
      tpu.wait_indirect_dma semaphore(%run_scoped3A_346 : memref<!tpu.dma_semaphore, #tpu.memory_space<semaphore_mem>>) src(%arg16 : memref<64x128xf32, #tpu.memory_space<vmem>>) dst(%dma_wait3A_358 : memref<10112x128xf32, #tpu.memory_space<vmem_shared>>)
      tpu.yield
    }) : () -> ()
    %dma_start3A_310 = arith.constant 4928 : i32
    %dma_start3A_311 = tpu.memref_slice %arg13[%dma_start3A_310] : memref<4992xi32, #tpu.memory_space<vmem>> -> memref<64xi32, #tpu.memory_space<vmem>>
    %dma_start3A_312 = arith.constant 0 : i32
    %dma_start3A_313 = arith.constant 0 : i32
    %dma_start3A_314 = tpu.memref_slice %arg5[%dma_start3A_312, %dma_start3A_313] : memref<10000x128xf32, #tpu.memory_space<hbm>> -> memref<10000x128xf32, #tpu.memory_space<hbm>>
    tpu.enqueue_indirect_dma source(%dma_start3A_314 : memref<10000x128xf32, #tpu.memory_space<hbm>>) target(%arg16 : memref<64x128xf32, #tpu.memory_space<vmem>>) offsets(%dma_start3A_311 : memref<64xi32, #tpu.memory_space<vmem>>) semaphore(%arg24 : memref<!tpu.dma_semaphore, #tpu.memory_space<semaphore_mem>>)
    %dma_wait3A_315 = arith.constant 0 : i32
    %dma_wait3A_316 = tpu.memref_slice %arg13[%dma_wait3A_315] : memref<4992xi32, #tpu.memory_space<vmem>> -> memref<64xi32, #tpu.memory_space<vmem>>
    %dma_wait3A_317 = arith.constant 0 : i32
    %dma_wait3A_318 = arith.constant 0 : i32
    %dma_wait3A_319 = tpu.memref_slice %arg5[%dma_wait3A_317, %dma_wait3A_318] : memref<10000x128xf32, #tpu.memory_space<hbm>> -> memref<10000x128xf32, #tpu.memory_space<hbm>>
    tpu.wait_indirect_dma semaphore(%arg25 : memref<!tpu.dma_semaphore, #tpu.memory_space<semaphore_mem>>) src(%dma_wait3A_319 : memref<10000x128xf32, #tpu.memory_space<hbm>>) dst(%arg17 : memref<64x128xf32, #tpu.memory_space<vmem>>)
    %run_scoped3A_320 = arith.constant 74 : i32
    "tpu.region"() ({
      %run_scoped3A_346 = tpu.sem_alloc : memref<!tpu.dma_semaphore, #tpu.memory_space<semaphore_mem>>
      %dma_start3A_347 = arith.constant 0 : i32
      %dma_start3A_348 = tpu.memref_slice %arg14[%run_scoped3A_320, %dma_start3A_347] : memref<78x64xi32, #tpu.memory_space<vmem>> -> memref<1x64xi32, #tpu.memory_space<vmem>>
      %dma_start3A_349 = tpu.memref_squeeze %dma_start3A_348 : memref<1x64xi32, #tpu.memory_space<vmem>> -> memref<64xi32, #tpu.memory_space<vmem>>
      %dma_start3A_350 = arith.constant 0 : i32
      %dma_start3A_351 = arith.constant 0 : i32
      %dma_start3A_352 = tpu.memref_slice %arg22[%dma_start3A_350, %dma_start3A_351] : memref<10112x128xf32, #tpu.memory_space<vmem_shared>> -> memref<10112x128xf32, #tpu.memory_space<vmem_shared>>
      tpu.enqueue_indirect_dma source(%arg17 : memref<64x128xf32, #tpu.memory_space<vmem>>) target(%dma_start3A_352 : memref<10112x128xf32, #tpu.memory_space<vmem_shared>>) offsets(%dma_start3A_349 : memref<64xi32, #tpu.memory_space<vmem>>) semaphore(%run_scoped3A_346 : memref<!tpu.dma_semaphore, #tpu.memory_space<semaphore_mem>>) {add = true}
      %dma_wait3A_353 = arith.constant 0 : i32
      %dma_wait3A_354 = tpu.memref_slice %arg14[%run_scoped3A_320, %dma_wait3A_353] : memref<78x64xi32, #tpu.memory_space<vmem>> -> memref<1x64xi32, #tpu.memory_space<vmem>>
      %dma_wait3A_355 = tpu.memref_squeeze %dma_wait3A_354 : memref<1x64xi32, #tpu.memory_space<vmem>> -> memref<64xi32, #tpu.memory_space<vmem>>
      %dma_wait3A_356 = arith.constant 0 : i32
      %dma_wait3A_357 = arith.constant 0 : i32
      %dma_wait3A_358 = tpu.memref_slice %arg22[%dma_wait3A_356, %dma_wait3A_357] : memref<10112x128xf32, #tpu.memory_space<vmem_shared>> -> memref<10112x128xf32, #tpu.memory_space<vmem_shared>>
      tpu.wait_indirect_dma semaphore(%run_scoped3A_346 : memref<!tpu.dma_semaphore, #tpu.memory_space<semaphore_mem>>) src(%arg17 : memref<64x128xf32, #tpu.memory_space<vmem>>) dst(%dma_wait3A_358 : memref<10112x128xf32, #tpu.memory_space<vmem_shared>>)
      tpu.yield
    }) : () -> ()
    %dma_wait3A_321 = arith.constant 0 : i32
    %dma_wait3A_322 = tpu.memref_slice %arg13[%dma_wait3A_321] : memref<4992xi32, #tpu.memory_space<vmem>> -> memref<64xi32, #tpu.memory_space<vmem>>
    %dma_wait3A_323 = arith.constant 0 : i32
    %dma_wait3A_324 = arith.constant 0 : i32
    %dma_wait3A_325 = tpu.memref_slice %arg5[%dma_wait3A_323, %dma_wait3A_324] : memref<10000x128xf32, #tpu.memory_space<hbm>> -> memref<10000x128xf32, #tpu.memory_space<hbm>>
    tpu.wait_indirect_dma semaphore(%arg26 : memref<!tpu.dma_semaphore, #tpu.memory_space<semaphore_mem>>) src(%dma_wait3A_325 : memref<10000x128xf32, #tpu.memory_space<hbm>>) dst(%arg18 : memref<64x128xf32, #tpu.memory_space<vmem>>)
    %run_scoped3A_326 = arith.constant 75 : i32
    "tpu.region"() ({
      %run_scoped3A_346 = tpu.sem_alloc : memref<!tpu.dma_semaphore, #tpu.memory_space<semaphore_mem>>
      %dma_start3A_347 = arith.constant 0 : i32
      %dma_start3A_348 = tpu.memref_slice %arg14[%run_scoped3A_326, %dma_start3A_347] : memref<78x64xi32, #tpu.memory_space<vmem>> -> memref<1x64xi32, #tpu.memory_space<vmem>>
      %dma_start3A_349 = tpu.memref_squeeze %dma_start3A_348 : memref<1x64xi32, #tpu.memory_space<vmem>> -> memref<64xi32, #tpu.memory_space<vmem>>
      %dma_start3A_350 = arith.constant 0 : i32
      %dma_start3A_351 = arith.constant 0 : i32
      %dma_start3A_352 = tpu.memref_slice %arg22[%dma_start3A_350, %dma_start3A_351] : memref<10112x128xf32, #tpu.memory_space<vmem_shared>> -> memref<10112x128xf32, #tpu.memory_space<vmem_shared>>
      tpu.enqueue_indirect_dma source(%arg18 : memref<64x128xf32, #tpu.memory_space<vmem>>) target(%dma_start3A_352 : memref<10112x128xf32, #tpu.memory_space<vmem_shared>>) offsets(%dma_start3A_349 : memref<64xi32, #tpu.memory_space<vmem>>) semaphore(%run_scoped3A_346 : memref<!tpu.dma_semaphore, #tpu.memory_space<semaphore_mem>>) {add = true}
      %dma_wait3A_353 = arith.constant 0 : i32
      %dma_wait3A_354 = tpu.memref_slice %arg14[%run_scoped3A_326, %dma_wait3A_353] : memref<78x64xi32, #tpu.memory_space<vmem>> -> memref<1x64xi32, #tpu.memory_space<vmem>>
      %dma_wait3A_355 = tpu.memref_squeeze %dma_wait3A_354 : memref<1x64xi32, #tpu.memory_space<vmem>> -> memref<64xi32, #tpu.memory_space<vmem>>
      %dma_wait3A_356 = arith.constant 0 : i32
      %dma_wait3A_357 = arith.constant 0 : i32
      %dma_wait3A_358 = tpu.memref_slice %arg22[%dma_wait3A_356, %dma_wait3A_357] : memref<10112x128xf32, #tpu.memory_space<vmem_shared>> -> memref<10112x128xf32, #tpu.memory_space<vmem_shared>>
      tpu.wait_indirect_dma semaphore(%run_scoped3A_346 : memref<!tpu.dma_semaphore, #tpu.memory_space<semaphore_mem>>) src(%arg18 : memref<64x128xf32, #tpu.memory_space<vmem>>) dst(%dma_wait3A_358 : memref<10112x128xf32, #tpu.memory_space<vmem_shared>>)
      tpu.yield
    }) : () -> ()
    %dma_wait3A_327 = arith.constant 0 : i32
    %dma_wait3A_328 = tpu.memref_slice %arg13[%dma_wait3A_327] : memref<4992xi32, #tpu.memory_space<vmem>> -> memref<64xi32, #tpu.memory_space<vmem>>
    %dma_wait3A_329 = arith.constant 0 : i32
    %dma_wait3A_330 = arith.constant 0 : i32
    %dma_wait3A_331 = tpu.memref_slice %arg5[%dma_wait3A_329, %dma_wait3A_330] : memref<10000x128xf32, #tpu.memory_space<hbm>> -> memref<10000x128xf32, #tpu.memory_space<hbm>>
    tpu.wait_indirect_dma semaphore(%arg23 : memref<!tpu.dma_semaphore, #tpu.memory_space<semaphore_mem>>) src(%dma_wait3A_331 : memref<10000x128xf32, #tpu.memory_space<hbm>>) dst(%arg15 : memref<64x128xf32, #tpu.memory_space<vmem>>)
    %run_scoped3A_332 = arith.constant 76 : i32
    "tpu.region"() ({
      %run_scoped3A_346 = tpu.sem_alloc : memref<!tpu.dma_semaphore, #tpu.memory_space<semaphore_mem>>
      %dma_start3A_347 = arith.constant 0 : i32
      %dma_start3A_348 = tpu.memref_slice %arg14[%run_scoped3A_332, %dma_start3A_347] : memref<78x64xi32, #tpu.memory_space<vmem>> -> memref<1x64xi32, #tpu.memory_space<vmem>>
      %dma_start3A_349 = tpu.memref_squeeze %dma_start3A_348 : memref<1x64xi32, #tpu.memory_space<vmem>> -> memref<64xi32, #tpu.memory_space<vmem>>
      %dma_start3A_350 = arith.constant 0 : i32
      %dma_start3A_351 = arith.constant 0 : i32
      %dma_start3A_352 = tpu.memref_slice %arg22[%dma_start3A_350, %dma_start3A_351] : memref<10112x128xf32, #tpu.memory_space<vmem_shared>> -> memref<10112x128xf32, #tpu.memory_space<vmem_shared>>
      tpu.enqueue_indirect_dma source(%arg15 : memref<64x128xf32, #tpu.memory_space<vmem>>) target(%dma_start3A_352 : memref<10112x128xf32, #tpu.memory_space<vmem_shared>>) offsets(%dma_start3A_349 : memref<64xi32, #tpu.memory_space<vmem>>) semaphore(%run_scoped3A_346 : memref<!tpu.dma_semaphore, #tpu.memory_space<semaphore_mem>>) {add = true}
      %dma_wait3A_353 = arith.constant 0 : i32
      %dma_wait3A_354 = tpu.memref_slice %arg14[%run_scoped3A_332, %dma_wait3A_353] : memref<78x64xi32, #tpu.memory_space<vmem>> -> memref<1x64xi32, #tpu.memory_space<vmem>>
      %dma_wait3A_355 = tpu.memref_squeeze %dma_wait3A_354 : memref<1x64xi32, #tpu.memory_space<vmem>> -> memref<64xi32, #tpu.memory_space<vmem>>
      %dma_wait3A_356 = arith.constant 0 : i32
      %dma_wait3A_357 = arith.constant 0 : i32
      %dma_wait3A_358 = tpu.memref_slice %arg22[%dma_wait3A_356, %dma_wait3A_357] : memref<10112x128xf32, #tpu.memory_space<vmem_shared>> -> memref<10112x128xf32, #tpu.memory_space<vmem_shared>>
      tpu.wait_indirect_dma semaphore(%run_scoped3A_346 : memref<!tpu.dma_semaphore, #tpu.memory_space<semaphore_mem>>) src(%arg15 : memref<64x128xf32, #tpu.memory_space<vmem>>) dst(%dma_wait3A_358 : memref<10112x128xf32, #tpu.memory_space<vmem_shared>>)
      tpu.yield
    }) : () -> ()
    %dma_wait3A_333 = arith.constant 0 : i32
    %dma_wait3A_334 = tpu.memref_slice %arg13[%dma_wait3A_333] : memref<4992xi32, #tpu.memory_space<vmem>> -> memref<64xi32, #tpu.memory_space<vmem>>
    %dma_wait3A_335 = arith.constant 0 : i32
    %dma_wait3A_336 = arith.constant 0 : i32
    %dma_wait3A_337 = tpu.memref_slice %arg5[%dma_wait3A_335, %dma_wait3A_336] : memref<10000x128xf32, #tpu.memory_space<hbm>> -> memref<10000x128xf32, #tpu.memory_space<hbm>>
    tpu.wait_indirect_dma semaphore(%arg24 : memref<!tpu.dma_semaphore, #tpu.memory_space<semaphore_mem>>) src(%dma_wait3A_337 : memref<10000x128xf32, #tpu.memory_space<hbm>>) dst(%arg16 : memref<64x128xf32, #tpu.memory_space<vmem>>)
    %run_scoped3A_338 = arith.constant 77 : i32
    "tpu.region"() ({
      %run_scoped3A_346 = tpu.sem_alloc : memref<!tpu.dma_semaphore, #tpu.memory_space<semaphore_mem>>
      %dma_start3A_347 = arith.constant 0 : i32
      %dma_start3A_348 = tpu.memref_slice %arg14[%run_scoped3A_338, %dma_start3A_347] : memref<78x64xi32, #tpu.memory_space<vmem>> -> memref<1x64xi32, #tpu.memory_space<vmem>>
      %dma_start3A_349 = tpu.memref_squeeze %dma_start3A_348 : memref<1x64xi32, #tpu.memory_space<vmem>> -> memref<64xi32, #tpu.memory_space<vmem>>
      %dma_start3A_350 = arith.constant 0 : i32
      %dma_start3A_351 = arith.constant 0 : i32
      %dma_start3A_352 = tpu.memref_slice %arg22[%dma_start3A_350, %dma_start3A_351] : memref<10112x128xf32, #tpu.memory_space<vmem_shared>> -> memref<10112x128xf32, #tpu.memory_space<vmem_shared>>
      tpu.enqueue_indirect_dma source(%arg16 : memref<64x128xf32, #tpu.memory_space<vmem>>) target(%dma_start3A_352 : memref<10112x128xf32, #tpu.memory_space<vmem_shared>>) offsets(%dma_start3A_349 : memref<64xi32, #tpu.memory_space<vmem>>) semaphore(%run_scoped3A_346 : memref<!tpu.dma_semaphore, #tpu.memory_space<semaphore_mem>>) {add = true}
      %dma_wait3A_353 = arith.constant 0 : i32
      %dma_wait3A_354 = tpu.memref_slice %arg14[%run_scoped3A_338, %dma_wait3A_353] : memref<78x64xi32, #tpu.memory_space<vmem>> -> memref<1x64xi32, #tpu.memory_space<vmem>>
      %dma_wait3A_355 = tpu.memref_squeeze %dma_wait3A_354 : memref<1x64xi32, #tpu.memory_space<vmem>> -> memref<64xi32, #tpu.memory_space<vmem>>
      %dma_wait3A_356 = arith.constant 0 : i32
      %dma_wait3A_357 = arith.constant 0 : i32
      %dma_wait3A_358 = tpu.memref_slice %arg22[%dma_wait3A_356, %dma_wait3A_357] : memref<10112x128xf32, #tpu.memory_space<vmem_shared>> -> memref<10112x128xf32, #tpu.memory_space<vmem_shared>>
      tpu.wait_indirect_dma semaphore(%run_scoped3A_346 : memref<!tpu.dma_semaphore, #tpu.memory_space<semaphore_mem>>) src(%arg16 : memref<64x128xf32, #tpu.memory_space<vmem>>) dst(%dma_wait3A_358 : memref<10112x128xf32, #tpu.memory_space<vmem_shared>>)
      tpu.yield
    }) : () -> ()
    %dma_start3A_339 = arith.constant 0 : i32
    %dma_start3A_340 = arith.constant 0 : i32
    %dma_start3A_341 = tpu.memref_slice %arg5[%dma_start3A_339, %dma_start3A_340] : memref<10000x128xf32, #tpu.memory_space<hbm>> -> memref<10000x128xf32, #tpu.memory_space<hbm>>
    tpu.enqueue_indirect_dma source(%dma_start3A_341 : memref<10000x128xf32, #tpu.memory_space<hbm>>) target(%arg21 : memref<8x128xf32, #tpu.memory_space<vmem>>) offsets(%arg19 : memref<8xi32, #tpu.memory_space<vmem>>) semaphore(%arg28 : memref<!tpu.dma_semaphore, #tpu.memory_space<semaphore_mem>>)
    %dma_wait3A_342 = arith.constant 0 : i32
    %dma_wait3A_343 = arith.constant 0 : i32
    %dma_wait3A_344 = tpu.memref_slice %arg5[%dma_wait3A_342, %dma_wait3A_343] : memref<10000x128xf32, #tpu.memory_space<hbm>> -> memref<10000x128xf32, #tpu.memory_space<hbm>>
    tpu.wait_indirect_dma semaphore(%arg28 : memref<!tpu.dma_semaphore, #tpu.memory_space<semaphore_mem>>) src(%dma_wait3A_344 : memref<10000x128xf32, #tpu.memory_space<hbm>>) dst(%arg21 : memref<8x128xf32, #tpu.memory_space<vmem>>)
    "tpu.region"() ({
      %run_scoped3A_346 = tpu.sem_alloc : memref<!tpu.dma_semaphore, #tpu.memory_space<semaphore_mem>>
      %dma_start3A_347 = arith.constant 0 : i32
      %dma_start3A_348 = arith.constant 0 : i32
      %dma_start3A_349 = tpu.memref_slice %arg22[%dma_start3A_347, %dma_start3A_348] : memref<10112x128xf32, #tpu.memory_space<vmem_shared>> -> memref<10112x128xf32, #tpu.memory_space<vmem_shared>>
      tpu.enqueue_indirect_dma source(%arg21 : memref<8x128xf32, #tpu.memory_space<vmem>>) target(%dma_start3A_349 : memref<10112x128xf32, #tpu.memory_space<vmem_shared>>) offsets(%arg20 : memref<8xi32, #tpu.memory_space<vmem>>) semaphore(%run_scoped3A_346 : memref<!tpu.dma_semaphore, #tpu.memory_space<semaphore_mem>>) {add = true}
      %dma_wait3A_350 = arith.constant 0 : i32
      %dma_wait3A_351 = arith.constant 0 : i32
      %dma_wait3A_352 = tpu.memref_slice %arg22[%dma_wait3A_350, %dma_wait3A_351] : memref<10112x128xf32, #tpu.memory_space<vmem_shared>> -> memref<10112x128xf32, #tpu.memory_space<vmem_shared>>
      tpu.wait_indirect_dma semaphore(%run_scoped3A_346 : memref<!tpu.dma_semaphore, #tpu.memory_space<semaphore_mem>>) src(%arg21 : memref<8x128xf32, #tpu.memory_space<vmem>>) dst(%dma_wait3A_352 : memref<10112x128xf32, #tpu.memory_space<vmem_shared>>)
      tpu.yield
    }) : () -> ()
    %barrier3A_345 = arith.constant 0 : index
    tpu.barrier barrier_id(%barrier3A_345)
    "tpu.region"() ({
      %run_scoped3A_346 = tpu.sem_alloc : memref<!tpu.dma_semaphore, #tpu.memory_space<semaphore_mem>>
      %dma_start3A_347 = arith.constant 0 : i32
      %dma_start3A_348 = tpu.memref_slice %arg12[%arg0, %mul3A_0, %dma_start3A_347] : memref<2x10112x128xf32, #tpu.memory_space<hbm>> -> memref<1x632x128xf32, #tpu.memory_space<hbm>>
      %dma_start3A_349 = tpu.memref_squeeze %dma_start3A_348 : memref<1x632x128xf32, #tpu.memory_space<hbm>> -> memref<632x128xf32, #tpu.memory_space<hbm>>
      %dma_start3A_350 = arith.constant 0 : i32
      %dma_start3A_351 = tpu.memref_slice %arg22[%mul3A_0, %dma_start3A_350] : memref<10112x128xf32, #tpu.memory_space<vmem_shared>> -> memref<632x128xf32, #tpu.memory_space<vmem_shared>>
      tpu.enqueue_dma source(%dma_start3A_351 : memref<632x128xf32, #tpu.memory_space<vmem_shared>>) target(%dma_start3A_349 : memref<632x128xf32, #tpu.memory_space<hbm>>) target_semaphore(%run_scoped3A_346 : memref<!tpu.dma_semaphore, #tpu.memory_space<semaphore_mem>>)
      %dma_wait3A_352 = arith.constant 0 : i32
      %dma_wait3A_353 = tpu.memref_slice %arg12[%arg0, %mul3A_0, %dma_wait3A_352] : memref<2x10112x128xf32, #tpu.memory_space<hbm>> -> memref<1x632x128xf32, #tpu.memory_space<hbm>>
      %dma_wait3A_354 = tpu.memref_squeeze %dma_wait3A_353 : memref<1x632x128xf32, #tpu.memory_space<hbm>> -> memref<632x128xf32, #tpu.memory_space<hbm>>
      %dma_wait3A_355 = arith.constant 0 : i32
      %dma_wait3A_356 = tpu.memref_slice %arg22[%mul3A_0, %dma_wait3A_355] : memref<10112x128xf32, #tpu.memory_space<vmem_shared>> -> memref<632x128xf32, #tpu.memory_space<vmem_shared>>
      tpu.wait_dma2 semaphore(%run_scoped3A_346 : memref<!tpu.dma_semaphore, #tpu.memory_space<semaphore_mem>>) src(%dma_wait3A_356 : memref<632x128xf32, #tpu.memory_space<vmem_shared>>) dst(%dma_wait3A_354 : memref<632x128xf32, #tpu.memory_space<hbm>>)
      tpu.yield
    }) : () -> ()
    return
  }
}

#map = affine_map<(d0, d1) -> (0, 0)>
#map1 = affine_map<(d0, d1) -> (0)>
#map2 = affine_map<(d0, d1) -> (0, 0, 0)>
module attributes {stable_mosaic.version = 14 : i64} {
  func.func @body(%arg0: i32, %arg1: i32, %arg2: memref<10000x128xf32, #tpu.memory_space<hbm>>, %arg3: memref<10000x128xf32, #tpu.memory_space<hbm>>, %arg4: memref<160000xi32, #tpu.memory_space<hbm>>, %arg5: memref<160000xi32, #tpu.memory_space<hbm>>, %arg6: memref<10112x128xf32, #tpu.memory_space<hbm>>, %arg7: memref<64x128xf32, #tpu.memory_space<hbm>>, %arg8: memref<2x10112x128xf32, #tpu.memory_space<hbm>>, %arg9: memref<2x10112x128xf32, #tpu.memory_space<hbm>>, %arg10: memref<2x10112x128xf32, #tpu.memory_space<hbm>>, %arg11: memref<4992xi32, #tpu.memory_space<vmem>>, %arg12: memref<78x64xi32, #tpu.memory_space<vmem>>, %arg13: memref<64x128xf32, #tpu.memory_space<vmem>>, %arg14: memref<64x128xf32, #tpu.memory_space<vmem>>, %arg15: memref<64x128xf32, #tpu.memory_space<vmem>>, %arg16: memref<64x128xf32, #tpu.memory_space<vmem>>, %arg17: memref<8xi32, #tpu.memory_space<vmem>>, %arg18: memref<8xi32, #tpu.memory_space<vmem>>, %arg19: memref<8x128xf32, #tpu.memory_space<vmem>>, %arg20: memref<10112x128xf32, #tpu.memory_space<vmem_shared>>, %arg21: memref<!tpu.dma_semaphore, #tpu.memory_space<semaphore_mem>>, %arg22: memref<!tpu.dma_semaphore, #tpu.memory_space<semaphore_mem>>, %arg23: memref<!tpu.dma_semaphore, #tpu.memory_space<semaphore_mem>>, %arg24: memref<!tpu.dma_semaphore, #tpu.memory_space<semaphore_mem>>, %arg25: memref<!tpu.dma_semaphore, #tpu.memory_space<semaphore_mem>>, %arg26: memref<!tpu.dma_semaphore, #tpu.memory_space<semaphore_mem>>) attributes {dimension_semantics = [#tpu.dimension_semantics<core_parallel>, #tpu.dimension_semantics<subcore_parallel>], iteration_bounds = array<i64: 2, 16>, scalar_prefetch = 0 : i64, scratch_operands = 16 : i64, tpu.core_type = #tpu.core_type<sc_vector_subcore>, window_params = [{transform_indices = #map}, {transform_indices = #map}, {transform_indices = #map1}, {transform_indices = #map1}, {transform_indices = #map}, {transform_indices = #map}, {transform_indices = #map2}, {transform_indices = #map2}, {transform_indices = #map2}]} {
    %mul3A = arith.constant 632 : i32
    %mul3A_0 = arith.muli %arg1, %mul3A : i32
    %mul3A_1 = arith.constant 80000 : i32
    %mul3A_2 = arith.muli %arg0, %mul3A_1 : i32
    %mul3A_3 = arith.constant 5000 : i32
    %mul3A_4 = arith.muli %arg1, %mul3A_3 : i32
    %add3A = arith.addi %mul3A_2, %mul3A_4 : i32
    %add3A_5 = arith.constant 4992 : i32
    %add3A_6 = arith.addi %add3A, %add3A_5 : i32
    %dma_start3A = tpu.memref_slice %arg5[%add3A] : memref<160000xi32, #tpu.memory_space<hbm>> -> memref<4992xi32, #tpu.memory_space<hbm>>
    %dma_start3A_7 = tpu.memref_slice %arg5[%add3A] : memref<160000xi32, #tpu.memory_space<hbm>> -> memref<4992xi32, #tpu.memory_space<hbm>>
    tpu.enqueue_dma source(%dma_start3A_7 : memref<4992xi32, #tpu.memory_space<hbm>>) target(%arg11 : memref<4992xi32, #tpu.memory_space<vmem>>) target_semaphore(%arg26 : memref<!tpu.dma_semaphore, #tpu.memory_space<semaphore_mem>>)
    %scan3A = arith.constant 0 : i32
    %scan3A_8 = arith.constant 0 : i32
    %scan3A_9 = arith.constant 78 : i32
    %scan3A_10 = arith.addi %scan3A_8, %scan3A_9 : i32
    %scan3A_11 = arith.constant 1 : i32
    scf.for %scan3A_234 = %scan3A_8 to %scan3A_10 step %scan3A_11  : i32 {
      %mul3A_235 = arith.constant 64 : i32
      %mul3A_236 = arith.muli %scan3A_234, %mul3A_235 : i32
      %add3A_237 = arith.addi %add3A, %mul3A_236 : i32
      %dma_start3A_238 = arith.constant 0 : i32
      %dma_start3A_239 = tpu.memref_slice %arg12[%scan3A_234, %dma_start3A_238] : memref<78x64xi32, #tpu.memory_space<vmem>> -> memref<1x64xi32, #tpu.memory_space<vmem>>
      %dma_start3A_240 = tpu.memref_squeeze %dma_start3A_239 : memref<1x64xi32, #tpu.memory_space<vmem>> -> memref<64xi32, #tpu.memory_space<vmem>>
      %dma_start3A_241 = tpu.memref_slice %arg4[%add3A_237] : memref<160000xi32, #tpu.memory_space<hbm>> -> memref<64xi32, #tpu.memory_space<hbm>>
      %dma_start3A_242 = arith.constant 0 : i32
      %dma_start3A_243 = tpu.memref_slice %arg12[%scan3A_234, %dma_start3A_242] : memref<78x64xi32, #tpu.memory_space<vmem>> -> memref<1x64xi32, #tpu.memory_space<vmem>>
      %dma_start3A_244 = tpu.memref_squeeze %dma_start3A_243 : memref<1x64xi32, #tpu.memory_space<vmem>> -> memref<64xi32, #tpu.memory_space<vmem>>
      %dma_start3A_245 = tpu.memref_slice %arg4[%add3A_237] : memref<160000xi32, #tpu.memory_space<hbm>> -> memref<64xi32, #tpu.memory_space<hbm>>
      tpu.enqueue_dma source(%dma_start3A_245 : memref<64xi32, #tpu.memory_space<hbm>>) target(%dma_start3A_244 : memref<64xi32, #tpu.memory_space<vmem>>) target_semaphore(%arg25 : memref<!tpu.dma_semaphore, #tpu.memory_space<semaphore_mem>>)
    }
    %scan3A_12 = arith.constant 78 : i32
    %dma_start3A_13 = tpu.memref_slice %arg5[%add3A_6] : memref<160000xi32, #tpu.memory_space<hbm>> -> memref<8xi32, #tpu.memory_space<hbm>>
    %dma_start3A_14 = tpu.memref_slice %arg5[%add3A_6] : memref<160000xi32, #tpu.memory_space<hbm>> -> memref<8xi32, #tpu.memory_space<hbm>>
    tpu.enqueue_dma source(%dma_start3A_14 : memref<8xi32, #tpu.memory_space<hbm>>) target(%arg17 : memref<8xi32, #tpu.memory_space<vmem>>) target_semaphore(%arg25 : memref<!tpu.dma_semaphore, #tpu.memory_space<semaphore_mem>>)
    %dma_start3A_15 = tpu.memref_slice %arg4[%add3A_6] : memref<160000xi32, #tpu.memory_space<hbm>> -> memref<8xi32, #tpu.memory_space<hbm>>
    %dma_start3A_16 = tpu.memref_slice %arg4[%add3A_6] : memref<160000xi32, #tpu.memory_space<hbm>> -> memref<8xi32, #tpu.memory_space<hbm>>
    tpu.enqueue_dma source(%dma_start3A_16 : memref<8xi32, #tpu.memory_space<hbm>>) target(%arg18 : memref<8xi32, #tpu.memory_space<vmem>>) target_semaphore(%arg25 : memref<!tpu.dma_semaphore, #tpu.memory_space<semaphore_mem>>)
    %scan3A_17 = arith.constant 0 : i32
    %scan3A_18 = arith.constant 0 : i32
    %scan3A_19 = arith.constant 78 : i32
    %scan3A_20 = arith.addi %scan3A_18, %scan3A_19 : i32
    %scan3A_21 = arith.constant 1 : i32
    scf.for %scan3A_234 = %scan3A_18 to %scan3A_20 step %scan3A_21  : i32 {
      %dma_wait3A_235 = arith.constant 0 : i32
      %dma_wait3A_236 = tpu.memref_slice %arg12[%scan3A_234, %dma_wait3A_235] : memref<78x64xi32, #tpu.memory_space<vmem>> -> memref<1x64xi32, #tpu.memory_space<vmem>>
      %dma_wait3A_237 = tpu.memref_squeeze %dma_wait3A_236 : memref<1x64xi32, #tpu.memory_space<vmem>> -> memref<64xi32, #tpu.memory_space<vmem>>
      %dma_wait3A_238 = tpu.memref_slice %arg4[%add3A] : memref<160000xi32, #tpu.memory_space<hbm>> -> memref<64xi32, #tpu.memory_space<hbm>>
      %dma_wait3A_239 = arith.constant 0 : i32
      %dma_wait3A_240 = tpu.memref_slice %arg12[%scan3A_234, %dma_wait3A_239] : memref<78x64xi32, #tpu.memory_space<vmem>> -> memref<1x64xi32, #tpu.memory_space<vmem>>
      %dma_wait3A_241 = tpu.memref_squeeze %dma_wait3A_240 : memref<1x64xi32, #tpu.memory_space<vmem>> -> memref<64xi32, #tpu.memory_space<vmem>>
      %dma_wait3A_242 = tpu.memref_slice %arg4[%add3A] : memref<160000xi32, #tpu.memory_space<hbm>> -> memref<64xi32, #tpu.memory_space<hbm>>
      tpu.wait_dma2 semaphore(%arg25 : memref<!tpu.dma_semaphore, #tpu.memory_space<semaphore_mem>>) src(%dma_wait3A_242 : memref<64xi32, #tpu.memory_space<hbm>>) dst(%dma_wait3A_241 : memref<64xi32, #tpu.memory_space<vmem>>)
    }
    %scan3A_22 = arith.constant 78 : i32
    %dma_wait3A = tpu.memref_slice %arg5[%add3A_6] : memref<160000xi32, #tpu.memory_space<hbm>> -> memref<8xi32, #tpu.memory_space<hbm>>
    %dma_wait3A_23 = tpu.memref_slice %arg5[%add3A_6] : memref<160000xi32, #tpu.memory_space<hbm>> -> memref<8xi32, #tpu.memory_space<hbm>>
    tpu.wait_dma2 semaphore(%arg25 : memref<!tpu.dma_semaphore, #tpu.memory_space<semaphore_mem>>) src(%dma_wait3A_23 : memref<8xi32, #tpu.memory_space<hbm>>) dst(%arg17 : memref<8xi32, #tpu.memory_space<vmem>>)
    %dma_wait3A_24 = tpu.memref_slice %arg4[%add3A_6] : memref<160000xi32, #tpu.memory_space<hbm>> -> memref<8xi32, #tpu.memory_space<hbm>>
    %dma_wait3A_25 = tpu.memref_slice %arg4[%add3A_6] : memref<160000xi32, #tpu.memory_space<hbm>> -> memref<8xi32, #tpu.memory_space<hbm>>
    tpu.wait_dma2 semaphore(%arg25 : memref<!tpu.dma_semaphore, #tpu.memory_space<semaphore_mem>>) src(%dma_wait3A_25 : memref<8xi32, #tpu.memory_space<hbm>>) dst(%arg18 : memref<8xi32, #tpu.memory_space<vmem>>)
    %dma_wait3A_26 = tpu.memref_slice %arg5[%add3A] : memref<160000xi32, #tpu.memory_space<hbm>> -> memref<4992xi32, #tpu.memory_space<hbm>>
    %dma_wait3A_27 = tpu.memref_slice %arg5[%add3A] : memref<160000xi32, #tpu.memory_space<hbm>> -> memref<4992xi32, #tpu.memory_space<hbm>>
    tpu.wait_dma2 semaphore(%arg26 : memref<!tpu.dma_semaphore, #tpu.memory_space<semaphore_mem>>) src(%dma_wait3A_27 : memref<4992xi32, #tpu.memory_space<hbm>>) dst(%arg11 : memref<4992xi32, #tpu.memory_space<vmem>>)
    "tpu.region"() ({
      %run_scoped3A_234 = tpu.sem_alloc : memref<!tpu.dma_semaphore, #tpu.memory_space<semaphore_mem>>
      tpu.enqueue_dma source(%arg7 : memref<64x128xf32, #tpu.memory_space<hbm>>) target(%arg13 : memref<64x128xf32, #tpu.memory_space<vmem>>) target_semaphore(%run_scoped3A_234 : memref<!tpu.dma_semaphore, #tpu.memory_space<semaphore_mem>>)
      tpu.wait_dma2 semaphore(%run_scoped3A_234 : memref<!tpu.dma_semaphore, #tpu.memory_space<semaphore_mem>>) src(%arg7 : memref<64x128xf32, #tpu.memory_space<hbm>>) dst(%arg13 : memref<64x128xf32, #tpu.memory_space<vmem>>)
      tpu.yield
    }) : () -> ()
    "tpu.region"() ({
      %run_scoped3A_234 = tpu.sem_alloc : memref<!tpu.dma_semaphore, #tpu.memory_space<semaphore_mem>>
      %dma_start3A_235 = arith.constant 0 : i32
      %dma_start3A_236 = tpu.memref_slice %arg20[%mul3A_0, %dma_start3A_235] : memref<10112x128xf32, #tpu.memory_space<vmem_shared>> -> memref<632x128xf32, #tpu.memory_space<vmem_shared>>
      %dma_start3A_237 = arith.constant 0 : i32
      %dma_start3A_238 = tpu.memref_slice %arg6[%mul3A_0, %dma_start3A_237] : memref<10112x128xf32, #tpu.memory_space<hbm>> -> memref<632x128xf32, #tpu.memory_space<hbm>>
      tpu.enqueue_dma source(%dma_start3A_238 : memref<632x128xf32, #tpu.memory_space<hbm>>) target(%dma_start3A_236 : memref<632x128xf32, #tpu.memory_space<vmem_shared>>) target_semaphore(%run_scoped3A_234 : memref<!tpu.dma_semaphore, #tpu.memory_space<semaphore_mem>>)
      %dma_wait3A_239 = arith.constant 0 : i32
      %dma_wait3A_240 = tpu.memref_slice %arg20[%mul3A_0, %dma_wait3A_239] : memref<10112x128xf32, #tpu.memory_space<vmem_shared>> -> memref<632x128xf32, #tpu.memory_space<vmem_shared>>
      %dma_wait3A_241 = arith.constant 0 : i32
      %dma_wait3A_242 = tpu.memref_slice %arg6[%mul3A_0, %dma_wait3A_241] : memref<10112x128xf32, #tpu.memory_space<hbm>> -> memref<632x128xf32, #tpu.memory_space<hbm>>
      tpu.wait_dma2 semaphore(%run_scoped3A_234 : memref<!tpu.dma_semaphore, #tpu.memory_space<semaphore_mem>>) src(%dma_wait3A_242 : memref<632x128xf32, #tpu.memory_space<hbm>>) dst(%dma_wait3A_240 : memref<632x128xf32, #tpu.memory_space<vmem_shared>>)
      tpu.yield
    }) : () -> ()
    %barrier3A = arith.constant 0 : index
    tpu.barrier barrier_id(%barrier3A)
    %dma_start3A_28 = arith.constant 0 : i32
    %dma_start3A_29 = arith.constant 0 : i32
    %dma_start3A_30 = tpu.memref_slice %arg12[%dma_start3A_28, %dma_start3A_29] : memref<78x64xi32, #tpu.memory_space<vmem>> -> memref<1x64xi32, #tpu.memory_space<vmem>>
    %dma_start3A_31 = tpu.memref_squeeze %dma_start3A_30 : memref<1x64xi32, #tpu.memory_space<vmem>> -> memref<64xi32, #tpu.memory_space<vmem>>
    %dma_start3A_32 = arith.constant 0 : i32
    %dma_start3A_33 = arith.constant 0 : i32
    %dma_start3A_34 = tpu.memref_slice %arg20[%dma_start3A_32, %dma_start3A_33] : memref<10112x128xf32, #tpu.memory_space<vmem_shared>> -> memref<10112x128xf32, #tpu.memory_space<vmem_shared>>
    tpu.enqueue_indirect_dma source(%arg13 : memref<64x128xf32, #tpu.memory_space<vmem>>) target(%dma_start3A_34 : memref<10112x128xf32, #tpu.memory_space<vmem_shared>>) offsets(%dma_start3A_31 : memref<64xi32, #tpu.memory_space<vmem>>) semaphore(%arg26 : memref<!tpu.dma_semaphore, #tpu.memory_space<semaphore_mem>>) {add = true}
    %dma_start3A_35 = arith.constant 1 : i32
    %dma_start3A_36 = arith.constant 0 : i32
    %dma_start3A_37 = tpu.memref_slice %arg12[%dma_start3A_35, %dma_start3A_36] : memref<78x64xi32, #tpu.memory_space<vmem>> -> memref<1x64xi32, #tpu.memory_space<vmem>>
    %dma_start3A_38 = tpu.memref_squeeze %dma_start3A_37 : memref<1x64xi32, #tpu.memory_space<vmem>> -> memref<64xi32, #tpu.memory_space<vmem>>
    %dma_start3A_39 = arith.constant 0 : i32
    %dma_start3A_40 = arith.constant 0 : i32
    %dma_start3A_41 = tpu.memref_slice %arg20[%dma_start3A_39, %dma_start3A_40] : memref<10112x128xf32, #tpu.memory_space<vmem_shared>> -> memref<10112x128xf32, #tpu.memory_space<vmem_shared>>
    tpu.enqueue_indirect_dma source(%arg13 : memref<64x128xf32, #tpu.memory_space<vmem>>) target(%dma_start3A_41 : memref<10112x128xf32, #tpu.memory_space<vmem_shared>>) offsets(%dma_start3A_38 : memref<64xi32, #tpu.memory_space<vmem>>) semaphore(%arg25 : memref<!tpu.dma_semaphore, #tpu.memory_space<semaphore_mem>>) {add = true}
    %scan3A_42 = arith.constant 0 : i32
    %scan3A_43 = arith.constant 0 : i32
    %scan3A_44 = arith.constant 38 : i32
    %scan3A_45 = arith.addi %scan3A_43, %scan3A_44 : i32
    %scan3A_46 = arith.constant 1 : i32
    scf.for %scan3A_234 = %scan3A_43 to %scan3A_45 step %scan3A_46  : i32 {
      %dma_wait3A_235 = arith.constant 0 : i32
      %dma_wait3A_236 = arith.constant 0 : i32
      %dma_wait3A_237 = tpu.memref_slice %arg12[%dma_wait3A_235, %dma_wait3A_236] : memref<78x64xi32, #tpu.memory_space<vmem>> -> memref<1x64xi32, #tpu.memory_space<vmem>>
      %dma_wait3A_238 = tpu.memref_squeeze %dma_wait3A_237 : memref<1x64xi32, #tpu.memory_space<vmem>> -> memref<64xi32, #tpu.memory_space<vmem>>
      %dma_wait3A_239 = arith.constant 0 : i32
      %dma_wait3A_240 = arith.constant 0 : i32
      %dma_wait3A_241 = tpu.memref_slice %arg20[%dma_wait3A_239, %dma_wait3A_240] : memref<10112x128xf32, #tpu.memory_space<vmem_shared>> -> memref<10112x128xf32, #tpu.memory_space<vmem_shared>>
      tpu.wait_indirect_dma semaphore(%arg26 : memref<!tpu.dma_semaphore, #tpu.memory_space<semaphore_mem>>) src(%arg13 : memref<64x128xf32, #tpu.memory_space<vmem>>) dst(%dma_wait3A_241 : memref<10112x128xf32, #tpu.memory_space<vmem_shared>>)
      %mul3A_242 = arith.constant 2 : i32
      %mul3A_243 = arith.muli %mul3A_242, %scan3A_234 : i32
      %add3A_244 = arith.constant 2 : i32
      %add3A_245 = arith.addi %mul3A_243, %add3A_244 : i32
      %dma_start3A_246 = arith.constant 0 : i32
      %dma_start3A_247 = tpu.memref_slice %arg12[%add3A_245, %dma_start3A_246] : memref<78x64xi32, #tpu.memory_space<vmem>> -> memref<1x64xi32, #tpu.memory_space<vmem>>
      %dma_start3A_248 = tpu.memref_squeeze %dma_start3A_247 : memref<1x64xi32, #tpu.memory_space<vmem>> -> memref<64xi32, #tpu.memory_space<vmem>>
      %dma_start3A_249 = arith.constant 0 : i32
      %dma_start3A_250 = arith.constant 0 : i32
      %dma_start3A_251 = tpu.memref_slice %arg20[%dma_start3A_249, %dma_start3A_250] : memref<10112x128xf32, #tpu.memory_space<vmem_shared>> -> memref<10112x128xf32, #tpu.memory_space<vmem_shared>>
      tpu.enqueue_indirect_dma source(%arg13 : memref<64x128xf32, #tpu.memory_space<vmem>>) target(%dma_start3A_251 : memref<10112x128xf32, #tpu.memory_space<vmem_shared>>) offsets(%dma_start3A_248 : memref<64xi32, #tpu.memory_space<vmem>>) semaphore(%arg26 : memref<!tpu.dma_semaphore, #tpu.memory_space<semaphore_mem>>) {add = true}
      %dma_wait3A_252 = arith.constant 0 : i32
      %dma_wait3A_253 = arith.constant 0 : i32
      %dma_wait3A_254 = tpu.memref_slice %arg12[%dma_wait3A_252, %dma_wait3A_253] : memref<78x64xi32, #tpu.memory_space<vmem>> -> memref<1x64xi32, #tpu.memory_space<vmem>>
      %dma_wait3A_255 = tpu.memref_squeeze %dma_wait3A_254 : memref<1x64xi32, #tpu.memory_space<vmem>> -> memref<64xi32, #tpu.memory_space<vmem>>
      %dma_wait3A_256 = arith.constant 0 : i32
      %dma_wait3A_257 = arith.constant 0 : i32
      %dma_wait3A_258 = tpu.memref_slice %arg20[%dma_wait3A_256, %dma_wait3A_257] : memref<10112x128xf32, #tpu.memory_space<vmem_shared>> -> memref<10112x128xf32, #tpu.memory_space<vmem_shared>>
      tpu.wait_indirect_dma semaphore(%arg25 : memref<!tpu.dma_semaphore, #tpu.memory_space<semaphore_mem>>) src(%arg13 : memref<64x128xf32, #tpu.memory_space<vmem>>) dst(%dma_wait3A_258 : memref<10112x128xf32, #tpu.memory_space<vmem_shared>>)
      %mul3A_259 = arith.constant 2 : i32
      %mul3A_260 = arith.muli %mul3A_259, %scan3A_234 : i32
      %add3A_261 = arith.constant 3 : i32
      %add3A_262 = arith.addi %mul3A_260, %add3A_261 : i32
      %dma_start3A_263 = arith.constant 0 : i32
      %dma_start3A_264 = tpu.memref_slice %arg12[%add3A_262, %dma_start3A_263] : memref<78x64xi32, #tpu.memory_space<vmem>> -> memref<1x64xi32, #tpu.memory_space<vmem>>
      %dma_start3A_265 = tpu.memref_squeeze %dma_start3A_264 : memref<1x64xi32, #tpu.memory_space<vmem>> -> memref<64xi32, #tpu.memory_space<vmem>>
      %dma_start3A_266 = arith.constant 0 : i32
      %dma_start3A_267 = arith.constant 0 : i32
      %dma_start3A_268 = tpu.memref_slice %arg20[%dma_start3A_266, %dma_start3A_267] : memref<10112x128xf32, #tpu.memory_space<vmem_shared>> -> memref<10112x128xf32, #tpu.memory_space<vmem_shared>>
      tpu.enqueue_indirect_dma source(%arg13 : memref<64x128xf32, #tpu.memory_space<vmem>>) target(%dma_start3A_268 : memref<10112x128xf32, #tpu.memory_space<vmem_shared>>) offsets(%dma_start3A_265 : memref<64xi32, #tpu.memory_space<vmem>>) semaphore(%arg25 : memref<!tpu.dma_semaphore, #tpu.memory_space<semaphore_mem>>) {add = true}
    }
    %scan3A_47 = arith.constant 38 : i32
    %dma_wait3A_48 = arith.constant 0 : i32
    %dma_wait3A_49 = arith.constant 0 : i32
    %dma_wait3A_50 = tpu.memref_slice %arg12[%dma_wait3A_48, %dma_wait3A_49] : memref<78x64xi32, #tpu.memory_space<vmem>> -> memref<1x64xi32, #tpu.memory_space<vmem>>
    %dma_wait3A_51 = tpu.memref_squeeze %dma_wait3A_50 : memref<1x64xi32, #tpu.memory_space<vmem>> -> memref<64xi32, #tpu.memory_space<vmem>>
    %dma_wait3A_52 = arith.constant 0 : i32
    %dma_wait3A_53 = arith.constant 0 : i32
    %dma_wait3A_54 = tpu.memref_slice %arg20[%dma_wait3A_52, %dma_wait3A_53] : memref<10112x128xf32, #tpu.memory_space<vmem_shared>> -> memref<10112x128xf32, #tpu.memory_space<vmem_shared>>
    tpu.wait_indirect_dma semaphore(%arg26 : memref<!tpu.dma_semaphore, #tpu.memory_space<semaphore_mem>>) src(%arg13 : memref<64x128xf32, #tpu.memory_space<vmem>>) dst(%dma_wait3A_54 : memref<10112x128xf32, #tpu.memory_space<vmem_shared>>)
    %dma_wait3A_55 = arith.constant 0 : i32
    %dma_wait3A_56 = arith.constant 0 : i32
    %dma_wait3A_57 = tpu.memref_slice %arg12[%dma_wait3A_55, %dma_wait3A_56] : memref<78x64xi32, #tpu.memory_space<vmem>> -> memref<1x64xi32, #tpu.memory_space<vmem>>
    %dma_wait3A_58 = tpu.memref_squeeze %dma_wait3A_57 : memref<1x64xi32, #tpu.memory_space<vmem>> -> memref<64xi32, #tpu.memory_space<vmem>>
    %dma_wait3A_59 = arith.constant 0 : i32
    %dma_wait3A_60 = arith.constant 0 : i32
    %dma_wait3A_61 = tpu.memref_slice %arg20[%dma_wait3A_59, %dma_wait3A_60] : memref<10112x128xf32, #tpu.memory_space<vmem_shared>> -> memref<10112x128xf32, #tpu.memory_space<vmem_shared>>
    tpu.wait_indirect_dma semaphore(%arg25 : memref<!tpu.dma_semaphore, #tpu.memory_space<semaphore_mem>>) src(%arg13 : memref<64x128xf32, #tpu.memory_space<vmem>>) dst(%dma_wait3A_61 : memref<10112x128xf32, #tpu.memory_space<vmem_shared>>)
    %dma_start3A_62 = arith.constant 0 : i32
    %dma_start3A_63 = arith.constant 0 : i32
    %dma_start3A_64 = tpu.memref_slice %arg13[%dma_start3A_62, %dma_start3A_63] : memref<64x128xf32, #tpu.memory_space<vmem>> -> memref<8x128xf32, #tpu.memory_space<vmem>>
    %dma_start3A_65 = arith.constant 0 : i32
    %dma_start3A_66 = arith.constant 0 : i32
    %dma_start3A_67 = tpu.memref_slice %arg20[%dma_start3A_65, %dma_start3A_66] : memref<10112x128xf32, #tpu.memory_space<vmem_shared>> -> memref<10112x128xf32, #tpu.memory_space<vmem_shared>>
    tpu.enqueue_indirect_dma source(%dma_start3A_64 : memref<8x128xf32, #tpu.memory_space<vmem>>) target(%dma_start3A_67 : memref<10112x128xf32, #tpu.memory_space<vmem_shared>>) offsets(%arg18 : memref<8xi32, #tpu.memory_space<vmem>>) semaphore(%arg25 : memref<!tpu.dma_semaphore, #tpu.memory_space<semaphore_mem>>) {add = true}
    %dma_wait3A_68 = arith.constant 0 : i32
    %dma_wait3A_69 = arith.constant 0 : i32
    %dma_wait3A_70 = tpu.memref_slice %arg13[%dma_wait3A_68, %dma_wait3A_69] : memref<64x128xf32, #tpu.memory_space<vmem>> -> memref<8x128xf32, #tpu.memory_space<vmem>>
    %dma_wait3A_71 = arith.constant 0 : i32
    %dma_wait3A_72 = arith.constant 0 : i32
    %dma_wait3A_73 = tpu.memref_slice %arg20[%dma_wait3A_71, %dma_wait3A_72] : memref<10112x128xf32, #tpu.memory_space<vmem_shared>> -> memref<10112x128xf32, #tpu.memory_space<vmem_shared>>
    tpu.wait_indirect_dma semaphore(%arg25 : memref<!tpu.dma_semaphore, #tpu.memory_space<semaphore_mem>>) src(%dma_wait3A_70 : memref<8x128xf32, #tpu.memory_space<vmem>>) dst(%dma_wait3A_73 : memref<10112x128xf32, #tpu.memory_space<vmem_shared>>)
    %barrier3A_74 = arith.constant 0 : index
    tpu.barrier barrier_id(%barrier3A_74)
    %dma_start3A_75 = arith.constant 0 : i32
    %dma_start3A_76 = tpu.memref_slice %arg11[%dma_start3A_75] : memref<4992xi32, #tpu.memory_space<vmem>> -> memref<64xi32, #tpu.memory_space<vmem>>
    %dma_start3A_77 = arith.constant 0 : i32
    %dma_start3A_78 = arith.constant 0 : i32
    %dma_start3A_79 = tpu.memref_slice %arg2[%dma_start3A_77, %dma_start3A_78] : memref<10000x128xf32, #tpu.memory_space<hbm>> -> memref<10000x128xf32, #tpu.memory_space<hbm>>
    tpu.enqueue_indirect_dma source(%dma_start3A_79 : memref<10000x128xf32, #tpu.memory_space<hbm>>) target(%arg13 : memref<64x128xf32, #tpu.memory_space<vmem>>) offsets(%dma_start3A_76 : memref<64xi32, #tpu.memory_space<vmem>>) semaphore(%arg21 : memref<!tpu.dma_semaphore, #tpu.memory_space<semaphore_mem>>)
    %dma_start3A_80 = arith.constant 64 : i32
    %dma_start3A_81 = tpu.memref_slice %arg11[%dma_start3A_80] : memref<4992xi32, #tpu.memory_space<vmem>> -> memref<64xi32, #tpu.memory_space<vmem>>
    %dma_start3A_82 = arith.constant 0 : i32
    %dma_start3A_83 = arith.constant 0 : i32
    %dma_start3A_84 = tpu.memref_slice %arg2[%dma_start3A_82, %dma_start3A_83] : memref<10000x128xf32, #tpu.memory_space<hbm>> -> memref<10000x128xf32, #tpu.memory_space<hbm>>
    tpu.enqueue_indirect_dma source(%dma_start3A_84 : memref<10000x128xf32, #tpu.memory_space<hbm>>) target(%arg14 : memref<64x128xf32, #tpu.memory_space<vmem>>) offsets(%dma_start3A_81 : memref<64xi32, #tpu.memory_space<vmem>>) semaphore(%arg22 : memref<!tpu.dma_semaphore, #tpu.memory_space<semaphore_mem>>)
    %dma_start3A_85 = arith.constant 128 : i32
    %dma_start3A_86 = tpu.memref_slice %arg11[%dma_start3A_85] : memref<4992xi32, #tpu.memory_space<vmem>> -> memref<64xi32, #tpu.memory_space<vmem>>
    %dma_start3A_87 = arith.constant 0 : i32
    %dma_start3A_88 = arith.constant 0 : i32
    %dma_start3A_89 = tpu.memref_slice %arg2[%dma_start3A_87, %dma_start3A_88] : memref<10000x128xf32, #tpu.memory_space<hbm>> -> memref<10000x128xf32, #tpu.memory_space<hbm>>
    tpu.enqueue_indirect_dma source(%dma_start3A_89 : memref<10000x128xf32, #tpu.memory_space<hbm>>) target(%arg15 : memref<64x128xf32, #tpu.memory_space<vmem>>) offsets(%dma_start3A_86 : memref<64xi32, #tpu.memory_space<vmem>>) semaphore(%arg23 : memref<!tpu.dma_semaphore, #tpu.memory_space<semaphore_mem>>)
    "tpu.region"() ({
      %run_scoped3A_234 = tpu.sem_alloc : memref<!tpu.dma_semaphore, #tpu.memory_space<semaphore_mem>>
      %dma_start3A_235 = arith.constant 0 : i32
      %dma_start3A_236 = tpu.memref_slice %arg10[%arg0, %mul3A_0, %dma_start3A_235] : memref<2x10112x128xf32, #tpu.memory_space<hbm>> -> memref<1x632x128xf32, #tpu.memory_space<hbm>>
      %dma_start3A_237 = tpu.memref_squeeze %dma_start3A_236 : memref<1x632x128xf32, #tpu.memory_space<hbm>> -> memref<632x128xf32, #tpu.memory_space<hbm>>
      %dma_start3A_238 = arith.constant 0 : i32
      %dma_start3A_239 = tpu.memref_slice %arg20[%mul3A_0, %dma_start3A_238] : memref<10112x128xf32, #tpu.memory_space<vmem_shared>> -> memref<632x128xf32, #tpu.memory_space<vmem_shared>>
      tpu.enqueue_dma source(%dma_start3A_239 : memref<632x128xf32, #tpu.memory_space<vmem_shared>>) target(%dma_start3A_237 : memref<632x128xf32, #tpu.memory_space<hbm>>) target_semaphore(%run_scoped3A_234 : memref<!tpu.dma_semaphore, #tpu.memory_space<semaphore_mem>>)
      %dma_wait3A_240 = arith.constant 0 : i32
      %dma_wait3A_241 = tpu.memref_slice %arg10[%arg0, %mul3A_0, %dma_wait3A_240] : memref<2x10112x128xf32, #tpu.memory_space<hbm>> -> memref<1x632x128xf32, #tpu.memory_space<hbm>>
      %dma_wait3A_242 = tpu.memref_squeeze %dma_wait3A_241 : memref<1x632x128xf32, #tpu.memory_space<hbm>> -> memref<632x128xf32, #tpu.memory_space<hbm>>
      %dma_wait3A_243 = arith.constant 0 : i32
      %dma_wait3A_244 = tpu.memref_slice %arg20[%mul3A_0, %dma_wait3A_243] : memref<10112x128xf32, #tpu.memory_space<vmem_shared>> -> memref<632x128xf32, #tpu.memory_space<vmem_shared>>
      tpu.wait_dma2 semaphore(%run_scoped3A_234 : memref<!tpu.dma_semaphore, #tpu.memory_space<semaphore_mem>>) src(%dma_wait3A_244 : memref<632x128xf32, #tpu.memory_space<vmem_shared>>) dst(%dma_wait3A_242 : memref<632x128xf32, #tpu.memory_space<hbm>>)
      tpu.yield
    }) : () -> ()
    "tpu.region"() ({
      %run_scoped3A_234 = tpu.sem_alloc : memref<!tpu.dma_semaphore, #tpu.memory_space<semaphore_mem>>
      %dma_start3A_235 = arith.constant 0 : i32
      %dma_start3A_236 = tpu.memref_slice %arg20[%mul3A_0, %dma_start3A_235] : memref<10112x128xf32, #tpu.memory_space<vmem_shared>> -> memref<632x128xf32, #tpu.memory_space<vmem_shared>>
      %dma_start3A_237 = arith.constant 0 : i32
      %dma_start3A_238 = tpu.memref_slice %arg6[%mul3A_0, %dma_start3A_237] : memref<10112x128xf32, #tpu.memory_space<hbm>> -> memref<632x128xf32, #tpu.memory_space<hbm>>
      tpu.enqueue_dma source(%dma_start3A_238 : memref<632x128xf32, #tpu.memory_space<hbm>>) target(%dma_start3A_236 : memref<632x128xf32, #tpu.memory_space<vmem_shared>>) target_semaphore(%run_scoped3A_234 : memref<!tpu.dma_semaphore, #tpu.memory_space<semaphore_mem>>)
      %dma_wait3A_239 = arith.constant 0 : i32
      %dma_wait3A_240 = tpu.memref_slice %arg20[%mul3A_0, %dma_wait3A_239] : memref<10112x128xf32, #tpu.memory_space<vmem_shared>> -> memref<632x128xf32, #tpu.memory_space<vmem_shared>>
      %dma_wait3A_241 = arith.constant 0 : i32
      %dma_wait3A_242 = tpu.memref_slice %arg6[%mul3A_0, %dma_wait3A_241] : memref<10112x128xf32, #tpu.memory_space<hbm>> -> memref<632x128xf32, #tpu.memory_space<hbm>>
      tpu.wait_dma2 semaphore(%run_scoped3A_234 : memref<!tpu.dma_semaphore, #tpu.memory_space<semaphore_mem>>) src(%dma_wait3A_242 : memref<632x128xf32, #tpu.memory_space<hbm>>) dst(%dma_wait3A_240 : memref<632x128xf32, #tpu.memory_space<vmem_shared>>)
      tpu.yield
    }) : () -> ()
    %barrier3A_90 = arith.constant 0 : index
    tpu.barrier barrier_id(%barrier3A_90)
    %scan3A_91 = arith.constant 0 : i32
    %scan3A_92 = arith.constant 0 : i32
    %scan3A_93 = arith.constant 18 : i32
    %scan3A_94 = arith.addi %scan3A_92, %scan3A_93 : i32
    %scan3A_95 = arith.constant 1 : i32
    scf.for %scan3A_234 = %scan3A_92 to %scan3A_94 step %scan3A_95  : i32 {
      %mul3A_235 = arith.constant 4 : i32
      %mul3A_236 = arith.muli %mul3A_235, %scan3A_234 : i32
      %add3A_237 = arith.constant 0 : i32
      %add3A_238 = arith.addi %mul3A_236, %add3A_237 : i32
      %add3A_239 = arith.constant 4 : i32
      %add3A_240 = arith.addi %add3A_238, %add3A_239 : i32
      %sub3A = arith.constant 1 : i32
      %sub3A_241 = arith.subi %add3A_240, %sub3A : i32
      %mul3A_242 = arith.constant 64 : i32
      %mul3A_243 = arith.muli %sub3A_241, %mul3A_242 : i32
      %dma_start3A_244 = tpu.memref_slice %arg11[%mul3A_243] : memref<4992xi32, #tpu.memory_space<vmem>> -> memref<64xi32, #tpu.memory_space<vmem>>
      %dma_start3A_245 = arith.constant 0 : i32
      %dma_start3A_246 = arith.constant 0 : i32
      %dma_start3A_247 = tpu.memref_slice %arg2[%dma_start3A_245, %dma_start3A_246] : memref<10000x128xf32, #tpu.memory_space<hbm>> -> memref<10000x128xf32, #tpu.memory_space<hbm>>
      tpu.enqueue_indirect_dma source(%dma_start3A_247 : memref<10000x128xf32, #tpu.memory_space<hbm>>) target(%arg16 : memref<64x128xf32, #tpu.memory_space<vmem>>) offsets(%dma_start3A_244 : memref<64xi32, #tpu.memory_space<vmem>>) semaphore(%arg24 : memref<!tpu.dma_semaphore, #tpu.memory_space<semaphore_mem>>)
      %dma_wait3A_248 = arith.constant 0 : i32
      %dma_wait3A_249 = tpu.memref_slice %arg11[%dma_wait3A_248] : memref<4992xi32, #tpu.memory_space<vmem>> -> memref<64xi32, #tpu.memory_space<vmem>>
      %dma_wait3A_250 = arith.constant 0 : i32
      %dma_wait3A_251 = arith.constant 0 : i32
      %dma_wait3A_252 = tpu.memref_slice %arg2[%dma_wait3A_250, %dma_wait3A_251] : memref<10000x128xf32, #tpu.memory_space<hbm>> -> memref<10000x128xf32, #tpu.memory_space<hbm>>
      tpu.wait_indirect_dma semaphore(%arg21 : memref<!tpu.dma_semaphore, #tpu.memory_space<semaphore_mem>>) src(%dma_wait3A_252 : memref<10000x128xf32, #tpu.memory_space<hbm>>) dst(%arg13 : memref<64x128xf32, #tpu.memory_space<vmem>>)
      "tpu.region"() ({
        %run_scoped3A_310 = tpu.sem_alloc : memref<!tpu.dma_semaphore, #tpu.memory_space<semaphore_mem>>
        %dma_start3A_311 = arith.constant 0 : i32
        %dma_start3A_312 = tpu.memref_slice %arg12[%add3A_238, %dma_start3A_311] : memref<78x64xi32, #tpu.memory_space<vmem>> -> memref<1x64xi32, #tpu.memory_space<vmem>>
        %dma_start3A_313 = tpu.memref_squeeze %dma_start3A_312 : memref<1x64xi32, #tpu.memory_space<vmem>> -> memref<64xi32, #tpu.memory_space<vmem>>
        %dma_start3A_314 = arith.constant 0 : i32
        %dma_start3A_315 = arith.constant 0 : i32
        %dma_start3A_316 = tpu.memref_slice %arg20[%dma_start3A_314, %dma_start3A_315] : memref<10112x128xf32, #tpu.memory_space<vmem_shared>> -> memref<10112x128xf32, #tpu.memory_space<vmem_shared>>
        tpu.enqueue_indirect_dma source(%arg13 : memref<64x128xf32, #tpu.memory_space<vmem>>) target(%dma_start3A_316 : memref<10112x128xf32, #tpu.memory_space<vmem_shared>>) offsets(%dma_start3A_313 : memref<64xi32, #tpu.memory_space<vmem>>) semaphore(%run_scoped3A_310 : memref<!tpu.dma_semaphore, #tpu.memory_space<semaphore_mem>>) {add = true}
        %dma_wait3A_317 = arith.constant 0 : i32
        %dma_wait3A_318 = tpu.memref_slice %arg12[%add3A_238, %dma_wait3A_317] : memref<78x64xi32, #tpu.memory_space<vmem>> -> memref<1x64xi32, #tpu.memory_space<vmem>>
        %dma_wait3A_319 = tpu.memref_squeeze %dma_wait3A_318 : memref<1x64xi32, #tpu.memory_space<vmem>> -> memref<64xi32, #tpu.memory_space<vmem>>
        %dma_wait3A_320 = arith.constant 0 : i32
        %dma_wait3A_321 = arith.constant 0 : i32
        %dma_wait3A_322 = tpu.memref_slice %arg20[%dma_wait3A_320, %dma_wait3A_321] : memref<10112x128xf32, #tpu.memory_space<vmem_shared>> -> memref<10112x128xf32, #tpu.memory_space<vmem_shared>>
        tpu.wait_indirect_dma semaphore(%run_scoped3A_310 : memref<!tpu.dma_semaphore, #tpu.memory_space<semaphore_mem>>) src(%arg13 : memref<64x128xf32, #tpu.memory_space<vmem>>) dst(%dma_wait3A_322 : memref<10112x128xf32, #tpu.memory_space<vmem_shared>>)
        tpu.yield
      }) : () -> ()
      %mul3A_253 = arith.constant 4 : i32
      %mul3A_254 = arith.muli %mul3A_253, %scan3A_234 : i32
      %add3A_255 = arith.constant 1 : i32
      %add3A_256 = arith.addi %mul3A_254, %add3A_255 : i32
      %add3A_257 = arith.constant 4 : i32
      %add3A_258 = arith.addi %add3A_256, %add3A_257 : i32
      %sub3A_259 = arith.constant 1 : i32
      %sub3A_260 = arith.subi %add3A_258, %sub3A_259 : i32
      %mul3A_261 = arith.constant 64 : i32
      %mul3A_262 = arith.muli %sub3A_260, %mul3A_261 : i32
      %dma_start3A_263 = tpu.memref_slice %arg11[%mul3A_262] : memref<4992xi32, #tpu.memory_space<vmem>> -> memref<64xi32, #tpu.memory_space<vmem>>
      %dma_start3A_264 = arith.constant 0 : i32
      %dma_start3A_265 = arith.constant 0 : i32
      %dma_start3A_266 = tpu.memref_slice %arg2[%dma_start3A_264, %dma_start3A_265] : memref<10000x128xf32, #tpu.memory_space<hbm>> -> memref<10000x128xf32, #tpu.memory_space<hbm>>
      tpu.enqueue_indirect_dma source(%dma_start3A_266 : memref<10000x128xf32, #tpu.memory_space<hbm>>) target(%arg13 : memref<64x128xf32, #tpu.memory_space<vmem>>) offsets(%dma_start3A_263 : memref<64xi32, #tpu.memory_space<vmem>>) semaphore(%arg21 : memref<!tpu.dma_semaphore, #tpu.memory_space<semaphore_mem>>)
      %dma_wait3A_267 = arith.constant 0 : i32
      %dma_wait3A_268 = tpu.memref_slice %arg11[%dma_wait3A_267] : memref<4992xi32, #tpu.memory_space<vmem>> -> memref<64xi32, #tpu.memory_space<vmem>>
      %dma_wait3A_269 = arith.constant 0 : i32
      %dma_wait3A_270 = arith.constant 0 : i32
      %dma_wait3A_271 = tpu.memref_slice %arg2[%dma_wait3A_269, %dma_wait3A_270] : memref<10000x128xf32, #tpu.memory_space<hbm>> -> memref<10000x128xf32, #tpu.memory_space<hbm>>
      tpu.wait_indirect_dma semaphore(%arg22 : memref<!tpu.dma_semaphore, #tpu.memory_space<semaphore_mem>>) src(%dma_wait3A_271 : memref<10000x128xf32, #tpu.memory_space<hbm>>) dst(%arg14 : memref<64x128xf32, #tpu.memory_space<vmem>>)
      "tpu.region"() ({
        %run_scoped3A_310 = tpu.sem_alloc : memref<!tpu.dma_semaphore, #tpu.memory_space<semaphore_mem>>
        %dma_start3A_311 = arith.constant 0 : i32
        %dma_start3A_312 = tpu.memref_slice %arg12[%add3A_256, %dma_start3A_311] : memref<78x64xi32, #tpu.memory_space<vmem>> -> memref<1x64xi32, #tpu.memory_space<vmem>>
        %dma_start3A_313 = tpu.memref_squeeze %dma_start3A_312 : memref<1x64xi32, #tpu.memory_space<vmem>> -> memref<64xi32, #tpu.memory_space<vmem>>
        %dma_start3A_314 = arith.constant 0 : i32
        %dma_start3A_315 = arith.constant 0 : i32
        %dma_start3A_316 = tpu.memref_slice %arg20[%dma_start3A_314, %dma_start3A_315] : memref<10112x128xf32, #tpu.memory_space<vmem_shared>> -> memref<10112x128xf32, #tpu.memory_space<vmem_shared>>
        tpu.enqueue_indirect_dma source(%arg14 : memref<64x128xf32, #tpu.memory_space<vmem>>) target(%dma_start3A_316 : memref<10112x128xf32, #tpu.memory_space<vmem_shared>>) offsets(%dma_start3A_313 : memref<64xi32, #tpu.memory_space<vmem>>) semaphore(%run_scoped3A_310 : memref<!tpu.dma_semaphore, #tpu.memory_space<semaphore_mem>>) {add = true}
        %dma_wait3A_317 = arith.constant 0 : i32
        %dma_wait3A_318 = tpu.memref_slice %arg12[%add3A_256, %dma_wait3A_317] : memref<78x64xi32, #tpu.memory_space<vmem>> -> memref<1x64xi32, #tpu.memory_space<vmem>>
        %dma_wait3A_319 = tpu.memref_squeeze %dma_wait3A_318 : memref<1x64xi32, #tpu.memory_space<vmem>> -> memref<64xi32, #tpu.memory_space<vmem>>
        %dma_wait3A_320 = arith.constant 0 : i32
        %dma_wait3A_321 = arith.constant 0 : i32
        %dma_wait3A_322 = tpu.memref_slice %arg20[%dma_wait3A_320, %dma_wait3A_321] : memref<10112x128xf32, #tpu.memory_space<vmem_shared>> -> memref<10112x128xf32, #tpu.memory_space<vmem_shared>>
        tpu.wait_indirect_dma semaphore(%run_scoped3A_310 : memref<!tpu.dma_semaphore, #tpu.memory_space<semaphore_mem>>) src(%arg14 : memref<64x128xf32, #tpu.memory_space<vmem>>) dst(%dma_wait3A_322 : memref<10112x128xf32, #tpu.memory_space<vmem_shared>>)
        tpu.yield
      }) : () -> ()
      %mul3A_272 = arith.constant 4 : i32
      %mul3A_273 = arith.muli %mul3A_272, %scan3A_234 : i32
      %add3A_274 = arith.constant 2 : i32
      %add3A_275 = arith.addi %mul3A_273, %add3A_274 : i32
      %add3A_276 = arith.constant 4 : i32
      %add3A_277 = arith.addi %add3A_275, %add3A_276 : i32
      %sub3A_278 = arith.constant 1 : i32
      %sub3A_279 = arith.subi %add3A_277, %sub3A_278 : i32
      %mul3A_280 = arith.constant 64 : i32
      %mul3A_281 = arith.muli %sub3A_279, %mul3A_280 : i32
      %dma_start3A_282 = tpu.memref_slice %arg11[%mul3A_281] : memref<4992xi32, #tpu.memory_space<vmem>> -> memref<64xi32, #tpu.memory_space<vmem>>
      %dma_start3A_283 = arith.constant 0 : i32
      %dma_start3A_284 = arith.constant 0 : i32
      %dma_start3A_285 = tpu.memref_slice %arg2[%dma_start3A_283, %dma_start3A_284] : memref<10000x128xf32, #tpu.memory_space<hbm>> -> memref<10000x128xf32, #tpu.memory_space<hbm>>
      tpu.enqueue_indirect_dma source(%dma_start3A_285 : memref<10000x128xf32, #tpu.memory_space<hbm>>) target(%arg14 : memref<64x128xf32, #tpu.memory_space<vmem>>) offsets(%dma_start3A_282 : memref<64xi32, #tpu.memory_space<vmem>>) semaphore(%arg22 : memref<!tpu.dma_semaphore, #tpu.memory_space<semaphore_mem>>)
      %dma_wait3A_286 = arith.constant 0 : i32
      %dma_wait3A_287 = tpu.memref_slice %arg11[%dma_wait3A_286] : memref<4992xi32, #tpu.memory_space<vmem>> -> memref<64xi32, #tpu.memory_space<vmem>>
      %dma_wait3A_288 = arith.constant 0 : i32
      %dma_wait3A_289 = arith.constant 0 : i32
      %dma_wait3A_290 = tpu.memref_slice %arg2[%dma_wait3A_288, %dma_wait3A_289] : memref<10000x128xf32, #tpu.memory_space<hbm>> -> memref<10000x128xf32, #tpu.memory_space<hbm>>
      tpu.wait_indirect_dma semaphore(%arg23 : memref<!tpu.dma_semaphore, #tpu.memory_space<semaphore_mem>>) src(%dma_wait3A_290 : memref<10000x128xf32, #tpu.memory_space<hbm>>) dst(%arg15 : memref<64x128xf32, #tpu.memory_space<vmem>>)
      "tpu.region"() ({
        %run_scoped3A_310 = tpu.sem_alloc : memref<!tpu.dma_semaphore, #tpu.memory_space<semaphore_mem>>
        %dma_start3A_311 = arith.constant 0 : i32
        %dma_start3A_312 = tpu.memref_slice %arg12[%add3A_275, %dma_start3A_311] : memref<78x64xi32, #tpu.memory_space<vmem>> -> memref<1x64xi32, #tpu.memory_space<vmem>>
        %dma_start3A_313 = tpu.memref_squeeze %dma_start3A_312 : memref<1x64xi32, #tpu.memory_space<vmem>> -> memref<64xi32, #tpu.memory_space<vmem>>
        %dma_start3A_314 = arith.constant 0 : i32
        %dma_start3A_315 = arith.constant 0 : i32
        %dma_start3A_316 = tpu.memref_slice %arg20[%dma_start3A_314, %dma_start3A_315] : memref<10112x128xf32, #tpu.memory_space<vmem_shared>> -> memref<10112x128xf32, #tpu.memory_space<vmem_shared>>
        tpu.enqueue_indirect_dma source(%arg15 : memref<64x128xf32, #tpu.memory_space<vmem>>) target(%dma_start3A_316 : memref<10112x128xf32, #tpu.memory_space<vmem_shared>>) offsets(%dma_start3A_313 : memref<64xi32, #tpu.memory_space<vmem>>) semaphore(%run_scoped3A_310 : memref<!tpu.dma_semaphore, #tpu.memory_space<semaphore_mem>>) {add = true}
        %dma_wait3A_317 = arith.constant 0 : i32
        %dma_wait3A_318 = tpu.memref_slice %arg12[%add3A_275, %dma_wait3A_317] : memref<78x64xi32, #tpu.memory_space<vmem>> -> memref<1x64xi32, #tpu.memory_space<vmem>>
        %dma_wait3A_319 = tpu.memref_squeeze %dma_wait3A_318 : memref<1x64xi32, #tpu.memory_space<vmem>> -> memref<64xi32, #tpu.memory_space<vmem>>
        %dma_wait3A_320 = arith.constant 0 : i32
        %dma_wait3A_321 = arith.constant 0 : i32
        %dma_wait3A_322 = tpu.memref_slice %arg20[%dma_wait3A_320, %dma_wait3A_321] : memref<10112x128xf32, #tpu.memory_space<vmem_shared>> -> memref<10112x128xf32, #tpu.memory_space<vmem_shared>>
        tpu.wait_indirect_dma semaphore(%run_scoped3A_310 : memref<!tpu.dma_semaphore, #tpu.memory_space<semaphore_mem>>) src(%arg15 : memref<64x128xf32, #tpu.memory_space<vmem>>) dst(%dma_wait3A_322 : memref<10112x128xf32, #tpu.memory_space<vmem_shared>>)
        tpu.yield
      }) : () -> ()
      %mul3A_291 = arith.constant 4 : i32
      %mul3A_292 = arith.muli %mul3A_291, %scan3A_234 : i32
      %add3A_293 = arith.constant 3 : i32
      %add3A_294 = arith.addi %mul3A_292, %add3A_293 : i32
      %add3A_295 = arith.constant 4 : i32
      %add3A_296 = arith.addi %add3A_294, %add3A_295 : i32
      %sub3A_297 = arith.constant 1 : i32
      %sub3A_298 = arith.subi %add3A_296, %sub3A_297 : i32
      %mul3A_299 = arith.constant 64 : i32
      %mul3A_300 = arith.muli %sub3A_298, %mul3A_299 : i32
      %dma_start3A_301 = tpu.memref_slice %arg11[%mul3A_300] : memref<4992xi32, #tpu.memory_space<vmem>> -> memref<64xi32, #tpu.memory_space<vmem>>
      %dma_start3A_302 = arith.constant 0 : i32
      %dma_start3A_303 = arith.constant 0 : i32
      %dma_start3A_304 = tpu.memref_slice %arg2[%dma_start3A_302, %dma_start3A_303] : memref<10000x128xf32, #tpu.memory_space<hbm>> -> memref<10000x128xf32, #tpu.memory_space<hbm>>
      tpu.enqueue_indirect_dma source(%dma_start3A_304 : memref<10000x128xf32, #tpu.memory_space<hbm>>) target(%arg15 : memref<64x128xf32, #tpu.memory_space<vmem>>) offsets(%dma_start3A_301 : memref<64xi32, #tpu.memory_space<vmem>>) semaphore(%arg23 : memref<!tpu.dma_semaphore, #tpu.memory_space<semaphore_mem>>)
      %dma_wait3A_305 = arith.constant 0 : i32
      %dma_wait3A_306 = tpu.memref_slice %arg11[%dma_wait3A_305] : memref<4992xi32, #tpu.memory_space<vmem>> -> memref<64xi32, #tpu.memory_space<vmem>>
      %dma_wait3A_307 = arith.constant 0 : i32
      %dma_wait3A_308 = arith.constant 0 : i32
      %dma_wait3A_309 = tpu.memref_slice %arg2[%dma_wait3A_307, %dma_wait3A_308] : memref<10000x128xf32, #tpu.memory_space<hbm>> -> memref<10000x128xf32, #tpu.memory_space<hbm>>
      tpu.wait_indirect_dma semaphore(%arg24 : memref<!tpu.dma_semaphore, #tpu.memory_space<semaphore_mem>>) src(%dma_wait3A_309 : memref<10000x128xf32, #tpu.memory_space<hbm>>) dst(%arg16 : memref<64x128xf32, #tpu.memory_space<vmem>>)
      "tpu.region"() ({
        %run_scoped3A_310 = tpu.sem_alloc : memref<!tpu.dma_semaphore, #tpu.memory_space<semaphore_mem>>
        %dma_start3A_311 = arith.constant 0 : i32
        %dma_start3A_312 = tpu.memref_slice %arg12[%add3A_294, %dma_start3A_311] : memref<78x64xi32, #tpu.memory_space<vmem>> -> memref<1x64xi32, #tpu.memory_space<vmem>>
        %dma_start3A_313 = tpu.memref_squeeze %dma_start3A_312 : memref<1x64xi32, #tpu.memory_space<vmem>> -> memref<64xi32, #tpu.memory_space<vmem>>
        %dma_start3A_314 = arith.constant 0 : i32
        %dma_start3A_315 = arith.constant 0 : i32
        %dma_start3A_316 = tpu.memref_slice %arg20[%dma_start3A_314, %dma_start3A_315] : memref<10112x128xf32, #tpu.memory_space<vmem_shared>> -> memref<10112x128xf32, #tpu.memory_space<vmem_shared>>
        tpu.enqueue_indirect_dma source(%arg16 : memref<64x128xf32, #tpu.memory_space<vmem>>) target(%dma_start3A_316 : memref<10112x128xf32, #tpu.memory_space<vmem_shared>>) offsets(%dma_start3A_313 : memref<64xi32, #tpu.memory_space<vmem>>) semaphore(%run_scoped3A_310 : memref<!tpu.dma_semaphore, #tpu.memory_space<semaphore_mem>>) {add = true}
        %dma_wait3A_317 = arith.constant 0 : i32
        %dma_wait3A_318 = tpu.memref_slice %arg12[%add3A_294, %dma_wait3A_317] : memref<78x64xi32, #tpu.memory_space<vmem>> -> memref<1x64xi32, #tpu.memory_space<vmem>>
        %dma_wait3A_319 = tpu.memref_squeeze %dma_wait3A_318 : memref<1x64xi32, #tpu.memory_space<vmem>> -> memref<64xi32, #tpu.memory_space<vmem>>
        %dma_wait3A_320 = arith.constant 0 : i32
        %dma_wait3A_321 = arith.constant 0 : i32
        %dma_wait3A_322 = tpu.memref_slice %arg20[%dma_wait3A_320, %dma_wait3A_321] : memref<10112x128xf32, #tpu.memory_space<vmem_shared>> -> memref<10112x128xf32, #tpu.memory_space<vmem_shared>>
        tpu.wait_indirect_dma semaphore(%run_scoped3A_310 : memref<!tpu.dma_semaphore, #tpu.memory_space<semaphore_mem>>) src(%arg16 : memref<64x128xf32, #tpu.memory_space<vmem>>) dst(%dma_wait3A_322 : memref<10112x128xf32, #tpu.memory_space<vmem_shared>>)
        tpu.yield
      }) : () -> ()
    }
    %scan3A_96 = arith.constant 18 : i32
    %dma_start3A_97 = arith.constant 4800 : i32
    %dma_start3A_98 = tpu.memref_slice %arg11[%dma_start3A_97] : memref<4992xi32, #tpu.memory_space<vmem>> -> memref<64xi32, #tpu.memory_space<vmem>>
    %dma_start3A_99 = arith.constant 0 : i32
    %dma_start3A_100 = arith.constant 0 : i32
    %dma_start3A_101 = tpu.memref_slice %arg2[%dma_start3A_99, %dma_start3A_100] : memref<10000x128xf32, #tpu.memory_space<hbm>> -> memref<10000x128xf32, #tpu.memory_space<hbm>>
    tpu.enqueue_indirect_dma source(%dma_start3A_101 : memref<10000x128xf32, #tpu.memory_space<hbm>>) target(%arg16 : memref<64x128xf32, #tpu.memory_space<vmem>>) offsets(%dma_start3A_98 : memref<64xi32, #tpu.memory_space<vmem>>) semaphore(%arg24 : memref<!tpu.dma_semaphore, #tpu.memory_space<semaphore_mem>>)
    %dma_wait3A_102 = arith.constant 0 : i32
    %dma_wait3A_103 = tpu.memref_slice %arg11[%dma_wait3A_102] : memref<4992xi32, #tpu.memory_space<vmem>> -> memref<64xi32, #tpu.memory_space<vmem>>
    %dma_wait3A_104 = arith.constant 0 : i32
    %dma_wait3A_105 = arith.constant 0 : i32
    %dma_wait3A_106 = tpu.memref_slice %arg2[%dma_wait3A_104, %dma_wait3A_105] : memref<10000x128xf32, #tpu.memory_space<hbm>> -> memref<10000x128xf32, #tpu.memory_space<hbm>>
    tpu.wait_indirect_dma semaphore(%arg21 : memref<!tpu.dma_semaphore, #tpu.memory_space<semaphore_mem>>) src(%dma_wait3A_106 : memref<10000x128xf32, #tpu.memory_space<hbm>>) dst(%arg13 : memref<64x128xf32, #tpu.memory_space<vmem>>)
    %run_scoped3A = arith.constant 72 : i32
    "tpu.region"() ({
      %run_scoped3A_234 = tpu.sem_alloc : memref<!tpu.dma_semaphore, #tpu.memory_space<semaphore_mem>>
      %dma_start3A_235 = arith.constant 0 : i32
      %dma_start3A_236 = tpu.memref_slice %arg12[%run_scoped3A, %dma_start3A_235] : memref<78x64xi32, #tpu.memory_space<vmem>> -> memref<1x64xi32, #tpu.memory_space<vmem>>
      %dma_start3A_237 = tpu.memref_squeeze %dma_start3A_236 : memref<1x64xi32, #tpu.memory_space<vmem>> -> memref<64xi32, #tpu.memory_space<vmem>>
      %dma_start3A_238 = arith.constant 0 : i32
      %dma_start3A_239 = arith.constant 0 : i32
      %dma_start3A_240 = tpu.memref_slice %arg20[%dma_start3A_238, %dma_start3A_239] : memref<10112x128xf32, #tpu.memory_space<vmem_shared>> -> memref<10112x128xf32, #tpu.memory_space<vmem_shared>>
      tpu.enqueue_indirect_dma source(%arg13 : memref<64x128xf32, #tpu.memory_space<vmem>>) target(%dma_start3A_240 : memref<10112x128xf32, #tpu.memory_space<vmem_shared>>) offsets(%dma_start3A_237 : memref<64xi32, #tpu.memory_space<vmem>>) semaphore(%run_scoped3A_234 : memref<!tpu.dma_semaphore, #tpu.memory_space<semaphore_mem>>) {add = true}
      %dma_wait3A_241 = arith.constant 0 : i32
      %dma_wait3A_242 = tpu.memref_slice %arg12[%run_scoped3A, %dma_wait3A_241] : memref<78x64xi32, #tpu.memory_space<vmem>> -> memref<1x64xi32, #tpu.memory_space<vmem>>
      %dma_wait3A_243 = tpu.memref_squeeze %dma_wait3A_242 : memref<1x64xi32, #tpu.memory_space<vmem>> -> memref<64xi32, #tpu.memory_space<vmem>>
      %dma_wait3A_244 = arith.constant 0 : i32
      %dma_wait3A_245 = arith.constant 0 : i32
      %dma_wait3A_246 = tpu.memref_slice %arg20[%dma_wait3A_244, %dma_wait3A_245] : memref<10112x128xf32, #tpu.memory_space<vmem_shared>> -> memref<10112x128xf32, #tpu.memory_space<vmem_shared>>
      tpu.wait_indirect_dma semaphore(%run_scoped3A_234 : memref<!tpu.dma_semaphore, #tpu.memory_space<semaphore_mem>>) src(%arg13 : memref<64x128xf32, #tpu.memory_space<vmem>>) dst(%dma_wait3A_246 : memref<10112x128xf32, #tpu.memory_space<vmem_shared>>)
      tpu.yield
    }) : () -> ()
    %dma_start3A_107 = arith.constant 4864 : i32
    %dma_start3A_108 = tpu.memref_slice %arg11[%dma_start3A_107] : memref<4992xi32, #tpu.memory_space<vmem>> -> memref<64xi32, #tpu.memory_space<vmem>>
    %dma_start3A_109 = arith.constant 0 : i32
    %dma_start3A_110 = arith.constant 0 : i32
    %dma_start3A_111 = tpu.memref_slice %arg2[%dma_start3A_109, %dma_start3A_110] : memref<10000x128xf32, #tpu.memory_space<hbm>> -> memref<10000x128xf32, #tpu.memory_space<hbm>>
    tpu.enqueue_indirect_dma source(%dma_start3A_111 : memref<10000x128xf32, #tpu.memory_space<hbm>>) target(%arg13 : memref<64x128xf32, #tpu.memory_space<vmem>>) offsets(%dma_start3A_108 : memref<64xi32, #tpu.memory_space<vmem>>) semaphore(%arg21 : memref<!tpu.dma_semaphore, #tpu.memory_space<semaphore_mem>>)
    %dma_wait3A_112 = arith.constant 0 : i32
    %dma_wait3A_113 = tpu.memref_slice %arg11[%dma_wait3A_112] : memref<4992xi32, #tpu.memory_space<vmem>> -> memref<64xi32, #tpu.memory_space<vmem>>
    %dma_wait3A_114 = arith.constant 0 : i32
    %dma_wait3A_115 = arith.constant 0 : i32
    %dma_wait3A_116 = tpu.memref_slice %arg2[%dma_wait3A_114, %dma_wait3A_115] : memref<10000x128xf32, #tpu.memory_space<hbm>> -> memref<10000x128xf32, #tpu.memory_space<hbm>>
    tpu.wait_indirect_dma semaphore(%arg22 : memref<!tpu.dma_semaphore, #tpu.memory_space<semaphore_mem>>) src(%dma_wait3A_116 : memref<10000x128xf32, #tpu.memory_space<hbm>>) dst(%arg14 : memref<64x128xf32, #tpu.memory_space<vmem>>)
    %run_scoped3A_117 = arith.constant 73 : i32
    "tpu.region"() ({
      %run_scoped3A_234 = tpu.sem_alloc : memref<!tpu.dma_semaphore, #tpu.memory_space<semaphore_mem>>
      %dma_start3A_235 = arith.constant 0 : i32
      %dma_start3A_236 = tpu.memref_slice %arg12[%run_scoped3A_117, %dma_start3A_235] : memref<78x64xi32, #tpu.memory_space<vmem>> -> memref<1x64xi32, #tpu.memory_space<vmem>>
      %dma_start3A_237 = tpu.memref_squeeze %dma_start3A_236 : memref<1x64xi32, #tpu.memory_space<vmem>> -> memref<64xi32, #tpu.memory_space<vmem>>
      %dma_start3A_238 = arith.constant 0 : i32
      %dma_start3A_239 = arith.constant 0 : i32
      %dma_start3A_240 = tpu.memref_slice %arg20[%dma_start3A_238, %dma_start3A_239] : memref<10112x128xf32, #tpu.memory_space<vmem_shared>> -> memref<10112x128xf32, #tpu.memory_space<vmem_shared>>
      tpu.enqueue_indirect_dma source(%arg14 : memref<64x128xf32, #tpu.memory_space<vmem>>) target(%dma_start3A_240 : memref<10112x128xf32, #tpu.memory_space<vmem_shared>>) offsets(%dma_start3A_237 : memref<64xi32, #tpu.memory_space<vmem>>) semaphore(%run_scoped3A_234 : memref<!tpu.dma_semaphore, #tpu.memory_space<semaphore_mem>>) {add = true}
      %dma_wait3A_241 = arith.constant 0 : i32
      %dma_wait3A_242 = tpu.memref_slice %arg12[%run_scoped3A_117, %dma_wait3A_241] : memref<78x64xi32, #tpu.memory_space<vmem>> -> memref<1x64xi32, #tpu.memory_space<vmem>>
      %dma_wait3A_243 = tpu.memref_squeeze %dma_wait3A_242 : memref<1x64xi32, #tpu.memory_space<vmem>> -> memref<64xi32, #tpu.memory_space<vmem>>
      %dma_wait3A_244 = arith.constant 0 : i32
      %dma_wait3A_245 = arith.constant 0 : i32
      %dma_wait3A_246 = tpu.memref_slice %arg20[%dma_wait3A_244, %dma_wait3A_245] : memref<10112x128xf32, #tpu.memory_space<vmem_shared>> -> memref<10112x128xf32, #tpu.memory_space<vmem_shared>>
      tpu.wait_indirect_dma semaphore(%run_scoped3A_234 : memref<!tpu.dma_semaphore, #tpu.memory_space<semaphore_mem>>) src(%arg14 : memref<64x128xf32, #tpu.memory_space<vmem>>) dst(%dma_wait3A_246 : memref<10112x128xf32, #tpu.memory_space<vmem_shared>>)
      tpu.yield
    }) : () -> ()
    %dma_start3A_118 = arith.constant 4928 : i32
    %dma_start3A_119 = tpu.memref_slice %arg11[%dma_start3A_118] : memref<4992xi32, #tpu.memory_space<vmem>> -> memref<64xi32, #tpu.memory_space<vmem>>
    %dma_start3A_120 = arith.constant 0 : i32
    %dma_start3A_121 = arith.constant 0 : i32
    %dma_start3A_122 = tpu.memref_slice %arg2[%dma_start3A_120, %dma_start3A_121] : memref<10000x128xf32, #tpu.memory_space<hbm>> -> memref<10000x128xf32, #tpu.memory_space<hbm>>
    tpu.enqueue_indirect_dma source(%dma_start3A_122 : memref<10000x128xf32, #tpu.memory_space<hbm>>) target(%arg14 : memref<64x128xf32, #tpu.memory_space<vmem>>) offsets(%dma_start3A_119 : memref<64xi32, #tpu.memory_space<vmem>>) semaphore(%arg22 : memref<!tpu.dma_semaphore, #tpu.memory_space<semaphore_mem>>)
    %dma_wait3A_123 = arith.constant 0 : i32
    %dma_wait3A_124 = tpu.memref_slice %arg11[%dma_wait3A_123] : memref<4992xi32, #tpu.memory_space<vmem>> -> memref<64xi32, #tpu.memory_space<vmem>>
    %dma_wait3A_125 = arith.constant 0 : i32
    %dma_wait3A_126 = arith.constant 0 : i32
    %dma_wait3A_127 = tpu.memref_slice %arg2[%dma_wait3A_125, %dma_wait3A_126] : memref<10000x128xf32, #tpu.memory_space<hbm>> -> memref<10000x128xf32, #tpu.memory_space<hbm>>
    tpu.wait_indirect_dma semaphore(%arg23 : memref<!tpu.dma_semaphore, #tpu.memory_space<semaphore_mem>>) src(%dma_wait3A_127 : memref<10000x128xf32, #tpu.memory_space<hbm>>) dst(%arg15 : memref<64x128xf32, #tpu.memory_space<vmem>>)
    %run_scoped3A_128 = arith.constant 74 : i32
    "tpu.region"() ({
      %run_scoped3A_234 = tpu.sem_alloc : memref<!tpu.dma_semaphore, #tpu.memory_space<semaphore_mem>>
      %dma_start3A_235 = arith.constant 0 : i32
      %dma_start3A_236 = tpu.memref_slice %arg12[%run_scoped3A_128, %dma_start3A_235] : memref<78x64xi32, #tpu.memory_space<vmem>> -> memref<1x64xi32, #tpu.memory_space<vmem>>
      %dma_start3A_237 = tpu.memref_squeeze %dma_start3A_236 : memref<1x64xi32, #tpu.memory_space<vmem>> -> memref<64xi32, #tpu.memory_space<vmem>>
      %dma_start3A_238 = arith.constant 0 : i32
      %dma_start3A_239 = arith.constant 0 : i32
      %dma_start3A_240 = tpu.memref_slice %arg20[%dma_start3A_238, %dma_start3A_239] : memref<10112x128xf32, #tpu.memory_space<vmem_shared>> -> memref<10112x128xf32, #tpu.memory_space<vmem_shared>>
      tpu.enqueue_indirect_dma source(%arg15 : memref<64x128xf32, #tpu.memory_space<vmem>>) target(%dma_start3A_240 : memref<10112x128xf32, #tpu.memory_space<vmem_shared>>) offsets(%dma_start3A_237 : memref<64xi32, #tpu.memory_space<vmem>>) semaphore(%run_scoped3A_234 : memref<!tpu.dma_semaphore, #tpu.memory_space<semaphore_mem>>) {add = true}
      %dma_wait3A_241 = arith.constant 0 : i32
      %dma_wait3A_242 = tpu.memref_slice %arg12[%run_scoped3A_128, %dma_wait3A_241] : memref<78x64xi32, #tpu.memory_space<vmem>> -> memref<1x64xi32, #tpu.memory_space<vmem>>
      %dma_wait3A_243 = tpu.memref_squeeze %dma_wait3A_242 : memref<1x64xi32, #tpu.memory_space<vmem>> -> memref<64xi32, #tpu.memory_space<vmem>>
      %dma_wait3A_244 = arith.constant 0 : i32
      %dma_wait3A_245 = arith.constant 0 : i32
      %dma_wait3A_246 = tpu.memref_slice %arg20[%dma_wait3A_244, %dma_wait3A_245] : memref<10112x128xf32, #tpu.memory_space<vmem_shared>> -> memref<10112x128xf32, #tpu.memory_space<vmem_shared>>
      tpu.wait_indirect_dma semaphore(%run_scoped3A_234 : memref<!tpu.dma_semaphore, #tpu.memory_space<semaphore_mem>>) src(%arg15 : memref<64x128xf32, #tpu.memory_space<vmem>>) dst(%dma_wait3A_246 : memref<10112x128xf32, #tpu.memory_space<vmem_shared>>)
      tpu.yield
    }) : () -> ()
    %dma_wait3A_129 = arith.constant 0 : i32
    %dma_wait3A_130 = tpu.memref_slice %arg11[%dma_wait3A_129] : memref<4992xi32, #tpu.memory_space<vmem>> -> memref<64xi32, #tpu.memory_space<vmem>>
    %dma_wait3A_131 = arith.constant 0 : i32
    %dma_wait3A_132 = arith.constant 0 : i32
    %dma_wait3A_133 = tpu.memref_slice %arg2[%dma_wait3A_131, %dma_wait3A_132] : memref<10000x128xf32, #tpu.memory_space<hbm>> -> memref<10000x128xf32, #tpu.memory_space<hbm>>
    tpu.wait_indirect_dma semaphore(%arg24 : memref<!tpu.dma_semaphore, #tpu.memory_space<semaphore_mem>>) src(%dma_wait3A_133 : memref<10000x128xf32, #tpu.memory_space<hbm>>) dst(%arg16 : memref<64x128xf32, #tpu.memory_space<vmem>>)
    %run_scoped3A_134 = arith.constant 75 : i32
    "tpu.region"() ({
      %run_scoped3A_234 = tpu.sem_alloc : memref<!tpu.dma_semaphore, #tpu.memory_space<semaphore_mem>>
      %dma_start3A_235 = arith.constant 0 : i32
      %dma_start3A_236 = tpu.memref_slice %arg12[%run_scoped3A_134, %dma_start3A_235] : memref<78x64xi32, #tpu.memory_space<vmem>> -> memref<1x64xi32, #tpu.memory_space<vmem>>
      %dma_start3A_237 = tpu.memref_squeeze %dma_start3A_236 : memref<1x64xi32, #tpu.memory_space<vmem>> -> memref<64xi32, #tpu.memory_space<vmem>>
      %dma_start3A_238 = arith.constant 0 : i32
      %dma_start3A_239 = arith.constant 0 : i32
      %dma_start3A_240 = tpu.memref_slice %arg20[%dma_start3A_238, %dma_start3A_239] : memref<10112x128xf32, #tpu.memory_space<vmem_shared>> -> memref<10112x128xf32, #tpu.memory_space<vmem_shared>>
      tpu.enqueue_indirect_dma source(%arg16 : memref<64x128xf32, #tpu.memory_space<vmem>>) target(%dma_start3A_240 : memref<10112x128xf32, #tpu.memory_space<vmem_shared>>) offsets(%dma_start3A_237 : memref<64xi32, #tpu.memory_space<vmem>>) semaphore(%run_scoped3A_234 : memref<!tpu.dma_semaphore, #tpu.memory_space<semaphore_mem>>) {add = true}
      %dma_wait3A_241 = arith.constant 0 : i32
      %dma_wait3A_242 = tpu.memref_slice %arg12[%run_scoped3A_134, %dma_wait3A_241] : memref<78x64xi32, #tpu.memory_space<vmem>> -> memref<1x64xi32, #tpu.memory_space<vmem>>
      %dma_wait3A_243 = tpu.memref_squeeze %dma_wait3A_242 : memref<1x64xi32, #tpu.memory_space<vmem>> -> memref<64xi32, #tpu.memory_space<vmem>>
      %dma_wait3A_244 = arith.constant 0 : i32
      %dma_wait3A_245 = arith.constant 0 : i32
      %dma_wait3A_246 = tpu.memref_slice %arg20[%dma_wait3A_244, %dma_wait3A_245] : memref<10112x128xf32, #tpu.memory_space<vmem_shared>> -> memref<10112x128xf32, #tpu.memory_space<vmem_shared>>
      tpu.wait_indirect_dma semaphore(%run_scoped3A_234 : memref<!tpu.dma_semaphore, #tpu.memory_space<semaphore_mem>>) src(%arg16 : memref<64x128xf32, #tpu.memory_space<vmem>>) dst(%dma_wait3A_246 : memref<10112x128xf32, #tpu.memory_space<vmem_shared>>)
      tpu.yield
    }) : () -> ()
    %dma_wait3A_135 = arith.constant 0 : i32
    %dma_wait3A_136 = tpu.memref_slice %arg11[%dma_wait3A_135] : memref<4992xi32, #tpu.memory_space<vmem>> -> memref<64xi32, #tpu.memory_space<vmem>>
    %dma_wait3A_137 = arith.constant 0 : i32
    %dma_wait3A_138 = arith.constant 0 : i32
    %dma_wait3A_139 = tpu.memref_slice %arg2[%dma_wait3A_137, %dma_wait3A_138] : memref<10000x128xf32, #tpu.memory_space<hbm>> -> memref<10000x128xf32, #tpu.memory_space<hbm>>
    tpu.wait_indirect_dma semaphore(%arg21 : memref<!tpu.dma_semaphore, #tpu.memory_space<semaphore_mem>>) src(%dma_wait3A_139 : memref<10000x128xf32, #tpu.memory_space<hbm>>) dst(%arg13 : memref<64x128xf32, #tpu.memory_space<vmem>>)
    %run_scoped3A_140 = arith.constant 76 : i32
    "tpu.region"() ({
      %run_scoped3A_234 = tpu.sem_alloc : memref<!tpu.dma_semaphore, #tpu.memory_space<semaphore_mem>>
      %dma_start3A_235 = arith.constant 0 : i32
      %dma_start3A_236 = tpu.memref_slice %arg12[%run_scoped3A_140, %dma_start3A_235] : memref<78x64xi32, #tpu.memory_space<vmem>> -> memref<1x64xi32, #tpu.memory_space<vmem>>
      %dma_start3A_237 = tpu.memref_squeeze %dma_start3A_236 : memref<1x64xi32, #tpu.memory_space<vmem>> -> memref<64xi32, #tpu.memory_space<vmem>>
      %dma_start3A_238 = arith.constant 0 : i32
      %dma_start3A_239 = arith.constant 0 : i32
      %dma_start3A_240 = tpu.memref_slice %arg20[%dma_start3A_238, %dma_start3A_239] : memref<10112x128xf32, #tpu.memory_space<vmem_shared>> -> memref<10112x128xf32, #tpu.memory_space<vmem_shared>>
      tpu.enqueue_indirect_dma source(%arg13 : memref<64x128xf32, #tpu.memory_space<vmem>>) target(%dma_start3A_240 : memref<10112x128xf32, #tpu.memory_space<vmem_shared>>) offsets(%dma_start3A_237 : memref<64xi32, #tpu.memory_space<vmem>>) semaphore(%run_scoped3A_234 : memref<!tpu.dma_semaphore, #tpu.memory_space<semaphore_mem>>) {add = true}
      %dma_wait3A_241 = arith.constant 0 : i32
      %dma_wait3A_242 = tpu.memref_slice %arg12[%run_scoped3A_140, %dma_wait3A_241] : memref<78x64xi32, #tpu.memory_space<vmem>> -> memref<1x64xi32, #tpu.memory_space<vmem>>
      %dma_wait3A_243 = tpu.memref_squeeze %dma_wait3A_242 : memref<1x64xi32, #tpu.memory_space<vmem>> -> memref<64xi32, #tpu.memory_space<vmem>>
      %dma_wait3A_244 = arith.constant 0 : i32
      %dma_wait3A_245 = arith.constant 0 : i32
      %dma_wait3A_246 = tpu.memref_slice %arg20[%dma_wait3A_244, %dma_wait3A_245] : memref<10112x128xf32, #tpu.memory_space<vmem_shared>> -> memref<10112x128xf32, #tpu.memory_space<vmem_shared>>
      tpu.wait_indirect_dma semaphore(%run_scoped3A_234 : memref<!tpu.dma_semaphore, #tpu.memory_space<semaphore_mem>>) src(%arg13 : memref<64x128xf32, #tpu.memory_space<vmem>>) dst(%dma_wait3A_246 : memref<10112x128xf32, #tpu.memory_space<vmem_shared>>)
      tpu.yield
    }) : () -> ()
    %dma_wait3A_141 = arith.constant 0 : i32
    %dma_wait3A_142 = tpu.memref_slice %arg11[%dma_wait3A_141] : memref<4992xi32, #tpu.memory_space<vmem>> -> memref<64xi32, #tpu.memory_space<vmem>>
    %dma_wait3A_143 = arith.constant 0 : i32
    %dma_wait3A_144 = arith.constant 0 : i32
    %dma_wait3A_145 = tpu.memref_slice %arg2[%dma_wait3A_143, %dma_wait3A_144] : memref<10000x128xf32, #tpu.memory_space<hbm>> -> memref<10000x128xf32, #tpu.memory_space<hbm>>
    tpu.wait_indirect_dma semaphore(%arg22 : memref<!tpu.dma_semaphore, #tpu.memory_space<semaphore_mem>>) src(%dma_wait3A_145 : memref<10000x128xf32, #tpu.memory_space<hbm>>) dst(%arg14 : memref<64x128xf32, #tpu.memory_space<vmem>>)
    %run_scoped3A_146 = arith.constant 77 : i32
    "tpu.region"() ({
      %run_scoped3A_234 = tpu.sem_alloc : memref<!tpu.dma_semaphore, #tpu.memory_space<semaphore_mem>>
      %dma_start3A_235 = arith.constant 0 : i32
      %dma_start3A_236 = tpu.memref_slice %arg12[%run_scoped3A_146, %dma_start3A_235] : memref<78x64xi32, #tpu.memory_space<vmem>> -> memref<1x64xi32, #tpu.memory_space<vmem>>
      %dma_start3A_237 = tpu.memref_squeeze %dma_start3A_236 : memref<1x64xi32, #tpu.memory_space<vmem>> -> memref<64xi32, #tpu.memory_space<vmem>>
      %dma_start3A_238 = arith.constant 0 : i32
      %dma_start3A_239 = arith.constant 0 : i32
      %dma_start3A_240 = tpu.memref_slice %arg20[%dma_start3A_238, %dma_start3A_239] : memref<10112x128xf32, #tpu.memory_space<vmem_shared>> -> memref<10112x128xf32, #tpu.memory_space<vmem_shared>>
      tpu.enqueue_indirect_dma source(%arg14 : memref<64x128xf32, #tpu.memory_space<vmem>>) target(%dma_start3A_240 : memref<10112x128xf32, #tpu.memory_space<vmem_shared>>) offsets(%dma_start3A_237 : memref<64xi32, #tpu.memory_space<vmem>>) semaphore(%run_scoped3A_234 : memref<!tpu.dma_semaphore, #tpu.memory_space<semaphore_mem>>) {add = true}
      %dma_wait3A_241 = arith.constant 0 : i32
      %dma_wait3A_242 = tpu.memref_slice %arg12[%run_scoped3A_146, %dma_wait3A_241] : memref<78x64xi32, #tpu.memory_space<vmem>> -> memref<1x64xi32, #tpu.memory_space<vmem>>
      %dma_wait3A_243 = tpu.memref_squeeze %dma_wait3A_242 : memref<1x64xi32, #tpu.memory_space<vmem>> -> memref<64xi32, #tpu.memory_space<vmem>>
      %dma_wait3A_244 = arith.constant 0 : i32
      %dma_wait3A_245 = arith.constant 0 : i32
      %dma_wait3A_246 = tpu.memref_slice %arg20[%dma_wait3A_244, %dma_wait3A_245] : memref<10112x128xf32, #tpu.memory_space<vmem_shared>> -> memref<10112x128xf32, #tpu.memory_space<vmem_shared>>
      tpu.wait_indirect_dma semaphore(%run_scoped3A_234 : memref<!tpu.dma_semaphore, #tpu.memory_space<semaphore_mem>>) src(%arg14 : memref<64x128xf32, #tpu.memory_space<vmem>>) dst(%dma_wait3A_246 : memref<10112x128xf32, #tpu.memory_space<vmem_shared>>)
      tpu.yield
    }) : () -> ()
    %dma_start3A_147 = arith.constant 0 : i32
    %dma_start3A_148 = arith.constant 0 : i32
    %dma_start3A_149 = tpu.memref_slice %arg2[%dma_start3A_147, %dma_start3A_148] : memref<10000x128xf32, #tpu.memory_space<hbm>> -> memref<10000x128xf32, #tpu.memory_space<hbm>>
    tpu.enqueue_indirect_dma source(%dma_start3A_149 : memref<10000x128xf32, #tpu.memory_space<hbm>>) target(%arg19 : memref<8x128xf32, #tpu.memory_space<vmem>>) offsets(%arg17 : memref<8xi32, #tpu.memory_space<vmem>>) semaphore(%arg26 : memref<!tpu.dma_semaphore, #tpu.memory_space<semaphore_mem>>)
    %dma_wait3A_150 = arith.constant 0 : i32
    %dma_wait3A_151 = arith.constant 0 : i32
    %dma_wait3A_152 = tpu.memref_slice %arg2[%dma_wait3A_150, %dma_wait3A_151] : memref<10000x128xf32, #tpu.memory_space<hbm>> -> memref<10000x128xf32, #tpu.memory_space<hbm>>
    tpu.wait_indirect_dma semaphore(%arg26 : memref<!tpu.dma_semaphore, #tpu.memory_space<semaphore_mem>>) src(%dma_wait3A_152 : memref<10000x128xf32, #tpu.memory_space<hbm>>) dst(%arg19 : memref<8x128xf32, #tpu.memory_space<vmem>>)
    "tpu.region"() ({
      %run_scoped3A_234 = tpu.sem_alloc : memref<!tpu.dma_semaphore, #tpu.memory_space<semaphore_mem>>
      %dma_start3A_235 = arith.constant 0 : i32
      %dma_start3A_236 = arith.constant 0 : i32
      %dma_start3A_237 = tpu.memref_slice %arg20[%dma_start3A_235, %dma_start3A_236] : memref<10112x128xf32, #tpu.memory_space<vmem_shared>> -> memref<10112x128xf32, #tpu.memory_space<vmem_shared>>
      tpu.enqueue_indirect_dma source(%arg19 : memref<8x128xf32, #tpu.memory_space<vmem>>) target(%dma_start3A_237 : memref<10112x128xf32, #tpu.memory_space<vmem_shared>>) offsets(%arg18 : memref<8xi32, #tpu.memory_space<vmem>>) semaphore(%run_scoped3A_234 : memref<!tpu.dma_semaphore, #tpu.memory_space<semaphore_mem>>) {add = true}
      %dma_wait3A_238 = arith.constant 0 : i32
      %dma_wait3A_239 = arith.constant 0 : i32
      %dma_wait3A_240 = tpu.memref_slice %arg20[%dma_wait3A_238, %dma_wait3A_239] : memref<10112x128xf32, #tpu.memory_space<vmem_shared>> -> memref<10112x128xf32, #tpu.memory_space<vmem_shared>>
      tpu.wait_indirect_dma semaphore(%run_scoped3A_234 : memref<!tpu.dma_semaphore, #tpu.memory_space<semaphore_mem>>) src(%arg19 : memref<8x128xf32, #tpu.memory_space<vmem>>) dst(%dma_wait3A_240 : memref<10112x128xf32, #tpu.memory_space<vmem_shared>>)
      tpu.yield
    }) : () -> ()
    %barrier3A_153 = arith.constant 0 : index
    tpu.barrier barrier_id(%barrier3A_153)
    %dma_start3A_154 = arith.constant 0 : i32
    %dma_start3A_155 = tpu.memref_slice %arg11[%dma_start3A_154] : memref<4992xi32, #tpu.memory_space<vmem>> -> memref<64xi32, #tpu.memory_space<vmem>>
    %dma_start3A_156 = arith.constant 0 : i32
    %dma_start3A_157 = arith.constant 0 : i32
    %dma_start3A_158 = tpu.memref_slice %arg3[%dma_start3A_156, %dma_start3A_157] : memref<10000x128xf32, #tpu.memory_space<hbm>> -> memref<10000x128xf32, #tpu.memory_space<hbm>>
    tpu.enqueue_indirect_dma source(%dma_start3A_158 : memref<10000x128xf32, #tpu.memory_space<hbm>>) target(%arg13 : memref<64x128xf32, #tpu.memory_space<vmem>>) offsets(%dma_start3A_155 : memref<64xi32, #tpu.memory_space<vmem>>) semaphore(%arg21 : memref<!tpu.dma_semaphore, #tpu.memory_space<semaphore_mem>>)
    %dma_start3A_159 = arith.constant 64 : i32
    %dma_start3A_160 = tpu.memref_slice %arg11[%dma_start3A_159] : memref<4992xi32, #tpu.memory_space<vmem>> -> memref<64xi32, #tpu.memory_space<vmem>>
    %dma_start3A_161 = arith.constant 0 : i32
    %dma_start3A_162 = arith.constant 0 : i32
    %dma_start3A_163 = tpu.memref_slice %arg3[%dma_start3A_161, %dma_start3A_162] : memref<10000x128xf32, #tpu.memory_space<hbm>> -> memref<10000x128xf32, #tpu.memory_space<hbm>>
    tpu.enqueue_indirect_dma source(%dma_start3A_163 : memref<10000x128xf32, #tpu.memory_space<hbm>>) target(%arg14 : memref<64x128xf32, #tpu.memory_space<vmem>>) offsets(%dma_start3A_160 : memref<64xi32, #tpu.memory_space<vmem>>) semaphore(%arg22 : memref<!tpu.dma_semaphore, #tpu.memory_space<semaphore_mem>>)
    %dma_start3A_164 = arith.constant 128 : i32
    %dma_start3A_165 = tpu.memref_slice %arg11[%dma_start3A_164] : memref<4992xi32, #tpu.memory_space<vmem>> -> memref<64xi32, #tpu.memory_space<vmem>>
    %dma_start3A_166 = arith.constant 0 : i32
    %dma_start3A_167 = arith.constant 0 : i32
    %dma_start3A_168 = tpu.memref_slice %arg3[%dma_start3A_166, %dma_start3A_167] : memref<10000x128xf32, #tpu.memory_space<hbm>> -> memref<10000x128xf32, #tpu.memory_space<hbm>>
    tpu.enqueue_indirect_dma source(%dma_start3A_168 : memref<10000x128xf32, #tpu.memory_space<hbm>>) target(%arg15 : memref<64x128xf32, #tpu.memory_space<vmem>>) offsets(%dma_start3A_165 : memref<64xi32, #tpu.memory_space<vmem>>) semaphore(%arg23 : memref<!tpu.dma_semaphore, #tpu.memory_space<semaphore_mem>>)
    "tpu.region"() ({
      %run_scoped3A_234 = tpu.sem_alloc : memref<!tpu.dma_semaphore, #tpu.memory_space<semaphore_mem>>
      %dma_start3A_235 = arith.constant 0 : i32
      %dma_start3A_236 = tpu.memref_slice %arg8[%arg0, %mul3A_0, %dma_start3A_235] : memref<2x10112x128xf32, #tpu.memory_space<hbm>> -> memref<1x632x128xf32, #tpu.memory_space<hbm>>
      %dma_start3A_237 = tpu.memref_squeeze %dma_start3A_236 : memref<1x632x128xf32, #tpu.memory_space<hbm>> -> memref<632x128xf32, #tpu.memory_space<hbm>>
      %dma_start3A_238 = arith.constant 0 : i32
      %dma_start3A_239 = tpu.memref_slice %arg20[%mul3A_0, %dma_start3A_238] : memref<10112x128xf32, #tpu.memory_space<vmem_shared>> -> memref<632x128xf32, #tpu.memory_space<vmem_shared>>
      tpu.enqueue_dma source(%dma_start3A_239 : memref<632x128xf32, #tpu.memory_space<vmem_shared>>) target(%dma_start3A_237 : memref<632x128xf32, #tpu.memory_space<hbm>>) target_semaphore(%run_scoped3A_234 : memref<!tpu.dma_semaphore, #tpu.memory_space<semaphore_mem>>)
      %dma_wait3A_240 = arith.constant 0 : i32
      %dma_wait3A_241 = tpu.memref_slice %arg8[%arg0, %mul3A_0, %dma_wait3A_240] : memref<2x10112x128xf32, #tpu.memory_space<hbm>> -> memref<1x632x128xf32, #tpu.memory_space<hbm>>
      %dma_wait3A_242 = tpu.memref_squeeze %dma_wait3A_241 : memref<1x632x128xf32, #tpu.memory_space<hbm>> -> memref<632x128xf32, #tpu.memory_space<hbm>>
      %dma_wait3A_243 = arith.constant 0 : i32
      %dma_wait3A_244 = tpu.memref_slice %arg20[%mul3A_0, %dma_wait3A_243] : memref<10112x128xf32, #tpu.memory_space<vmem_shared>> -> memref<632x128xf32, #tpu.memory_space<vmem_shared>>
      tpu.wait_dma2 semaphore(%run_scoped3A_234 : memref<!tpu.dma_semaphore, #tpu.memory_space<semaphore_mem>>) src(%dma_wait3A_244 : memref<632x128xf32, #tpu.memory_space<vmem_shared>>) dst(%dma_wait3A_242 : memref<632x128xf32, #tpu.memory_space<hbm>>)
      tpu.yield
    }) : () -> ()
    "tpu.region"() ({
      %run_scoped3A_234 = tpu.sem_alloc : memref<!tpu.dma_semaphore, #tpu.memory_space<semaphore_mem>>
      %dma_start3A_235 = arith.constant 0 : i32
      %dma_start3A_236 = tpu.memref_slice %arg20[%mul3A_0, %dma_start3A_235] : memref<10112x128xf32, #tpu.memory_space<vmem_shared>> -> memref<632x128xf32, #tpu.memory_space<vmem_shared>>
      %dma_start3A_237 = arith.constant 0 : i32
      %dma_start3A_238 = tpu.memref_slice %arg6[%mul3A_0, %dma_start3A_237] : memref<10112x128xf32, #tpu.memory_space<hbm>> -> memref<632x128xf32, #tpu.memory_space<hbm>>
      tpu.enqueue_dma source(%dma_start3A_238 : memref<632x128xf32, #tpu.memory_space<hbm>>) target(%dma_start3A_236 : memref<632x128xf32, #tpu.memory_space<vmem_shared>>) target_semaphore(%run_scoped3A_234 : memref<!tpu.dma_semaphore, #tpu.memory_space<semaphore_mem>>)
      %dma_wait3A_239 = arith.constant 0 : i32
      %dma_wait3A_240 = tpu.memref_slice %arg20[%mul3A_0, %dma_wait3A_239] : memref<10112x128xf32, #tpu.memory_space<vmem_shared>> -> memref<632x128xf32, #tpu.memory_space<vmem_shared>>
      %dma_wait3A_241 = arith.constant 0 : i32
      %dma_wait3A_242 = tpu.memref_slice %arg6[%mul3A_0, %dma_wait3A_241] : memref<10112x128xf32, #tpu.memory_space<hbm>> -> memref<632x128xf32, #tpu.memory_space<hbm>>
      tpu.wait_dma2 semaphore(%run_scoped3A_234 : memref<!tpu.dma_semaphore, #tpu.memory_space<semaphore_mem>>) src(%dma_wait3A_242 : memref<632x128xf32, #tpu.memory_space<hbm>>) dst(%dma_wait3A_240 : memref<632x128xf32, #tpu.memory_space<vmem_shared>>)
      tpu.yield
    }) : () -> ()
    %barrier3A_169 = arith.constant 0 : index
    tpu.barrier barrier_id(%barrier3A_169)
    %scan3A_170 = arith.constant 0 : i32
    %scan3A_171 = arith.constant 0 : i32
    %scan3A_172 = arith.constant 18 : i32
    %scan3A_173 = arith.addi %scan3A_171, %scan3A_172 : i32
    %scan3A_174 = arith.constant 1 : i32
    scf.for %scan3A_234 = %scan3A_171 to %scan3A_173 step %scan3A_174  : i32 {
      %mul3A_235 = arith.constant 4 : i32
      %mul3A_236 = arith.muli %mul3A_235, %scan3A_234 : i32
      %add3A_237 = arith.constant 0 : i32
      %add3A_238 = arith.addi %mul3A_236, %add3A_237 : i32
      %add3A_239 = arith.constant 4 : i32
      %add3A_240 = arith.addi %add3A_238, %add3A_239 : i32
      %sub3A = arith.constant 1 : i32
      %sub3A_241 = arith.subi %add3A_240, %sub3A : i32
      %mul3A_242 = arith.constant 64 : i32
      %mul3A_243 = arith.muli %sub3A_241, %mul3A_242 : i32
      %dma_start3A_244 = tpu.memref_slice %arg11[%mul3A_243] : memref<4992xi32, #tpu.memory_space<vmem>> -> memref<64xi32, #tpu.memory_space<vmem>>
      %dma_start3A_245 = arith.constant 0 : i32
      %dma_start3A_246 = arith.constant 0 : i32
      %dma_start3A_247 = tpu.memref_slice %arg3[%dma_start3A_245, %dma_start3A_246] : memref<10000x128xf32, #tpu.memory_space<hbm>> -> memref<10000x128xf32, #tpu.memory_space<hbm>>
      tpu.enqueue_indirect_dma source(%dma_start3A_247 : memref<10000x128xf32, #tpu.memory_space<hbm>>) target(%arg16 : memref<64x128xf32, #tpu.memory_space<vmem>>) offsets(%dma_start3A_244 : memref<64xi32, #tpu.memory_space<vmem>>) semaphore(%arg24 : memref<!tpu.dma_semaphore, #tpu.memory_space<semaphore_mem>>)
      %dma_wait3A_248 = arith.constant 0 : i32
      %dma_wait3A_249 = tpu.memref_slice %arg11[%dma_wait3A_248] : memref<4992xi32, #tpu.memory_space<vmem>> -> memref<64xi32, #tpu.memory_space<vmem>>
      %dma_wait3A_250 = arith.constant 0 : i32
      %dma_wait3A_251 = arith.constant 0 : i32
      %dma_wait3A_252 = tpu.memref_slice %arg3[%dma_wait3A_250, %dma_wait3A_251] : memref<10000x128xf32, #tpu.memory_space<hbm>> -> memref<10000x128xf32, #tpu.memory_space<hbm>>
      tpu.wait_indirect_dma semaphore(%arg21 : memref<!tpu.dma_semaphore, #tpu.memory_space<semaphore_mem>>) src(%dma_wait3A_252 : memref<10000x128xf32, #tpu.memory_space<hbm>>) dst(%arg13 : memref<64x128xf32, #tpu.memory_space<vmem>>)
      "tpu.region"() ({
        %run_scoped3A_310 = tpu.sem_alloc : memref<!tpu.dma_semaphore, #tpu.memory_space<semaphore_mem>>
        %dma_start3A_311 = arith.constant 0 : i32
        %dma_start3A_312 = tpu.memref_slice %arg12[%add3A_238, %dma_start3A_311] : memref<78x64xi32, #tpu.memory_space<vmem>> -> memref<1x64xi32, #tpu.memory_space<vmem>>
        %dma_start3A_313 = tpu.memref_squeeze %dma_start3A_312 : memref<1x64xi32, #tpu.memory_space<vmem>> -> memref<64xi32, #tpu.memory_space<vmem>>
        %dma_start3A_314 = arith.constant 0 : i32
        %dma_start3A_315 = arith.constant 0 : i32
        %dma_start3A_316 = tpu.memref_slice %arg20[%dma_start3A_314, %dma_start3A_315] : memref<10112x128xf32, #tpu.memory_space<vmem_shared>> -> memref<10112x128xf32, #tpu.memory_space<vmem_shared>>
        tpu.enqueue_indirect_dma source(%arg13 : memref<64x128xf32, #tpu.memory_space<vmem>>) target(%dma_start3A_316 : memref<10112x128xf32, #tpu.memory_space<vmem_shared>>) offsets(%dma_start3A_313 : memref<64xi32, #tpu.memory_space<vmem>>) semaphore(%run_scoped3A_310 : memref<!tpu.dma_semaphore, #tpu.memory_space<semaphore_mem>>) {add = true}
        %dma_wait3A_317 = arith.constant 0 : i32
        %dma_wait3A_318 = tpu.memref_slice %arg12[%add3A_238, %dma_wait3A_317] : memref<78x64xi32, #tpu.memory_space<vmem>> -> memref<1x64xi32, #tpu.memory_space<vmem>>
        %dma_wait3A_319 = tpu.memref_squeeze %dma_wait3A_318 : memref<1x64xi32, #tpu.memory_space<vmem>> -> memref<64xi32, #tpu.memory_space<vmem>>
        %dma_wait3A_320 = arith.constant 0 : i32
        %dma_wait3A_321 = arith.constant 0 : i32
        %dma_wait3A_322 = tpu.memref_slice %arg20[%dma_wait3A_320, %dma_wait3A_321] : memref<10112x128xf32, #tpu.memory_space<vmem_shared>> -> memref<10112x128xf32, #tpu.memory_space<vmem_shared>>
        tpu.wait_indirect_dma semaphore(%run_scoped3A_310 : memref<!tpu.dma_semaphore, #tpu.memory_space<semaphore_mem>>) src(%arg13 : memref<64x128xf32, #tpu.memory_space<vmem>>) dst(%dma_wait3A_322 : memref<10112x128xf32, #tpu.memory_space<vmem_shared>>)
        tpu.yield
      }) : () -> ()
      %mul3A_253 = arith.constant 4 : i32
      %mul3A_254 = arith.muli %mul3A_253, %scan3A_234 : i32
      %add3A_255 = arith.constant 1 : i32
      %add3A_256 = arith.addi %mul3A_254, %add3A_255 : i32
      %add3A_257 = arith.constant 4 : i32
      %add3A_258 = arith.addi %add3A_256, %add3A_257 : i32
      %sub3A_259 = arith.constant 1 : i32
      %sub3A_260 = arith.subi %add3A_258, %sub3A_259 : i32
      %mul3A_261 = arith.constant 64 : i32
      %mul3A_262 = arith.muli %sub3A_260, %mul3A_261 : i32
      %dma_start3A_263 = tpu.memref_slice %arg11[%mul3A_262] : memref<4992xi32, #tpu.memory_space<vmem>> -> memref<64xi32, #tpu.memory_space<vmem>>
      %dma_start3A_264 = arith.constant 0 : i32
      %dma_start3A_265 = arith.constant 0 : i32
      %dma_start3A_266 = tpu.memref_slice %arg3[%dma_start3A_264, %dma_start3A_265] : memref<10000x128xf32, #tpu.memory_space<hbm>> -> memref<10000x128xf32, #tpu.memory_space<hbm>>
      tpu.enqueue_indirect_dma source(%dma_start3A_266 : memref<10000x128xf32, #tpu.memory_space<hbm>>) target(%arg13 : memref<64x128xf32, #tpu.memory_space<vmem>>) offsets(%dma_start3A_263 : memref<64xi32, #tpu.memory_space<vmem>>) semaphore(%arg21 : memref<!tpu.dma_semaphore, #tpu.memory_space<semaphore_mem>>)
      %dma_wait3A_267 = arith.constant 0 : i32
      %dma_wait3A_268 = tpu.memref_slice %arg11[%dma_wait3A_267] : memref<4992xi32, #tpu.memory_space<vmem>> -> memref<64xi32, #tpu.memory_space<vmem>>
      %dma_wait3A_269 = arith.constant 0 : i32
      %dma_wait3A_270 = arith.constant 0 : i32
      %dma_wait3A_271 = tpu.memref_slice %arg3[%dma_wait3A_269, %dma_wait3A_270] : memref<10000x128xf32, #tpu.memory_space<hbm>> -> memref<10000x128xf32, #tpu.memory_space<hbm>>
      tpu.wait_indirect_dma semaphore(%arg22 : memref<!tpu.dma_semaphore, #tpu.memory_space<semaphore_mem>>) src(%dma_wait3A_271 : memref<10000x128xf32, #tpu.memory_space<hbm>>) dst(%arg14 : memref<64x128xf32, #tpu.memory_space<vmem>>)
      "tpu.region"() ({
        %run_scoped3A_310 = tpu.sem_alloc : memref<!tpu.dma_semaphore, #tpu.memory_space<semaphore_mem>>
        %dma_start3A_311 = arith.constant 0 : i32
        %dma_start3A_312 = tpu.memref_slice %arg12[%add3A_256, %dma_start3A_311] : memref<78x64xi32, #tpu.memory_space<vmem>> -> memref<1x64xi32, #tpu.memory_space<vmem>>
        %dma_start3A_313 = tpu.memref_squeeze %dma_start3A_312 : memref<1x64xi32, #tpu.memory_space<vmem>> -> memref<64xi32, #tpu.memory_space<vmem>>
        %dma_start3A_314 = arith.constant 0 : i32
        %dma_start3A_315 = arith.constant 0 : i32
        %dma_start3A_316 = tpu.memref_slice %arg20[%dma_start3A_314, %dma_start3A_315] : memref<10112x128xf32, #tpu.memory_space<vmem_shared>> -> memref<10112x128xf32, #tpu.memory_space<vmem_shared>>
        tpu.enqueue_indirect_dma source(%arg14 : memref<64x128xf32, #tpu.memory_space<vmem>>) target(%dma_start3A_316 : memref<10112x128xf32, #tpu.memory_space<vmem_shared>>) offsets(%dma_start3A_313 : memref<64xi32, #tpu.memory_space<vmem>>) semaphore(%run_scoped3A_310 : memref<!tpu.dma_semaphore, #tpu.memory_space<semaphore_mem>>) {add = true}
        %dma_wait3A_317 = arith.constant 0 : i32
        %dma_wait3A_318 = tpu.memref_slice %arg12[%add3A_256, %dma_wait3A_317] : memref<78x64xi32, #tpu.memory_space<vmem>> -> memref<1x64xi32, #tpu.memory_space<vmem>>
        %dma_wait3A_319 = tpu.memref_squeeze %dma_wait3A_318 : memref<1x64xi32, #tpu.memory_space<vmem>> -> memref<64xi32, #tpu.memory_space<vmem>>
        %dma_wait3A_320 = arith.constant 0 : i32
        %dma_wait3A_321 = arith.constant 0 : i32
        %dma_wait3A_322 = tpu.memref_slice %arg20[%dma_wait3A_320, %dma_wait3A_321] : memref<10112x128xf32, #tpu.memory_space<vmem_shared>> -> memref<10112x128xf32, #tpu.memory_space<vmem_shared>>
        tpu.wait_indirect_dma semaphore(%run_scoped3A_310 : memref<!tpu.dma_semaphore, #tpu.memory_space<semaphore_mem>>) src(%arg14 : memref<64x128xf32, #tpu.memory_space<vmem>>) dst(%dma_wait3A_322 : memref<10112x128xf32, #tpu.memory_space<vmem_shared>>)
        tpu.yield
      }) : () -> ()
      %mul3A_272 = arith.constant 4 : i32
      %mul3A_273 = arith.muli %mul3A_272, %scan3A_234 : i32
      %add3A_274 = arith.constant 2 : i32
      %add3A_275 = arith.addi %mul3A_273, %add3A_274 : i32
      %add3A_276 = arith.constant 4 : i32
      %add3A_277 = arith.addi %add3A_275, %add3A_276 : i32
      %sub3A_278 = arith.constant 1 : i32
      %sub3A_279 = arith.subi %add3A_277, %sub3A_278 : i32
      %mul3A_280 = arith.constant 64 : i32
      %mul3A_281 = arith.muli %sub3A_279, %mul3A_280 : i32
      %dma_start3A_282 = tpu.memref_slice %arg11[%mul3A_281] : memref<4992xi32, #tpu.memory_space<vmem>> -> memref<64xi32, #tpu.memory_space<vmem>>
      %dma_start3A_283 = arith.constant 0 : i32
      %dma_start3A_284 = arith.constant 0 : i32
      %dma_start3A_285 = tpu.memref_slice %arg3[%dma_start3A_283, %dma_start3A_284] : memref<10000x128xf32, #tpu.memory_space<hbm>> -> memref<10000x128xf32, #tpu.memory_space<hbm>>
      tpu.enqueue_indirect_dma source(%dma_start3A_285 : memref<10000x128xf32, #tpu.memory_space<hbm>>) target(%arg14 : memref<64x128xf32, #tpu.memory_space<vmem>>) offsets(%dma_start3A_282 : memref<64xi32, #tpu.memory_space<vmem>>) semaphore(%arg22 : memref<!tpu.dma_semaphore, #tpu.memory_space<semaphore_mem>>)
      %dma_wait3A_286 = arith.constant 0 : i32
      %dma_wait3A_287 = tpu.memref_slice %arg11[%dma_wait3A_286] : memref<4992xi32, #tpu.memory_space<vmem>> -> memref<64xi32, #tpu.memory_space<vmem>>
      %dma_wait3A_288 = arith.constant 0 : i32
      %dma_wait3A_289 = arith.constant 0 : i32
      %dma_wait3A_290 = tpu.memref_slice %arg3[%dma_wait3A_288, %dma_wait3A_289] : memref<10000x128xf32, #tpu.memory_space<hbm>> -> memref<10000x128xf32, #tpu.memory_space<hbm>>
      tpu.wait_indirect_dma semaphore(%arg23 : memref<!tpu.dma_semaphore, #tpu.memory_space<semaphore_mem>>) src(%dma_wait3A_290 : memref<10000x128xf32, #tpu.memory_space<hbm>>) dst(%arg15 : memref<64x128xf32, #tpu.memory_space<vmem>>)
      "tpu.region"() ({
        %run_scoped3A_310 = tpu.sem_alloc : memref<!tpu.dma_semaphore, #tpu.memory_space<semaphore_mem>>
        %dma_start3A_311 = arith.constant 0 : i32
        %dma_start3A_312 = tpu.memref_slice %arg12[%add3A_275, %dma_start3A_311] : memref<78x64xi32, #tpu.memory_space<vmem>> -> memref<1x64xi32, #tpu.memory_space<vmem>>
        %dma_start3A_313 = tpu.memref_squeeze %dma_start3A_312 : memref<1x64xi32, #tpu.memory_space<vmem>> -> memref<64xi32, #tpu.memory_space<vmem>>
        %dma_start3A_314 = arith.constant 0 : i32
        %dma_start3A_315 = arith.constant 0 : i32
        %dma_start3A_316 = tpu.memref_slice %arg20[%dma_start3A_314, %dma_start3A_315] : memref<10112x128xf32, #tpu.memory_space<vmem_shared>> -> memref<10112x128xf32, #tpu.memory_space<vmem_shared>>
        tpu.enqueue_indirect_dma source(%arg15 : memref<64x128xf32, #tpu.memory_space<vmem>>) target(%dma_start3A_316 : memref<10112x128xf32, #tpu.memory_space<vmem_shared>>) offsets(%dma_start3A_313 : memref<64xi32, #tpu.memory_space<vmem>>) semaphore(%run_scoped3A_310 : memref<!tpu.dma_semaphore, #tpu.memory_space<semaphore_mem>>) {add = true}
        %dma_wait3A_317 = arith.constant 0 : i32
        %dma_wait3A_318 = tpu.memref_slice %arg12[%add3A_275, %dma_wait3A_317] : memref<78x64xi32, #tpu.memory_space<vmem>> -> memref<1x64xi32, #tpu.memory_space<vmem>>
        %dma_wait3A_319 = tpu.memref_squeeze %dma_wait3A_318 : memref<1x64xi32, #tpu.memory_space<vmem>> -> memref<64xi32, #tpu.memory_space<vmem>>
        %dma_wait3A_320 = arith.constant 0 : i32
        %dma_wait3A_321 = arith.constant 0 : i32
        %dma_wait3A_322 = tpu.memref_slice %arg20[%dma_wait3A_320, %dma_wait3A_321] : memref<10112x128xf32, #tpu.memory_space<vmem_shared>> -> memref<10112x128xf32, #tpu.memory_space<vmem_shared>>
        tpu.wait_indirect_dma semaphore(%run_scoped3A_310 : memref<!tpu.dma_semaphore, #tpu.memory_space<semaphore_mem>>) src(%arg15 : memref<64x128xf32, #tpu.memory_space<vmem>>) dst(%dma_wait3A_322 : memref<10112x128xf32, #tpu.memory_space<vmem_shared>>)
        tpu.yield
      }) : () -> ()
      %mul3A_291 = arith.constant 4 : i32
      %mul3A_292 = arith.muli %mul3A_291, %scan3A_234 : i32
      %add3A_293 = arith.constant 3 : i32
      %add3A_294 = arith.addi %mul3A_292, %add3A_293 : i32
      %add3A_295 = arith.constant 4 : i32
      %add3A_296 = arith.addi %add3A_294, %add3A_295 : i32
      %sub3A_297 = arith.constant 1 : i32
      %sub3A_298 = arith.subi %add3A_296, %sub3A_297 : i32
      %mul3A_299 = arith.constant 64 : i32
      %mul3A_300 = arith.muli %sub3A_298, %mul3A_299 : i32
      %dma_start3A_301 = tpu.memref_slice %arg11[%mul3A_300] : memref<4992xi32, #tpu.memory_space<vmem>> -> memref<64xi32, #tpu.memory_space<vmem>>
      %dma_start3A_302 = arith.constant 0 : i32
      %dma_start3A_303 = arith.constant 0 : i32
      %dma_start3A_304 = tpu.memref_slice %arg3[%dma_start3A_302, %dma_start3A_303] : memref<10000x128xf32, #tpu.memory_space<hbm>> -> memref<10000x128xf32, #tpu.memory_space<hbm>>
      tpu.enqueue_indirect_dma source(%dma_start3A_304 : memref<10000x128xf32, #tpu.memory_space<hbm>>) target(%arg15 : memref<64x128xf32, #tpu.memory_space<vmem>>) offsets(%dma_start3A_301 : memref<64xi32, #tpu.memory_space<vmem>>) semaphore(%arg23 : memref<!tpu.dma_semaphore, #tpu.memory_space<semaphore_mem>>)
      %dma_wait3A_305 = arith.constant 0 : i32
      %dma_wait3A_306 = tpu.memref_slice %arg11[%dma_wait3A_305] : memref<4992xi32, #tpu.memory_space<vmem>> -> memref<64xi32, #tpu.memory_space<vmem>>
      %dma_wait3A_307 = arith.constant 0 : i32
      %dma_wait3A_308 = arith.constant 0 : i32
      %dma_wait3A_309 = tpu.memref_slice %arg3[%dma_wait3A_307, %dma_wait3A_308] : memref<10000x128xf32, #tpu.memory_space<hbm>> -> memref<10000x128xf32, #tpu.memory_space<hbm>>
      tpu.wait_indirect_dma semaphore(%arg24 : memref<!tpu.dma_semaphore, #tpu.memory_space<semaphore_mem>>) src(%dma_wait3A_309 : memref<10000x128xf32, #tpu.memory_space<hbm>>) dst(%arg16 : memref<64x128xf32, #tpu.memory_space<vmem>>)
      "tpu.region"() ({
        %run_scoped3A_310 = tpu.sem_alloc : memref<!tpu.dma_semaphore, #tpu.memory_space<semaphore_mem>>
        %dma_start3A_311 = arith.constant 0 : i32
        %dma_start3A_312 = tpu.memref_slice %arg12[%add3A_294, %dma_start3A_311] : memref<78x64xi32, #tpu.memory_space<vmem>> -> memref<1x64xi32, #tpu.memory_space<vmem>>
        %dma_start3A_313 = tpu.memref_squeeze %dma_start3A_312 : memref<1x64xi32, #tpu.memory_space<vmem>> -> memref<64xi32, #tpu.memory_space<vmem>>
        %dma_start3A_314 = arith.constant 0 : i32
        %dma_start3A_315 = arith.constant 0 : i32
        %dma_start3A_316 = tpu.memref_slice %arg20[%dma_start3A_314, %dma_start3A_315] : memref<10112x128xf32, #tpu.memory_space<vmem_shared>> -> memref<10112x128xf32, #tpu.memory_space<vmem_shared>>
        tpu.enqueue_indirect_dma source(%arg16 : memref<64x128xf32, #tpu.memory_space<vmem>>) target(%dma_start3A_316 : memref<10112x128xf32, #tpu.memory_space<vmem_shared>>) offsets(%dma_start3A_313 : memref<64xi32, #tpu.memory_space<vmem>>) semaphore(%run_scoped3A_310 : memref<!tpu.dma_semaphore, #tpu.memory_space<semaphore_mem>>) {add = true}
        %dma_wait3A_317 = arith.constant 0 : i32
        %dma_wait3A_318 = tpu.memref_slice %arg12[%add3A_294, %dma_wait3A_317] : memref<78x64xi32, #tpu.memory_space<vmem>> -> memref<1x64xi32, #tpu.memory_space<vmem>>
        %dma_wait3A_319 = tpu.memref_squeeze %dma_wait3A_318 : memref<1x64xi32, #tpu.memory_space<vmem>> -> memref<64xi32, #tpu.memory_space<vmem>>
        %dma_wait3A_320 = arith.constant 0 : i32
        %dma_wait3A_321 = arith.constant 0 : i32
        %dma_wait3A_322 = tpu.memref_slice %arg20[%dma_wait3A_320, %dma_wait3A_321] : memref<10112x128xf32, #tpu.memory_space<vmem_shared>> -> memref<10112x128xf32, #tpu.memory_space<vmem_shared>>
        tpu.wait_indirect_dma semaphore(%run_scoped3A_310 : memref<!tpu.dma_semaphore, #tpu.memory_space<semaphore_mem>>) src(%arg16 : memref<64x128xf32, #tpu.memory_space<vmem>>) dst(%dma_wait3A_322 : memref<10112x128xf32, #tpu.memory_space<vmem_shared>>)
        tpu.yield
      }) : () -> ()
    }
    %scan3A_175 = arith.constant 18 : i32
    %dma_start3A_176 = arith.constant 4800 : i32
    %dma_start3A_177 = tpu.memref_slice %arg11[%dma_start3A_176] : memref<4992xi32, #tpu.memory_space<vmem>> -> memref<64xi32, #tpu.memory_space<vmem>>
    %dma_start3A_178 = arith.constant 0 : i32
    %dma_start3A_179 = arith.constant 0 : i32
    %dma_start3A_180 = tpu.memref_slice %arg3[%dma_start3A_178, %dma_start3A_179] : memref<10000x128xf32, #tpu.memory_space<hbm>> -> memref<10000x128xf32, #tpu.memory_space<hbm>>
    tpu.enqueue_indirect_dma source(%dma_start3A_180 : memref<10000x128xf32, #tpu.memory_space<hbm>>) target(%arg16 : memref<64x128xf32, #tpu.memory_space<vmem>>) offsets(%dma_start3A_177 : memref<64xi32, #tpu.memory_space<vmem>>) semaphore(%arg24 : memref<!tpu.dma_semaphore, #tpu.memory_space<semaphore_mem>>)
    %dma_wait3A_181 = arith.constant 0 : i32
    %dma_wait3A_182 = tpu.memref_slice %arg11[%dma_wait3A_181] : memref<4992xi32, #tpu.memory_space<vmem>> -> memref<64xi32, #tpu.memory_space<vmem>>
    %dma_wait3A_183 = arith.constant 0 : i32
    %dma_wait3A_184 = arith.constant 0 : i32
    %dma_wait3A_185 = tpu.memref_slice %arg3[%dma_wait3A_183, %dma_wait3A_184] : memref<10000x128xf32, #tpu.memory_space<hbm>> -> memref<10000x128xf32, #tpu.memory_space<hbm>>
    tpu.wait_indirect_dma semaphore(%arg21 : memref<!tpu.dma_semaphore, #tpu.memory_space<semaphore_mem>>) src(%dma_wait3A_185 : memref<10000x128xf32, #tpu.memory_space<hbm>>) dst(%arg13 : memref<64x128xf32, #tpu.memory_space<vmem>>)
    %run_scoped3A_186 = arith.constant 72 : i32
    "tpu.region"() ({
      %run_scoped3A_234 = tpu.sem_alloc : memref<!tpu.dma_semaphore, #tpu.memory_space<semaphore_mem>>
      %dma_start3A_235 = arith.constant 0 : i32
      %dma_start3A_236 = tpu.memref_slice %arg12[%run_scoped3A_186, %dma_start3A_235] : memref<78x64xi32, #tpu.memory_space<vmem>> -> memref<1x64xi32, #tpu.memory_space<vmem>>
      %dma_start3A_237 = tpu.memref_squeeze %dma_start3A_236 : memref<1x64xi32, #tpu.memory_space<vmem>> -> memref<64xi32, #tpu.memory_space<vmem>>
      %dma_start3A_238 = arith.constant 0 : i32
      %dma_start3A_239 = arith.constant 0 : i32
      %dma_start3A_240 = tpu.memref_slice %arg20[%dma_start3A_238, %dma_start3A_239] : memref<10112x128xf32, #tpu.memory_space<vmem_shared>> -> memref<10112x128xf32, #tpu.memory_space<vmem_shared>>
      tpu.enqueue_indirect_dma source(%arg13 : memref<64x128xf32, #tpu.memory_space<vmem>>) target(%dma_start3A_240 : memref<10112x128xf32, #tpu.memory_space<vmem_shared>>) offsets(%dma_start3A_237 : memref<64xi32, #tpu.memory_space<vmem>>) semaphore(%run_scoped3A_234 : memref<!tpu.dma_semaphore, #tpu.memory_space<semaphore_mem>>) {add = true}
      %dma_wait3A_241 = arith.constant 0 : i32
      %dma_wait3A_242 = tpu.memref_slice %arg12[%run_scoped3A_186, %dma_wait3A_241] : memref<78x64xi32, #tpu.memory_space<vmem>> -> memref<1x64xi32, #tpu.memory_space<vmem>>
      %dma_wait3A_243 = tpu.memref_squeeze %dma_wait3A_242 : memref<1x64xi32, #tpu.memory_space<vmem>> -> memref<64xi32, #tpu.memory_space<vmem>>
      %dma_wait3A_244 = arith.constant 0 : i32
      %dma_wait3A_245 = arith.constant 0 : i32
      %dma_wait3A_246 = tpu.memref_slice %arg20[%dma_wait3A_244, %dma_wait3A_245] : memref<10112x128xf32, #tpu.memory_space<vmem_shared>> -> memref<10112x128xf32, #tpu.memory_space<vmem_shared>>
      tpu.wait_indirect_dma semaphore(%run_scoped3A_234 : memref<!tpu.dma_semaphore, #tpu.memory_space<semaphore_mem>>) src(%arg13 : memref<64x128xf32, #tpu.memory_space<vmem>>) dst(%dma_wait3A_246 : memref<10112x128xf32, #tpu.memory_space<vmem_shared>>)
      tpu.yield
    }) : () -> ()
    %dma_start3A_187 = arith.constant 4864 : i32
    %dma_start3A_188 = tpu.memref_slice %arg11[%dma_start3A_187] : memref<4992xi32, #tpu.memory_space<vmem>> -> memref<64xi32, #tpu.memory_space<vmem>>
    %dma_start3A_189 = arith.constant 0 : i32
    %dma_start3A_190 = arith.constant 0 : i32
    %dma_start3A_191 = tpu.memref_slice %arg3[%dma_start3A_189, %dma_start3A_190] : memref<10000x128xf32, #tpu.memory_space<hbm>> -> memref<10000x128xf32, #tpu.memory_space<hbm>>
    tpu.enqueue_indirect_dma source(%dma_start3A_191 : memref<10000x128xf32, #tpu.memory_space<hbm>>) target(%arg13 : memref<64x128xf32, #tpu.memory_space<vmem>>) offsets(%dma_start3A_188 : memref<64xi32, #tpu.memory_space<vmem>>) semaphore(%arg21 : memref<!tpu.dma_semaphore, #tpu.memory_space<semaphore_mem>>)
    %dma_wait3A_192 = arith.constant 0 : i32
    %dma_wait3A_193 = tpu.memref_slice %arg11[%dma_wait3A_192] : memref<4992xi32, #tpu.memory_space<vmem>> -> memref<64xi32, #tpu.memory_space<vmem>>
    %dma_wait3A_194 = arith.constant 0 : i32
    %dma_wait3A_195 = arith.constant 0 : i32
    %dma_wait3A_196 = tpu.memref_slice %arg3[%dma_wait3A_194, %dma_wait3A_195] : memref<10000x128xf32, #tpu.memory_space<hbm>> -> memref<10000x128xf32, #tpu.memory_space<hbm>>
    tpu.wait_indirect_dma semaphore(%arg22 : memref<!tpu.dma_semaphore, #tpu.memory_space<semaphore_mem>>) src(%dma_wait3A_196 : memref<10000x128xf32, #tpu.memory_space<hbm>>) dst(%arg14 : memref<64x128xf32, #tpu.memory_space<vmem>>)
    %run_scoped3A_197 = arith.constant 73 : i32
    "tpu.region"() ({
      %run_scoped3A_234 = tpu.sem_alloc : memref<!tpu.dma_semaphore, #tpu.memory_space<semaphore_mem>>
      %dma_start3A_235 = arith.constant 0 : i32
      %dma_start3A_236 = tpu.memref_slice %arg12[%run_scoped3A_197, %dma_start3A_235] : memref<78x64xi32, #tpu.memory_space<vmem>> -> memref<1x64xi32, #tpu.memory_space<vmem>>
      %dma_start3A_237 = tpu.memref_squeeze %dma_start3A_236 : memref<1x64xi32, #tpu.memory_space<vmem>> -> memref<64xi32, #tpu.memory_space<vmem>>
      %dma_start3A_238 = arith.constant 0 : i32
      %dma_start3A_239 = arith.constant 0 : i32
      %dma_start3A_240 = tpu.memref_slice %arg20[%dma_start3A_238, %dma_start3A_239] : memref<10112x128xf32, #tpu.memory_space<vmem_shared>> -> memref<10112x128xf32, #tpu.memory_space<vmem_shared>>
      tpu.enqueue_indirect_dma source(%arg14 : memref<64x128xf32, #tpu.memory_space<vmem>>) target(%dma_start3A_240 : memref<10112x128xf32, #tpu.memory_space<vmem_shared>>) offsets(%dma_start3A_237 : memref<64xi32, #tpu.memory_space<vmem>>) semaphore(%run_scoped3A_234 : memref<!tpu.dma_semaphore, #tpu.memory_space<semaphore_mem>>) {add = true}
      %dma_wait3A_241 = arith.constant 0 : i32
      %dma_wait3A_242 = tpu.memref_slice %arg12[%run_scoped3A_197, %dma_wait3A_241] : memref<78x64xi32, #tpu.memory_space<vmem>> -> memref<1x64xi32, #tpu.memory_space<vmem>>
      %dma_wait3A_243 = tpu.memref_squeeze %dma_wait3A_242 : memref<1x64xi32, #tpu.memory_space<vmem>> -> memref<64xi32, #tpu.memory_space<vmem>>
      %dma_wait3A_244 = arith.constant 0 : i32
      %dma_wait3A_245 = arith.constant 0 : i32
      %dma_wait3A_246 = tpu.memref_slice %arg20[%dma_wait3A_244, %dma_wait3A_245] : memref<10112x128xf32, #tpu.memory_space<vmem_shared>> -> memref<10112x128xf32, #tpu.memory_space<vmem_shared>>
      tpu.wait_indirect_dma semaphore(%run_scoped3A_234 : memref<!tpu.dma_semaphore, #tpu.memory_space<semaphore_mem>>) src(%arg14 : memref<64x128xf32, #tpu.memory_space<vmem>>) dst(%dma_wait3A_246 : memref<10112x128xf32, #tpu.memory_space<vmem_shared>>)
      tpu.yield
    }) : () -> ()
    %dma_start3A_198 = arith.constant 4928 : i32
    %dma_start3A_199 = tpu.memref_slice %arg11[%dma_start3A_198] : memref<4992xi32, #tpu.memory_space<vmem>> -> memref<64xi32, #tpu.memory_space<vmem>>
    %dma_start3A_200 = arith.constant 0 : i32
    %dma_start3A_201 = arith.constant 0 : i32
    %dma_start3A_202 = tpu.memref_slice %arg3[%dma_start3A_200, %dma_start3A_201] : memref<10000x128xf32, #tpu.memory_space<hbm>> -> memref<10000x128xf32, #tpu.memory_space<hbm>>
    tpu.enqueue_indirect_dma source(%dma_start3A_202 : memref<10000x128xf32, #tpu.memory_space<hbm>>) target(%arg14 : memref<64x128xf32, #tpu.memory_space<vmem>>) offsets(%dma_start3A_199 : memref<64xi32, #tpu.memory_space<vmem>>) semaphore(%arg22 : memref<!tpu.dma_semaphore, #tpu.memory_space<semaphore_mem>>)
    %dma_wait3A_203 = arith.constant 0 : i32
    %dma_wait3A_204 = tpu.memref_slice %arg11[%dma_wait3A_203] : memref<4992xi32, #tpu.memory_space<vmem>> -> memref<64xi32, #tpu.memory_space<vmem>>
    %dma_wait3A_205 = arith.constant 0 : i32
    %dma_wait3A_206 = arith.constant 0 : i32
    %dma_wait3A_207 = tpu.memref_slice %arg3[%dma_wait3A_205, %dma_wait3A_206] : memref<10000x128xf32, #tpu.memory_space<hbm>> -> memref<10000x128xf32, #tpu.memory_space<hbm>>
    tpu.wait_indirect_dma semaphore(%arg23 : memref<!tpu.dma_semaphore, #tpu.memory_space<semaphore_mem>>) src(%dma_wait3A_207 : memref<10000x128xf32, #tpu.memory_space<hbm>>) dst(%arg15 : memref<64x128xf32, #tpu.memory_space<vmem>>)
    %run_scoped3A_208 = arith.constant 74 : i32
    "tpu.region"() ({
      %run_scoped3A_234 = tpu.sem_alloc : memref<!tpu.dma_semaphore, #tpu.memory_space<semaphore_mem>>
      %dma_start3A_235 = arith.constant 0 : i32
      %dma_start3A_236 = tpu.memref_slice %arg12[%run_scoped3A_208, %dma_start3A_235] : memref<78x64xi32, #tpu.memory_space<vmem>> -> memref<1x64xi32, #tpu.memory_space<vmem>>
      %dma_start3A_237 = tpu.memref_squeeze %dma_start3A_236 : memref<1x64xi32, #tpu.memory_space<vmem>> -> memref<64xi32, #tpu.memory_space<vmem>>
      %dma_start3A_238 = arith.constant 0 : i32
      %dma_start3A_239 = arith.constant 0 : i32
      %dma_start3A_240 = tpu.memref_slice %arg20[%dma_start3A_238, %dma_start3A_239] : memref<10112x128xf32, #tpu.memory_space<vmem_shared>> -> memref<10112x128xf32, #tpu.memory_space<vmem_shared>>
      tpu.enqueue_indirect_dma source(%arg15 : memref<64x128xf32, #tpu.memory_space<vmem>>) target(%dma_start3A_240 : memref<10112x128xf32, #tpu.memory_space<vmem_shared>>) offsets(%dma_start3A_237 : memref<64xi32, #tpu.memory_space<vmem>>) semaphore(%run_scoped3A_234 : memref<!tpu.dma_semaphore, #tpu.memory_space<semaphore_mem>>) {add = true}
      %dma_wait3A_241 = arith.constant 0 : i32
      %dma_wait3A_242 = tpu.memref_slice %arg12[%run_scoped3A_208, %dma_wait3A_241] : memref<78x64xi32, #tpu.memory_space<vmem>> -> memref<1x64xi32, #tpu.memory_space<vmem>>
      %dma_wait3A_243 = tpu.memref_squeeze %dma_wait3A_242 : memref<1x64xi32, #tpu.memory_space<vmem>> -> memref<64xi32, #tpu.memory_space<vmem>>
      %dma_wait3A_244 = arith.constant 0 : i32
      %dma_wait3A_245 = arith.constant 0 : i32
      %dma_wait3A_246 = tpu.memref_slice %arg20[%dma_wait3A_244, %dma_wait3A_245] : memref<10112x128xf32, #tpu.memory_space<vmem_shared>> -> memref<10112x128xf32, #tpu.memory_space<vmem_shared>>
      tpu.wait_indirect_dma semaphore(%run_scoped3A_234 : memref<!tpu.dma_semaphore, #tpu.memory_space<semaphore_mem>>) src(%arg15 : memref<64x128xf32, #tpu.memory_space<vmem>>) dst(%dma_wait3A_246 : memref<10112x128xf32, #tpu.memory_space<vmem_shared>>)
      tpu.yield
    }) : () -> ()
    %dma_wait3A_209 = arith.constant 0 : i32
    %dma_wait3A_210 = tpu.memref_slice %arg11[%dma_wait3A_209] : memref<4992xi32, #tpu.memory_space<vmem>> -> memref<64xi32, #tpu.memory_space<vmem>>
    %dma_wait3A_211 = arith.constant 0 : i32
    %dma_wait3A_212 = arith.constant 0 : i32
    %dma_wait3A_213 = tpu.memref_slice %arg3[%dma_wait3A_211, %dma_wait3A_212] : memref<10000x128xf32, #tpu.memory_space<hbm>> -> memref<10000x128xf32, #tpu.memory_space<hbm>>
    tpu.wait_indirect_dma semaphore(%arg24 : memref<!tpu.dma_semaphore, #tpu.memory_space<semaphore_mem>>) src(%dma_wait3A_213 : memref<10000x128xf32, #tpu.memory_space<hbm>>) dst(%arg16 : memref<64x128xf32, #tpu.memory_space<vmem>>)
    %run_scoped3A_214 = arith.constant 75 : i32
    "tpu.region"() ({
      %run_scoped3A_234 = tpu.sem_alloc : memref<!tpu.dma_semaphore, #tpu.memory_space<semaphore_mem>>
      %dma_start3A_235 = arith.constant 0 : i32
      %dma_start3A_236 = tpu.memref_slice %arg12[%run_scoped3A_214, %dma_start3A_235] : memref<78x64xi32, #tpu.memory_space<vmem>> -> memref<1x64xi32, #tpu.memory_space<vmem>>
      %dma_start3A_237 = tpu.memref_squeeze %dma_start3A_236 : memref<1x64xi32, #tpu.memory_space<vmem>> -> memref<64xi32, #tpu.memory_space<vmem>>
      %dma_start3A_238 = arith.constant 0 : i32
      %dma_start3A_239 = arith.constant 0 : i32
      %dma_start3A_240 = tpu.memref_slice %arg20[%dma_start3A_238, %dma_start3A_239] : memref<10112x128xf32, #tpu.memory_space<vmem_shared>> -> memref<10112x128xf32, #tpu.memory_space<vmem_shared>>
      tpu.enqueue_indirect_dma source(%arg16 : memref<64x128xf32, #tpu.memory_space<vmem>>) target(%dma_start3A_240 : memref<10112x128xf32, #tpu.memory_space<vmem_shared>>) offsets(%dma_start3A_237 : memref<64xi32, #tpu.memory_space<vmem>>) semaphore(%run_scoped3A_234 : memref<!tpu.dma_semaphore, #tpu.memory_space<semaphore_mem>>) {add = true}
      %dma_wait3A_241 = arith.constant 0 : i32
      %dma_wait3A_242 = tpu.memref_slice %arg12[%run_scoped3A_214, %dma_wait3A_241] : memref<78x64xi32, #tpu.memory_space<vmem>> -> memref<1x64xi32, #tpu.memory_space<vmem>>
      %dma_wait3A_243 = tpu.memref_squeeze %dma_wait3A_242 : memref<1x64xi32, #tpu.memory_space<vmem>> -> memref<64xi32, #tpu.memory_space<vmem>>
      %dma_wait3A_244 = arith.constant 0 : i32
      %dma_wait3A_245 = arith.constant 0 : i32
      %dma_wait3A_246 = tpu.memref_slice %arg20[%dma_wait3A_244, %dma_wait3A_245] : memref<10112x128xf32, #tpu.memory_space<vmem_shared>> -> memref<10112x128xf32, #tpu.memory_space<vmem_shared>>
      tpu.wait_indirect_dma semaphore(%run_scoped3A_234 : memref<!tpu.dma_semaphore, #tpu.memory_space<semaphore_mem>>) src(%arg16 : memref<64x128xf32, #tpu.memory_space<vmem>>) dst(%dma_wait3A_246 : memref<10112x128xf32, #tpu.memory_space<vmem_shared>>)
      tpu.yield
    }) : () -> ()
    %dma_wait3A_215 = arith.constant 0 : i32
    %dma_wait3A_216 = tpu.memref_slice %arg11[%dma_wait3A_215] : memref<4992xi32, #tpu.memory_space<vmem>> -> memref<64xi32, #tpu.memory_space<vmem>>
    %dma_wait3A_217 = arith.constant 0 : i32
    %dma_wait3A_218 = arith.constant 0 : i32
    %dma_wait3A_219 = tpu.memref_slice %arg3[%dma_wait3A_217, %dma_wait3A_218] : memref<10000x128xf32, #tpu.memory_space<hbm>> -> memref<10000x128xf32, #tpu.memory_space<hbm>>
    tpu.wait_indirect_dma semaphore(%arg21 : memref<!tpu.dma_semaphore, #tpu.memory_space<semaphore_mem>>) src(%dma_wait3A_219 : memref<10000x128xf32, #tpu.memory_space<hbm>>) dst(%arg13 : memref<64x128xf32, #tpu.memory_space<vmem>>)
    %run_scoped3A_220 = arith.constant 76 : i32
    "tpu.region"() ({
      %run_scoped3A_234 = tpu.sem_alloc : memref<!tpu.dma_semaphore, #tpu.memory_space<semaphore_mem>>
      %dma_start3A_235 = arith.constant 0 : i32
      %dma_start3A_236 = tpu.memref_slice %arg12[%run_scoped3A_220, %dma_start3A_235] : memref<78x64xi32, #tpu.memory_space<vmem>> -> memref<1x64xi32, #tpu.memory_space<vmem>>
      %dma_start3A_237 = tpu.memref_squeeze %dma_start3A_236 : memref<1x64xi32, #tpu.memory_space<vmem>> -> memref<64xi32, #tpu.memory_space<vmem>>
      %dma_start3A_238 = arith.constant 0 : i32
      %dma_start3A_239 = arith.constant 0 : i32
      %dma_start3A_240 = tpu.memref_slice %arg20[%dma_start3A_238, %dma_start3A_239] : memref<10112x128xf32, #tpu.memory_space<vmem_shared>> -> memref<10112x128xf32, #tpu.memory_space<vmem_shared>>
      tpu.enqueue_indirect_dma source(%arg13 : memref<64x128xf32, #tpu.memory_space<vmem>>) target(%dma_start3A_240 : memref<10112x128xf32, #tpu.memory_space<vmem_shared>>) offsets(%dma_start3A_237 : memref<64xi32, #tpu.memory_space<vmem>>) semaphore(%run_scoped3A_234 : memref<!tpu.dma_semaphore, #tpu.memory_space<semaphore_mem>>) {add = true}
      %dma_wait3A_241 = arith.constant 0 : i32
      %dma_wait3A_242 = tpu.memref_slice %arg12[%run_scoped3A_220, %dma_wait3A_241] : memref<78x64xi32, #tpu.memory_space<vmem>> -> memref<1x64xi32, #tpu.memory_space<vmem>>
      %dma_wait3A_243 = tpu.memref_squeeze %dma_wait3A_242 : memref<1x64xi32, #tpu.memory_space<vmem>> -> memref<64xi32, #tpu.memory_space<vmem>>
      %dma_wait3A_244 = arith.constant 0 : i32
      %dma_wait3A_245 = arith.constant 0 : i32
      %dma_wait3A_246 = tpu.memref_slice %arg20[%dma_wait3A_244, %dma_wait3A_245] : memref<10112x128xf32, #tpu.memory_space<vmem_shared>> -> memref<10112x128xf32, #tpu.memory_space<vmem_shared>>
      tpu.wait_indirect_dma semaphore(%run_scoped3A_234 : memref<!tpu.dma_semaphore, #tpu.memory_space<semaphore_mem>>) src(%arg13 : memref<64x128xf32, #tpu.memory_space<vmem>>) dst(%dma_wait3A_246 : memref<10112x128xf32, #tpu.memory_space<vmem_shared>>)
      tpu.yield
    }) : () -> ()
    %dma_wait3A_221 = arith.constant 0 : i32
    %dma_wait3A_222 = tpu.memref_slice %arg11[%dma_wait3A_221] : memref<4992xi32, #tpu.memory_space<vmem>> -> memref<64xi32, #tpu.memory_space<vmem>>
    %dma_wait3A_223 = arith.constant 0 : i32
    %dma_wait3A_224 = arith.constant 0 : i32
    %dma_wait3A_225 = tpu.memref_slice %arg3[%dma_wait3A_223, %dma_wait3A_224] : memref<10000x128xf32, #tpu.memory_space<hbm>> -> memref<10000x128xf32, #tpu.memory_space<hbm>>
    tpu.wait_indirect_dma semaphore(%arg22 : memref<!tpu.dma_semaphore, #tpu.memory_space<semaphore_mem>>) src(%dma_wait3A_225 : memref<10000x128xf32, #tpu.memory_space<hbm>>) dst(%arg14 : memref<64x128xf32, #tpu.memory_space<vmem>>)
    %run_scoped3A_226 = arith.constant 77 : i32
    "tpu.region"() ({
      %run_scoped3A_234 = tpu.sem_alloc : memref<!tpu.dma_semaphore, #tpu.memory_space<semaphore_mem>>
      %dma_start3A_235 = arith.constant 0 : i32
      %dma_start3A_236 = tpu.memref_slice %arg12[%run_scoped3A_226, %dma_start3A_235] : memref<78x64xi32, #tpu.memory_space<vmem>> -> memref<1x64xi32, #tpu.memory_space<vmem>>
      %dma_start3A_237 = tpu.memref_squeeze %dma_start3A_236 : memref<1x64xi32, #tpu.memory_space<vmem>> -> memref<64xi32, #tpu.memory_space<vmem>>
      %dma_start3A_238 = arith.constant 0 : i32
      %dma_start3A_239 = arith.constant 0 : i32
      %dma_start3A_240 = tpu.memref_slice %arg20[%dma_start3A_238, %dma_start3A_239] : memref<10112x128xf32, #tpu.memory_space<vmem_shared>> -> memref<10112x128xf32, #tpu.memory_space<vmem_shared>>
      tpu.enqueue_indirect_dma source(%arg14 : memref<64x128xf32, #tpu.memory_space<vmem>>) target(%dma_start3A_240 : memref<10112x128xf32, #tpu.memory_space<vmem_shared>>) offsets(%dma_start3A_237 : memref<64xi32, #tpu.memory_space<vmem>>) semaphore(%run_scoped3A_234 : memref<!tpu.dma_semaphore, #tpu.memory_space<semaphore_mem>>) {add = true}
      %dma_wait3A_241 = arith.constant 0 : i32
      %dma_wait3A_242 = tpu.memref_slice %arg12[%run_scoped3A_226, %dma_wait3A_241] : memref<78x64xi32, #tpu.memory_space<vmem>> -> memref<1x64xi32, #tpu.memory_space<vmem>>
      %dma_wait3A_243 = tpu.memref_squeeze %dma_wait3A_242 : memref<1x64xi32, #tpu.memory_space<vmem>> -> memref<64xi32, #tpu.memory_space<vmem>>
      %dma_wait3A_244 = arith.constant 0 : i32
      %dma_wait3A_245 = arith.constant 0 : i32
      %dma_wait3A_246 = tpu.memref_slice %arg20[%dma_wait3A_244, %dma_wait3A_245] : memref<10112x128xf32, #tpu.memory_space<vmem_shared>> -> memref<10112x128xf32, #tpu.memory_space<vmem_shared>>
      tpu.wait_indirect_dma semaphore(%run_scoped3A_234 : memref<!tpu.dma_semaphore, #tpu.memory_space<semaphore_mem>>) src(%arg14 : memref<64x128xf32, #tpu.memory_space<vmem>>) dst(%dma_wait3A_246 : memref<10112x128xf32, #tpu.memory_space<vmem_shared>>)
      tpu.yield
    }) : () -> ()
    %dma_start3A_227 = arith.constant 0 : i32
    %dma_start3A_228 = arith.constant 0 : i32
    %dma_start3A_229 = tpu.memref_slice %arg3[%dma_start3A_227, %dma_start3A_228] : memref<10000x128xf32, #tpu.memory_space<hbm>> -> memref<10000x128xf32, #tpu.memory_space<hbm>>
    tpu.enqueue_indirect_dma source(%dma_start3A_229 : memref<10000x128xf32, #tpu.memory_space<hbm>>) target(%arg19 : memref<8x128xf32, #tpu.memory_space<vmem>>) offsets(%arg17 : memref<8xi32, #tpu.memory_space<vmem>>) semaphore(%arg26 : memref<!tpu.dma_semaphore, #tpu.memory_space<semaphore_mem>>)
    %dma_wait3A_230 = arith.constant 0 : i32
    %dma_wait3A_231 = arith.constant 0 : i32
    %dma_wait3A_232 = tpu.memref_slice %arg3[%dma_wait3A_230, %dma_wait3A_231] : memref<10000x128xf32, #tpu.memory_space<hbm>> -> memref<10000x128xf32, #tpu.memory_space<hbm>>
    tpu.wait_indirect_dma semaphore(%arg26 : memref<!tpu.dma_semaphore, #tpu.memory_space<semaphore_mem>>) src(%dma_wait3A_232 : memref<10000x128xf32, #tpu.memory_space<hbm>>) dst(%arg19 : memref<8x128xf32, #tpu.memory_space<vmem>>)
    "tpu.region"() ({
      %run_scoped3A_234 = tpu.sem_alloc : memref<!tpu.dma_semaphore, #tpu.memory_space<semaphore_mem>>
      %dma_start3A_235 = arith.constant 0 : i32
      %dma_start3A_236 = arith.constant 0 : i32
      %dma_start3A_237 = tpu.memref_slice %arg20[%dma_start3A_235, %dma_start3A_236] : memref<10112x128xf32, #tpu.memory_space<vmem_shared>> -> memref<10112x128xf32, #tpu.memory_space<vmem_shared>>
      tpu.enqueue_indirect_dma source(%arg19 : memref<8x128xf32, #tpu.memory_space<vmem>>) target(%dma_start3A_237 : memref<10112x128xf32, #tpu.memory_space<vmem_shared>>) offsets(%arg18 : memref<8xi32, #tpu.memory_space<vmem>>) semaphore(%run_scoped3A_234 : memref<!tpu.dma_semaphore, #tpu.memory_space<semaphore_mem>>) {add = true}
      %dma_wait3A_238 = arith.constant 0 : i32
      %dma_wait3A_239 = arith.constant 0 : i32
      %dma_wait3A_240 = tpu.memref_slice %arg20[%dma_wait3A_238, %dma_wait3A_239] : memref<10112x128xf32, #tpu.memory_space<vmem_shared>> -> memref<10112x128xf32, #tpu.memory_space<vmem_shared>>
      tpu.wait_indirect_dma semaphore(%run_scoped3A_234 : memref<!tpu.dma_semaphore, #tpu.memory_space<semaphore_mem>>) src(%arg19 : memref<8x128xf32, #tpu.memory_space<vmem>>) dst(%dma_wait3A_240 : memref<10112x128xf32, #tpu.memory_space<vmem_shared>>)
      tpu.yield
    }) : () -> ()
    %barrier3A_233 = arith.constant 0 : index
    tpu.barrier barrier_id(%barrier3A_233)
    "tpu.region"() ({
      %run_scoped3A_234 = tpu.sem_alloc : memref<!tpu.dma_semaphore, #tpu.memory_space<semaphore_mem>>
      %dma_start3A_235 = arith.constant 0 : i32
      %dma_start3A_236 = tpu.memref_slice %arg9[%arg0, %mul3A_0, %dma_start3A_235] : memref<2x10112x128xf32, #tpu.memory_space<hbm>> -> memref<1x632x128xf32, #tpu.memory_space<hbm>>
      %dma_start3A_237 = tpu.memref_squeeze %dma_start3A_236 : memref<1x632x128xf32, #tpu.memory_space<hbm>> -> memref<632x128xf32, #tpu.memory_space<hbm>>
      %dma_start3A_238 = arith.constant 0 : i32
      %dma_start3A_239 = tpu.memref_slice %arg20[%mul3A_0, %dma_start3A_238] : memref<10112x128xf32, #tpu.memory_space<vmem_shared>> -> memref<632x128xf32, #tpu.memory_space<vmem_shared>>
      tpu.enqueue_dma source(%dma_start3A_239 : memref<632x128xf32, #tpu.memory_space<vmem_shared>>) target(%dma_start3A_237 : memref<632x128xf32, #tpu.memory_space<hbm>>) target_semaphore(%run_scoped3A_234 : memref<!tpu.dma_semaphore, #tpu.memory_space<semaphore_mem>>)
      %dma_wait3A_240 = arith.constant 0 : i32
      %dma_wait3A_241 = tpu.memref_slice %arg9[%arg0, %mul3A_0, %dma_wait3A_240] : memref<2x10112x128xf32, #tpu.memory_space<hbm>> -> memref<1x632x128xf32, #tpu.memory_space<hbm>>
      %dma_wait3A_242 = tpu.memref_squeeze %dma_wait3A_241 : memref<1x632x128xf32, #tpu.memory_space<hbm>> -> memref<632x128xf32, #tpu.memory_space<hbm>>
      %dma_wait3A_243 = arith.constant 0 : i32
      %dma_wait3A_244 = tpu.memref_slice %arg20[%mul3A_0, %dma_wait3A_243] : memref<10112x128xf32, #tpu.memory_space<vmem_shared>> -> memref<632x128xf32, #tpu.memory_space<vmem_shared>>
      tpu.wait_dma2 semaphore(%run_scoped3A_234 : memref<!tpu.dma_semaphore, #tpu.memory_space<semaphore_mem>>) src(%dma_wait3A_244 : memref<632x128xf32, #tpu.memory_space<vmem_shared>>) dst(%dma_wait3A_242 : memref<632x128xf32, #tpu.memory_space<hbm>>)
      tpu.yield
    }) : () -> ()
    return
  }
}

module attributes {stable_mosaic.version = 14 : i64} {
  func.func @_tc1_body(%arg0: i32, %arg1: memref<2x2000x128xf32, #tpu.memory_space<vmem>>, %arg2: memref<2x2000x128xf32, #tpu.memory_space<vmem>>, %arg3: memref<2x2000x128xf32, #tpu.memory_space<vmem>>, %arg4: memref<256x512xf32, #tpu.memory_space<vmem>>, %arg5: memref<1x512xf32, #tpu.memory_space<vmem>>, %arg6: memref<512x512xf32, #tpu.memory_space<vmem>>, %arg7: memref<1x512xf32, #tpu.memory_space<vmem>>, %arg8: memref<2000x128xf32, #tpu.memory_space<vmem>>, %arg9: memref<2000x128xf32, #tpu.memory_space<vmem>>, %arg10: memref<2000x128xf32, #tpu.memory_space<vmem>>, %arg11: memref<2000x128xf32, #tpu.memory_space<vmem>>) attributes {dimension_semantics = [#tpu.dimension_semantics<arbitrary>], iteration_bounds = array<i64: 5>, scalar_prefetch = 0 : i64, scratch_operands = 0 : i64, tpu.core_type = #tpu.core_type<tc>, window_params = [{transform_indices = @transform_0, window_bounds = array<i64: 2, 2000, 128>}, {transform_indices = @transform_1, window_bounds = array<i64: 2, 2000, 128>}, {transform_indices = @transform_2, window_bounds = array<i64: 2, 2000, 128>}, {pipeline_mode = #tpu.pipeline_mode<synchronous>, transform_indices = @transform_3, window_bounds = array<i64: 256, 512>}, {pipeline_mode = #tpu.pipeline_mode<synchronous>, transform_indices = @transform_4, window_bounds = array<i64: 1, 512>}, {pipeline_mode = #tpu.pipeline_mode<synchronous>, transform_indices = @transform_5, window_bounds = array<i64: 512, 512>}, {pipeline_mode = #tpu.pipeline_mode<synchronous>, transform_indices = @transform_6, window_bounds = array<i64: 1, 512>}, {transform_indices = @transform_7, window_bounds = array<i64: 2000, 128>}, {transform_indices = @transform_8, window_bounds = array<i64: 2000, 128>}, {transform_indices = @transform_9, window_bounds = array<i64: 2000, 128>}, {transform_indices = @transform_10, window_bounds = array<i64: 2000, 128>}]} {
    %get3A = arith.constant 0 : index
    %get3A_0 = arith.constant 0 : index
    %get3A_1 = arith.constant 0 : index
    %get3A_2 = vector.load %arg1[%get3A, %get3A_0, %get3A_1] : memref<2x2000x128xf32, #tpu.memory_space<vmem>>, vector<1x2000x128xf32>
    %get3A_3 = vector.shape_cast %get3A_2 : vector<1x2000x128xf32> to vector<2000x128xf32>
    %get3A_4 = arith.constant 1 : index
    %get3A_5 = arith.constant 0 : index
    %get3A_6 = arith.constant 0 : index
    %get3A_7 = vector.load %arg1[%get3A_4, %get3A_5, %get3A_6] : memref<2x2000x128xf32, #tpu.memory_space<vmem>>, vector<1x2000x128xf32>
    %get3A_8 = vector.shape_cast %get3A_7 : vector<1x2000x128xf32> to vector<2000x128xf32>
    %add3A = arith.addf %get3A_3, %get3A_8 : vector<2000x128xf32>
    %get3A_9 = arith.constant 0 : index
    %get3A_10 = arith.constant 0 : index
    %get3A_11 = arith.constant 0 : index
    %get3A_12 = vector.load %arg2[%get3A_9, %get3A_10, %get3A_11] : memref<2x2000x128xf32, #tpu.memory_space<vmem>>, vector<1x2000x128xf32>
    %get3A_13 = vector.shape_cast %get3A_12 : vector<1x2000x128xf32> to vector<2000x128xf32>
    %get3A_14 = arith.constant 1 : index
    %get3A_15 = arith.constant 0 : index
    %get3A_16 = arith.constant 0 : index
    %get3A_17 = vector.load %arg2[%get3A_14, %get3A_15, %get3A_16] : memref<2x2000x128xf32, #tpu.memory_space<vmem>>, vector<1x2000x128xf32>
    %get3A_18 = vector.shape_cast %get3A_17 : vector<1x2000x128xf32> to vector<2000x128xf32>
    %add3A_19 = arith.addf %get3A_13, %get3A_18 : vector<2000x128xf32>
    %get3A_20 = arith.constant 0 : index
    %get3A_21 = arith.constant 0 : index
    %get3A_22 = arith.constant 0 : index
    %get3A_23 = vector.load %arg3[%get3A_20, %get3A_21, %get3A_22] : memref<2x2000x128xf32, #tpu.memory_space<vmem>>, vector<1x2000x128xf32>
    %get3A_24 = vector.shape_cast %get3A_23 : vector<1x2000x128xf32> to vector<2000x128xf32>
    %slice3A = vector.extract_strided_slice %get3A_24 {offsets = [0, 0], sizes = [2000, 1], strides = [1, 1]} : vector<2000x128xf32> to vector<2000x1xf32>
    %get3A_25 = arith.constant 1 : index
    %get3A_26 = arith.constant 0 : index
    %get3A_27 = arith.constant 0 : index
    %get3A_28 = vector.load %arg3[%get3A_25, %get3A_26, %get3A_27] : memref<2x2000x128xf32, #tpu.memory_space<vmem>>, vector<1x2000x128xf32>
    %get3A_29 = vector.shape_cast %get3A_28 : vector<1x2000x128xf32> to vector<2000x128xf32>
    %slice3A_30 = vector.extract_strided_slice %get3A_29 {offsets = [0, 0], sizes = [2000, 1], strides = [1, 1]} : vector<2000x128xf32> to vector<2000x1xf32>
    %add3A_31 = arith.addf %slice3A, %slice3A_30 : vector<2000x1xf32>
    %get3A_32 = arith.constant 0 : index
    %get3A_33 = arith.constant 0 : index
    %get3A_34 = vector.load %arg4[%get3A_32, %get3A_33] : memref<256x512xf32, #tpu.memory_space<vmem>>, vector<128x512xf32>
    %dot_general3A = arith.constant dense<0.000000e+00> : vector<2000x512xf32>
    %dot_general3A_35 = tpu.matmul %add3A, %get3A_34, %dot_general3A {dimension_numbers = #tpu.dot_dimension_numbers<[1], [0], [0], [1], [0, 0, 1, 1], [], []>, transpose_lhs_hint = false} : vector<2000x128xf32>, vector<128x512xf32>, vector<2000x512xf32> -> vector<2000x512xf32>
    %get3A_36 = arith.constant 128 : index
    %get3A_37 = arith.constant 0 : index
    %get3A_38 = vector.load %arg4[%get3A_36, %get3A_37] : memref<256x512xf32, #tpu.memory_space<vmem>>, vector<128x512xf32>
    %dot_general3A_39 = arith.constant dense<0.000000e+00> : vector<2000x512xf32>
    %dot_general3A_40 = tpu.matmul %add3A_19, %get3A_38, %dot_general3A_39 {dimension_numbers = #tpu.dot_dimension_numbers<[1], [0], [0], [1], [0, 0, 1, 1], [], []>, transpose_lhs_hint = false} : vector<2000x128xf32>, vector<128x512xf32>, vector<2000x512xf32> -> vector<2000x512xf32>
    %add3A_41 = arith.addf %dot_general3A_35, %dot_general3A_40 : vector<2000x512xf32>
    %get3A_42 = arith.constant 0 : index
    %get3A_43 = arith.constant 0 : index
    %get3A_44 = vector.load %arg5[%get3A_42, %get3A_43] : memref<1x512xf32, #tpu.memory_space<vmem>>, vector<1x512xf32>
    %mul3A = vector.broadcast %add3A_31 : vector<2000x1xf32> to vector<2000x512xf32>
    %mul3A_45 = vector.broadcast %get3A_44 : vector<1x512xf32> to vector<2000x512xf32>
    %mul3A_46 = arith.mulf %mul3A, %mul3A_45 : vector<2000x512xf32>
    %add3A_47 = arith.addf %add3A_41, %mul3A_46 : vector<2000x512xf32>
    %max3A = arith.constant 0.000000e+00 : f32
    %max3A_48 = vector.broadcast %max3A : f32 to vector<2000x512xf32>
    %max3A_49 = arith.maximumf %add3A_47, %max3A_48 : vector<2000x512xf32>
    %get3A_50 = arith.constant 0 : index
    %get3A_51 = arith.constant 0 : index
    %get3A_52 = vector.load %arg6[%get3A_50, %get3A_51] : memref<512x512xf32, #tpu.memory_space<vmem>>, vector<512x512xf32>
    %dot_general3A_53 = arith.constant dense<0.000000e+00> : vector<2000x512xf32>
    %dot_general3A_54 = tpu.matmul %max3A_49, %get3A_52, %dot_general3A_53 {dimension_numbers = #tpu.dot_dimension_numbers<[1], [0], [0], [1], [0, 0, 1, 1], [], []>, transpose_lhs_hint = false} : vector<2000x512xf32>, vector<512x512xf32>, vector<2000x512xf32> -> vector<2000x512xf32>
    %get3A_55 = arith.constant 0 : index
    %get3A_56 = arith.constant 0 : index
    %get3A_57 = vector.load %arg7[%get3A_55, %get3A_56] : memref<1x512xf32, #tpu.memory_space<vmem>>, vector<1x512xf32>
    %add3A_58 = vector.broadcast %get3A_57 : vector<1x512xf32> to vector<2000x512xf32>
    %add3A_59 = arith.addf %dot_general3A_54, %add3A_58 : vector<2000x512xf32>
    %slice3A_60 = vector.extract_strided_slice %add3A_59 {offsets = [0, 0], sizes = [2000, 128], strides = [1, 1]} : vector<2000x512xf32> to vector<2000x128xf32>
    %swap3A = arith.constant 0 : index
    %swap3A_61 = arith.constant 0 : index
    %swap3A_62 = vector.load %arg8[%swap3A, %swap3A_61] : memref<2000x128xf32, #tpu.memory_space<vmem>>, vector<2000x128xf32>
    tpu.vector_store %arg8[%swap3A, %swap3A_61], %slice3A_60 {strides = array<i32>} : memref<2000x128xf32, #tpu.memory_space<vmem>>, vector<2000x128xf32>,
    %slice3A_63 = vector.extract_strided_slice %add3A_59 {offsets = [0, 128], sizes = [2000, 128], strides = [1, 1]} : vector<2000x512xf32> to vector<2000x128xf32>
    %swap3A_64 = arith.constant 0 : index
    %swap3A_65 = arith.constant 0 : index
    %swap3A_66 = vector.load %arg9[%swap3A_64, %swap3A_65] : memref<2000x128xf32, #tpu.memory_space<vmem>>, vector<2000x128xf32>
    tpu.vector_store %arg9[%swap3A_64, %swap3A_65], %slice3A_63 {strides = array<i32>} : memref<2000x128xf32, #tpu.memory_space<vmem>>, vector<2000x128xf32>,
    %slice3A_67 = vector.extract_strided_slice %add3A_59 {offsets = [0, 256], sizes = [2000, 128], strides = [1, 1]} : vector<2000x512xf32> to vector<2000x128xf32>
    %swap3A_68 = arith.constant 0 : index
    %swap3A_69 = arith.constant 0 : index
    %swap3A_70 = vector.load %arg10[%swap3A_68, %swap3A_69] : memref<2000x128xf32, #tpu.memory_space<vmem>>, vector<2000x128xf32>
    tpu.vector_store %arg10[%swap3A_68, %swap3A_69], %slice3A_67 {strides = array<i32>} : memref<2000x128xf32, #tpu.memory_space<vmem>>, vector<2000x128xf32>,
    %slice3A_71 = vector.extract_strided_slice %add3A_59 {offsets = [0, 384], sizes = [2000, 128], strides = [1, 1]} : vector<2000x512xf32> to vector<2000x128xf32>
    %swap3A_72 = arith.constant 0 : index
    %swap3A_73 = arith.constant 0 : index
    %swap3A_74 = vector.load %arg11[%swap3A_72, %swap3A_73] : memref<2000x128xf32, #tpu.memory_space<vmem>>, vector<2000x128xf32>
    tpu.vector_store %arg11[%swap3A_72, %swap3A_73], %slice3A_71 {strides = array<i32>} : memref<2000x128xf32, #tpu.memory_space<vmem>>, vector<2000x128xf32>,
    return
  }
  func.func @transform_0(%arg0: i32) -> (i32, i32, i32) {
    %c0_i32 = arith.constant 0 : i32
    %c0_i32_0 = arith.constant 0 : i32
    %c0_i32_1 = arith.constant 0 : i32
    return %c0_i32, %arg0, %c0_i32_0 : i32, i32, i32
  }
  func.func @transform_1(%arg0: i32) -> (i32, i32, i32) {
    %c0_i32 = arith.constant 0 : i32
    %c0_i32_0 = arith.constant 0 : i32
    %c0_i32_1 = arith.constant 0 : i32
    return %c0_i32, %arg0, %c0_i32_0 : i32, i32, i32
  }
  func.func @transform_2(%arg0: i32) -> (i32, i32, i32) {
    %c0_i32 = arith.constant 0 : i32
    %c0_i32_0 = arith.constant 0 : i32
    %c0_i32_1 = arith.constant 0 : i32
    return %c0_i32, %arg0, %c0_i32_0 : i32, i32, i32
  }
  func.func @transform_3(%arg0: i32) -> (i32, i32) {
    %c0_i32 = arith.constant 0 : i32
    %c0_i32_0 = arith.constant 0 : i32
    %c0_i32_1 = arith.constant 0 : i32
    return %c0_i32, %c0_i32_0 : i32, i32
  }
  func.func @transform_4(%arg0: i32) -> (i32, i32) {
    %c0_i32 = arith.constant 0 : i32
    %c0_i32_0 = arith.constant 0 : i32
    %c0_i32_1 = arith.constant 0 : i32
    return %c0_i32, %c0_i32_0 : i32, i32
  }
  func.func @transform_5(%arg0: i32) -> (i32, i32) {
    %c0_i32 = arith.constant 0 : i32
    %c0_i32_0 = arith.constant 0 : i32
    %c0_i32_1 = arith.constant 0 : i32
    return %c0_i32, %c0_i32_0 : i32, i32
  }
  func.func @transform_6(%arg0: i32) -> (i32, i32) {
    %c0_i32 = arith.constant 0 : i32
    %c0_i32_0 = arith.constant 0 : i32
    %c0_i32_1 = arith.constant 0 : i32
    return %c0_i32, %c0_i32_0 : i32, i32
  }
  func.func @transform_7(%arg0: i32) -> (i32, i32) {
    %c0_i32 = arith.constant 0 : i32
    %c0_i32_0 = arith.constant 0 : i32
    return %arg0, %c0_i32 : i32, i32
  }
  func.func @transform_8(%arg0: i32) -> (i32, i32) {
    %c0_i32 = arith.constant 0 : i32
    %c0_i32_0 = arith.constant 0 : i32
    return %arg0, %c0_i32 : i32, i32
  }
  func.func @transform_9(%arg0: i32) -> (i32, i32) {
    %c0_i32 = arith.constant 0 : i32
    %c0_i32_0 = arith.constant 0 : i32
    return %arg0, %c0_i32 : i32, i32
  }
  func.func @transform_10(%arg0: i32) -> (i32, i32) {
    %c0_i32 = arith.constant 0 : i32
    %c0_i32_0 = arith.constant 0 : i32
    return %arg0, %c0_i32 : i32, i32
  }
}

module attributes {stable_mosaic.version = 14 : i64} {
  func.func @_tc2_body(%arg0: i32, %arg1: memref<2x2000x128xf32, #tpu.memory_space<vmem>>, %arg2: memref<2x2000x128xf32, #tpu.memory_space<vmem>>, %arg3: memref<2x2000x128xf32, #tpu.memory_space<vmem>>, %arg4: memref<2x2000x128xf32, #tpu.memory_space<vmem>>, %arg5: memref<512x512xf32, #tpu.memory_space<vmem>>, %arg6: memref<1x512xf32, #tpu.memory_space<vmem>>, %arg7: memref<512x256xf32, #tpu.memory_space<vmem>>, %arg8: memref<1x256xf32, #tpu.memory_space<vmem>>, %arg9: memref<2000x256xf32, #tpu.memory_space<vmem>>) attributes {dimension_semantics = [#tpu.dimension_semantics<arbitrary>], iteration_bounds = array<i64: 5>, scalar_prefetch = 0 : i64, scratch_operands = 0 : i64, tpu.core_type = #tpu.core_type<tc>, window_params = [{transform_indices = @transform_0, window_bounds = array<i64: 2, 2000, 128>}, {transform_indices = @transform_1, window_bounds = array<i64: 2, 2000, 128>}, {transform_indices = @transform_2, window_bounds = array<i64: 2, 2000, 128>}, {transform_indices = @transform_3, window_bounds = array<i64: 2, 2000, 128>}, {pipeline_mode = #tpu.pipeline_mode<synchronous>, transform_indices = @transform_4, window_bounds = array<i64: 512, 512>}, {pipeline_mode = #tpu.pipeline_mode<synchronous>, transform_indices = @transform_5, window_bounds = array<i64: 1, 512>}, {pipeline_mode = #tpu.pipeline_mode<synchronous>, transform_indices = @transform_6, window_bounds = array<i64: 512, 256>}, {pipeline_mode = #tpu.pipeline_mode<synchronous>, transform_indices = @transform_7, window_bounds = array<i64: 1, 256>}, {transform_indices = @transform_8, window_bounds = array<i64: 2000, 256>}]} {
    %broadcast_in_dim3A = arith.constant 0.000000e+00 : f32
    %broadcast_in_dim3A_0 = vector.broadcast %broadcast_in_dim3A : f32 to vector<2000x1xf32>
    %broadcast_in_dim3A_1 = arith.constant 0.000000e+00 : f32
    %broadcast_in_dim3A_2 = vector.broadcast %broadcast_in_dim3A_1 : f32 to vector<2000x512xf32>
    %get3A = arith.constant 0 : index
    %get3A_3 = arith.constant 0 : index
    %get3A_4 = arith.constant 0 : index
    %get3A_5 = vector.load %arg1[%get3A, %get3A_3, %get3A_4] : memref<2x2000x128xf32, #tpu.memory_space<vmem>>, vector<1x2000x128xf32>
    %get3A_6 = vector.shape_cast %get3A_5 : vector<1x2000x128xf32> to vector<2000x128xf32>
    %get3A_7 = arith.constant 1 : index
    %get3A_8 = arith.constant 0 : index
    %get3A_9 = arith.constant 0 : index
    %get3A_10 = vector.load %arg1[%get3A_7, %get3A_8, %get3A_9] : memref<2x2000x128xf32, #tpu.memory_space<vmem>>, vector<1x2000x128xf32>
    %get3A_11 = vector.shape_cast %get3A_10 : vector<1x2000x128xf32> to vector<2000x128xf32>
    %add3A = arith.addf %get3A_6, %get3A_11 : vector<2000x128xf32>
    %max3A = arith.constant 0.000000e+00 : f32
    %max3A_12 = vector.broadcast %max3A : f32 to vector<2000x128xf32>
    %max3A_13 = arith.maximumf %add3A, %max3A_12 : vector<2000x128xf32>
    %mul3A = arith.mulf %max3A_13, %max3A_13 : vector<2000x128xf32>
    %reduce_sum3A = arith.constant dense<0.000000e+00> : vector<2000xf32>
    %reduce_sum3A_14 = vector.multi_reduction <add>, %mul3A, %reduce_sum3A [1] : vector<2000x128xf32> to vector<2000xf32>
    %broadcast_in_dim3A_15 = vector.shape_cast %reduce_sum3A_14 : vector<2000xf32> to vector<2000x1xf32>
    %add3A_16 = arith.addf %broadcast_in_dim3A_0, %broadcast_in_dim3A_15 : vector<2000x1xf32>
    %get3A_17 = arith.constant 0 : index
    %get3A_18 = arith.constant 0 : index
    %get3A_19 = vector.load %arg5[%get3A_17, %get3A_18] : memref<512x512xf32, #tpu.memory_space<vmem>>, vector<128x512xf32>
    %dot_general3A = arith.constant dense<0.000000e+00> : vector<2000x512xf32>
    %dot_general3A_20 = tpu.matmul %max3A_13, %get3A_19, %dot_general3A {dimension_numbers = #tpu.dot_dimension_numbers<[1], [0], [0], [1], [0, 0, 1, 1], [], []>, transpose_lhs_hint = false} : vector<2000x128xf32>, vector<128x512xf32>, vector<2000x512xf32> -> vector<2000x512xf32>
    %add3A_21 = arith.addf %broadcast_in_dim3A_2, %dot_general3A_20 : vector<2000x512xf32>
    %get3A_22 = arith.constant 0 : index
    %get3A_23 = arith.constant 0 : index
    %get3A_24 = arith.constant 0 : index
    %get3A_25 = vector.load %arg2[%get3A_22, %get3A_23, %get3A_24] : memref<2x2000x128xf32, #tpu.memory_space<vmem>>, vector<1x2000x128xf32>
    %get3A_26 = vector.shape_cast %get3A_25 : vector<1x2000x128xf32> to vector<2000x128xf32>
    %get3A_27 = arith.constant 1 : index
    %get3A_28 = arith.constant 0 : index
    %get3A_29 = arith.constant 0 : index
    %get3A_30 = vector.load %arg2[%get3A_27, %get3A_28, %get3A_29] : memref<2x2000x128xf32, #tpu.memory_space<vmem>>, vector<1x2000x128xf32>
    %get3A_31 = vector.shape_cast %get3A_30 : vector<1x2000x128xf32> to vector<2000x128xf32>
    %add3A_32 = arith.addf %get3A_26, %get3A_31 : vector<2000x128xf32>
    %max3A_33 = arith.constant 0.000000e+00 : f32
    %max3A_34 = vector.broadcast %max3A_33 : f32 to vector<2000x128xf32>
    %max3A_35 = arith.maximumf %add3A_32, %max3A_34 : vector<2000x128xf32>
    %mul3A_36 = arith.mulf %max3A_35, %max3A_35 : vector<2000x128xf32>
    %reduce_sum3A_37 = arith.constant dense<0.000000e+00> : vector<2000xf32>
    %reduce_sum3A_38 = vector.multi_reduction <add>, %mul3A_36, %reduce_sum3A_37 [1] : vector<2000x128xf32> to vector<2000xf32>
    %broadcast_in_dim3A_39 = vector.shape_cast %reduce_sum3A_38 : vector<2000xf32> to vector<2000x1xf32>
    %add3A_40 = arith.addf %add3A_16, %broadcast_in_dim3A_39 : vector<2000x1xf32>
    %get3A_41 = arith.constant 128 : index
    %get3A_42 = arith.constant 0 : index
    %get3A_43 = vector.load %arg5[%get3A_41, %get3A_42] : memref<512x512xf32, #tpu.memory_space<vmem>>, vector<128x512xf32>
    %dot_general3A_44 = arith.constant dense<0.000000e+00> : vector<2000x512xf32>
    %dot_general3A_45 = tpu.matmul %max3A_35, %get3A_43, %dot_general3A_44 {dimension_numbers = #tpu.dot_dimension_numbers<[1], [0], [0], [1], [0, 0, 1, 1], [], []>, transpose_lhs_hint = false} : vector<2000x128xf32>, vector<128x512xf32>, vector<2000x512xf32> -> vector<2000x512xf32>
    %add3A_46 = arith.addf %add3A_21, %dot_general3A_45 : vector<2000x512xf32>
    %get3A_47 = arith.constant 0 : index
    %get3A_48 = arith.constant 0 : index
    %get3A_49 = arith.constant 0 : index
    %get3A_50 = vector.load %arg3[%get3A_47, %get3A_48, %get3A_49] : memref<2x2000x128xf32, #tpu.memory_space<vmem>>, vector<1x2000x128xf32>
    %get3A_51 = vector.shape_cast %get3A_50 : vector<1x2000x128xf32> to vector<2000x128xf32>
    %get3A_52 = arith.constant 1 : index
    %get3A_53 = arith.constant 0 : index
    %get3A_54 = arith.constant 0 : index
    %get3A_55 = vector.load %arg3[%get3A_52, %get3A_53, %get3A_54] : memref<2x2000x128xf32, #tpu.memory_space<vmem>>, vector<1x2000x128xf32>
    %get3A_56 = vector.shape_cast %get3A_55 : vector<1x2000x128xf32> to vector<2000x128xf32>
    %add3A_57 = arith.addf %get3A_51, %get3A_56 : vector<2000x128xf32>
    %max3A_58 = arith.constant 0.000000e+00 : f32
    %max3A_59 = vector.broadcast %max3A_58 : f32 to vector<2000x128xf32>
    %max3A_60 = arith.maximumf %add3A_57, %max3A_59 : vector<2000x128xf32>
    %mul3A_61 = arith.mulf %max3A_60, %max3A_60 : vector<2000x128xf32>
    %reduce_sum3A_62 = arith.constant dense<0.000000e+00> : vector<2000xf32>
    %reduce_sum3A_63 = vector.multi_reduction <add>, %mul3A_61, %reduce_sum3A_62 [1] : vector<2000x128xf32> to vector<2000xf32>
    %broadcast_in_dim3A_64 = vector.shape_cast %reduce_sum3A_63 : vector<2000xf32> to vector<2000x1xf32>
    %add3A_65 = arith.addf %add3A_40, %broadcast_in_dim3A_64 : vector<2000x1xf32>
    %get3A_66 = arith.constant 256 : index
    %get3A_67 = arith.constant 0 : index
    %get3A_68 = vector.load %arg5[%get3A_66, %get3A_67] : memref<512x512xf32, #tpu.memory_space<vmem>>, vector<128x512xf32>
    %dot_general3A_69 = arith.constant dense<0.000000e+00> : vector<2000x512xf32>
    %dot_general3A_70 = tpu.matmul %max3A_60, %get3A_68, %dot_general3A_69 {dimension_numbers = #tpu.dot_dimension_numbers<[1], [0], [0], [1], [0, 0, 1, 1], [], []>, transpose_lhs_hint = false} : vector<2000x128xf32>, vector<128x512xf32>, vector<2000x512xf32> -> vector<2000x512xf32>
    %add3A_71 = arith.addf %add3A_46, %dot_general3A_70 : vector<2000x512xf32>
    %get3A_72 = arith.constant 0 : index
    %get3A_73 = arith.constant 0 : index
    %get3A_74 = arith.constant 0 : index
    %get3A_75 = vector.load %arg4[%get3A_72, %get3A_73, %get3A_74] : memref<2x2000x128xf32, #tpu.memory_space<vmem>>, vector<1x2000x128xf32>
    %get3A_76 = vector.shape_cast %get3A_75 : vector<1x2000x128xf32> to vector<2000x128xf32>
    %get3A_77 = arith.constant 1 : index
    %get3A_78 = arith.constant 0 : index
    %get3A_79 = arith.constant 0 : index
    %get3A_80 = vector.load %arg4[%get3A_77, %get3A_78, %get3A_79] : memref<2x2000x128xf32, #tpu.memory_space<vmem>>, vector<1x2000x128xf32>
    %get3A_81 = vector.shape_cast %get3A_80 : vector<1x2000x128xf32> to vector<2000x128xf32>
    %add3A_82 = arith.addf %get3A_76, %get3A_81 : vector<2000x128xf32>
    %max3A_83 = arith.constant 0.000000e+00 : f32
    %max3A_84 = vector.broadcast %max3A_83 : f32 to vector<2000x128xf32>
    %max3A_85 = arith.maximumf %add3A_82, %max3A_84 : vector<2000x128xf32>
    %mul3A_86 = arith.mulf %max3A_85, %max3A_85 : vector<2000x128xf32>
    %reduce_sum3A_87 = arith.constant dense<0.000000e+00> : vector<2000xf32>
    %reduce_sum3A_88 = vector.multi_reduction <add>, %mul3A_86, %reduce_sum3A_87 [1] : vector<2000x128xf32> to vector<2000xf32>
    %broadcast_in_dim3A_89 = vector.shape_cast %reduce_sum3A_88 : vector<2000xf32> to vector<2000x1xf32>
    %add3A_90 = arith.addf %add3A_65, %broadcast_in_dim3A_89 : vector<2000x1xf32>
    %get3A_91 = arith.constant 384 : index
    %get3A_92 = arith.constant 0 : index
    %get3A_93 = vector.load %arg5[%get3A_91, %get3A_92] : memref<512x512xf32, #tpu.memory_space<vmem>>, vector<128x512xf32>
    %dot_general3A_94 = arith.constant dense<0.000000e+00> : vector<2000x512xf32>
    %dot_general3A_95 = tpu.matmul %max3A_85, %get3A_93, %dot_general3A_94 {dimension_numbers = #tpu.dot_dimension_numbers<[1], [0], [0], [1], [0, 0, 1, 1], [], []>, transpose_lhs_hint = false} : vector<2000x128xf32>, vector<128x512xf32>, vector<2000x512xf32> -> vector<2000x512xf32>
    %add3A_96 = arith.addf %add3A_71, %dot_general3A_95 : vector<2000x512xf32>
    %sqrt3A = math.sqrt %add3A_90 : vector<2000x1xf32>
    %max3A_97 = arith.constant 9.99999996E-13 : f32
    %max3A_98 = vector.broadcast %max3A_97 : f32 to vector<2000x1xf32>
    %max3A_99 = arith.maximumf %sqrt3A, %max3A_98 : vector<2000x1xf32>
    %div3A = vector.broadcast %max3A_99 : vector<2000x1xf32> to vector<2000x512xf32>
    %div3A_100 = arith.divf %add3A_96, %div3A : vector<2000x512xf32>
    %get3A_101 = arith.constant 0 : index
    %get3A_102 = arith.constant 0 : index
    %get3A_103 = vector.load %arg6[%get3A_101, %get3A_102] : memref<1x512xf32, #tpu.memory_space<vmem>>, vector<1x512xf32>
    %add3A_104 = vector.broadcast %get3A_103 : vector<1x512xf32> to vector<2000x512xf32>
    %add3A_105 = arith.addf %div3A_100, %add3A_104 : vector<2000x512xf32>
    %get3A_106 = arith.constant 0 : index
    %get3A_107 = arith.constant 0 : index
    %get3A_108 = vector.load %arg7[%get3A_106, %get3A_107] : memref<512x256xf32, #tpu.memory_space<vmem>>, vector<512x256xf32>
    %dot_general3A_109 = arith.constant dense<0.000000e+00> : vector<2000x256xf32>
    %dot_general3A_110 = tpu.matmul %add3A_105, %get3A_108, %dot_general3A_109 {dimension_numbers = #tpu.dot_dimension_numbers<[1], [0], [0], [1], [0, 0, 1, 1], [], []>, transpose_lhs_hint = false} : vector<2000x512xf32>, vector<512x256xf32>, vector<2000x256xf32> -> vector<2000x256xf32>
    %get3A_111 = arith.constant 0 : index
    %get3A_112 = arith.constant 0 : index
    %get3A_113 = vector.load %arg8[%get3A_111, %get3A_112] : memref<1x256xf32, #tpu.memory_space<vmem>>, vector<1x256xf32>
    %add3A_114 = vector.broadcast %get3A_113 : vector<1x256xf32> to vector<2000x256xf32>
    %add3A_115 = arith.addf %dot_general3A_110, %add3A_114 : vector<2000x256xf32>
    %reduce_max3A = arith.constant dense<0xFF800000> : vector<2000xf32>
    %reduce_max3A_116 = vector.multi_reduction <maximumf>, %add3A_115, %reduce_max3A [1] : vector<2000x256xf32> to vector<2000xf32>
    %broadcast_in_dim3A_117 = vector.shape_cast %reduce_max3A_116 : vector<2000xf32> to vector<2000x1xf32>
    %sub3A = vector.broadcast %broadcast_in_dim3A_117 : vector<2000x1xf32> to vector<2000x256xf32>
    %sub3A_118 = arith.subf %add3A_115, %sub3A : vector<2000x256xf32>
    %exp3A = math.exp %sub3A_118 : vector<2000x256xf32>
    %reduce_sum3A_119 = arith.constant dense<0.000000e+00> : vector<2000xf32>
    %reduce_sum3A_120 = vector.multi_reduction <add>, %exp3A, %reduce_sum3A_119 [1] : vector<2000x256xf32> to vector<2000xf32>
    %broadcast_in_dim3A_121 = vector.shape_cast %reduce_sum3A_120 : vector<2000xf32> to vector<2000x1xf32>
    %log3A = math.log %broadcast_in_dim3A_121 : vector<2000x1xf32>
    %add3A_122 = arith.addf %log3A, %broadcast_in_dim3A_117 : vector<2000x1xf32>
    %sub3A_123 = vector.broadcast %add3A_122 : vector<2000x1xf32> to vector<2000x256xf32>
    %sub3A_124 = arith.subf %add3A_115, %sub3A_123 : vector<2000x256xf32>
    %swap3A = arith.constant 0 : index
    %swap3A_125 = arith.constant 0 : index
    %swap3A_126 = vector.load %arg9[%swap3A, %swap3A_125] : memref<2000x256xf32, #tpu.memory_space<vmem>>, vector<2000x256xf32>
    tpu.vector_store %arg9[%swap3A, %swap3A_125], %sub3A_124 {strides = array<i32>} : memref<2000x256xf32, #tpu.memory_space<vmem>>, vector<2000x256xf32>,
    return
  }
  func.func @transform_0(%arg0: i32) -> (i32, i32, i32) {
    %c0_i32 = arith.constant 0 : i32
    %c0_i32_0 = arith.constant 0 : i32
    %c0_i32_1 = arith.constant 0 : i32
    return %c0_i32, %arg0, %c0_i32_0 : i32, i32, i32
  }
  func.func @transform_1(%arg0: i32) -> (i32, i32, i32) {
    %c0_i32 = arith.constant 0 : i32
    %c0_i32_0 = arith.constant 0 : i32
    %c0_i32_1 = arith.constant 0 : i32
    return %c0_i32, %arg0, %c0_i32_0 : i32, i32, i32
  }
  func.func @transform_2(%arg0: i32) -> (i32, i32, i32) {
    %c0_i32 = arith.constant 0 : i32
    %c0_i32_0 = arith.constant 0 : i32
    %c0_i32_1 = arith.constant 0 : i32
    return %c0_i32, %arg0, %c0_i32_0 : i32, i32, i32
  }
  func.func @transform_3(%arg0: i32) -> (i32, i32, i32) {
    %c0_i32 = arith.constant 0 : i32
    %c0_i32_0 = arith.constant 0 : i32
    %c0_i32_1 = arith.constant 0 : i32
    return %c0_i32, %arg0, %c0_i32_0 : i32, i32, i32
  }
  func.func @transform_4(%arg0: i32) -> (i32, i32) {
    %c0_i32 = arith.constant 0 : i32
    %c0_i32_0 = arith.constant 0 : i32
    %c0_i32_1 = arith.constant 0 : i32
    return %c0_i32, %c0_i32_0 : i32, i32
  }
  func.func @transform_5(%arg0: i32) -> (i32, i32) {
    %c0_i32 = arith.constant 0 : i32
    %c0_i32_0 = arith.constant 0 : i32
    %c0_i32_1 = arith.constant 0 : i32
    return %c0_i32, %c0_i32_0 : i32, i32
  }
  func.func @transform_6(%arg0: i32) -> (i32, i32) {
    %c0_i32 = arith.constant 0 : i32
    %c0_i32_0 = arith.constant 0 : i32
    %c0_i32_1 = arith.constant 0 : i32
    return %c0_i32, %c0_i32_0 : i32, i32
  }
  func.func @transform_7(%arg0: i32) -> (i32, i32) {
    %c0_i32 = arith.constant 0 : i32
    %c0_i32_0 = arith.constant 0 : i32
    %c0_i32_1 = arith.constant 0 : i32
    return %c0_i32, %c0_i32_0 : i32, i32
  }
  func.func @transform_8(%arg0: i32) -> (i32, i32) {
    %c0_i32 = arith.constant 0 : i32
    %c0_i32_0 = arith.constant 0 : i32
    return %arg0, %c0_i32 : i32, i32
  }
}

</mosaic_0001>

<sc_bundles>
// kernel: kernel.6.cloned.1.call-start
scs
__scs_entry_jumppad:
0x0: {  	(pc) =	sbr.rel $0x88, $3  }
0x1: {  	(tag) =	ssettag $0x0;
	lr =	simm.s32 $0x1  }
0x2: {  	[smem:$0x3F97] =	sst lr;
	_ =	strace $0xD0000000  }
0x3: {  	_ = 	snop  }
0x4: {  	_ = 	snop  }
0x5: {  	_ = 	snop  }
0x6: {  	_ = 	snop  }
0x7: {  	_ = 	snop  }
__scs_overlays_trampoline_lowered:
0x8: {  	[smem:$0x3FA6] =	sst s0  }
0x9: {  	[smem:$0x3FA7] =	sst s1  }
0xa: {  	[smem:$0x3FA8] =	sst s2  }
0xb: {  	[smem:$0x3FA9] =	sst s3  }
0xc: {  	[smem:$0x3FAA] =	sst s4  }
0xd: {  	[smem:$0x3FAB] =	sst s5  }
0xe: {  	[smem:$0x3FAC] =	sst s6  }
0xf: {  	[smem:$0x3FAD] =	sst s7  }
0x10: {  	[smem:$0x3FAE] =	sst s8  }
0x11: {  	[smem:$0x3FAF] =	sst s9;
	s0 =	simm.s32 @!p0 $0x0  }
0x12: {  	s1 =	sld [smem:$0x3F95];
	s0 =	simm.s32 @p0 $0x1  }
0x13: {  	[smem:$0x3FB0] =	sst s0;
	s0 =	simm.s32 @!p1 $0x0  }
0x14: {  	s2 =	sld [smem:$0x3F94];
	s0 =	simm.s32 @p1 $0x1  }
0x15: {  	[smem:$0x3FB1] =	sst s0;
	s0 =	simm.s32 @!p2 $0x0  }
0x16: {  	s3 =	sld [smem:$0x3FDB];
	s0 =	simm.s32 @p2 $0x1  }
0x17: {  	s4 =	simm.s32 $0x1BF5;
	[smem:$0x3FB3] =	sst s0  }
0x18: {  	s0 =	sld [smem:$0x3F96];
	_ =	swait.ge [sflag:s4], $0x0  }
0x19: {  	s7 =	sld [smem:$0x3F97]  }
0x1a: {  	s8 =	sadd.s32 $0xFFFFE003, lr  }
0x1b: {  	s9 =	sadd.s32 $0xFFFFFEF7, lr;
	s5 =	simm.s32 $0xFFFFFFFF;
	p2 =	slt.u32 s8, $0xFFFFF086  }
0x1c: {  	p1 =	slt.u32 s9, $0xF7A;
	s5 =	simm.s32 @!p2 $0x0  }
0x1d: {  	s5 =	simm.s32 @p1 $0x1;
	p0 =	seq.s32 s7, s2  }
0x1e: {  	s7 =	smul.u32 @!p0 $0xF7A, s2;
	p2 =	seq.s32 @!p0 s5, $0x0  }
0x1f: {  	s9 =	smul.u32 $0xF7A, s1;
	s8 =	simm.s32 @!p0 $0x1BF5;
	p2 =	por !p2, p0  }
0x20: {  	[sflag:s8] =	ssyncset.s32 @!p0 $0xFFFFF086;
	s6 =	sadd.s32 @!p0 s3, s7;
	s7 =	simm.s32 @!p0 $0x108  }
0x21: {  	s3 =	sadd.s32 s3, s9;
	s6 =	sadd.s32 @!p0 $0x88, s6;
	s7 =	simm.s32 @p2 $0x1082  }
0x22: {  	[simem:s7], [sflag:s8] =	dma.local @!p0 [hbm:s6], $0xF7A  }
0x23: {  	s9 =	sor.u32 $0xD0000000, s2;
	s6 =	simm.s32 $0x108;
	_ =	swait.ge @!p0 [sflag:s8], $0x0  }
0x24: {  	s3 =	sadd.s32 $0x88, s3;
	s6 =	simm.s32 @!p1 $0x1082;
	[sflag:s4] =	ssyncset.s32 $0xFFFFF086  }
0x25: {  	[simem:s6], [sflag:s4] =	dma.local [hbm:s3], $0xF7A  }
0x26: {  	[smem:$0x3F97] =	sst s1;
	(tag) =	ssettag s2;
	_ =	strace s9  }
0x27: {  	s1 =	sld [smem:$0x3FA7]  }
0x28: {  	s2 =	sld [smem:$0x3FA8]  }
0x29: {  	s4 =	sld [smem:$0x3FAA]  }
0x2a: {  	p0 =	seq.s32 s5, $0x0;
	s5 =	sld [smem:$0x3FAB]  }
0x2b: {  	s6 =	sld [smem:$0x3FAC]  }
0x2c: {  	s7 =	sld [smem:$0x3FAD]  }
0x2d: {  	s3 =	simm.s32 $0x108;
	s8 =	sld [smem:$0x3FAE]  }
0x2e: {  	s3 =	simm.s32 @!p0 $0x1082;
	s9 =	sld [smem:$0x3FAF]  }
0x2f: {  	lr =	sadd.s32 s0, s3;
	s0 =	sld [smem:$0x3FA6]  }
0x30: {  	s3 =	sld [smem:$0x3FA9]  }
0x31: {  	[smem:$0x3FB2] =	sst s10  }
0x32: {  	s10 =	sld [smem:$0x3FB0];
	_ =	sdelay $0x3  }
0x33: {  	p0 =	seq.s32 s10, $0x1;
	s10 =	sld [smem:$0x3FB2];
	_ =	sdelay $0x3  }
0x34: {  	[smem:$0x3FB2] =	sst s10  }
0x35: {  	s10 =	sld [smem:$0x3FB1];
	_ =	sdelay $0x3  }
0x36: {  	p1 =	seq.s32 s10, $0x1;
	s10 =	sld [smem:$0x3FB2];
	_ =	sdelay $0x3  }
0x37: {  	[smem:$0x3FB2] =	sst s10  }
0x38: {  	s10 =	sld [smem:$0x3FB3]  }
0x39: {  	_ = 	snop;
	(pc) =	sbr.ind lr, $3  }
0x3a: {  	_ = 	snop  }
0x3b: {  	_ = 	snop  }
0x3c: {  	p2 =	seq.s32 s10, $0x1;
	s10 =	sld [smem:$0x3FB2]  }
0x3d: {  	_ =	shalt  }
0x3e: {  	_ =	shalt  }
0x3f: {  	_ =	shalt  }
0x40: {  	_ =	shalt  }
0x41: {  	_ =	shalt  }
0x42: {  	_ =	shalt  }
0x43: {  	_ =	shalt  }
0x44: {  	_ =	shalt  }
0x45: {  	_ =	shalt  }
0x46: {  	_ =	shalt  }
0x47: {  	_ =	shalt  }
0x48: {  	_ =	shalt  }
0x49: {  	_ =	shalt  }
0x4a: {  	_ =	shalt  }
0x4b: {  	_ =	shalt  }
0x4c: {  	_ =	shalt  }
0x4d: {  	_ =	shalt  }
0x4e: {  	_ =	shalt  }
0x4f: {  	_ =	shalt  }
0x50: {  	_ =	shalt  }
0x51: {  	_ =	shalt  }
0x52: {  	_ =	shalt  }
0x53: {  	_ =	shalt  }
0x54: {  	_ =	shalt  }
0x55: {  	_ =	shalt  }
0x56: {  	_ =	shalt  }
0x57: {  	_ =	shalt  }
0x58: {  	_ =	shalt  }
0x59: {  	_ =	shalt  }
0x5a: {  	_ =	shalt  }
0x5b: {  	_ =	shalt  }
0x5c: {  	_ =	shalt  }
0x5d: {  	_ =	shalt  }
0x5e: {  	_ =	shalt  }
0x5f: {  	_ =	shalt  }
0x60: {  	_ =	shalt  }
0x61: {  	_ =	shalt  }
0x62: {  	_ =	shalt  }
0x63: {  	_ =	shalt  }
0x64: {  	_ =	shalt  }
0x65: {  	_ =	shalt  }
0x66: {  	_ =	shalt  }
0x67: {  	_ =	shalt  }
0x68: {  	_ =	shalt  }
0x69: {  	_ =	shalt  }
0x6a: {  	_ =	shalt  }
0x6b: {  	_ =	shalt  }
0x6c: {  	_ =	shalt  }
0x6d: {  	_ =	shalt  }
0x6e: {  	_ =	shalt  }
0x6f: {  	_ =	shalt  }
0x70: {  	_ =	shalt  }
0x71: {  	_ =	shalt  }
0x72: {  	_ =	shalt  }
0x73: {  	_ =	shalt  }
0x74: {  	_ =	shalt  }
0x75: {  	_ =	shalt  }
0x76: {  	_ =	shalt  }
0x77: {  	_ =	shalt  }
0x78: {  	_ =	shalt  }
0x79: {  	_ =	shalt  }
0x7a: {  	_ =	shalt  }
0x7b: {  	_ =	shalt  }
0x7c: {  	_ =	shalt  }
0x7d: {  	_ =	shalt  }
0x7e: {  	_ =	shalt  }
0x7f: {  	_ =	shalt  }
0x80: {  	_ =	shalt  }
0x81: {  	_ =	shalt  }
0x82: {  	_ =	shalt  }
0x83: {  	_ =	shalt  }
0x84: {  	_ =	shalt  }
0x85: {  	_ =	shalt  }
0x86: {  	_ =	shalt  }
0x87: {  	_ =	shalt  }
.Lfunc_end0:
.L_simem_size_0:
called_computation_lowered:
.L_overlay_start_0:
0x88: {  	s2 =	sld [smem:$0x3FD9]  }
0x89: {  	s3 =	sld [smem:$0x3FFE];
	_ =	sdelay $0x1  }
0x8a: {  	s1 =	srdreg.scid  }
0x8b: {  	s0 =	sand.u32 $0x1, s1  }
0x8c: {  	s17 =	sshll.u32 s0, $0xA;
	s2 =	sadd.s32 s3, s2  }
0x8d: {  	s2 =	sadd.s32 s2, s17  }
0x8e: {  	[smem:$0x3FBE] =	sst s2  }
0x8f: {  	_ = 	snop  }
0x90: {  	s2 =	sld [smem:$0x3FD0];
	(tm) =	ssettm $0x1  }
0x91: {  	s18 =	sld [smem:$0x3FFB];
	_ =	sdelay $0x3  }
0x92: {  	_ =	strace s18  }
0x93: {  	s3 =	sld [smem:$0x3FFC];
	_ =	sdelay $0x3  }
0x94: {  	_ =	strace s3  }
0x95: {  	s3 =	sld [smem:$0x3FFD];
	_ =	sdelay $0x3  }
0x96: {  	_ =	strace s3  }
0x97: {  	_ =	strace $0x8FFFFFFF  }
0x98: {  	s19 =	sld [smem:$0x3FDB];
	_ =	sdelay $0x1  }
0x99: {  	s4 =	simm.s32 $_scs_section_size  }
0x9a: {  	s5 =	simm.s32 $_size__tile_overlayer_lowered;
	s6 =	simm.s32 $_tile_overlayer_lowered  }
0x9b: {  	s22 =	simm.s32 $0x1BFF;
	s21 =	sshll.u32 s6, $0x1;
	s3 =	sadd.s32 s4, s19  }
0x9c: {  	s7 =	simm.s32 $0x0;
	s20 =	sshll.u32 s5, $0x1;
	s5 =	sadd.s32 s21, s3  }
0x9d: {  	[timem:s7], [sflag:s22] =	dma.local [hbm:s5], s20  }
0x9e: {  	_ =	swait.ge [sflag:s22], s20  }
0x9f: {  	s4 =	ssub.s32 $0x0, s20;
	[sflag:s22] =	ssyncset.done $0x0  }
0xa0: {  	[sflag:s22] =	ssyncadd.s32 s4;
	_ =	sdelay $0x1  }
0xa1: {  	s23 =	simm.s32 $0x1B8B  }
0xa2: {  	_ =	swait.ge [sflag:s23], $0x1  }
0xa3: {  	[sflag:s23] =	ssyncset.done $0x0  }
0xa4: {  	s25 =	simm.s32 $0x1B8E;
	s24 =	sld [smem:$0x3FFE];
	[sflag:s23] =	ssyncadd.s32 $0xFFFFFFFF  }
0xa5: {  	s26 =	simm.s32 $execute0_lowered;
	[smem:$0x3FD2] =	sst s25  }
0xa6: {  	s5 =	sshll.u32 s26, $0x1;
	_ =	strace $0x80000046;
	[dreg:$0x1] =	wrdreg $0xFFFFFFFF  }
0xa7: {  	s28 =	simm.s32 $_size_execute0_lowered;
	s3 =	sadd.s32 s3, s5;
	[dreg:$0x0] =	wrdreg $0x0  }
0xa8: {  	s5 =	sshll.u32 s28, $0x1;
	[dreg:$0x2] =	wrdreg s3  }
0xa9: {  	[dreg:$0x3] =	wrdreg s5  }
0xaa: {  	[dreg:$0x4] =	wrdreg $0xC0  }
0xab: {  	_ =	task [dreg:s7], $0x5FFFF  }
0xac: {  	[dreg:$0x1] =	wrdreg $0xFFFFFFFF  }
0xad: {  	[dreg:$0x0] =	wrdreg $0x60  }
0xae: {  	[dreg:$0x2] =	wrdreg s24  }
0xaf: {  	[dreg:$0x3] =	wrdreg s2  }
0xb0: {  	[dreg:$0x4] =	wrdreg $0xC0800  }
0xb1: {  	[dreg:$0x5] =	wrdreg $0x9  }
0xb2: {  	_ =	task.clear_ibuf [dreg:s7], $0x6FFFF;
	_ =	strace $0x90000046  }
0xb3: {  	s29 =	simm.s32 $0x9;
	_ =	strace $0x80000048  }
0xb4: {  	_ =	swait.ge [sflag:s29], $0x1  }
0xb5: {  	[sflag:s29] =	ssyncadd.s32 $0xFFFFFFFF  }
0xb6: {  	_ =	strace $0x90000048  }
0xb7: {  	_ =	sfence  }
0xb8: {  	s30 =	sld [smem:$0x0];
	_ =	sdelay $0x2  }
0xb9: {  	s31 =	sshll.u32 s1, $0xD;
	s1 =	sshrl.u32 s1, $0x2  }
0xba: {  	s3 =	sand.u32 $0x4000, s31;
	s1 =	sadd.s32 s1, s30  }
0xbb: {  	s0 =	sor.u32 s3, s0;
	s1 =	sshll.u32 s1, $0x11  }
0xbc: {  	s0 =	sor.u32 s1, s0  }
0xbd: {  	s0 =	sadd.s32 $0x8F2B, s0  }
0xbe: {  	[sflag:s0] =	ssyncadd.remote.s32 $0x1  }
0xbf: {  	_ =	sfence.sel $0xFFFF  }
0xc0: {  	[dreg:$0x0] =	wrdreg $0xFFFFFFFF;
	(pc) =	sbr.abs _section_cstart, $3  }
0xc1: {  	[dreg:$0x1] =	wrdreg $0xFFFFFFFF  }
0xc2: {  	_ =	task.clear_ibuf [dreg:s7], $0x2FFFF;
	_ =	strace $0x9FFFFFFF  }
0xc3: {  	(tm) =	ssettm $0x7FFFFFFF  }
tec
execute0_lowered:
.L_overlay_start_1:
0x0: {  	(tag) =	ssettag $0x1  }
0x1: {  	s0 =	rddreg [dreg:$0x0]  }
0x2: {  	s1 =	rddreg [dreg:$0x1]  }
0x3: {  	s2 =	rddreg [dreg:$0x2]  }
0x4: {  	s4 =	srdreg.scid;
	s13 =	stileid.u32;
	s3 =	simm.s32 $0x0  }
0x5: {  	s28 =	simm.s32 $0x5B80;
	s30 =	simm.s32 $0x7B80;
	s31 =	simm.s32 $0x9B80  }
0x6: {  	s29 =	simm.s32 $0xBC80;
	s6 =	sand.u32 $0x1, s4;
	s7 =	smul.u32 $0x13C00, s13  }
0x7: {  	[smem:$0x7FF] =	sst s3;
	s4 =	sadd.s32 $0x33A00, s0;
	s10 =	smul.u32 $0x1388, s13  }
0x8: {  	s5 =	sadd.s32 $0xC800, s0;
	s12 =	sadd.s32 $0x7800, s0;
	s13 =	smul.u32 $0x4F000, s13  }
0x9: {  	s11 =	sadd.s32 $0x2800, s0;
	s14 =	sadd.s32 $0x5AC00, s0;
	s8 =	smul.u32 $0x13C000, s6  }
0xa: {  	_ =	strace $0x80000047;
	s9 =	smul.u32 $0x13880, s6;
	s6 =	ssub.s32 $0x2, s6  }
0xb: {  	[dreg:$0x4] =	wrdreg s14;
	s18 =	sshrl.u32 s6, $0x1;
	s23 =	sshrl.u32 s13, $0x2  }
0xc: {  	s8 =	sadd.s32 s7, s8;
	s9 =	sadd.s32 s10, s9;
	s6 =	ssub.s32 s6, s18  }
0xd: {  	s7 =	sshrl.u32 s7, $0x3;
	s18 =	simm.s32 $0xBC00;
	s8 =	sshrl.u32 s8, $0x3  }
0xe: {  	s17 =	sshrl.u32 s9, $0x3;
	s9 =	sadd.s32 s23, s2;
	s26 =	smax.u32 s6, $0x1  }
0xf: {  	s23 =	simm.s32 $0x40;
	s6 =	simm.s32 $0x0;
	s0 =	sadd.s32 s8, s0  }
0x10: {  	s19 =	sadd.s32 $0x270, s17;
	s20 =	sadd.s32 s11, s17;
	[dreg:$0x8] =	wrdreg s9  }
0x11: {  	[dreg:$0xc] =	wrdreg s26;
	s16 =	sadd.s32 s17, s12;
	s17 =	simm.s32 $0xBB80  }
0x12: {  	s26 =	simm.s32 $0x8;
	[dreg:$0x5] =	wrdreg s20;
	s21 =	sadd.s32 s11, s19  }
0x13: {  	s22 =	sadd.s32 s12, s19;
	s11 =	sadd.s32 s1, s7;
	[dreg:$0x6] =	wrdreg s21  }
0x14: {  	s24 =	sadd.s32 $0xF9000, s0;
	s25 =	sadd.s32 $0x5B000, s0;
	[dreg:$0x7] =	wrdreg s22  }
0x15: {  	s0 =	sadd.s32 $0xAA000, s0;
	s19 =	simm.s32 $0x5;
	[dreg:$0x9] =	wrdreg s24  }
0x16: {  	s20 =	simm.s32 $0x6;
	s1 =	simm.s32 $0x4;
	[dreg:$0xa] =	wrdreg s25  }
0x17: {  	[dreg:$0xb] =	wrdreg s0;
	s21 =	simm.s32 $0x3B80;
	s22 =	simm.s32 $0x7  }
0x18: {  	s0 =	simm.s32 $0x1;
	s24 =	simm.s32 $0x2;
	s25 =	simm.s32 $0x3  }
.LBB2_1:
0x19: {  	s7 =	rddreg [dreg:$0x5];
	s10 =	sadd.s32 $0x0, s16  }
0x1a: {  	[tilespmem:s3], [sflag:$0x6] =	stream.linear.gather [hbm4b:s7+s3], $0x1380, $0x38;
	[tilespmem:$0x1FC80] =	vst v63  }
0x1b: {  	s8 =	simm.s32 $0x1400;
	s9 =	simm.s32 $0x1380;
	s7 =	simm.s32 $0x8  }
.LBB2_2:
0x1c: {  	[tilespmem:s9], [sflag:$0x5] =	stream.linear.gather [hbm4b:s10+s3], $0x40, $0x38;
	[tilespmem:$0x1FC80] =	vst v63  }
0x1d: {  	s10 =	smov.u32 s7;
	s9 =	smov.u32 s8;
	p0 =	sne.s32 s7, $0x268  }
.Ltmp0:
0x1e: {  	s7 =	sadd.s32 $0x8, s7;
	(pc) =	sbr.rel @p0 .LBB2_2-.Ltmp0, $2  }
0x1f: {  	_ =	sdelay $0x2  }
0x20: {  	s8 =	sadd.s32 $0x80, s8;
	s10 =	sadd.s32 s10, s16  }
0x21: {  	[tilespmem:s9], [sflag:$0x5] =	stream.linear.gather [hbm4b:s10+s3], $0x40, $0x38;
	[tilespmem:$0x1FC80] =	vst v63  }
0x22: {  	s7 =	rddreg [dreg:$0x6]  }
0x23: {  	[tilespmem:s17], [sflag:$0x5] =	stream.linear.gather [hbm4b:s7+s3], $0x8, $0x38;
	[tilespmem:$0x1FC80] =	vst v63  }
0x24: {  	s15 =	rddreg [dreg:$0x7]  }
0x25: {  	[tilespmem:s18], [sflag:$0x5] =	stream.linear.gather [hbm4b:s15+s3], $0x8, $0x38;
	[tilespmem:$0x1FC80] =	vst v63  }
0x26: {  	_ =	swait.ge [sflag:s19], $0x40  }
0x27: {  	s7 =	simm.s32 $0x4D;
	[sflag:s19] =	ssyncset.done $0x0  }
.LBB2_4:
0x28: {  	p0 =	sne.s32 s7, $0x1;
	s7 =	sadd.s32 $0xFFFFFFFF, s7;
	[sflag:s19] =	ssyncadd.s32 $0xFFFFFFC0  }
.Ltmp1:
0x29: {  	(pc) =	sbr.rel @p0 .LBB2_4-.Ltmp1, $3  }
0x2a: {  	_ =	sdelay $0x1  }
0x2b: {  	_ =	swait.ge [sflag:s19], $0x40  }
0x2c: {  	[sflag:s19] =	ssyncset.done $0x0  }
0x2d: {  	[sflag:s19] =	ssyncadd.s32 $0xFFFFFFC0  }
0x2e: {  	_ =	swait.ge [sflag:s19], $0x8  }
0x2f: {  	[sflag:s19] =	ssyncset.done $0x0  }
0x30: {  	[sflag:s19] =	ssyncadd.s32 $0xFFFFFFF8  }
0x31: {  	_ =	swait.ge [sflag:s19], $0x8  }
0x32: {  	[sflag:s19] =	ssyncset.done $0x0  }
0x33: {  	[sflag:s19] =	ssyncadd.s32 $0xFFFFFFF8  }
0x34: {  	_ =	swait.ge [sflag:s20], $0x1380  }
0x35: {  	[sflag:s20] =	ssyncset.done $0x0  }
0x36: {  	s7 =	rddreg [dreg:$0x4];
	[sflag:s20] =	ssyncadd.s32 $0xFFFFEC80  }
0x37: {  	[tilespmem:s21], [sflag:$0x7] =	stream.linear.gather [hbm4b:s7+s3], $0x2000, $0x38;
	[tilespmem:$0x1FC80] =	vst v63  }
0x38: {  	s13 =	stileid.u32;
	_ =	swait.ge [sflag:s22], $0x2000  }
0x39: {  	s7 =	sshll.u32 s13, $0x6;
	[sflag:s22] =	ssyncset.done $0x0;
	s8 =	rddreg [dreg:$0x8]  }
0x3a: {  	s7 =	sor.u32 $0x1C07, s7;
	[sflag:s22] =	ssyncadd.s32 $0xFFFFE000;
	s8 =	sshrl.u32 s8, $0x3  }
0x3b: {  	[spmem:s8], [sflag:s7] =	dma.local [hbm:s11], $0x2780  }
0x3c: {  	_ =	swait.ge [sflag:s22], $0x2780  }
0x3d: {  	[sflag:s22] =	ssyncset.done $0x0  }
0x3e: {  	[sflag:s22] =	ssyncadd.s32 $0xFFFFD880  }
0x3f: {  	s9 =	simm.s32 $0x1380;
	[bflag:$0x0] =	sbarrier.arrive $0xFFFF  }
0x40: {  	[spmem:s2] =	stream.indirect.scatter.add.f32 [tilespmem:s21], [sflag:$0x6], $0x80, s9, s23, $0xb8;
	[tilespmem:$0x1FC80] =	vst v63  }
0x41: {  	s14 =	simm.s32 $0x1400  }
0x42: {  	[spmem:s2] =	stream.indirect.scatter.add.f32 [tilespmem:s21], [sflag:$0x5], $0x80, s14, s23, $0xb8;
	[tilespmem:$0x1FC80] =	vst v63  }
0x43: {  	_ =	swait.ge [sflag:s20], $0x2000  }
0x44: {  	[sflag:s20] =	ssyncset.done $0x0  }
0x45: {  	s15 =	simm.s32 $0x1480;
	[sflag:s20] =	ssyncadd.s32 $0xFFFFE000  }
0x46: {  	[spmem:s2] =	stream.indirect.scatter.add.f32 [tilespmem:s21], [sflag:$0x6], $0x80, s15, s23, $0xb8;
	[tilespmem:$0x1FC80] =	vst v63  }
0x47: {  	_ =	swait.ge [sflag:s19], $0x2000  }
0x48: {  	[sflag:s19] =	ssyncset.done $0x0  }
0x49: {  	s10 =	simm.s32 $0x1500;
	s9 =	simm.s32 $0xFFFF6C00;
	[sflag:s19] =	ssyncadd.s32 $0xFFFFE000  }
.LBB2_6:
0x4a: {  	[spmem:s2] =	stream.indirect.scatter.add.f32 [tilespmem:s21], [sflag:$0x5], $0x80, s10, s23, $0xb8;
	[tilespmem:$0x1FC80] =	vst v63  }
0x4b: {  	s10 =	smov.u32 s9  }
0x4c: {  	p0 =	sne.s32 s9, $0xFFFFFC00;
	s9 =	sadd.s32 $0x400, s9;
	_ =	swait.ge [sflag:s20], $0x2000  }
0x4d: {  	s10 =	sshra.s32 s10, $0x2;
	[sflag:s20] =	ssyncset.done $0x0  }
.Ltmp2:
0x4e: {  	s12 =	sadd.s32 $0x3A80, s10;
	[sflag:s20] =	ssyncadd.s32 $0xFFFFE000;
	(pc) =	sbr.rel @p0 .LBB2_6-.Ltmp2, $4  }
0x4f: {  	[spmem:s2] =	stream.indirect.scatter.add.f32 [tilespmem:s21], [sflag:$0x6], $0x80, s12, s23, $0xb8;
	[tilespmem:$0x1FC80] =	vst v63  }
0x50: {  	_ =	swait.ge [sflag:s19], $0x2000  }
0x51: {  	[sflag:s19] =	ssyncset.done $0x0  }
0x52: {  	s10 =	sadd.s32 $0x3B00, s10;
	[sflag:s19] =	ssyncadd.s32 $0xFFFFE000  }
0x53: {  	[spmem:s2] =	stream.indirect.scatter.add.f32 [tilespmem:s21], [sflag:$0x5], $0x80, s10, s23, $0xb8;
	[tilespmem:$0x1FC80] =	vst v63  }
0x54: {  	_ =	swait.ge [sflag:s20], $0x2000  }
0x55: {  	[sflag:s20] =	ssyncset.done $0x0  }
0x56: {  	[sflag:s20] =	ssyncadd.s32 $0xFFFFE000  }
0x57: {  	_ =	swait.ge [sflag:s19], $0x2000  }
0x58: {  	[sflag:s19] =	ssyncset.done $0x0  }
0x59: {  	[sflag:s19] =	ssyncadd.s32 $0xFFFFE000  }
0x5a: {  	[spmem:s2] =	stream.indirect.scatter.add.f32 [tilespmem:s21], [sflag:$0x5], $0x80, s18, s26, $0xb8;
	[tilespmem:$0x1FC80] =	vst v63  }
0x5b: {  	_ =	swait.ge [sflag:s19], $0x400  }
0x5c: {  	[sflag:s19] =	ssyncset.done $0x0  }
0x5d: {  	[sflag:s19] =	ssyncadd.s32 $0xFFFFFC00  }
0x5e: {  	s9 =	simm.s32 $0x0;
	[bflag:$0x0] =	sbarrier.arrive $0xFFFF  }
0x5f: {  	[tilespmem:s21], [sflag:$0x1] =	stream.indirect.gather [hbm4b:s4+s23], $0x80, s9, s23, $0xb8;
	[tilespmem:$0x1FC80] =	vst v63  }
0x60: {  	_ = 	snop  }
0x61: {  	[tilespmem:s28], [sflag:$0x2] =	stream.indirect.gather [hbm4b:s4+s23], $0x80, s23, s23, $0xb8;
	[tilespmem:$0x1FC80] =	vst v63  }
0x62: {  	s10 =	simm.s32 $0x80;
	s12 =	rddreg [dreg:$0x9]  }
0x63: {  	[tilespmem:s30], [sflag:$0x3] =	stream.indirect.gather [hbm4b:s4+s23], $0x80, s10, s23, $0xb8;
	[tilespmem:$0x1FC80] =	vst v63  }
0x64: {  	[hbm:s12], [sflag:s7] =	dma.local [spmem:s8], $0x2780  }
0x65: {  	_ =	swait.ge [sflag:s22], $0x2780  }
0x66: {  	[sflag:s22] =	ssyncset.done $0x0  }
0x67: {  	[sflag:s22] =	ssyncadd.s32 $0xFFFFD880  }
0x68: {  	[spmem:s8], [sflag:s7] =	dma.local [hbm:s11], $0x2780  }
0x69: {  	_ =	swait.ge [sflag:s22], $0x2780  }
0x6a: {  	[sflag:s22] =	ssyncset.done $0x0  }
0x6b: {  	[sflag:s22] =	ssyncadd.s32 $0xFFFFD880  }
0x6c: {  	s13 =	simm.s32 $0xC0;
	[bflag:$0x0] =	sbarrier.arrive $0xFFFF  }
0x6d: {  	[tilespmem:s31], [sflag:$0x4] =	stream.indirect.gather [hbm4b:s4+s23], $0x80, s13, s23, $0xb8;
	[tilespmem:$0x1FC80] =	vst v63  }
0x6e: {  	_ =	swait.ge [sflag:s0], $0x2000  }
0x6f: {  	[sflag:s0] =	ssyncset.done $0x0  }
0x70: {  	s14 =	simm.s32 $0x1380;
	[sflag:s0] =	ssyncadd.s32 $0xFFFFE000  }
0x71: {  	[spmem:s2] =	stream.indirect.scatter.add.f32 [tilespmem:s21], [sflag:$0x7], $0x80, s14, s23, $0xb8;
	[tilespmem:$0x1FC80] =	vst v63  }
0x72: {  	_ =	swait.ge [sflag:s22], $0x2000  }
0x73: {  	[sflag:s22] =	ssyncset.done $0x0  }
0x74: {  	s15 =	simm.s32 $0x100;
	[sflag:s22] =	ssyncadd.s32 $0xFFFFE000  }
0x75: {  	[tilespmem:s21], [sflag:$0x1] =	stream.indirect.gather [hbm4b:s4+s23], $0x80, s15, s23, $0xb8;
	[tilespmem:$0x1FC80] =	vst v63  }
0x76: {  	_ =	swait.ge [sflag:s24], $0x2000  }
0x77: {  	[sflag:s24] =	ssyncset.done $0x0  }
0x78: {  	s10 =	simm.s32 $0x1400;
	[sflag:s24] =	ssyncadd.s32 $0xFFFFE000  }
0x79: {  	[spmem:s2] =	stream.indirect.scatter.add.f32 [tilespmem:s28], [sflag:$0x7], $0x80, s10, s23, $0xb8;
	[tilespmem:$0x1FC80] =	vst v63  }
0x7a: {  	_ =	swait.ge [sflag:s22], $0x2000  }
0x7b: {  	[sflag:s22] =	ssyncset.done $0x0  }
0x7c: {  	s12 =	simm.s32 $0x140;
	[sflag:s22] =	ssyncadd.s32 $0xFFFFE000  }
0x7d: {  	[tilespmem:s28], [sflag:$0x2] =	stream.indirect.gather [hbm4b:s4+s23], $0x80, s12, s23, $0xb8;
	[tilespmem:$0x1FC80] =	vst v63  }
0x7e: {  	_ =	swait.ge [sflag:s25], $0x2000  }
0x7f: {  	[sflag:s25] =	ssyncset.done $0x0  }
0x80: {  	s13 =	simm.s32 $0x1480;
	[sflag:s25] =	ssyncadd.s32 $0xFFFFE000  }
0x81: {  	[spmem:s2] =	stream.indirect.scatter.add.f32 [tilespmem:s30], [sflag:$0x7], $0x80, s13, s23, $0xb8;
	[tilespmem:$0x1FC80] =	vst v63  }
0x82: {  	_ =	swait.ge [sflag:s22], $0x2000  }
0x83: {  	[sflag:s22] =	ssyncset.done $0x0  }
0x84: {  	s14 =	simm.s32 $0x180;
	[sflag:s22] =	ssyncadd.s32 $0xFFFFE000  }
0x85: {  	[tilespmem:s30], [sflag:$0x3] =	stream.indirect.gather [hbm4b:s4+s23], $0x80, s14, s23, $0xb8;
	[tilespmem:$0x1FC80] =	vst v63  }
0x86: {  	_ =	swait.ge [sflag:s1], $0x2000  }
0x87: {  	[sflag:s1] =	ssyncset.done $0x0  }
0x88: {  	s15 =	simm.s32 $0x1500;
	[sflag:s1] =	ssyncadd.s32 $0xFFFFE000  }
0x89: {  	[spmem:s2] =	stream.indirect.scatter.add.f32 [tilespmem:s31], [sflag:$0x7], $0x80, s15, s23, $0xb8;
	[tilespmem:$0x1FC80] =	vst v63  }
0x8a: {  	s9 =	simm.s32 $0x1680;
	_ =	swait.ge [sflag:s22], $0x2000  }
0x8b: {  	s10 =	simm.s32 $0x100;
	s12 =	simm.s32 $0x800;
	[sflag:s22] =	ssyncset.done $0x0  }
.LBB2_8:
0x8c: {  	s15 =	sadd.s32 $0xC0, s10  }
0x8d: {  	[sflag:s22] =	ssyncadd.s32 $0xFFFFE000;
	s13 =	smov.u32 s12;
	s14 =	sadd.s32 $0x400, s12  }
0x8e: {  	[tilespmem:s31], [sflag:$0x4] =	stream.indirect.gather [hbm4b:s4+s23], $0x80, s15, s23, $0xb8;
	[tilespmem:$0x1FC80] =	vst v63  }
0x8f: {  	p0 =	sne.s32 s12, $0x4400;
	_ =	swait.ge [sflag:s0], $0x2000  }
0x90: {  	[sflag:s0] =	ssyncset.done $0x0  }
0x91: {  	s12 =	sadd.s32 $0xFFFFFF00, s9;
	[sflag:s0] =	ssyncadd.s32 $0xFFFFE000  }
0x92: {  	[spmem:s2] =	stream.indirect.scatter.add.f32 [tilespmem:s21], [sflag:$0x7], $0x80, s12, s23, $0xb8;
	[tilespmem:$0x1FC80] =	vst v63  }
0x93: {  	_ =	swait.ge [sflag:s22], $0x2000  }
0x94: {  	[sflag:s22] =	ssyncset.done $0x0  }
0x95: {  	s12 =	sadd.s32 $0x100, s10;
	[sflag:s22] =	ssyncadd.s32 $0xFFFFE000  }
0x96: {  	[tilespmem:s21], [sflag:$0x1] =	stream.indirect.gather [hbm4b:s4+s23], $0x80, s12, s23, $0xb8;
	[tilespmem:$0x1FC80] =	vst v63  }
0x97: {  	_ =	swait.ge [sflag:s24], $0x2000  }
0x98: {  	[sflag:s24] =	ssyncset.done $0x0  }
0x99: {  	s12 =	sadd.s32 $0xFFFFFF80, s9;
	[sflag:s24] =	ssyncadd.s32 $0xFFFFE000  }
0x9a: {  	[spmem:s2] =	stream.indirect.scatter.add.f32 [tilespmem:s28], [sflag:$0x7], $0x80, s12, s23, $0xb8;
	[tilespmem:$0x1FC80] =	vst v63  }
0x9b: {  	_ =	swait.ge [sflag:s22], $0x2000  }
0x9c: {  	[sflag:s22] =	ssyncset.done $0x0  }
0x9d: {  	s12 =	sadd.s32 $0x140, s10;
	[sflag:s22] =	ssyncadd.s32 $0xFFFFE000  }
0x9e: {  	[tilespmem:s28], [sflag:$0x2] =	stream.indirect.gather [hbm4b:s4+s23], $0x80, s12, s23, $0xb8;
	[tilespmem:$0x1FC80] =	vst v63  }
0x9f: {  	_ =	swait.ge [sflag:s25], $0x2000  }
0xa0: {  	[sflag:s25] =	ssyncset.done $0x0  }
0xa1: {  	[sflag:s25] =	ssyncadd.s32 $0xFFFFE000  }
0xa2: {  	[spmem:s2] =	stream.indirect.scatter.add.f32 [tilespmem:s30], [sflag:$0x7], $0x80, s9, s23, $0xb8;
	[tilespmem:$0x1FC80] =	vst v63  }
0xa3: {  	_ =	swait.ge [sflag:s22], $0x2000  }
0xa4: {  	[sflag:s22] =	ssyncset.done $0x0  }
0xa5: {  	s10 =	sadd.s32 $0x180, s10;
	[sflag:s22] =	ssyncadd.s32 $0xFFFFE000  }
0xa6: {  	[tilespmem:s30], [sflag:$0x3] =	stream.indirect.gather [hbm4b:s4+s23], $0x80, s10, s23, $0xb8;
	[tilespmem:$0x1FC80] =	vst v63  }
0xa7: {  	_ =	swait.ge [sflag:s1], $0x2000  }
.Ltmp3:
0xa8: {  	[sflag:s1] =	ssyncset.done $0x0;
	(pc) =	sbr.rel @p0 .LBB2_8-.Ltmp3, $4  }
0xa9: {  	s10 =	sadd.s32 $0x80, s9;
	[sflag:s1] =	ssyncadd.s32 $0xFFFFE000  }
0xaa: {  	[spmem:s2] =	stream.indirect.scatter.add.f32 [tilespmem:s31], [sflag:$0x7], $0x80, s10, s23, $0xb8;
	[tilespmem:$0x1FC80] =	vst v63  }
0xab: {  	s12 =	smov.u32 s14;
	_ =	swait.ge [sflag:s22], $0x2000  }
0xac: {  	s9 =	sadd.s32 $0x200, s9;
	s10 =	sshra.s32 s13, $0x2;
	[sflag:s22] =	ssyncset.done $0x0  }
0xad: {  	s12 =	sadd.s32 $0xC0, s10;
	[sflag:s22] =	ssyncadd.s32 $0xFFFFE000  }
0xae: {  	[tilespmem:s31], [sflag:$0x4] =	stream.indirect.gather [hbm4b:s4+s23], $0x80, s12, s23, $0xb8;
	[tilespmem:$0x1FC80] =	vst v63  }
0xaf: {  	_ =	swait.ge [sflag:s0], $0x2000  }
0xb0: {  	[sflag:s0] =	ssyncset.done $0x0  }
0xb1: {  	s13 =	sadd.s32 $0xFFFFFF00, s9;
	[sflag:s0] =	ssyncadd.s32 $0xFFFFE000  }
0xb2: {  	[spmem:s2] =	stream.indirect.scatter.add.f32 [tilespmem:s21], [sflag:$0x7], $0x80, s13, s23, $0xb8;
	[tilespmem:$0x1FC80] =	vst v63  }
0xb3: {  	_ =	swait.ge [sflag:s22], $0x2000  }
0xb4: {  	[sflag:s22] =	ssyncset.done $0x0  }
0xb5: {  	s14 =	sadd.s32 $0x100, s10;
	[sflag:s22] =	ssyncadd.s32 $0xFFFFE000  }
0xb6: {  	[tilespmem:s21], [sflag:$0x1] =	stream.indirect.gather [hbm4b:s4+s23], $0x80, s14, s23, $0xb8;
	[tilespmem:$0x1FC80] =	vst v63  }
0xb7: {  	_ =	swait.ge [sflag:s24], $0x2000  }
0xb8: {  	[sflag:s24] =	ssyncset.done $0x0  }
0xb9: {  	s15 =	sadd.s32 $0xFFFFFF80, s9;
	[sflag:s24] =	ssyncadd.s32 $0xFFFFE000  }
0xba: {  	[spmem:s2] =	stream.indirect.scatter.add.f32 [tilespmem:s28], [sflag:$0x7], $0x80, s15, s23, $0xb8;
	[tilespmem:$0x1FC80] =	vst v63  }
0xbb: {  	_ =	swait.ge [sflag:s22], $0x2000  }
0xbc: {  	[sflag:s22] =	ssyncset.done $0x0  }
0xbd: {  	s13 =	sadd.s32 $0x140, s10;
	[sflag:s22] =	ssyncadd.s32 $0xFFFFE000  }
0xbe: {  	[tilespmem:s28], [sflag:$0x2] =	stream.indirect.gather [hbm4b:s4+s23], $0x80, s13, s23, $0xb8;
	[tilespmem:$0x1FC80] =	vst v63  }
0xbf: {  	_ =	swait.ge [sflag:s25], $0x2000  }
0xc0: {  	[sflag:s25] =	ssyncset.done $0x0  }
0xc1: {  	[sflag:s25] =	ssyncadd.s32 $0xFFFFE000  }
0xc2: {  	[spmem:s2] =	stream.indirect.scatter.add.f32 [tilespmem:s30], [sflag:$0x7], $0x80, s9, s23, $0xb8;
	[tilespmem:$0x1FC80] =	vst v63  }
0xc3: {  	_ =	swait.ge [sflag:s22], $0x2000  }
0xc4: {  	[sflag:s22] =	ssyncset.done $0x0  }
0xc5: {  	s14 =	sadd.s32 $0x180, s10;
	[sflag:s22] =	ssyncadd.s32 $0xFFFFE000  }
0xc6: {  	[tilespmem:s30], [sflag:$0x3] =	stream.indirect.gather [hbm4b:s4+s23], $0x80, s14, s23, $0xb8;
	[tilespmem:$0x1FC80] =	vst v63  }
0xc7: {  	_ =	swait.ge [sflag:s1], $0x2000  }
0xc8: {  	[sflag:s1] =	ssyncset.done $0x0  }
0xc9: {  	s15 =	sadd.s32 $0x80, s9;
	[sflag:s1] =	ssyncadd.s32 $0xFFFFE000  }
0xca: {  	[spmem:s2] =	stream.indirect.scatter.add.f32 [tilespmem:s31], [sflag:$0x7], $0x80, s15, s23, $0xb8;
	[tilespmem:$0x1FC80] =	vst v63  }
0xcb: {  	_ =	swait.ge [sflag:s22], $0x2000  }
0xcc: {  	[sflag:s22] =	ssyncset.done $0x0  }
0xcd: {  	s10 =	simm.s32 $0x12C0;
	[sflag:s22] =	ssyncadd.s32 $0xFFFFE000  }
0xce: {  	[tilespmem:s31], [sflag:$0x4] =	stream.indirect.gather [hbm4b:s4+s23], $0x80, s10, s23, $0xb8;
	[tilespmem:$0x1FC80] =	vst v63  }
0xcf: {  	_ =	swait.ge [sflag:s0], $0x2000  }
0xd0: {  	[sflag:s0] =	ssyncset.done $0x0  }
0xd1: {  	s12 =	simm.s32 $0x3780;
	[sflag:s0] =	ssyncadd.s32 $0xFFFFE000  }
0xd2: {  	[spmem:s2] =	stream.indirect.scatter.add.f32 [tilespmem:s21], [sflag:$0x7], $0x80, s12, s23, $0xb8;
	[tilespmem:$0x1FC80] =	vst v63  }
0xd3: {  	_ =	swait.ge [sflag:s22], $0x2000  }
0xd4: {  	[sflag:s22] =	ssyncset.done $0x0  }
0xd5: {  	s13 =	simm.s32 $0x1300;
	[sflag:s22] =	ssyncadd.s32 $0xFFFFE000  }
0xd6: {  	[tilespmem:s21], [sflag:$0x1] =	stream.indirect.gather [hbm4b:s4+s23], $0x80, s13, s23, $0xb8;
	[tilespmem:$0x1FC80] =	vst v63  }
0xd7: {  	_ =	swait.ge [sflag:s24], $0x2000  }
0xd8: {  	[sflag:s24] =	ssyncset.done $0x0  }
0xd9: {  	s14 =	simm.s32 $0x3800;
	[sflag:s24] =	ssyncadd.s32 $0xFFFFE000  }
0xda: {  	[spmem:s2] =	stream.indirect.scatter.add.f32 [tilespmem:s28], [sflag:$0x7], $0x80, s14, s23, $0xb8;
	[tilespmem:$0x1FC80] =	vst v63  }
0xdb: {  	_ =	swait.ge [sflag:s22], $0x2000  }
0xdc: {  	[sflag:s22] =	ssyncset.done $0x0  }
0xdd: {  	s15 =	simm.s32 $0x1340;
	[sflag:s22] =	ssyncadd.s32 $0xFFFFE000  }
0xde: {  	[tilespmem:s28], [sflag:$0x2] =	stream.indirect.gather [hbm4b:s4+s23], $0x80, s15, s23, $0xb8;
	[tilespmem:$0x1FC80] =	vst v63  }
0xdf: {  	_ =	swait.ge [sflag:s25], $0x2000  }
0xe0: {  	[sflag:s25] =	ssyncset.done $0x0  }
0xe1: {  	s10 =	simm.s32 $0x3880;
	[sflag:s25] =	ssyncadd.s32 $0xFFFFE000  }
0xe2: {  	[spmem:s2] =	stream.indirect.scatter.add.f32 [tilespmem:s30], [sflag:$0x7], $0x80, s10, s23, $0xb8;
	[tilespmem:$0x1FC80] =	vst v63  }
0xe3: {  	_ =	swait.ge [sflag:s22], $0x2000  }
0xe4: {  	[sflag:s22] =	ssyncset.done $0x0  }
0xe5: {  	[sflag:s22] =	ssyncadd.s32 $0xFFFFE000  }
0xe6: {  	_ =	swait.ge [sflag:s1], $0x2000  }
0xe7: {  	[sflag:s1] =	ssyncset.done $0x0  }
0xe8: {  	s12 =	simm.s32 $0x3900;
	[sflag:s1] =	ssyncadd.s32 $0xFFFFE000  }
0xe9: {  	[spmem:s2] =	stream.indirect.scatter.add.f32 [tilespmem:s31], [sflag:$0x7], $0x80, s12, s23, $0xb8;
	[tilespmem:$0x1FC80] =	vst v63  }
0xea: {  	_ =	swait.ge [sflag:s22], $0x2000  }
0xeb: {  	[sflag:s22] =	ssyncset.done $0x0  }
0xec: {  	[sflag:s22] =	ssyncadd.s32 $0xFFFFE000  }
0xed: {  	_ =	swait.ge [sflag:s0], $0x2000  }
0xee: {  	[sflag:s0] =	ssyncset.done $0x0  }
0xef: {  	s13 =	simm.s32 $0x3980;
	[sflag:s0] =	ssyncadd.s32 $0xFFFFE000  }
0xf0: {  	[spmem:s2] =	stream.indirect.scatter.add.f32 [tilespmem:s21], [sflag:$0x7], $0x80, s13, s23, $0xb8;
	[tilespmem:$0x1FC80] =	vst v63  }
0xf1: {  	_ =	swait.ge [sflag:s22], $0x2000  }
0xf2: {  	[sflag:s22] =	ssyncset.done $0x0  }
0xf3: {  	[sflag:s22] =	ssyncadd.s32 $0xFFFFE000  }
0xf4: {  	_ =	swait.ge [sflag:s24], $0x2000  }
0xf5: {  	[sflag:s24] =	ssyncset.done $0x0  }
0xf6: {  	s14 =	simm.s32 $0x3A00;
	[sflag:s24] =	ssyncadd.s32 $0xFFFFE000  }
0xf7: {  	[spmem:s2] =	stream.indirect.scatter.add.f32 [tilespmem:s28], [sflag:$0x7], $0x80, s14, s23, $0xb8;
	[tilespmem:$0x1FC80] =	vst v63  }
0xf8: {  	_ =	swait.ge [sflag:s22], $0x2000  }
0xf9: {  	[sflag:s22] =	ssyncset.done $0x0  }
0xfa: {  	[sflag:s22] =	ssyncadd.s32 $0xFFFFE000  }
0xfb: {  	[tilespmem:s29], [sflag:$0x6] =	stream.indirect.gather [hbm4b:s4+s26], $0x80, s17, s26, $0xb8;
	[tilespmem:$0x1FC80] =	vst v63  }
0xfc: {  	_ =	swait.ge [sflag:s20], $0x400  }
0xfd: {  	[sflag:s20] =	ssyncset.done $0x0  }
0xfe: {  	[sflag:s20] =	ssyncadd.s32 $0xFFFFFC00  }
0xff: {  	[spmem:s2] =	stream.indirect.scatter.add.f32 [tilespmem:s29], [sflag:$0x7], $0x80, s18, s26, $0xb8;
	[tilespmem:$0x1FC80] =	vst v63  }
0x100: {  	_ =	swait.ge [sflag:s22], $0x400  }
0x101: {  	[sflag:s22] =	ssyncset.done $0x0  }
0x102: {  	[sflag:s22] =	ssyncadd.s32 $0xFFFFFC00  }
0x103: {  	s15 =	simm.s32 $0x0;
	[bflag:$0x0] =	sbarrier.arrive $0xFFFF  }
0x104: {  	[tilespmem:s21], [sflag:$0x1] =	stream.indirect.gather [hbm4b:s5+s23], $0x80, s15, s23, $0xb8;
	[tilespmem:$0x1FC80] =	vst v63  }
0x105: {  	_ = 	snop  }
0x106: {  	[tilespmem:s28], [sflag:$0x2] =	stream.indirect.gather [hbm4b:s5+s23], $0x80, s23, s23, $0xb8;
	[tilespmem:$0x1FC80] =	vst v63  }
0x107: {  	s10 =	simm.s32 $0x80;
	s12 =	rddreg [dreg:$0xa]  }
0x108: {  	[tilespmem:s30], [sflag:$0x3] =	stream.indirect.gather [hbm4b:s5+s23], $0x80, s10, s23, $0xb8;
	[tilespmem:$0x1FC80] =	vst v63  }
0x109: {  	[hbm:s12], [sflag:s7] =	dma.local [spmem:s8], $0x2780  }
0x10a: {  	_ =	swait.ge [sflag:s22], $0x2780  }
0x10b: {  	[sflag:s22] =	ssyncset.done $0x0  }
0x10c: {  	[sflag:s22] =	ssyncadd.s32 $0xFFFFD880  }
0x10d: {  	[spmem:s8], [sflag:s7] =	dma.local [hbm:s11], $0x2780  }
0x10e: {  	_ =	swait.ge [sflag:s22], $0x2780  }
0x10f: {  	[sflag:s22] =	ssyncset.done $0x0  }
0x110: {  	[sflag:s22] =	ssyncadd.s32 $0xFFFFD880  }
0x111: {  	s13 =	simm.s32 $0xC0;
	[bflag:$0x0] =	sbarrier.arrive $0xFFFF  }
0x112: {  	[tilespmem:s31], [sflag:$0x4] =	stream.indirect.gather [hbm4b:s5+s23], $0x80, s13, s23, $0xb8;
	[tilespmem:$0x1FC80] =	vst v63  }
0x113: {  	_ =	swait.ge [sflag:s0], $0x2000  }
0x114: {  	[sflag:s0] =	ssyncset.done $0x0  }
0x115: {  	s14 =	simm.s32 $0x1380;
	[sflag:s0] =	ssyncadd.s32 $0xFFFFE000  }
0x116: {  	[spmem:s2] =	stream.indirect.scatter.add.f32 [tilespmem:s21], [sflag:$0x7], $0x80, s14, s23, $0xb8;
	[tilespmem:$0x1FC80] =	vst v63  }
0x117: {  	_ =	swait.ge [sflag:s22], $0x2000  }
0x118: {  	[sflag:s22] =	ssyncset.done $0x0  }
0x119: {  	s15 =	simm.s32 $0x100;
	[sflag:s22] =	ssyncadd.s32 $0xFFFFE000  }
0x11a: {  	[tilespmem:s21], [sflag:$0x1] =	stream.indirect.gather [hbm4b:s5+s23], $0x80, s15, s23, $0xb8;
	[tilespmem:$0x1FC80] =	vst v63  }
0x11b: {  	_ =	swait.ge [sflag:s24], $0x2000  }
0x11c: {  	[sflag:s24] =	ssyncset.done $0x0  }
0x11d: {  	s10 =	simm.s32 $0x1400;
	[sflag:s24] =	ssyncadd.s32 $0xFFFFE000  }
0x11e: {  	[spmem:s2] =	stream.indirect.scatter.add.f32 [tilespmem:s28], [sflag:$0x7], $0x80, s10, s23, $0xb8;
	[tilespmem:$0x1FC80] =	vst v63  }
0x11f: {  	_ =	swait.ge [sflag:s22], $0x2000  }
0x120: {  	[sflag:s22] =	ssyncset.done $0x0  }
0x121: {  	s12 =	simm.s32 $0x140;
	[sflag:s22] =	ssyncadd.s32 $0xFFFFE000  }
0x122: {  	[tilespmem:s28], [sflag:$0x2] =	stream.indirect.gather [hbm4b:s5+s23], $0x80, s12, s23, $0xb8;
	[tilespmem:$0x1FC80] =	vst v63  }
0x123: {  	_ =	swait.ge [sflag:s25], $0x2000  }
0x124: {  	[sflag:s25] =	ssyncset.done $0x0  }
0x125: {  	s13 =	simm.s32 $0x1480;
	[sflag:s25] =	ssyncadd.s32 $0xFFFFE000  }
0x126: {  	[spmem:s2] =	stream.indirect.scatter.add.f32 [tilespmem:s30], [sflag:$0x7], $0x80, s13, s23, $0xb8;
	[tilespmem:$0x1FC80] =	vst v63  }
0x127: {  	_ =	swait.ge [sflag:s22], $0x2000  }
0x128: {  	[sflag:s22] =	ssyncset.done $0x0  }
0x129: {  	s14 =	simm.s32 $0x180;
	[sflag:s22] =	ssyncadd.s32 $0xFFFFE000  }
0x12a: {  	[tilespmem:s30], [sflag:$0x3] =	stream.indirect.gather [hbm4b:s5+s23], $0x80, s14, s23, $0xb8;
	[tilespmem:$0x1FC80] =	vst v63  }
0x12b: {  	_ =	swait.ge [sflag:s1], $0x2000  }
0x12c: {  	[sflag:s1] =	ssyncset.done $0x0  }
0x12d: {  	s15 =	simm.s32 $0x1500;
	[sflag:s1] =	ssyncadd.s32 $0xFFFFE000  }
0x12e: {  	[spmem:s2] =	stream.indirect.scatter.add.f32 [tilespmem:s31], [sflag:$0x7], $0x80, s15, s23, $0xb8;
	[tilespmem:$0x1FC80] =	vst v63  }
0x12f: {  	s9 =	simm.s32 $0x1680;
	_ =	swait.ge [sflag:s22], $0x2000  }
0x130: {  	s10 =	simm.s32 $0x100;
	s14 =	simm.s32 $0x800;
	[sflag:s22] =	ssyncset.done $0x0  }
.LBB2_10:
0x131: {  	s15 =	sadd.s32 $0xC0, s10  }
0x132: {  	[sflag:s22] =	ssyncadd.s32 $0xFFFFE000;
	s13 =	smov.u32 s14;
	s12 =	sadd.s32 $0x400, s14  }
0x133: {  	[tilespmem:s31], [sflag:$0x4] =	stream.indirect.gather [hbm4b:s5+s23], $0x80, s15, s23, $0xb8;
	[tilespmem:$0x1FC80] =	vst v63  }
0x134: {  	p0 =	sne.s32 s14, $0x4400;
	_ =	swait.ge [sflag:s0], $0x2000  }
0x135: {  	[sflag:s0] =	ssyncset.done $0x0  }
0x136: {  	s14 =	sadd.s32 $0xFFFFFF00, s9;
	[sflag:s0] =	ssyncadd.s32 $0xFFFFE000  }
0x137: {  	[spmem:s2] =	stream.indirect.scatter.add.f32 [tilespmem:s21], [sflag:$0x7], $0x80, s14, s23, $0xb8;
	[tilespmem:$0x1FC80] =	vst v63  }
0x138: {  	_ =	swait.ge [sflag:s22], $0x2000  }
0x139: {  	[sflag:s22] =	ssyncset.done $0x0  }
0x13a: {  	s14 =	sadd.s32 $0x100, s10;
	[sflag:s22] =	ssyncadd.s32 $0xFFFFE000  }
0x13b: {  	[tilespmem:s21], [sflag:$0x1] =	stream.indirect.gather [hbm4b:s5+s23], $0x80, s14, s23, $0xb8;
	[tilespmem:$0x1FC80] =	vst v63  }
0x13c: {  	_ =	swait.ge [sflag:s24], $0x2000  }
0x13d: {  	[sflag:s24] =	ssyncset.done $0x0  }
0x13e: {  	s14 =	sadd.s32 $0xFFFFFF80, s9;
	[sflag:s24] =	ssyncadd.s32 $0xFFFFE000  }
0x13f: {  	[spmem:s2] =	stream.indirect.scatter.add.f32 [tilespmem:s28], [sflag:$0x7], $0x80, s14, s23, $0xb8;
	[tilespmem:$0x1FC80] =	vst v63  }
0x140: {  	_ =	swait.ge [sflag:s22], $0x2000  }
0x141: {  	[sflag:s22] =	ssyncset.done $0x0  }
0x142: {  	s14 =	sadd.s32 $0x140, s10;
	[sflag:s22] =	ssyncadd.s32 $0xFFFFE000  }
0x143: {  	[tilespmem:s28], [sflag:$0x2] =	stream.indirect.gather [hbm4b:s5+s23], $0x80, s14, s23, $0xb8;
	[tilespmem:$0x1FC80] =	vst v63  }
0x144: {  	_ =	swait.ge [sflag:s25], $0x2000  }
0x145: {  	[sflag:s25] =	ssyncset.done $0x0  }
0x146: {  	[sflag:s25] =	ssyncadd.s32 $0xFFFFE000  }
0x147: {  	[spmem:s2] =	stream.indirect.scatter.add.f32 [tilespmem:s30], [sflag:$0x7], $0x80, s9, s23, $0xb8;
	[tilespmem:$0x1FC80] =	vst v63  }
0x148: {  	_ =	swait.ge [sflag:s22], $0x2000  }
0x149: {  	[sflag:s22] =	ssyncset.done $0x0  }
0x14a: {  	s10 =	sadd.s32 $0x180, s10;
	[sflag:s22] =	ssyncadd.s32 $0xFFFFE000  }
0x14b: {  	[tilespmem:s30], [sflag:$0x3] =	stream.indirect.gather [hbm4b:s5+s23], $0x80, s10, s23, $0xb8;
	[tilespmem:$0x1FC80] =	vst v63  }
0x14c: {  	_ =	swait.ge [sflag:s1], $0x2000  }
.Ltmp4:
0x14d: {  	[sflag:s1] =	ssyncset.done $0x0;
	(pc) =	sbr.rel @p0 .LBB2_10-.Ltmp4, $4  }
0x14e: {  	s10 =	sadd.s32 $0x80, s9;
	[sflag:s1] =	ssyncadd.s32 $0xFFFFE000  }
0x14f: {  	[spmem:s2] =	stream.indirect.scatter.add.f32 [tilespmem:s31], [sflag:$0x7], $0x80, s10, s23, $0xb8;
	[tilespmem:$0x1FC80] =	vst v63  }
0x150: {  	s14 =	smov.u32 s12;
	_ =	swait.ge [sflag:s22], $0x2000  }
0x151: {  	s9 =	sadd.s32 $0x200, s9;
	s10 =	sshra.s32 s13, $0x2;
	[sflag:s22] =	ssyncset.done $0x0  }
0x152: {  	s12 =	sadd.s32 $0xC0, s10;
	[sflag:s22] =	ssyncadd.s32 $0xFFFFE000  }
0x153: {  	[tilespmem:s31], [sflag:$0x4] =	stream.indirect.gather [hbm4b:s5+s23], $0x80, s12, s23, $0xb8;
	[tilespmem:$0x1FC80] =	vst v63  }
0x154: {  	_ =	swait.ge [sflag:s0], $0x2000  }
0x155: {  	[sflag:s0] =	ssyncset.done $0x0  }
0x156: {  	s15 =	sadd.s32 $0xFFFFFF00, s9;
	[sflag:s0] =	ssyncadd.s32 $0xFFFFE000  }
0x157: {  	[spmem:s2] =	stream.indirect.scatter.add.f32 [tilespmem:s21], [sflag:$0x7], $0x80, s15, s23, $0xb8;
	[tilespmem:$0x1FC80] =	vst v63  }
0x158: {  	_ =	swait.ge [sflag:s22], $0x2000  }
0x159: {  	[sflag:s22] =	ssyncset.done $0x0  }
0x15a: {  	s13 =	sadd.s32 $0x100, s10;
	[sflag:s22] =	ssyncadd.s32 $0xFFFFE000  }
0x15b: {  	[tilespmem:s21], [sflag:$0x1] =	stream.indirect.gather [hbm4b:s5+s23], $0x80, s13, s23, $0xb8;
	[tilespmem:$0x1FC80] =	vst v63  }
0x15c: {  	_ =	swait.ge [sflag:s24], $0x2000  }
0x15d: {  	[sflag:s24] =	ssyncset.done $0x0  }
0x15e: {  	s14 =	sadd.s32 $0xFFFFFF80, s9;
	[sflag:s24] =	ssyncadd.s32 $0xFFFFE000  }
0x15f: {  	[spmem:s2] =	stream.indirect.scatter.add.f32 [tilespmem:s28], [sflag:$0x7], $0x80, s14, s23, $0xb8;
	[tilespmem:$0x1FC80] =	vst v63  }
0x160: {  	_ =	swait.ge [sflag:s22], $0x2000  }
0x161: {  	[sflag:s22] =	ssyncset.done $0x0  }
0x162: {  	s15 =	sadd.s32 $0x140, s10;
	[sflag:s22] =	ssyncadd.s32 $0xFFFFE000  }
0x163: {  	[tilespmem:s28], [sflag:$0x2] =	stream.indirect.gather [hbm4b:s5+s23], $0x80, s15, s23, $0xb8;
	[tilespmem:$0x1FC80] =	vst v63  }
0x164: {  	_ =	swait.ge [sflag:s25], $0x2000  }
0x165: {  	[sflag:s25] =	ssyncset.done $0x0  }
0x166: {  	[sflag:s25] =	ssyncadd.s32 $0xFFFFE000  }
0x167: {  	[spmem:s2] =	stream.indirect.scatter.add.f32 [tilespmem:s30], [sflag:$0x7], $0x80, s9, s23, $0xb8;
	[tilespmem:$0x1FC80] =	vst v63  }
0x168: {  	_ =	swait.ge [sflag:s22], $0x2000  }
0x169: {  	[sflag:s22] =	ssyncset.done $0x0  }
0x16a: {  	s13 =	sadd.s32 $0x180, s10;
	[sflag:s22] =	ssyncadd.s32 $0xFFFFE000  }
0x16b: {  	[tilespmem:s30], [sflag:$0x3] =	stream.indirect.gather [hbm4b:s5+s23], $0x80, s13, s23, $0xb8;
	[tilespmem:$0x1FC80] =	vst v63  }
0x16c: {  	_ =	swait.ge [sflag:s1], $0x2000  }
0x16d: {  	[sflag:s1] =	ssyncset.done $0x0  }
0x16e: {  	s14 =	sadd.s32 $0x80, s9;
	[sflag:s1] =	ssyncadd.s32 $0xFFFFE000  }
0x16f: {  	[spmem:s2] =	stream.indirect.scatter.add.f32 [tilespmem:s31], [sflag:$0x7], $0x80, s14, s23, $0xb8;
	[tilespmem:$0x1FC80] =	vst v63  }
0x170: {  	_ =	swait.ge [sflag:s22], $0x2000  }
0x171: {  	[sflag:s22] =	ssyncset.done $0x0  }
0x172: {  	s15 =	simm.s32 $0x12C0;
	[sflag:s22] =	ssyncadd.s32 $0xFFFFE000  }
0x173: {  	[tilespmem:s31], [sflag:$0x4] =	stream.indirect.gather [hbm4b:s5+s23], $0x80, s15, s23, $0xb8;
	[tilespmem:$0x1FC80] =	vst v63  }
0x174: {  	_ =	swait.ge [sflag:s0], $0x2000  }
0x175: {  	[sflag:s0] =	ssyncset.done $0x0  }
0x176: {  	s10 =	simm.s32 $0x3780;
	[sflag:s0] =	ssyncadd.s32 $0xFFFFE000  }
0x177: {  	[spmem:s2] =	stream.indirect.scatter.add.f32 [tilespmem:s21], [sflag:$0x7], $0x80, s10, s23, $0xb8;
	[tilespmem:$0x1FC80] =	vst v63  }
0x178: {  	_ =	swait.ge [sflag:s22], $0x2000  }
0x179: {  	[sflag:s22] =	ssyncset.done $0x0  }
0x17a: {  	s12 =	simm.s32 $0x1300;
	[sflag:s22] =	ssyncadd.s32 $0xFFFFE000  }
0x17b: {  	[tilespmem:s21], [sflag:$0x1] =	stream.indirect.gather [hbm4b:s5+s23], $0x80, s12, s23, $0xb8;
	[tilespmem:$0x1FC80] =	vst v63  }
0x17c: {  	_ =	swait.ge [sflag:s24], $0x2000  }
0x17d: {  	[sflag:s24] =	ssyncset.done $0x0  }
0x17e: {  	s13 =	simm.s32 $0x3800;
	[sflag:s24] =	ssyncadd.s32 $0xFFFFE000  }
0x17f: {  	[spmem:s2] =	stream.indirect.scatter.add.f32 [tilespmem:s28], [sflag:$0x7], $0x80, s13, s23, $0xb8;
	[tilespmem:$0x1FC80] =	vst v63  }
0x180: {  	_ =	swait.ge [sflag:s22], $0x2000  }
0x181: {  	[sflag:s22] =	ssyncset.done $0x0  }
0x182: {  	s14 =	simm.s32 $0x1340;
	[sflag:s22] =	ssyncadd.s32 $0xFFFFE000  }
0x183: {  	[tilespmem:s28], [sflag:$0x2] =	stream.indirect.gather [hbm4b:s5+s23], $0x80, s14, s23, $0xb8;
	[tilespmem:$0x1FC80] =	vst v63  }
0x184: {  	_ =	swait.ge [sflag:s25], $0x2000  }
0x185: {  	[sflag:s25] =	ssyncset.done $0x0  }
0x186: {  	s15 =	simm.s32 $0x3880;
	[sflag:s25] =	ssyncadd.s32 $0xFFFFE000  }
0x187: {  	[spmem:s2] =	stream.indirect.scatter.add.f32 [tilespmem:s30], [sflag:$0x7], $0x80, s15, s23, $0xb8;
	[tilespmem:$0x1FC80] =	vst v63  }
0x188: {  	_ =	swait.ge [sflag:s22], $0x2000  }
0x189: {  	[sflag:s22] =	ssyncset.done $0x0  }
0x18a: {  	[sflag:s22] =	ssyncadd.s32 $0xFFFFE000  }
0x18b: {  	_ =	swait.ge [sflag:s1], $0x2000  }
0x18c: {  	[sflag:s1] =	ssyncset.done $0x0  }
0x18d: {  	s10 =	simm.s32 $0x3900;
	[sflag:s1] =	ssyncadd.s32 $0xFFFFE000  }
0x18e: {  	[spmem:s2] =	stream.indirect.scatter.add.f32 [tilespmem:s31], [sflag:$0x7], $0x80, s10, s23, $0xb8;
	[tilespmem:$0x1FC80] =	vst v63  }
0x18f: {  	_ =	swait.ge [sflag:s22], $0x2000  }
0x190: {  	[sflag:s22] =	ssyncset.done $0x0  }
0x191: {  	[sflag:s22] =	ssyncadd.s32 $0xFFFFE000  }
0x192: {  	_ =	swait.ge [sflag:s0], $0x2000  }
0x193: {  	[sflag:s0] =	ssyncset.done $0x0  }
0x194: {  	s12 =	simm.s32 $0x3980;
	[sflag:s0] =	ssyncadd.s32 $0xFFFFE000  }
0x195: {  	[spmem:s2] =	stream.indirect.scatter.add.f32 [tilespmem:s21], [sflag:$0x7], $0x80, s12, s23, $0xb8;
	[tilespmem:$0x1FC80] =	vst v63  }
0x196: {  	_ =	swait.ge [sflag:s22], $0x2000  }
0x197: {  	[sflag:s22] =	ssyncset.done $0x0  }
0x198: {  	[sflag:s22] =	ssyncadd.s32 $0xFFFFE000  }
0x199: {  	_ =	swait.ge [sflag:s24], $0x2000  }
0x19a: {  	[sflag:s24] =	ssyncset.done $0x0  }
0x19b: {  	s13 =	simm.s32 $0x3A00;
	[sflag:s24] =	ssyncadd.s32 $0xFFFFE000  }
0x19c: {  	[spmem:s2] =	stream.indirect.scatter.add.f32 [tilespmem:s28], [sflag:$0x7], $0x80, s13, s23, $0xb8;
	[tilespmem:$0x1FC80] =	vst v63  }
0x19d: {  	_ =	swait.ge [sflag:s22], $0x2000  }
0x19e: {  	[sflag:s22] =	ssyncset.done $0x0  }
0x19f: {  	[sflag:s22] =	ssyncadd.s32 $0xFFFFE000  }
0x1a0: {  	[tilespmem:s29], [sflag:$0x6] =	stream.indirect.gather [hbm4b:s5+s26], $0x80, s17, s26, $0xb8;
	[tilespmem:$0x1FC80] =	vst v63  }
0x1a1: {  	_ =	swait.ge [sflag:s20], $0x400  }
0x1a2: {  	[sflag:s20] =	ssyncset.done $0x0  }
0x1a3: {  	[sflag:s20] =	ssyncadd.s32 $0xFFFFFC00  }
0x1a4: {  	[spmem:s2] =	stream.indirect.scatter.add.f32 [tilespmem:s29], [sflag:$0x7], $0x80, s18, s26, $0xb8;
	[tilespmem:$0x1FC80] =	vst v63  }
0x1a5: {  	_ =	swait.ge [sflag:s22], $0x400  }
0x1a6: {  	[sflag:s22] =	ssyncset.done $0x0  }
0x1a7: {  	[sflag:s22] =	ssyncadd.s32 $0xFFFFFC00  }
0x1a8: {  	[bflag:$0x0] =	sbarrier.arrive $0xFFFF  }
0x1a9: {  	s14 =	rddreg [dreg:$0xb]  }
0x1aa: {  	[hbm:s14], [sflag:s7] =	dma.local [spmem:s8], $0x2780  }
0x1ab: {  	_ =	swait.ge [sflag:s22], $0x2780  }
0x1ac: {  	s6 =	sadd.s32 $0x1, s6;
	s15 =	rddreg [dreg:$0xc]  }
0x1ad: {  	p0 =	sne.s32 s6, s15  }
.Ltmp5:
0x1ae: {  	_ = 	snop;
	(pc) =	sbr.rel @p0 .LBB2_1-.Ltmp5, $3  }
0x1af: {  	_ =	sdelay $0x1  }
0x1b0: {  	[sflag:s22] =	ssyncset.done $0x0  }
0x1b1: {  	[sflag:s22] =	ssyncadd.s32 $0xFFFFD880  }
0x1b2: {  	_ =	sfence.sel $0x180000  }
0x1b3: {  	[bflag:$0x0] =	sbarrier.arrive $0xFFFF  }
0x1b4: {  	_ =	strace $0x90000047  }
0x1b5: {  	s0 =	stileid.u32;
	[bflag:$0x2] =	sbarrier.arrive $0xFFFF  }
0x1b6: {  	p0 =	sne.s32 s0, $0x0;
	s0 =	rddreg [dreg:$0x3]  }
0x1b7: {  	s0 =	sadd.s32 @!p0 $0x100000, s0  }
0x1b8: {  	[sflag:s0] =	ssyncadd.tile.s32 @!p0 $0x1;
	_ =	shalt  }
.Lfunc_end2:
_tile_overlayer_lowered:
.L_overlay_start_2:
0x1b9: {  	(tag) =	ssettag $0x2  }
0x1ba: {  	s0 =	rddreg [dreg:$0x0];
	s2 =	stileid.u32  }
0x1bb: {  	s1 =	rddreg [dreg:$0x1];
	p0 =	sne.s32 s2, $0x0  }
0x1bc: {  	s3 =	rddreg [dreg:$0x2];
	[bflag:$0x3] =	sbarrier.arrive $0xFFFF;
	s2 =	simm.s32 @!p0 $0x1C07  }
0x1bd: {  	[timem:s3], [sflag:s2] =	dma.local @!p0 [hbm:s0], s1  }
0x1be: {  	s0 =	simm.s32 @!p0 $0x7  }
0x1bf: {  	_ =	swait.ge @!p0 [sflag:s0], s1  }
0x1c0: {  	s1 =	ssub.s32 @!p0 $0x0, s1;
	[sflag:s0] =	ssyncset.done @!p0 $0x0  }
0x1c1: {  	[sflag:s0] =	ssyncadd.s32 @!p0 s1  }
0x1c2: {  	[bflag:$0x3] =	sbarrier.arrive $0xFFFF  }
0x1c3: {  	_ =	shalt  }

// kernel: kernel.9.cloned.1.call-start
scs
__scs_entry_jumppad:
0x0: {  	(pc) =	sbr.rel $0x88, $3  }
0x1: {  	(tag) =	ssettag $0x0;
	lr =	simm.s32 $0x1  }
0x2: {  	[smem:$0x3F97] =	sst lr;
	_ =	strace $0xD0000000  }
0x3: {  	_ = 	snop  }
0x4: {  	_ = 	snop  }
0x5: {  	_ = 	snop  }
0x6: {  	_ = 	snop  }
0x7: {  	_ = 	snop  }
__scs_overlays_trampoline_lowered:
0x8: {  	[smem:$0x3FA6] =	sst s0  }
0x9: {  	[smem:$0x3FA7] =	sst s1  }
0xa: {  	[smem:$0x3FA8] =	sst s2  }
0xb: {  	[smem:$0x3FA9] =	sst s3  }
0xc: {  	[smem:$0x3FAA] =	sst s4  }
0xd: {  	[smem:$0x3FAB] =	sst s5  }
0xe: {  	[smem:$0x3FAC] =	sst s6  }
0xf: {  	[smem:$0x3FAD] =	sst s7  }
0x10: {  	[smem:$0x3FAE] =	sst s8  }
0x11: {  	[smem:$0x3FAF] =	sst s9;
	s0 =	simm.s32 @!p0 $0x0  }
0x12: {  	s1 =	sld [smem:$0x3F95];
	s0 =	simm.s32 @p0 $0x1  }
0x13: {  	[smem:$0x3FB0] =	sst s0;
	s0 =	simm.s32 @!p1 $0x0  }
0x14: {  	s2 =	sld [smem:$0x3F94];
	s0 =	simm.s32 @p1 $0x1  }
0x15: {  	[smem:$0x3FB1] =	sst s0;
	s0 =	simm.s32 @!p2 $0x0  }
0x16: {  	s3 =	sld [smem:$0x3FDB];
	s0 =	simm.s32 @p2 $0x1  }
0x17: {  	s4 =	simm.s32 $0x1BF5;
	[smem:$0x3FB3] =	sst s0  }
0x18: {  	s0 =	sld [smem:$0x3F96];
	_ =	swait.ge [sflag:s4], $0x0  }
0x19: {  	s7 =	sld [smem:$0x3F97]  }
0x1a: {  	s8 =	sadd.s32 $0xFFFFE003, lr  }
0x1b: {  	s9 =	sadd.s32 $0xFFFFFEF7, lr;
	s5 =	simm.s32 $0xFFFFFFFF;
	p2 =	slt.u32 s8, $0xFFFFF086  }
0x1c: {  	p1 =	slt.u32 s9, $0xF7A;
	s5 =	simm.s32 @!p2 $0x0  }
0x1d: {  	s5 =	simm.s32 @p1 $0x1;
	p0 =	seq.s32 s7, s2  }
0x1e: {  	s7 =	smul.u32 @!p0 $0xF7A, s2;
	p2 =	seq.s32 @!p0 s5, $0x0  }
0x1f: {  	s9 =	smul.u32 $0xF7A, s1;
	s8 =	simm.s32 @!p0 $0x1BF5;
	p2 =	por !p2, p0  }
0x20: {  	[sflag:s8] =	ssyncset.s32 @!p0 $0xFFFFF086;
	s6 =	sadd.s32 @!p0 s3, s7;
	s7 =	simm.s32 @!p0 $0x108  }
0x21: {  	s3 =	sadd.s32 s3, s9;
	s6 =	sadd.s32 @!p0 $0x88, s6;
	s7 =	simm.s32 @p2 $0x1082  }
0x22: {  	[simem:s7], [sflag:s8] =	dma.local @!p0 [hbm:s6], $0xF7A  }
0x23: {  	s9 =	sor.u32 $0xD0000000, s2;
	s6 =	simm.s32 $0x108;
	_ =	swait.ge @!p0 [sflag:s8], $0x0  }
0x24: {  	s3 =	sadd.s32 $0x88, s3;
	s6 =	simm.s32 @!p1 $0x1082;
	[sflag:s4] =	ssyncset.s32 $0xFFFFF086  }
0x25: {  	[simem:s6], [sflag:s4] =	dma.local [hbm:s3], $0xF7A  }
0x26: {  	[smem:$0x3F97] =	sst s1;
	(tag) =	ssettag s2;
	_ =	strace s9  }
0x27: {  	s1 =	sld [smem:$0x3FA7]  }
0x28: {  	s2 =	sld [smem:$0x3FA8]  }
0x29: {  	s4 =	sld [smem:$0x3FAA]  }
0x2a: {  	p0 =	seq.s32 s5, $0x0;
	s5 =	sld [smem:$0x3FAB]  }
0x2b: {  	s6 =	sld [smem:$0x3FAC]  }
0x2c: {  	s7 =	sld [smem:$0x3FAD]  }
0x2d: {  	s3 =	simm.s32 $0x108;
	s8 =	sld [smem:$0x3FAE]  }
0x2e: {  	s3 =	simm.s32 @!p0 $0x1082;
	s9 =	sld [smem:$0x3FAF]  }
0x2f: {  	lr =	sadd.s32 s0, s3;
	s0 =	sld [smem:$0x3FA6]  }
0x30: {  	s3 =	sld [smem:$0x3FA9]  }
0x31: {  	[smem:$0x3FB2] =	sst s10  }
0x32: {  	s10 =	sld [smem:$0x3FB0];
	_ =	sdelay $0x3  }
0x33: {  	p0 =	seq.s32 s10, $0x1;
	s10 =	sld [smem:$0x3FB2];
	_ =	sdelay $0x3  }
0x34: {  	[smem:$0x3FB2] =	sst s10  }
0x35: {  	s10 =	sld [smem:$0x3FB1];
	_ =	sdelay $0x3  }
0x36: {  	p1 =	seq.s32 s10, $0x1;
	s10 =	sld [smem:$0x3FB2];
	_ =	sdelay $0x3  }
0x37: {  	[smem:$0x3FB2] =	sst s10  }
0x38: {  	s10 =	sld [smem:$0x3FB3]  }
0x39: {  	_ = 	snop;
	(pc) =	sbr.ind lr, $3  }
0x3a: {  	_ = 	snop  }
0x3b: {  	_ = 	snop  }
0x3c: {  	p2 =	seq.s32 s10, $0x1;
	s10 =	sld [smem:$0x3FB2]  }
0x3d: {  	_ =	shalt  }
0x3e: {  	_ =	shalt  }
0x3f: {  	_ =	shalt  }
0x40: {  	_ =	shalt  }
0x41: {  	_ =	shalt  }
0x42: {  	_ =	shalt  }
0x43: {  	_ =	shalt  }
0x44: {  	_ =	shalt  }
0x45: {  	_ =	shalt  }
0x46: {  	_ =	shalt  }
0x47: {  	_ =	shalt  }
0x48: {  	_ =	shalt  }
0x49: {  	_ =	shalt  }
0x4a: {  	_ =	shalt  }
0x4b: {  	_ =	shalt  }
0x4c: {  	_ =	shalt  }
0x4d: {  	_ =	shalt  }
0x4e: {  	_ =	shalt  }
0x4f: {  	_ =	shalt  }
0x50: {  	_ =	shalt  }
0x51: {  	_ =	shalt  }
0x52: {  	_ =	shalt  }
0x53: {  	_ =	shalt  }
0x54: {  	_ =	shalt  }
0x55: {  	_ =	shalt  }
0x56: {  	_ =	shalt  }
0x57: {  	_ =	shalt  }
0x58: {  	_ =	shalt  }
0x59: {  	_ =	shalt  }
0x5a: {  	_ =	shalt  }
0x5b: {  	_ =	shalt  }
0x5c: {  	_ =	shalt  }
0x5d: {  	_ =	shalt  }
0x5e: {  	_ =	shalt  }
0x5f: {  	_ =	shalt  }
0x60: {  	_ =	shalt  }
0x61: {  	_ =	shalt  }
0x62: {  	_ =	shalt  }
0x63: {  	_ =	shalt  }
0x64: {  	_ =	shalt  }
0x65: {  	_ =	shalt  }
0x66: {  	_ =	shalt  }
0x67: {  	_ =	shalt  }
0x68: {  	_ =	shalt  }
0x69: {  	_ =	shalt  }
0x6a: {  	_ =	shalt  }
0x6b: {  	_ =	shalt  }
0x6c: {  	_ =	shalt  }
0x6d: {  	_ =	shalt  }
0x6e: {  	_ =	shalt  }
0x6f: {  	_ =	shalt  }
0x70: {  	_ =	shalt  }
0x71: {  	_ =	shalt  }
0x72: {  	_ =	shalt  }
0x73: {  	_ =	shalt  }
0x74: {  	_ =	shalt  }
0x75: {  	_ =	shalt  }
0x76: {  	_ =	shalt  }
0x77: {  	_ =	shalt  }
0x78: {  	_ =	shalt  }
0x79: {  	_ =	shalt  }
0x7a: {  	_ =	shalt  }
0x7b: {  	_ =	shalt  }
0x7c: {  	_ =	shalt  }
0x7d: {  	_ =	shalt  }
0x7e: {  	_ =	shalt  }
0x7f: {  	_ =	shalt  }
0x80: {  	_ =	shalt  }
0x81: {  	_ =	shalt  }
0x82: {  	_ =	shalt  }
0x83: {  	_ =	shalt  }
0x84: {  	_ =	shalt  }
0x85: {  	_ =	shalt  }
0x86: {  	_ =	shalt  }
0x87: {  	_ =	shalt  }
.Lfunc_end0:
.L_simem_size_0:
called_computation.1_lowered:
.L_overlay_start_0:
0x88: {  	s2 =	sld [smem:$0x3FD9]  }
0x89: {  	s3 =	sld [smem:$0x3FFE];
	_ =	sdelay $0x1  }
0x8a: {  	s1 =	srdreg.scid  }
0x8b: {  	s0 =	sand.u32 $0x1, s1  }
0x8c: {  	s17 =	sshll.u32 s0, $0xA;
	s2 =	sadd.s32 s3, s2  }
0x8d: {  	s2 =	sadd.s32 s2, s17  }
0x8e: {  	[smem:$0x3FBE] =	sst s2  }
0x8f: {  	_ = 	snop  }
0x90: {  	s2 =	sld [smem:$0x3FD0];
	(tm) =	ssettm $0x1  }
0x91: {  	s18 =	sld [smem:$0x3FFB];
	_ =	sdelay $0x3  }
0x92: {  	_ =	strace s18  }
0x93: {  	s3 =	sld [smem:$0x3FFC];
	_ =	sdelay $0x3  }
0x94: {  	_ =	strace s3  }
0x95: {  	s3 =	sld [smem:$0x3FFD];
	_ =	sdelay $0x3  }
0x96: {  	_ =	strace s3  }
0x97: {  	_ =	strace $0x8FFFFFFF  }
0x98: {  	s19 =	sld [smem:$0x3FDB];
	_ =	sdelay $0x1  }
0x99: {  	s4 =	simm.s32 $_scs_section_size  }
0x9a: {  	s5 =	simm.s32 $_size__tile_overlayer_lowered;
	s6 =	simm.s32 $_tile_overlayer_lowered  }
0x9b: {  	s22 =	simm.s32 $0x1BFF;
	s21 =	sshll.u32 s6, $0x1;
	s3 =	sadd.s32 s4, s19  }
0x9c: {  	s7 =	simm.s32 $0x0;
	s20 =	sshll.u32 s5, $0x1;
	s5 =	sadd.s32 s21, s3  }
0x9d: {  	[timem:s7], [sflag:s22] =	dma.local [hbm:s5], s20  }
0x9e: {  	_ =	swait.ge [sflag:s22], s20  }
0x9f: {  	s4 =	ssub.s32 $0x0, s20;
	[sflag:s22] =	ssyncset.done $0x0  }
0xa0: {  	[sflag:s22] =	ssyncadd.s32 s4;
	_ =	sdelay $0x1  }
0xa1: {  	s23 =	simm.s32 $0x1B8B  }
0xa2: {  	_ =	swait.ge [sflag:s23], $0x1  }
0xa3: {  	[sflag:s23] =	ssyncset.done $0x0  }
0xa4: {  	s25 =	simm.s32 $0x1B8E;
	s24 =	sld [smem:$0x3FFE];
	[sflag:s23] =	ssyncadd.s32 $0xFFFFFFFF  }
0xa5: {  	s26 =	simm.s32 $execute0_lowered;
	[smem:$0x3FD2] =	sst s25  }
0xa6: {  	s5 =	sshll.u32 s26, $0x1;
	_ =	strace $0x80000049;
	[dreg:$0x1] =	wrdreg $0xFFFFFFFF  }
0xa7: {  	s28 =	simm.s32 $_size_execute0_lowered;
	s3 =	sadd.s32 s3, s5;
	[dreg:$0x0] =	wrdreg $0x0  }
0xa8: {  	s5 =	sshll.u32 s28, $0x1;
	[dreg:$0x2] =	wrdreg s3  }
0xa9: {  	[dreg:$0x3] =	wrdreg s5  }
0xaa: {  	[dreg:$0x4] =	wrdreg $0xC0  }
0xab: {  	_ =	task [dreg:s7], $0x5FFFF  }
0xac: {  	[dreg:$0x1] =	wrdreg $0xFFFFFFFF  }
0xad: {  	[dreg:$0x0] =	wrdreg $0x60  }
0xae: {  	[dreg:$0x2] =	wrdreg s24  }
0xaf: {  	[dreg:$0x3] =	wrdreg s2  }
0xb0: {  	[dreg:$0x4] =	wrdreg $0xC0800  }
0xb1: {  	[dreg:$0x5] =	wrdreg $0x9  }
0xb2: {  	_ =	task.clear_ibuf [dreg:s7], $0x6FFFF;
	_ =	strace $0x90000049  }
0xb3: {  	s29 =	simm.s32 $0x9;
	_ =	strace $0x8000004B  }
0xb4: {  	_ =	swait.ge [sflag:s29], $0x1  }
0xb5: {  	[sflag:s29] =	ssyncadd.s32 $0xFFFFFFFF  }
0xb6: {  	_ =	strace $0x9000004B  }
0xb7: {  	_ =	sfence  }
0xb8: {  	s30 =	sld [smem:$0x0];
	_ =	sdelay $0x2  }
0xb9: {  	s31 =	sshll.u32 s1, $0xD;
	s1 =	sshrl.u32 s1, $0x2  }
0xba: {  	s3 =	sand.u32 $0x4000, s31;
	s1 =	sadd.s32 s1, s30  }
0xbb: {  	s0 =	sor.u32 s3, s0;
	s1 =	sshll.u32 s1, $0x11  }
0xbc: {  	s0 =	sor.u32 s1, s0  }
0xbd: {  	s0 =	sadd.s32 $0x8F2B, s0  }
0xbe: {  	[sflag:s0] =	ssyncadd.remote.s32 $0x1  }
0xbf: {  	_ =	sfence.sel $0xFFFF  }
0xc0: {  	[dreg:$0x0] =	wrdreg $0xFFFFFFFF;
	(pc) =	sbr.abs _section_cstart, $3  }
0xc1: {  	[dreg:$0x1] =	wrdreg $0xFFFFFFFF  }
0xc2: {  	_ =	task.clear_ibuf [dreg:s7], $0x2FFFF;
	_ =	strace $0x9FFFFFFF  }
0xc3: {  	(tm) =	ssettm $0x7FFFFFFF  }
tec
execute0_lowered:
.L_overlay_start_1:
0x0: {  	(tag) =	ssettag $0x1  }
0x1: {  	s0 =	rddreg [dreg:$0x0]  }
0x2: {  	s1 =	rddreg [dreg:$0x1]  }
0x3: {  	s2 =	rddreg [dreg:$0x2]  }
0x4: {  	s3 =	simm.s32 $0x0;
	s4 =	srdreg.scid;
	s15 =	stileid.u32  }
0x5: {  	s29 =	simm.s32 $0x7B80;
	s30 =	simm.s32 $0x9B80;
	s31 =	simm.s32 $0x1  }
0x6: {  	[smem:$0x7FF] =	sst s3;
	s8 =	sand.u32 $0x1, s4;
	s9 =	smul.u32 $0x13C00, s15  }
0x7: {  	s4 =	sadd.s32 $0xC800, s0;
	s5 =	sadd.s32 $0x33A00, s0;
	s12 =	smul.u32 $0x1388, s15  }
0x8: {  	s6 =	sadd.s32 $0x5AC00, s0;
	s7 =	sadd.s32 $0x81E00, s0;
	s10 =	smul.u32 $0x13C000, s8  }
0x9: {  	s13 =	sadd.s32 $0x7800, s0;
	s14 =	sadd.s32 $0x2800, s0;
	s11 =	smul.u32 $0x13880, s8  }
0xa: {  	s20 =	smul.u32 $0x4F000, s15;
	_ =	strace $0x8000004A;
	s8 =	ssub.s32 $0x2, s8  }
0xb: {  	s19 =	sshrl.u32 s8, $0x1;
	s10 =	sadd.s32 s9, s10;
	s18 =	sadd.s32 s12, s11  }
0xc: {  	s8 =	ssub.s32 s8, s19;
	s12 =	sshrl.u32 s20, $0x2;
	s9 =	sshrl.u32 s9, $0x3  }
0xd: {  	s10 =	sshrl.u32 s10, $0x3;
	s23 =	sadd.s32 s12, s2;
	s12 =	sadd.s32 s1, s9  }
0xe: {  	s28 =	smax.u32 s8, $0x1;
	s1 =	simm.s32 $0x3;
	s8 =	simm.s32 $0x4  }
0xf: {  	s0 =	sadd.s32 s10, s0;
	s10 =	sshrl.u32 s18, $0x3;
	[dreg:$0x7] =	wrdreg s23  }
0x10: {  	s9 =	simm.s32 $0x8;
	[dreg:$0xc] =	wrdreg s28;
	s21 =	sadd.s32 s14, s10  }
0x11: {  	s23 =	simm.s32 $0x7;
	s24 =	sadd.s32 $0xA9000, s0;
	[dreg:$0x4] =	wrdreg s21  }
0x12: {  	s22 =	sadd.s32 $0x270, s10;
	s25 =	sadd.s32 $0xF8000, s0;
	[dreg:$0x8] =	wrdreg s24  }
0x13: {  	s26 =	sadd.s32 $0x147000, s0;
	s0 =	sadd.s32 $0x196000, s0;
	[dreg:$0x9] =	wrdreg s25  }
0x14: {  	s18 =	sadd.s32 s10, s13;
	s10 =	simm.s32 $0xBC80;
	[dreg:$0xa] =	wrdreg s26  }
0x15: {  	s14 =	sadd.s32 s14, s22;
	s11 =	sadd.s32 s13, s22;
	[dreg:$0xb] =	wrdreg s0  }
0x16: {  	s21 =	simm.s32 $0x5;
	s22 =	simm.s32 $0x6;
	s24 =	simm.s32 $0x40  }
0x17: {  	s25 =	simm.s32 $0x3B80;
	s26 =	simm.s32 $0x5B80;
	[dreg:$0x5] =	wrdreg s14  }
0x18: {  	s0 =	simm.s32 $0x2;
	[dreg:$0x6] =	wrdreg s11;
	s11 =	simm.s32 $0x0  }
.LBB2_1:
0x19: {  	s13 =	rddreg [dreg:$0x4];
	s14 =	simm.s32 $0x8  }
0x1a: {  	[tilespmem:s3], [sflag:$0x6] =	stream.linear.gather [hbm4b:s13+s3], $0x1380, $0x38;
	[tilespmem:$0x1FC80] =	vst v63  }
0x1b: {  	s16 =	sadd.s32 $0x0, s18;
	s15 =	simm.s32 $0x1400;
	s13 =	simm.s32 $0x1380  }
.LBB2_2:
0x1c: {  	[tilespmem:s13], [sflag:$0x5] =	stream.linear.gather [hbm4b:s16+s3], $0x40, $0x38;
	[tilespmem:$0x1FC80] =	vst v63  }
0x1d: {  	s16 =	smov.u32 s14;
	s13 =	smov.u32 s15;
	p0 =	sne.s32 s14, $0x268  }
.Ltmp0:
0x1e: {  	s14 =	sadd.s32 $0x8, s14;
	(pc) =	sbr.rel @p0 .LBB2_2-.Ltmp0, $2  }
0x1f: {  	_ =	sdelay $0x2  }
0x20: {  	s15 =	sadd.s32 $0x80, s15;
	s16 =	sadd.s32 s16, s18  }
0x21: {  	[tilespmem:s13], [sflag:$0x5] =	stream.linear.gather [hbm4b:s16+s3], $0x40, $0x38;
	[tilespmem:$0x1FC80] =	vst v63  }
0x22: {  	s19 =	rddreg [dreg:$0x5];
	s14 =	simm.s32 $0xBB80  }
0x23: {  	[tilespmem:s14], [sflag:$0x5] =	stream.linear.gather [hbm4b:s19+s3], $0x8, $0x38;
	[tilespmem:$0x1FC80] =	vst v63  }
0x24: {  	s20 =	rddreg [dreg:$0x6];
	s28 =	simm.s32 $0xBC00  }
0x25: {  	[tilespmem:s28], [sflag:$0x5] =	stream.linear.gather [hbm4b:s20+s3], $0x8, $0x38;
	[tilespmem:$0x1FC80] =	vst v63  }
0x26: {  	_ =	swait.ge [sflag:s21], $0x40  }
0x27: {  	s13 =	simm.s32 $0x4D;
	[sflag:s21] =	ssyncset.done $0x0  }
.LBB2_4:
0x28: {  	p0 =	sne.s32 s13, $0x1;
	s13 =	sadd.s32 $0xFFFFFFFF, s13;
	[sflag:s21] =	ssyncadd.s32 $0xFFFFFFC0  }
.Ltmp1:
0x29: {  	(pc) =	sbr.rel @p0 .LBB2_4-.Ltmp1, $3  }
0x2a: {  	_ =	sdelay $0x1  }
0x2b: {  	_ =	swait.ge [sflag:s21], $0x40  }
0x2c: {  	[sflag:s21] =	ssyncset.done $0x0  }
0x2d: {  	[sflag:s21] =	ssyncadd.s32 $0xFFFFFFC0  }
0x2e: {  	_ =	swait.ge [sflag:s21], $0x8  }
0x2f: {  	[sflag:s21] =	ssyncset.done $0x0  }
0x30: {  	[sflag:s21] =	ssyncadd.s32 $0xFFFFFFF8  }
0x31: {  	_ =	swait.ge [sflag:s21], $0x8  }
0x32: {  	[sflag:s21] =	ssyncset.done $0x0  }
0x33: {  	[sflag:s21] =	ssyncadd.s32 $0xFFFFFFF8  }
0x34: {  	s13 =	stileid.u32;
	_ =	swait.ge [sflag:s22], $0x1380  }
0x35: {  	s13 =	sshll.u32 s13, $0x6;
	[sflag:s22] =	ssyncset.done $0x0;
	s14 =	rddreg [dreg:$0x7]  }
0x36: {  	s13 =	sor.u32 $0x1C07, s13;
	[sflag:s22] =	ssyncadd.s32 $0xFFFFEC80;
	s14 =	sshrl.u32 s14, $0x3  }
0x37: {  	[spmem:s14], [sflag:s13] =	dma.local [hbm:s12], $0x2780  }
0x38: {  	_ =	swait.ge [sflag:s23], $0x2780  }
0x39: {  	[sflag:s23] =	ssyncset.done $0x0  }
0x3a: {  	[sflag:s23] =	ssyncadd.s32 $0xFFFFD880  }
0x3b: {  	s15 =	simm.s32 $0x0;
	[bflag:$0x0] =	sbarrier.arrive $0xFFFF  }
0x3c: {  	[tilespmem:s25], [sflag:$0x1] =	stream.indirect.gather [hbm4b:s4+s24], $0x80, s15, s24, $0xb8;
	[tilespmem:$0x1FC80] =	vst v63  }
0x3d: {  	_ = 	snop  }
0x3e: {  	[tilespmem:s26], [sflag:$0x2] =	stream.indirect.gather [hbm4b:s4+s24], $0x80, s24, s24, $0xb8;
	[tilespmem:$0x1FC80] =	vst v63  }
0x3f: {  	s17 =	simm.s32 $0x80  }
0x40: {  	[tilespmem:s29], [sflag:$0x3] =	stream.indirect.gather [hbm4b:s4+s24], $0x80, s17, s24, $0xb8;
	[tilespmem:$0x1FC80] =	vst v63  }
0x41: {  	s19 =	simm.s32 $0xC0  }
0x42: {  	[tilespmem:s30], [sflag:$0x4] =	stream.indirect.gather [hbm4b:s4+s24], $0x80, s19, s24, $0xb8;
	[tilespmem:$0x1FC80] =	vst v63  }
0x43: {  	_ =	swait.ge [sflag:s31], $0x2000  }
0x44: {  	[sflag:s31] =	ssyncset.done $0x0  }
0x45: {  	s20 =	simm.s32 $0x1380;
	[sflag:s31] =	ssyncadd.s32 $0xFFFFE000  }
0x46: {  	[spmem:s2] =	stream.indirect.scatter.add.f32 [tilespmem:s25], [sflag:$0x7], $0x80, s20, s24, $0xb8;
	[tilespmem:$0x1FC80] =	vst v63  }
0x47: {  	_ =	swait.ge [sflag:s23], $0x2000  }
0x48: {  	[sflag:s23] =	ssyncset.done $0x0  }
0x49: {  	s28 =	simm.s32 $0x100;
	[sflag:s23] =	ssyncadd.s32 $0xFFFFE000  }
0x4a: {  	[tilespmem:s25], [sflag:$0x1] =	stream.indirect.gather [hbm4b:s4+s24], $0x80, s28, s24, $0xb8;
	[tilespmem:$0x1FC80] =	vst v63  }
0x4b: {  	_ =	swait.ge [sflag:s0], $0x2000  }
0x4c: {  	[sflag:s0] =	ssyncset.done $0x0  }
0x4d: {  	s16 =	simm.s32 $0x1400;
	[sflag:s0] =	ssyncadd.s32 $0xFFFFE000  }
0x4e: {  	[spmem:s2] =	stream.indirect.scatter.add.f32 [tilespmem:s26], [sflag:$0x7], $0x80, s16, s24, $0xb8;
	[tilespmem:$0x1FC80] =	vst v63  }
0x4f: {  	_ =	swait.ge [sflag:s23], $0x2000  }
0x50: {  	[sflag:s23] =	ssyncset.done $0x0  }
0x51: {  	s17 =	simm.s32 $0x140;
	[sflag:s23] =	ssyncadd.s32 $0xFFFFE000  }
0x52: {  	[tilespmem:s26], [sflag:$0x2] =	stream.indirect.gather [hbm4b:s4+s24], $0x80, s17, s24, $0xb8;
	[tilespmem:$0x1FC80] =	vst v63  }
0x53: {  	_ =	swait.ge [sflag:s1], $0x2000  }
0x54: {  	[sflag:s1] =	ssyncset.done $0x0  }
0x55: {  	s19 =	simm.s32 $0x1480;
	[sflag:s1] =	ssyncadd.s32 $0xFFFFE000  }
0x56: {  	[spmem:s2] =	stream.indirect.scatter.add.f32 [tilespmem:s29], [sflag:$0x7], $0x80, s19, s24, $0xb8;
	[tilespmem:$0x1FC80] =	vst v63  }
0x57: {  	_ =	swait.ge [sflag:s23], $0x2000  }
0x58: {  	[sflag:s23] =	ssyncset.done $0x0  }
0x59: {  	s20 =	simm.s32 $0x180;
	[sflag:s23] =	ssyncadd.s32 $0xFFFFE000  }
0x5a: {  	[tilespmem:s29], [sflag:$0x3] =	stream.indirect.gather [hbm4b:s4+s24], $0x80, s20, s24, $0xb8;
	[tilespmem:$0x1FC80] =	vst v63  }
0x5b: {  	_ =	swait.ge [sflag:s8], $0x2000  }
0x5c: {  	[sflag:s8] =	ssyncset.done $0x0  }
0x5d: {  	s28 =	simm.s32 $0x1500;
	[sflag:s8] =	ssyncadd.s32 $0xFFFFE000  }
0x5e: {  	[spmem:s2] =	stream.indirect.scatter.add.f32 [tilespmem:s30], [sflag:$0x7], $0x80, s28, s24, $0xb8;
	[tilespmem:$0x1FC80] =	vst v63  }
0x5f: {  	s15 =	simm.s32 $0x1680;
	_ =	swait.ge [sflag:s23], $0x2000  }
0x60: {  	s16 =	simm.s32 $0x100;
	s17 =	simm.s32 $0x800;
	[sflag:s23] =	ssyncset.done $0x0  }
.LBB2_6:
0x61: {  	s20 =	sadd.s32 $0xC0, s16  }
0x62: {  	[sflag:s23] =	ssyncadd.s32 $0xFFFFE000;
	s28 =	smov.u32 s17;
	s19 =	sadd.s32 $0x400, s17  }
0x63: {  	[tilespmem:s30], [sflag:$0x4] =	stream.indirect.gather [hbm4b:s4+s24], $0x80, s20, s24, $0xb8;
	[tilespmem:$0x1FC80] =	vst v63  }
0x64: {  	p0 =	sne.s32 s17, $0x4400;
	_ =	swait.ge [sflag:s31], $0x2000  }
0x65: {  	[sflag:s31] =	ssyncset.done $0x0  }
0x66: {  	s17 =	sadd.s32 $0xFFFFFF00, s15;
	[sflag:s31] =	ssyncadd.s32 $0xFFFFE000  }
0x67: {  	[spmem:s2] =	stream.indirect.scatter.add.f32 [tilespmem:s25], [sflag:$0x7], $0x80, s17, s24, $0xb8;
	[tilespmem:$0x1FC80] =	vst v63  }
0x68: {  	_ =	swait.ge [sflag:s23], $0x2000  }
0x69: {  	[sflag:s23] =	ssyncset.done $0x0  }
0x6a: {  	s17 =	sadd.s32 $0x100, s16;
	[sflag:s23] =	ssyncadd.s32 $0xFFFFE000  }
0x6b: {  	[tilespmem:s25], [sflag:$0x1] =	stream.indirect.gather [hbm4b:s4+s24], $0x80, s17, s24, $0xb8;
	[tilespmem:$0x1FC80] =	vst v63  }
0x6c: {  	_ =	swait.ge [sflag:s0], $0x2000  }
0x6d: {  	[sflag:s0] =	ssyncset.done $0x0  }
0x6e: {  	s17 =	sadd.s32 $0xFFFFFF80, s15;
	[sflag:s0] =	ssyncadd.s32 $0xFFFFE000  }
0x6f: {  	[spmem:s2] =	stream.indirect.scatter.add.f32 [tilespmem:s26], [sflag:$0x7], $0x80, s17, s24, $0xb8;
	[tilespmem:$0x1FC80] =	vst v63  }
0x70: {  	_ =	swait.ge [sflag:s23], $0x2000  }
0x71: {  	[sflag:s23] =	ssyncset.done $0x0  }
0x72: {  	s17 =	sadd.s32 $0x140, s16;
	[sflag:s23] =	ssyncadd.s32 $0xFFFFE000  }
0x73: {  	[tilespmem:s26], [sflag:$0x2] =	stream.indirect.gather [hbm4b:s4+s24], $0x80, s17, s24, $0xb8;
	[tilespmem:$0x1FC80] =	vst v63  }
0x74: {  	_ =	swait.ge [sflag:s1], $0x2000  }
0x75: {  	[sflag:s1] =	ssyncset.done $0x0  }
0x76: {  	[sflag:s1] =	ssyncadd.s32 $0xFFFFE000  }
0x77: {  	[spmem:s2] =	stream.indirect.scatter.add.f32 [tilespmem:s29], [sflag:$0x7], $0x80, s15, s24, $0xb8;
	[tilespmem:$0x1FC80] =	vst v63  }
0x78: {  	_ =	swait.ge [sflag:s23], $0x2000  }
0x79: {  	[sflag:s23] =	ssyncset.done $0x0  }
0x7a: {  	s16 =	sadd.s32 $0x180, s16;
	[sflag:s23] =	ssyncadd.s32 $0xFFFFE000  }
0x7b: {  	[tilespmem:s29], [sflag:$0x3] =	stream.indirect.gather [hbm4b:s4+s24], $0x80, s16, s24, $0xb8;
	[tilespmem:$0x1FC80] =	vst v63  }
0x7c: {  	_ =	swait.ge [sflag:s8], $0x2000  }
.Ltmp2:
0x7d: {  	[sflag:s8] =	ssyncset.done $0x0;
	(pc) =	sbr.rel @p0 .LBB2_6-.Ltmp2, $4  }
0x7e: {  	s16 =	sadd.s32 $0x80, s15;
	[sflag:s8] =	ssyncadd.s32 $0xFFFFE000  }
0x7f: {  	[spmem:s2] =	stream.indirect.scatter.add.f32 [tilespmem:s30], [sflag:$0x7], $0x80, s16, s24, $0xb8;
	[tilespmem:$0x1FC80] =	vst v63  }
0x80: {  	s17 =	smov.u32 s19;
	_ =	swait.ge [sflag:s23], $0x2000  }
0x81: {  	s15 =	sadd.s32 $0x200, s15;
	s16 =	sshra.s32 s28, $0x2;
	[sflag:s23] =	ssyncset.done $0x0  }
0x82: {  	s17 =	sadd.s32 $0xC0, s16;
	[sflag:s23] =	ssyncadd.s32 $0xFFFFE000  }
0x83: {  	[tilespmem:s30], [sflag:$0x4] =	stream.indirect.gather [hbm4b:s4+s24], $0x80, s17, s24, $0xb8;
	[tilespmem:$0x1FC80] =	vst v63  }
0x84: {  	_ =	swait.ge [sflag:s31], $0x2000  }
0x85: {  	[sflag:s31] =	ssyncset.done $0x0  }
0x86: {  	s28 =	sadd.s32 $0xFFFFFF00, s15;
	[sflag:s31] =	ssyncadd.s32 $0xFFFFE000  }
0x87: {  	[spmem:s2] =	stream.indirect.scatter.add.f32 [tilespmem:s25], [sflag:$0x7], $0x80, s28, s24, $0xb8;
	[tilespmem:$0x1FC80] =	vst v63  }
0x88: {  	_ =	swait.ge [sflag:s23], $0x2000  }
0x89: {  	[sflag:s23] =	ssyncset.done $0x0  }
0x8a: {  	s19 =	sadd.s32 $0x100, s16;
	[sflag:s23] =	ssyncadd.s32 $0xFFFFE000  }
0x8b: {  	[tilespmem:s25], [sflag:$0x1] =	stream.indirect.gather [hbm4b:s4+s24], $0x80, s19, s24, $0xb8;
	[tilespmem:$0x1FC80] =	vst v63  }
0x8c: {  	_ =	swait.ge [sflag:s0], $0x2000  }
0x8d: {  	[sflag:s0] =	ssyncset.done $0x0  }
0x8e: {  	s20 =	sadd.s32 $0xFFFFFF80, s15;
	[sflag:s0] =	ssyncadd.s32 $0xFFFFE000  }
0x8f: {  	[spmem:s2] =	stream.indirect.scatter.add.f32 [tilespmem:s26], [sflag:$0x7], $0x80, s20, s24, $0xb8;
	[tilespmem:$0x1FC80] =	vst v63  }
0x90: {  	_ =	swait.ge [sflag:s23], $0x2000  }
0x91: {  	[sflag:s23] =	ssyncset.done $0x0  }
0x92: {  	s28 =	sadd.s32 $0x140, s16;
	[sflag:s23] =	ssyncadd.s32 $0xFFFFE000  }
0x93: {  	[tilespmem:s26], [sflag:$0x2] =	stream.indirect.gather [hbm4b:s4+s24], $0x80, s28, s24, $0xb8;
	[tilespmem:$0x1FC80] =	vst v63  }
0x94: {  	_ =	swait.ge [sflag:s1], $0x2000  }
0x95: {  	[sflag:s1] =	ssyncset.done $0x0  }
0x96: {  	[sflag:s1] =	ssyncadd.s32 $0xFFFFE000  }
0x97: {  	[spmem:s2] =	stream.indirect.scatter.add.f32 [tilespmem:s29], [sflag:$0x7], $0x80, s15, s24, $0xb8;
	[tilespmem:$0x1FC80] =	vst v63  }
0x98: {  	_ =	swait.ge [sflag:s23], $0x2000  }
0x99: {  	[sflag:s23] =	ssyncset.done $0x0  }
0x9a: {  	s17 =	sadd.s32 $0x180, s16;
	[sflag:s23] =	ssyncadd.s32 $0xFFFFE000  }
0x9b: {  	[tilespmem:s29], [sflag:$0x3] =	stream.indirect.gather [hbm4b:s4+s24], $0x80, s17, s24, $0xb8;
	[tilespmem:$0x1FC80] =	vst v63  }
0x9c: {  	_ =	swait.ge [sflag:s8], $0x2000  }
0x9d: {  	[sflag:s8] =	ssyncset.done $0x0  }
0x9e: {  	s19 =	sadd.s32 $0x80, s15;
	[sflag:s8] =	ssyncadd.s32 $0xFFFFE000  }
0x9f: {  	[spmem:s2] =	stream.indirect.scatter.add.f32 [tilespmem:s30], [sflag:$0x7], $0x80, s19, s24, $0xb8;
	[tilespmem:$0x1FC80] =	vst v63  }
0xa0: {  	_ =	swait.ge [sflag:s23], $0x2000  }
0xa1: {  	[sflag:s23] =	ssyncset.done $0x0  }
0xa2: {  	s20 =	simm.s32 $0x12C0;
	[sflag:s23] =	ssyncadd.s32 $0xFFFFE000  }
0xa3: {  	[tilespmem:s30], [sflag:$0x4] =	stream.indirect.gather [hbm4b:s4+s24], $0x80, s20, s24, $0xb8;
	[tilespmem:$0x1FC80] =	vst v63  }
0xa4: {  	_ =	swait.ge [sflag:s31], $0x2000  }
0xa5: {  	[sflag:s31] =	ssyncset.done $0x0  }
0xa6: {  	s28 =	simm.s32 $0x3780;
	[sflag:s31] =	ssyncadd.s32 $0xFFFFE000  }
0xa7: {  	[spmem:s2] =	stream.indirect.scatter.add.f32 [tilespmem:s25], [sflag:$0x7], $0x80, s28, s24, $0xb8;
	[tilespmem:$0x1FC80] =	vst v63  }
0xa8: {  	_ =	swait.ge [sflag:s23], $0x2000  }
0xa9: {  	[sflag:s23] =	ssyncset.done $0x0  }
0xaa: {  	s16 =	simm.s32 $0x1300;
	[sflag:s23] =	ssyncadd.s32 $0xFFFFE000  }
0xab: {  	[tilespmem:s25], [sflag:$0x1] =	stream.indirect.gather [hbm4b:s4+s24], $0x80, s16, s24, $0xb8;
	[tilespmem:$0x1FC80] =	vst v63  }
0xac: {  	_ =	swait.ge [sflag:s0], $0x2000  }
0xad: {  	[sflag:s0] =	ssyncset.done $0x0  }
0xae: {  	s17 =	simm.s32 $0x3800;
	[sflag:s0] =	ssyncadd.s32 $0xFFFFE000  }
0xaf: {  	[spmem:s2] =	stream.indirect.scatter.add.f32 [tilespmem:s26], [sflag:$0x7], $0x80, s17, s24, $0xb8;
	[tilespmem:$0x1FC80] =	vst v63  }
0xb0: {  	_ =	swait.ge [sflag:s23], $0x2000  }
0xb1: {  	[sflag:s23] =	ssyncset.done $0x0  }
0xb2: {  	s19 =	simm.s32 $0x1340;
	[sflag:s23] =	ssyncadd.s32 $0xFFFFE000  }
0xb3: {  	[tilespmem:s26], [sflag:$0x2] =	stream.indirect.gather [hbm4b:s4+s24], $0x80, s19, s24, $0xb8;
	[tilespmem:$0x1FC80] =	vst v63  }
0xb4: {  	_ =	swait.ge [sflag:s1], $0x2000  }
0xb5: {  	[sflag:s1] =	ssyncset.done $0x0  }
0xb6: {  	s20 =	simm.s32 $0x3880;
	[sflag:s1] =	ssyncadd.s32 $0xFFFFE000  }
0xb7: {  	[spmem:s2] =	stream.indirect.scatter.add.f32 [tilespmem:s29], [sflag:$0x7], $0x80, s20, s24, $0xb8;
	[tilespmem:$0x1FC80] =	vst v63  }
0xb8: {  	_ =	swait.ge [sflag:s23], $0x2000  }
0xb9: {  	[sflag:s23] =	ssyncset.done $0x0  }
0xba: {  	[sflag:s23] =	ssyncadd.s32 $0xFFFFE000  }
0xbb: {  	_ =	swait.ge [sflag:s8], $0x2000  }
0xbc: {  	[sflag:s8] =	ssyncset.done $0x0  }
0xbd: {  	s28 =	simm.s32 $0x3900;
	[sflag:s8] =	ssyncadd.s32 $0xFFFFE000  }
0xbe: {  	[spmem:s2] =	stream.indirect.scatter.add.f32 [tilespmem:s30], [sflag:$0x7], $0x80, s28, s24, $0xb8;
	[tilespmem:$0x1FC80] =	vst v63  }
0xbf: {  	_ =	swait.ge [sflag:s23], $0x2000  }
0xc0: {  	[sflag:s23] =	ssyncset.done $0x0  }
0xc1: {  	[sflag:s23] =	ssyncadd.s32 $0xFFFFE000  }
0xc2: {  	_ =	swait.ge [sflag:s31], $0x2000  }
0xc3: {  	[sflag:s31] =	ssyncset.done $0x0  }
0xc4: {  	s16 =	simm.s32 $0x3980;
	[sflag:s31] =	ssyncadd.s32 $0xFFFFE000  }
0xc5: {  	[spmem:s2] =	stream.indirect.scatter.add.f32 [tilespmem:s25], [sflag:$0x7], $0x80, s16, s24, $0xb8;
	[tilespmem:$0x1FC80] =	vst v63  }
0xc6: {  	_ =	swait.ge [sflag:s23], $0x2000  }
0xc7: {  	[sflag:s23] =	ssyncset.done $0x0  }
0xc8: {  	[sflag:s23] =	ssyncadd.s32 $0xFFFFE000  }
0xc9: {  	_ =	swait.ge [sflag:s0], $0x2000  }
0xca: {  	[sflag:s0] =	ssyncset.done $0x0  }
0xcb: {  	s17 =	simm.s32 $0x3A00;
	[sflag:s0] =	ssyncadd.s32 $0xFFFFE000  }
0xcc: {  	[spmem:s2] =	stream.indirect.scatter.add.f32 [tilespmem:s26], [sflag:$0x7], $0x80, s17, s24, $0xb8;
	[tilespmem:$0x1FC80] =	vst v63  }
0xcd: {  	_ =	swait.ge [sflag:s23], $0x2000  }
0xce: {  	[sflag:s23] =	ssyncset.done $0x0  }
0xcf: {  	s19 =	simm.s32 $0xBB80;
	[sflag:s23] =	ssyncadd.s32 $0xFFFFE000  }
0xd0: {  	[tilespmem:s10], [sflag:$0x6] =	stream.indirect.gather [hbm4b:s4+s9], $0x80, s19, s9, $0xb8;
	[tilespmem:$0x1FC80] =	vst v63  }
0xd1: {  	_ =	swait.ge [sflag:s22], $0x400  }
0xd2: {  	[sflag:s22] =	ssyncset.done $0x0  }
0xd3: {  	s20 =	simm.s32 $0xBC00;
	[sflag:s22] =	ssyncadd.s32 $0xFFFFFC00  }
0xd4: {  	[spmem:s2] =	stream.indirect.scatter.add.f32 [tilespmem:s10], [sflag:$0x7], $0x80, s20, s9, $0xb8;
	[tilespmem:$0x1FC80] =	vst v63  }
0xd5: {  	_ =	swait.ge [sflag:s23], $0x400  }
0xd6: {  	[sflag:s23] =	ssyncset.done $0x0  }
0xd7: {  	[sflag:s23] =	ssyncadd.s32 $0xFFFFFC00  }
0xd8: {  	s28 =	simm.s32 $0x0;
	[bflag:$0x0] =	sbarrier.arrive $0xFFFF  }
0xd9: {  	[tilespmem:s25], [sflag:$0x1] =	stream.indirect.gather [hbm4b:s5+s24], $0x80, s28, s24, $0xb8;
	[tilespmem:$0x1FC80] =	vst v63  }
0xda: {  	_ = 	snop  }
0xdb: {  	[tilespmem:s26], [sflag:$0x2] =	stream.indirect.gather [hbm4b:s5+s24], $0x80, s24, s24, $0xb8;
	[tilespmem:$0x1FC80] =	vst v63  }
0xdc: {  	s16 =	simm.s32 $0x80;
	s17 =	rddreg [dreg:$0x8]  }
0xdd: {  	[tilespmem:s29], [sflag:$0x3] =	stream.indirect.gather [hbm4b:s5+s24], $0x80, s16, s24, $0xb8;
	[tilespmem:$0x1FC80] =	vst v63  }
0xde: {  	[hbm:s17], [sflag:s13] =	dma.local [spmem:s14], $0x2780  }
0xdf: {  	_ =	swait.ge [sflag:s23], $0x2780  }
0xe0: {  	[sflag:s23] =	ssyncset.done $0x0  }
0xe1: {  	[sflag:s23] =	ssyncadd.s32 $0xFFFFD880  }
0xe2: {  	[spmem:s14], [sflag:s13] =	dma.local [hbm:s12], $0x2780  }
0xe3: {  	_ =	swait.ge [sflag:s23], $0x2780  }
0xe4: {  	[sflag:s23] =	ssyncset.done $0x0  }
0xe5: {  	[sflag:s23] =	ssyncadd.s32 $0xFFFFD880  }
0xe6: {  	s19 =	simm.s32 $0xC0;
	[bflag:$0x0] =	sbarrier.arrive $0xFFFF  }
0xe7: {  	[tilespmem:s30], [sflag:$0x4] =	stream.indirect.gather [hbm4b:s5+s24], $0x80, s19, s24, $0xb8;
	[tilespmem:$0x1FC80] =	vst v63  }
0xe8: {  	_ =	swait.ge [sflag:s31], $0x2000  }
0xe9: {  	[sflag:s31] =	ssyncset.done $0x0  }
0xea: {  	s20 =	simm.s32 $0x1380;
	[sflag:s31] =	ssyncadd.s32 $0xFFFFE000  }
0xeb: {  	[spmem:s2] =	stream.indirect.scatter.add.f32 [tilespmem:s25], [sflag:$0x7], $0x80, s20, s24, $0xb8;
	[tilespmem:$0x1FC80] =	vst v63  }
0xec: {  	_ =	swait.ge [sflag:s23], $0x2000  }
0xed: {  	[sflag:s23] =	ssyncset.done $0x0  }
0xee: {  	s28 =	simm.s32 $0x100;
	[sflag:s23] =	ssyncadd.s32 $0xFFFFE000  }
0xef: {  	[tilespmem:s25], [sflag:$0x1] =	stream.indirect.gather [hbm4b:s5+s24], $0x80, s28, s24, $0xb8;
	[tilespmem:$0x1FC80] =	vst v63  }
0xf0: {  	_ =	swait.ge [sflag:s0], $0x2000  }
0xf1: {  	[sflag:s0] =	ssyncset.done $0x0  }
0xf2: {  	s16 =	simm.s32 $0x1400;
	[sflag:s0] =	ssyncadd.s32 $0xFFFFE000  }
0xf3: {  	[spmem:s2] =	stream.indirect.scatter.add.f32 [tilespmem:s26], [sflag:$0x7], $0x80, s16, s24, $0xb8;
	[tilespmem:$0x1FC80] =	vst v63  }
0xf4: {  	_ =	swait.ge [sflag:s23], $0x2000  }
0xf5: {  	[sflag:s23] =	ssyncset.done $0x0  }
0xf6: {  	s17 =	simm.s32 $0x140;
	[sflag:s23] =	ssyncadd.s32 $0xFFFFE000  }
0xf7: {  	[tilespmem:s26], [sflag:$0x2] =	stream.indirect.gather [hbm4b:s5+s24], $0x80, s17, s24, $0xb8;
	[tilespmem:$0x1FC80] =	vst v63  }
0xf8: {  	_ =	swait.ge [sflag:s1], $0x2000  }
0xf9: {  	[sflag:s1] =	ssyncset.done $0x0  }
0xfa: {  	s19 =	simm.s32 $0x1480;
	[sflag:s1] =	ssyncadd.s32 $0xFFFFE000  }
0xfb: {  	[spmem:s2] =	stream.indirect.scatter.add.f32 [tilespmem:s29], [sflag:$0x7], $0x80, s19, s24, $0xb8;
	[tilespmem:$0x1FC80] =	vst v63  }
0xfc: {  	_ =	swait.ge [sflag:s23], $0x2000  }
0xfd: {  	[sflag:s23] =	ssyncset.done $0x0  }
0xfe: {  	s20 =	simm.s32 $0x180;
	[sflag:s23] =	ssyncadd.s32 $0xFFFFE000  }
0xff: {  	[tilespmem:s29], [sflag:$0x3] =	stream.indirect.gather [hbm4b:s5+s24], $0x80, s20, s24, $0xb8;
	[tilespmem:$0x1FC80] =	vst v63  }
0x100: {  	_ =	swait.ge [sflag:s8], $0x2000  }
0x101: {  	[sflag:s8] =	ssyncset.done $0x0  }
0x102: {  	s28 =	simm.s32 $0x1500;
	[sflag:s8] =	ssyncadd.s32 $0xFFFFE000  }
0x103: {  	[spmem:s2] =	stream.indirect.scatter.add.f32 [tilespmem:s30], [sflag:$0x7], $0x80, s28, s24, $0xb8;
	[tilespmem:$0x1FC80] =	vst v63  }
0x104: {  	s15 =	simm.s32 $0x1680;
	_ =	swait.ge [sflag:s23], $0x2000  }
0x105: {  	s16 =	simm.s32 $0x100;
	s19 =	simm.s32 $0x800;
	[sflag:s23] =	ssyncset.done $0x0  }
.LBB2_8:
0x106: {  	s20 =	sadd.s32 $0xC0, s16  }
0x107: {  	[sflag:s23] =	ssyncadd.s32 $0xFFFFE000;
	s28 =	smov.u32 s19;
	s17 =	sadd.s32 $0x400, s19  }
0x108: {  	[tilespmem:s30], [sflag:$0x4] =	stream.indirect.gather [hbm4b:s5+s24], $0x80, s20, s24, $0xb8;
	[tilespmem:$0x1FC80] =	vst v63  }
0x109: {  	p0 =	sne.s32 s19, $0x4400;
	_ =	swait.ge [sflag:s31], $0x2000  }
0x10a: {  	[sflag:s31] =	ssyncset.done $0x0  }
0x10b: {  	s19 =	sadd.s32 $0xFFFFFF00, s15;
	[sflag:s31] =	ssyncadd.s32 $0xFFFFE000  }
0x10c: {  	[spmem:s2] =	stream.indirect.scatter.add.f32 [tilespmem:s25], [sflag:$0x7], $0x80, s19, s24, $0xb8;
	[tilespmem:$0x1FC80] =	vst v63  }
0x10d: {  	_ =	swait.ge [sflag:s23], $0x2000  }
0x10e: {  	[sflag:s23] =	ssyncset.done $0x0  }
0x10f: {  	s19 =	sadd.s32 $0x100, s16;
	[sflag:s23] =	ssyncadd.s32 $0xFFFFE000  }
0x110: {  	[tilespmem:s25], [sflag:$0x1] =	stream.indirect.gather [hbm4b:s5+s24], $0x80, s19, s24, $0xb8;
	[tilespmem:$0x1FC80] =	vst v63  }
0x111: {  	_ =	swait.ge [sflag:s0], $0x2000  }
0x112: {  	[sflag:s0] =	ssyncset.done $0x0  }
0x113: {  	s19 =	sadd.s32 $0xFFFFFF80, s15;
	[sflag:s0] =	ssyncadd.s32 $0xFFFFE000  }
0x114: {  	[spmem:s2] =	stream.indirect.scatter.add.f32 [tilespmem:s26], [sflag:$0x7], $0x80, s19, s24, $0xb8;
	[tilespmem:$0x1FC80] =	vst v63  }
0x115: {  	_ =	swait.ge [sflag:s23], $0x2000  }
0x116: {  	[sflag:s23] =	ssyncset.done $0x0  }
0x117: {  	s19 =	sadd.s32 $0x140, s16;
	[sflag:s23] =	ssyncadd.s32 $0xFFFFE000  }
0x118: {  	[tilespmem:s26], [sflag:$0x2] =	stream.indirect.gather [hbm4b:s5+s24], $0x80, s19, s24, $0xb8;
	[tilespmem:$0x1FC80] =	vst v63  }
0x119: {  	_ =	swait.ge [sflag:s1], $0x2000  }
0x11a: {  	[sflag:s1] =	ssyncset.done $0x0  }
0x11b: {  	[sflag:s1] =	ssyncadd.s32 $0xFFFFE000  }
0x11c: {  	[spmem:s2] =	stream.indirect.scatter.add.f32 [tilespmem:s29], [sflag:$0x7], $0x80, s15, s24, $0xb8;
	[tilespmem:$0x1FC80] =	vst v63  }
0x11d: {  	_ =	swait.ge [sflag:s23], $0x2000  }
0x11e: {  	[sflag:s23] =	ssyncset.done $0x0  }
0x11f: {  	s16 =	sadd.s32 $0x180, s16;
	[sflag:s23] =	ssyncadd.s32 $0xFFFFE000  }
0x120: {  	[tilespmem:s29], [sflag:$0x3] =	stream.indirect.gather [hbm4b:s5+s24], $0x80, s16, s24, $0xb8;
	[tilespmem:$0x1FC80] =	vst v63  }
0x121: {  	_ =	swait.ge [sflag:s8], $0x2000  }
.Ltmp3:
0x122: {  	[sflag:s8] =	ssyncset.done $0x0;
	(pc) =	sbr.rel @p0 .LBB2_8-.Ltmp3, $4  }
0x123: {  	s16 =	sadd.s32 $0x80, s15;
	[sflag:s8] =	ssyncadd.s32 $0xFFFFE000  }
0x124: {  	[spmem:s2] =	stream.indirect.scatter.add.f32 [tilespmem:s30], [sflag:$0x7], $0x80, s16, s24, $0xb8;
	[tilespmem:$0x1FC80] =	vst v63  }
0x125: {  	s19 =	smov.u32 s17;
	_ =	swait.ge [sflag:s23], $0x2000  }
0x126: {  	s15 =	sadd.s32 $0x200, s15;
	s16 =	sshra.s32 s28, $0x2;
	[sflag:s23] =	ssyncset.done $0x0  }
0x127: {  	s17 =	sadd.s32 $0xC0, s16;
	[sflag:s23] =	ssyncadd.s32 $0xFFFFE000  }
0x128: {  	[tilespmem:s30], [sflag:$0x4] =	stream.indirect.gather [hbm4b:s5+s24], $0x80, s17, s24, $0xb8;
	[tilespmem:$0x1FC80] =	vst v63  }
0x129: {  	_ =	swait.ge [sflag:s31], $0x2000  }
0x12a: {  	[sflag:s31] =	ssyncset.done $0x0  }
0x12b: {  	s28 =	sadd.s32 $0xFFFFFF00, s15;
	[sflag:s31] =	ssyncadd.s32 $0xFFFFE000  }
0x12c: {  	[spmem:s2] =	stream.indirect.scatter.add.f32 [tilespmem:s25], [sflag:$0x7], $0x80, s28, s24, $0xb8;
	[tilespmem:$0x1FC80] =	vst v63  }
0x12d: {  	_ =	swait.ge [sflag:s23], $0x2000  }
0x12e: {  	[sflag:s23] =	ssyncset.done $0x0  }
0x12f: {  	s19 =	sadd.s32 $0x100, s16;
	[sflag:s23] =	ssyncadd.s32 $0xFFFFE000  }
0x130: {  	[tilespmem:s25], [sflag:$0x1] =	stream.indirect.gather [hbm4b:s5+s24], $0x80, s19, s24, $0xb8;
	[tilespmem:$0x1FC80] =	vst v63  }
0x131: {  	_ =	swait.ge [sflag:s0], $0x2000  }
0x132: {  	[sflag:s0] =	ssyncset.done $0x0  }
0x133: {  	s20 =	sadd.s32 $0xFFFFFF80, s15;
	[sflag:s0] =	ssyncadd.s32 $0xFFFFE000  }
0x134: {  	[spmem:s2] =	stream.indirect.scatter.add.f32 [tilespmem:s26], [sflag:$0x7], $0x80, s20, s24, $0xb8;
	[tilespmem:$0x1FC80] =	vst v63  }
0x135: {  	_ =	swait.ge [sflag:s23], $0x2000  }
0x136: {  	[sflag:s23] =	ssyncset.done $0x0  }
0x137: {  	s28 =	sadd.s32 $0x140, s16;
	[sflag:s23] =	ssyncadd.s32 $0xFFFFE000  }
0x138: {  	[tilespmem:s26], [sflag:$0x2] =	stream.indirect.gather [hbm4b:s5+s24], $0x80, s28, s24, $0xb8;
	[tilespmem:$0x1FC80] =	vst v63  }
0x139: {  	_ =	swait.ge [sflag:s1], $0x2000  }
0x13a: {  	[sflag:s1] =	ssyncset.done $0x0  }
0x13b: {  	[sflag:s1] =	ssyncadd.s32 $0xFFFFE000  }
0x13c: {  	[spmem:s2] =	stream.indirect.scatter.add.f32 [tilespmem:s29], [sflag:$0x7], $0x80, s15, s24, $0xb8;
	[tilespmem:$0x1FC80] =	vst v63  }
0x13d: {  	_ =	swait.ge [sflag:s23], $0x2000  }
0x13e: {  	[sflag:s23] =	ssyncset.done $0x0  }
0x13f: {  	s17 =	sadd.s32 $0x180, s16;
	[sflag:s23] =	ssyncadd.s32 $0xFFFFE000  }
0x140: {  	[tilespmem:s29], [sflag:$0x3] =	stream.indirect.gather [hbm4b:s5+s24], $0x80, s17, s24, $0xb8;
	[tilespmem:$0x1FC80] =	vst v63  }
0x141: {  	_ =	swait.ge [sflag:s8], $0x2000  }
0x142: {  	[sflag:s8] =	ssyncset.done $0x0  }
0x143: {  	s19 =	sadd.s32 $0x80, s15;
	[sflag:s8] =	ssyncadd.s32 $0xFFFFE000  }
0x144: {  	[spmem:s2] =	stream.indirect.scatter.add.f32 [tilespmem:s30], [sflag:$0x7], $0x80, s19, s24, $0xb8;
	[tilespmem:$0x1FC80] =	vst v63  }
0x145: {  	_ =	swait.ge [sflag:s23], $0x2000  }
0x146: {  	[sflag:s23] =	ssyncset.done $0x0  }
0x147: {  	s20 =	simm.s32 $0x12C0;
	[sflag:s23] =	ssyncadd.s32 $0xFFFFE000  }
0x148: {  	[tilespmem:s30], [sflag:$0x4] =	stream.indirect.gather [hbm4b:s5+s24], $0x80, s20, s24, $0xb8;
	[tilespmem:$0x1FC80] =	vst v63  }
0x149: {  	_ =	swait.ge [sflag:s31], $0x2000  }
0x14a: {  	[sflag:s31] =	ssyncset.done $0x0  }
0x14b: {  	s28 =	simm.s32 $0x3780;
	[sflag:s31] =	ssyncadd.s32 $0xFFFFE000  }
0x14c: {  	[spmem:s2] =	stream.indirect.scatter.add.f32 [tilespmem:s25], [sflag:$0x7], $0x80, s28, s24, $0xb8;
	[tilespmem:$0x1FC80] =	vst v63  }
0x14d: {  	_ =	swait.ge [sflag:s23], $0x2000  }
0x14e: {  	[sflag:s23] =	ssyncset.done $0x0  }
0x14f: {  	s16 =	simm.s32 $0x1300;
	[sflag:s23] =	ssyncadd.s32 $0xFFFFE000  }
0x150: {  	[tilespmem:s25], [sflag:$0x1] =	stream.indirect.gather [hbm4b:s5+s24], $0x80, s16, s24, $0xb8;
	[tilespmem:$0x1FC80] =	vst v63  }
0x151: {  	_ =	swait.ge [sflag:s0], $0x2000  }
0x152: {  	[sflag:s0] =	ssyncset.done $0x0  }
0x153: {  	s17 =	simm.s32 $0x3800;
	[sflag:s0] =	ssyncadd.s32 $0xFFFFE000  }
0x154: {  	[spmem:s2] =	stream.indirect.scatter.add.f32 [tilespmem:s26], [sflag:$0x7], $0x80, s17, s24, $0xb8;
	[tilespmem:$0x1FC80] =	vst v63  }
0x155: {  	_ =	swait.ge [sflag:s23], $0x2000  }
0x156: {  	[sflag:s23] =	ssyncset.done $0x0  }
0x157: {  	s19 =	simm.s32 $0x1340;
	[sflag:s23] =	ssyncadd.s32 $0xFFFFE000  }
0x158: {  	[tilespmem:s26], [sflag:$0x2] =	stream.indirect.gather [hbm4b:s5+s24], $0x80, s19, s24, $0xb8;
	[tilespmem:$0x1FC80] =	vst v63  }
0x159: {  	_ =	swait.ge [sflag:s1], $0x2000  }
0x15a: {  	[sflag:s1] =	ssyncset.done $0x0  }
0x15b: {  	s20 =	simm.s32 $0x3880;
	[sflag:s1] =	ssyncadd.s32 $0xFFFFE000  }
0x15c: {  	[spmem:s2] =	stream.indirect.scatter.add.f32 [tilespmem:s29], [sflag:$0x7], $0x80, s20, s24, $0xb8;
	[tilespmem:$0x1FC80] =	vst v63  }
0x15d: {  	_ =	swait.ge [sflag:s23], $0x2000  }
0x15e: {  	[sflag:s23] =	ssyncset.done $0x0  }
0x15f: {  	[sflag:s23] =	ssyncadd.s32 $0xFFFFE000  }
0x160: {  	_ =	swait.ge [sflag:s8], $0x2000  }
0x161: {  	[sflag:s8] =	ssyncset.done $0x0  }
0x162: {  	s28 =	simm.s32 $0x3900;
	[sflag:s8] =	ssyncadd.s32 $0xFFFFE000  }
0x163: {  	[spmem:s2] =	stream.indirect.scatter.add.f32 [tilespmem:s30], [sflag:$0x7], $0x80, s28, s24, $0xb8;
	[tilespmem:$0x1FC80] =	vst v63  }
0x164: {  	_ =	swait.ge [sflag:s23], $0x2000  }
0x165: {  	[sflag:s23] =	ssyncset.done $0x0  }
0x166: {  	[sflag:s23] =	ssyncadd.s32 $0xFFFFE000  }
0x167: {  	_ =	swait.ge [sflag:s31], $0x2000  }
0x168: {  	[sflag:s31] =	ssyncset.done $0x0  }
0x169: {  	s16 =	simm.s32 $0x3980;
	[sflag:s31] =	ssyncadd.s32 $0xFFFFE000  }
0x16a: {  	[spmem:s2] =	stream.indirect.scatter.add.f32 [tilespmem:s25], [sflag:$0x7], $0x80, s16, s24, $0xb8;
	[tilespmem:$0x1FC80] =	vst v63  }
0x16b: {  	_ =	swait.ge [sflag:s23], $0x2000  }
0x16c: {  	[sflag:s23] =	ssyncset.done $0x0  }
0x16d: {  	[sflag:s23] =	ssyncadd.s32 $0xFFFFE000  }
0x16e: {  	_ =	swait.ge [sflag:s0], $0x2000  }
0x16f: {  	[sflag:s0] =	ssyncset.done $0x0  }
0x170: {  	s17 =	simm.s32 $0x3A00;
	[sflag:s0] =	ssyncadd.s32 $0xFFFFE000  }
0x171: {  	[spmem:s2] =	stream.indirect.scatter.add.f32 [tilespmem:s26], [sflag:$0x7], $0x80, s17, s24, $0xb8;
	[tilespmem:$0x1FC80] =	vst v63  }
0x172: {  	_ =	swait.ge [sflag:s23], $0x2000  }
0x173: {  	[sflag:s23] =	ssyncset.done $0x0  }
0x174: {  	s19 =	simm.s32 $0xBB80;
	[sflag:s23] =	ssyncadd.s32 $0xFFFFE000  }
0x175: {  	[tilespmem:s10], [sflag:$0x6] =	stream.indirect.gather [hbm4b:s5+s9], $0x80, s19, s9, $0xb8;
	[tilespmem:$0x1FC80] =	vst v63  }
0x176: {  	_ =	swait.ge [sflag:s22], $0x400  }
0x177: {  	[sflag:s22] =	ssyncset.done $0x0  }
0x178: {  	s20 =	simm.s32 $0xBC00;
	[sflag:s22] =	ssyncadd.s32 $0xFFFFFC00  }
0x179: {  	[spmem:s2] =	stream.indirect.scatter.add.f32 [tilespmem:s10], [sflag:$0x7], $0x80, s20, s9, $0xb8;
	[tilespmem:$0x1FC80] =	vst v63  }
0x17a: {  	_ =	swait.ge [sflag:s23], $0x400  }
0x17b: {  	[sflag:s23] =	ssyncset.done $0x0  }
0x17c: {  	[sflag:s23] =	ssyncadd.s32 $0xFFFFFC00  }
0x17d: {  	s28 =	simm.s32 $0x0;
	[bflag:$0x0] =	sbarrier.arrive $0xFFFF  }
0x17e: {  	[tilespmem:s25], [sflag:$0x1] =	stream.indirect.gather [hbm4b:s6+s24], $0x80, s28, s24, $0xb8;
	[tilespmem:$0x1FC80] =	vst v63  }
0x17f: {  	_ = 	snop  }
0x180: {  	[tilespmem:s26], [sflag:$0x2] =	stream.indirect.gather [hbm4b:s6+s24], $0x80, s24, s24, $0xb8;
	[tilespmem:$0x1FC80] =	vst v63  }
0x181: {  	s16 =	simm.s32 $0x80;
	s17 =	rddreg [dreg:$0x9]  }
0x182: {  	[tilespmem:s29], [sflag:$0x3] =	stream.indirect.gather [hbm4b:s6+s24], $0x80, s16, s24, $0xb8;
	[tilespmem:$0x1FC80] =	vst v63  }
0x183: {  	[hbm:s17], [sflag:s13] =	dma.local [spmem:s14], $0x2780  }
0x184: {  	_ =	swait.ge [sflag:s23], $0x2780  }
0x185: {  	[sflag:s23] =	ssyncset.done $0x0  }
0x186: {  	[sflag:s23] =	ssyncadd.s32 $0xFFFFD880  }
0x187: {  	[spmem:s14], [sflag:s13] =	dma.local [hbm:s12], $0x2780  }
0x188: {  	_ =	swait.ge [sflag:s23], $0x2780  }
0x189: {  	[sflag:s23] =	ssyncset.done $0x0  }
0x18a: {  	[sflag:s23] =	ssyncadd.s32 $0xFFFFD880  }
0x18b: {  	s19 =	simm.s32 $0xC0;
	[bflag:$0x0] =	sbarrier.arrive $0xFFFF  }
0x18c: {  	[tilespmem:s30], [sflag:$0x4] =	stream.indirect.gather [hbm4b:s6+s24], $0x80, s19, s24, $0xb8;
	[tilespmem:$0x1FC80] =	vst v63  }
0x18d: {  	_ =	swait.ge [sflag:s31], $0x2000  }
0x18e: {  	[sflag:s31] =	ssyncset.done $0x0  }
0x18f: {  	s20 =	simm.s32 $0x1380;
	[sflag:s31] =	ssyncadd.s32 $0xFFFFE000  }
0x190: {  	[spmem:s2] =	stream.indirect.scatter.add.f32 [tilespmem:s25], [sflag:$0x7], $0x80, s20, s24, $0xb8;
	[tilespmem:$0x1FC80] =	vst v63  }
0x191: {  	_ =	swait.ge [sflag:s23], $0x2000  }
0x192: {  	[sflag:s23] =	ssyncset.done $0x0  }
0x193: {  	s28 =	simm.s32 $0x100;
	[sflag:s23] =	ssyncadd.s32 $0xFFFFE000  }
0x194: {  	[tilespmem:s25], [sflag:$0x1] =	stream.indirect.gather [hbm4b:s6+s24], $0x80, s28, s24, $0xb8;
	[tilespmem:$0x1FC80] =	vst v63  }
0x195: {  	_ =	swait.ge [sflag:s0], $0x2000  }
0x196: {  	[sflag:s0] =	ssyncset.done $0x0  }
0x197: {  	s16 =	simm.s32 $0x1400;
	[sflag:s0] =	ssyncadd.s32 $0xFFFFE000  }
0x198: {  	[spmem:s2] =	stream.indirect.scatter.add.f32 [tilespmem:s26], [sflag:$0x7], $0x80, s16, s24, $0xb8;
	[tilespmem:$0x1FC80] =	vst v63  }
0x199: {  	_ =	swait.ge [sflag:s23], $0x2000  }
0x19a: {  	[sflag:s23] =	ssyncset.done $0x0  }
0x19b: {  	s17 =	simm.s32 $0x140;
	[sflag:s23] =	ssyncadd.s32 $0xFFFFE000  }
0x19c: {  	[tilespmem:s26], [sflag:$0x2] =	stream.indirect.gather [hbm4b:s6+s24], $0x80, s17, s24, $0xb8;
	[tilespmem:$0x1FC80] =	vst v63  }
0x19d: {  	_ =	swait.ge [sflag:s1], $0x2000  }
0x19e: {  	[sflag:s1] =	ssyncset.done $0x0  }
0x19f: {  	s19 =	simm.s32 $0x1480;
	[sflag:s1] =	ssyncadd.s32 $0xFFFFE000  }
0x1a0: {  	[spmem:s2] =	stream.indirect.scatter.add.f32 [tilespmem:s29], [sflag:$0x7], $0x80, s19, s24, $0xb8;
	[tilespmem:$0x1FC80] =	vst v63  }
0x1a1: {  	_ =	swait.ge [sflag:s23], $0x2000  }
0x1a2: {  	[sflag:s23] =	ssyncset.done $0x0  }
0x1a3: {  	s20 =	simm.s32 $0x180;
	[sflag:s23] =	ssyncadd.s32 $0xFFFFE000  }
0x1a4: {  	[tilespmem:s29], [sflag:$0x3] =	stream.indirect.gather [hbm4b:s6+s24], $0x80, s20, s24, $0xb8;
	[tilespmem:$0x1FC80] =	vst v63  }
0x1a5: {  	_ =	swait.ge [sflag:s8], $0x2000  }
0x1a6: {  	[sflag:s8] =	ssyncset.done $0x0  }
0x1a7: {  	s28 =	simm.s32 $0x1500;
	[sflag:s8] =	ssyncadd.s32 $0xFFFFE000  }
0x1a8: {  	[spmem:s2] =	stream.indirect.scatter.add.f32 [tilespmem:s30], [sflag:$0x7], $0x80, s28, s24, $0xb8;
	[tilespmem:$0x1FC80] =	vst v63  }
0x1a9: {  	s15 =	simm.s32 $0x1680;
	_ =	swait.ge [sflag:s23], $0x2000  }
0x1aa: {  	s16 =	simm.s32 $0x100;
	s19 =	simm.s32 $0x800;
	[sflag:s23] =	ssyncset.done $0x0  }
.LBB2_10:
0x1ab: {  	s20 =	sadd.s32 $0xC0, s16  }
0x1ac: {  	[sflag:s23] =	ssyncadd.s32 $0xFFFFE000;
	s28 =	smov.u32 s19;
	s17 =	sadd.s32 $0x400, s19  }
0x1ad: {  	[tilespmem:s30], [sflag:$0x4] =	stream.indirect.gather [hbm4b:s6+s24], $0x80, s20, s24, $0xb8;
	[tilespmem:$0x1FC80] =	vst v63  }
0x1ae: {  	p0 =	sne.s32 s19, $0x4400;
	_ =	swait.ge [sflag:s31], $0x2000  }
0x1af: {  	[sflag:s31] =	ssyncset.done $0x0  }
0x1b0: {  	s19 =	sadd.s32 $0xFFFFFF00, s15;
	[sflag:s31] =	ssyncadd.s32 $0xFFFFE000  }
0x1b1: {  	[spmem:s2] =	stream.indirect.scatter.add.f32 [tilespmem:s25], [sflag:$0x7], $0x80, s19, s24, $0xb8;
	[tilespmem:$0x1FC80] =	vst v63  }
0x1b2: {  	_ =	swait.ge [sflag:s23], $0x2000  }
0x1b3: {  	[sflag:s23] =	ssyncset.done $0x0  }
0x1b4: {  	s19 =	sadd.s32 $0x100, s16;
	[sflag:s23] =	ssyncadd.s32 $0xFFFFE000  }
0x1b5: {  	[tilespmem:s25], [sflag:$0x1] =	stream.indirect.gather [hbm4b:s6+s24], $0x80, s19, s24, $0xb8;
	[tilespmem:$0x1FC80] =	vst v63  }
0x1b6: {  	_ =	swait.ge [sflag:s0], $0x2000  }
0x1b7: {  	[sflag:s0] =	ssyncset.done $0x0  }
0x1b8: {  	s19 =	sadd.s32 $0xFFFFFF80, s15;
	[sflag:s0] =	ssyncadd.s32 $0xFFFFE000  }
0x1b9: {  	[spmem:s2] =	stream.indirect.scatter.add.f32 [tilespmem:s26], [sflag:$0x7], $0x80, s19, s24, $0xb8;
	[tilespmem:$0x1FC80] =	vst v63  }
0x1ba: {  	_ =	swait.ge [sflag:s23], $0x2000  }
0x1bb: {  	[sflag:s23] =	ssyncset.done $0x0  }
0x1bc: {  	s19 =	sadd.s32 $0x140, s16;
	[sflag:s23] =	ssyncadd.s32 $0xFFFFE000  }
0x1bd: {  	[tilespmem:s26], [sflag:$0x2] =	stream.indirect.gather [hbm4b:s6+s24], $0x80, s19, s24, $0xb8;
	[tilespmem:$0x1FC80] =	vst v63  }
0x1be: {  	_ =	swait.ge [sflag:s1], $0x2000  }
0x1bf: {  	[sflag:s1] =	ssyncset.done $0x0  }
0x1c0: {  	[sflag:s1] =	ssyncadd.s32 $0xFFFFE000  }
0x1c1: {  	[spmem:s2] =	stream.indirect.scatter.add.f32 [tilespmem:s29], [sflag:$0x7], $0x80, s15, s24, $0xb8;
	[tilespmem:$0x1FC80] =	vst v63  }
0x1c2: {  	_ =	swait.ge [sflag:s23], $0x2000  }
0x1c3: {  	[sflag:s23] =	ssyncset.done $0x0  }
0x1c4: {  	s16 =	sadd.s32 $0x180, s16;
	[sflag:s23] =	ssyncadd.s32 $0xFFFFE000  }
0x1c5: {  	[tilespmem:s29], [sflag:$0x3] =	stream.indirect.gather [hbm4b:s6+s24], $0x80, s16, s24, $0xb8;
	[tilespmem:$0x1FC80] =	vst v63  }
0x1c6: {  	_ =	swait.ge [sflag:s8], $0x2000  }
.Ltmp4:
0x1c7: {  	[sflag:s8] =	ssyncset.done $0x0;
	(pc) =	sbr.rel @p0 .LBB2_10-.Ltmp4, $4  }
0x1c8: {  	s16 =	sadd.s32 $0x80, s15;
	[sflag:s8] =	ssyncadd.s32 $0xFFFFE000  }
0x1c9: {  	[spmem:s2] =	stream.indirect.scatter.add.f32 [tilespmem:s30], [sflag:$0x7], $0x80, s16, s24, $0xb8;
	[tilespmem:$0x1FC80] =	vst v63  }
0x1ca: {  	s19 =	smov.u32 s17;
	_ =	swait.ge [sflag:s23], $0x2000  }
0x1cb: {  	s15 =	sadd.s32 $0x200, s15;
	s16 =	sshra.s32 s28, $0x2;
	[sflag:s23] =	ssyncset.done $0x0  }
0x1cc: {  	s17 =	sadd.s32 $0xC0, s16;
	[sflag:s23] =	ssyncadd.s32 $0xFFFFE000  }
0x1cd: {  	[tilespmem:s30], [sflag:$0x4] =	stream.indirect.gather [hbm4b:s6+s24], $0x80, s17, s24, $0xb8;
	[tilespmem:$0x1FC80] =	vst v63  }
0x1ce: {  	_ =	swait.ge [sflag:s31], $0x2000  }
0x1cf: {  	[sflag:s31] =	ssyncset.done $0x0  }
0x1d0: {  	s28 =	sadd.s32 $0xFFFFFF00, s15;
	[sflag:s31] =	ssyncadd.s32 $0xFFFFE000  }
0x1d1: {  	[spmem:s2] =	stream.indirect.scatter.add.f32 [tilespmem:s25], [sflag:$0x7], $0x80, s28, s24, $0xb8;
	[tilespmem:$0x1FC80] =	vst v63  }
0x1d2: {  	_ =	swait.ge [sflag:s23], $0x2000  }
0x1d3: {  	[sflag:s23] =	ssyncset.done $0x0  }
0x1d4: {  	s19 =	sadd.s32 $0x100, s16;
	[sflag:s23] =	ssyncadd.s32 $0xFFFFE000  }
0x1d5: {  	[tilespmem:s25], [sflag:$0x1] =	stream.indirect.gather [hbm4b:s6+s24], $0x80, s19, s24, $0xb8;
	[tilespmem:$0x1FC80] =	vst v63  }
0x1d6: {  	_ =	swait.ge [sflag:s0], $0x2000  }
0x1d7: {  	[sflag:s0] =	ssyncset.done $0x0  }
0x1d8: {  	s20 =	sadd.s32 $0xFFFFFF80, s15;
	[sflag:s0] =	ssyncadd.s32 $0xFFFFE000  }
0x1d9: {  	[spmem:s2] =	stream.indirect.scatter.add.f32 [tilespmem:s26], [sflag:$0x7], $0x80, s20, s24, $0xb8;
	[tilespmem:$0x1FC80] =	vst v63  }
0x1da: {  	_ =	swait.ge [sflag:s23], $0x2000  }
0x1db: {  	[sflag:s23] =	ssyncset.done $0x0  }
0x1dc: {  	s28 =	sadd.s32 $0x140, s16;
	[sflag:s23] =	ssyncadd.s32 $0xFFFFE000  }
0x1dd: {  	[tilespmem:s26], [sflag:$0x2] =	stream.indirect.gather [hbm4b:s6+s24], $0x80, s28, s24, $0xb8;
	[tilespmem:$0x1FC80] =	vst v63  }
0x1de: {  	_ =	swait.ge [sflag:s1], $0x2000  }
0x1df: {  	[sflag:s1] =	ssyncset.done $0x0  }
0x1e0: {  	[sflag:s1] =	ssyncadd.s32 $0xFFFFE000  }
0x1e1: {  	[spmem:s2] =	stream.indirect.scatter.add.f32 [tilespmem:s29], [sflag:$0x7], $0x80, s15, s24, $0xb8;
	[tilespmem:$0x1FC80] =	vst v63  }
0x1e2: {  	_ =	swait.ge [sflag:s23], $0x2000  }
0x1e3: {  	[sflag:s23] =	ssyncset.done $0x0  }
0x1e4: {  	s17 =	sadd.s32 $0x180, s16;
	[sflag:s23] =	ssyncadd.s32 $0xFFFFE000  }
0x1e5: {  	[tilespmem:s29], [sflag:$0x3] =	stream.indirect.gather [hbm4b:s6+s24], $0x80, s17, s24, $0xb8;
	[tilespmem:$0x1FC80] =	vst v63  }
0x1e6: {  	_ =	swait.ge [sflag:s8], $0x2000  }
0x1e7: {  	[sflag:s8] =	ssyncset.done $0x0  }
0x1e8: {  	s19 =	sadd.s32 $0x80, s15;
	[sflag:s8] =	ssyncadd.s32 $0xFFFFE000  }
0x1e9: {  	[spmem:s2] =	stream.indirect.scatter.add.f32 [tilespmem:s30], [sflag:$0x7], $0x80, s19, s24, $0xb8;
	[tilespmem:$0x1FC80] =	vst v63  }
0x1ea: {  	_ =	swait.ge [sflag:s23], $0x2000  }
0x1eb: {  	[sflag:s23] =	ssyncset.done $0x0  }
0x1ec: {  	s20 =	simm.s32 $0x12C0;
	[sflag:s23] =	ssyncadd.s32 $0xFFFFE000  }
0x1ed: {  	[tilespmem:s30], [sflag:$0x4] =	stream.indirect.gather [hbm4b:s6+s24], $0x80, s20, s24, $0xb8;
	[tilespmem:$0x1FC80] =	vst v63  }
0x1ee: {  	_ =	swait.ge [sflag:s31], $0x2000  }
0x1ef: {  	[sflag:s31] =	ssyncset.done $0x0  }
0x1f0: {  	s28 =	simm.s32 $0x3780;
	[sflag:s31] =	ssyncadd.s32 $0xFFFFE000  }
0x1f1: {  	[spmem:s2] =	stream.indirect.scatter.add.f32 [tilespmem:s25], [sflag:$0x7], $0x80, s28, s24, $0xb8;
	[tilespmem:$0x1FC80] =	vst v63  }
0x1f2: {  	_ =	swait.ge [sflag:s23], $0x2000  }
0x1f3: {  	[sflag:s23] =	ssyncset.done $0x0  }
0x1f4: {  	s16 =	simm.s32 $0x1300;
	[sflag:s23] =	ssyncadd.s32 $0xFFFFE000  }
0x1f5: {  	[tilespmem:s25], [sflag:$0x1] =	stream.indirect.gather [hbm4b:s6+s24], $0x80, s16, s24, $0xb8;
	[tilespmem:$0x1FC80] =	vst v63  }
0x1f6: {  	_ =	swait.ge [sflag:s0], $0x2000  }
0x1f7: {  	[sflag:s0] =	ssyncset.done $0x0  }
0x1f8: {  	s17 =	simm.s32 $0x3800;
	[sflag:s0] =	ssyncadd.s32 $0xFFFFE000  }
0x1f9: {  	[spmem:s2] =	stream.indirect.scatter.add.f32 [tilespmem:s26], [sflag:$0x7], $0x80, s17, s24, $0xb8;
	[tilespmem:$0x1FC80] =	vst v63  }
0x1fa: {  	_ =	swait.ge [sflag:s23], $0x2000  }
0x1fb: {  	[sflag:s23] =	ssyncset.done $0x0  }
0x1fc: {  	s19 =	simm.s32 $0x1340;
	[sflag:s23] =	ssyncadd.s32 $0xFFFFE000  }
0x1fd: {  	[tilespmem:s26], [sflag:$0x2] =	stream.indirect.gather [hbm4b:s6+s24], $0x80, s19, s24, $0xb8;
	[tilespmem:$0x1FC80] =	vst v63  }
0x1fe: {  	_ =	swait.ge [sflag:s1], $0x2000  }
0x1ff: {  	[sflag:s1] =	ssyncset.done $0x0  }
0x200: {  	s20 =	simm.s32 $0x3880;
	[sflag:s1] =	ssyncadd.s32 $0xFFFFE000  }
0x201: {  	[spmem:s2] =	stream.indirect.scatter.add.f32 [tilespmem:s29], [sflag:$0x7], $0x80, s20, s24, $0xb8;
	[tilespmem:$0x1FC80] =	vst v63  }
0x202: {  	_ =	swait.ge [sflag:s23], $0x2000  }
0x203: {  	[sflag:s23] =	ssyncset.done $0x0  }
0x204: {  	[sflag:s23] =	ssyncadd.s32 $0xFFFFE000  }
0x205: {  	_ =	swait.ge [sflag:s8], $0x2000  }
0x206: {  	[sflag:s8] =	ssyncset.done $0x0  }
0x207: {  	s28 =	simm.s32 $0x3900;
	[sflag:s8] =	ssyncadd.s32 $0xFFFFE000  }
0x208: {  	[spmem:s2] =	stream.indirect.scatter.add.f32 [tilespmem:s30], [sflag:$0x7], $0x80, s28, s24, $0xb8;
	[tilespmem:$0x1FC80] =	vst v63  }
0x209: {  	_ =	swait.ge [sflag:s23], $0x2000  }
0x20a: {  	[sflag:s23] =	ssyncset.done $0x0  }
0x20b: {  	[sflag:s23] =	ssyncadd.s32 $0xFFFFE000  }
0x20c: {  	_ =	swait.ge [sflag:s31], $0x2000  }
0x20d: {  	[sflag:s31] =	ssyncset.done $0x0  }
0x20e: {  	s16 =	simm.s32 $0x3980;
	[sflag:s31] =	ssyncadd.s32 $0xFFFFE000  }
0x20f: {  	[spmem:s2] =	stream.indirect.scatter.add.f32 [tilespmem:s25], [sflag:$0x7], $0x80, s16, s24, $0xb8;
	[tilespmem:$0x1FC80] =	vst v63  }
0x210: {  	_ =	swait.ge [sflag:s23], $0x2000  }
0x211: {  	[sflag:s23] =	ssyncset.done $0x0  }
0x212: {  	[sflag:s23] =	ssyncadd.s32 $0xFFFFE000  }
0x213: {  	_ =	swait.ge [sflag:s0], $0x2000  }
0x214: {  	[sflag:s0] =	ssyncset.done $0x0  }
0x215: {  	s17 =	simm.s32 $0x3A00;
	[sflag:s0] =	ssyncadd.s32 $0xFFFFE000  }
0x216: {  	[spmem:s2] =	stream.indirect.scatter.add.f32 [tilespmem:s26], [sflag:$0x7], $0x80, s17, s24, $0xb8;
	[tilespmem:$0x1FC80] =	vst v63  }
0x217: {  	_ =	swait.ge [sflag:s23], $0x2000  }
0x218: {  	[sflag:s23] =	ssyncset.done $0x0  }
0x219: {  	s19 =	simm.s32 $0xBB80;
	[sflag:s23] =	ssyncadd.s32 $0xFFFFE000  }
0x21a: {  	[tilespmem:s10], [sflag:$0x6] =	stream.indirect.gather [hbm4b:s6+s9], $0x80, s19, s9, $0xb8;
	[tilespmem:$0x1FC80] =	vst v63  }
0x21b: {  	_ =	swait.ge [sflag:s22], $0x400  }
0x21c: {  	[sflag:s22] =	ssyncset.done $0x0  }
0x21d: {  	s20 =	simm.s32 $0xBC00;
	[sflag:s22] =	ssyncadd.s32 $0xFFFFFC00  }
0x21e: {  	[spmem:s2] =	stream.indirect.scatter.add.f32 [tilespmem:s10], [sflag:$0x7], $0x80, s20, s9, $0xb8;
	[tilespmem:$0x1FC80] =	vst v63  }
0x21f: {  	_ =	swait.ge [sflag:s23], $0x400  }
0x220: {  	[sflag:s23] =	ssyncset.done $0x0  }
0x221: {  	[sflag:s23] =	ssyncadd.s32 $0xFFFFFC00  }
0x222: {  	s28 =	simm.s32 $0x0;
	[bflag:$0x0] =	sbarrier.arrive $0xFFFF  }
0x223: {  	[tilespmem:s25], [sflag:$0x1] =	stream.indirect.gather [hbm4b:s7+s24], $0x80, s28, s24, $0xb8;
	[tilespmem:$0x1FC80] =	vst v63  }
0x224: {  	_ = 	snop  }
0x225: {  	[tilespmem:s26], [sflag:$0x2] =	stream.indirect.gather [hbm4b:s7+s24], $0x80, s24, s24, $0xb8;
	[tilespmem:$0x1FC80] =	vst v63  }
0x226: {  	s16 =	simm.s32 $0x80;
	s17 =	rddreg [dreg:$0xa]  }
0x227: {  	[tilespmem:s29], [sflag:$0x3] =	stream.indirect.gather [hbm4b:s7+s24], $0x80, s16, s24, $0xb8;
	[tilespmem:$0x1FC80] =	vst v63  }
0x228: {  	[hbm:s17], [sflag:s13] =	dma.local [spmem:s14], $0x2780  }
0x229: {  	_ =	swait.ge [sflag:s23], $0x2780  }
0x22a: {  	[sflag:s23] =	ssyncset.done $0x0  }
0x22b: {  	[sflag:s23] =	ssyncadd.s32 $0xFFFFD880  }
0x22c: {  	[spmem:s14], [sflag:s13] =	dma.local [hbm:s12], $0x2780  }
0x22d: {  	_ =	swait.ge [sflag:s23], $0x2780  }
0x22e: {  	[sflag:s23] =	ssyncset.done $0x0  }
0x22f: {  	[sflag:s23] =	ssyncadd.s32 $0xFFFFD880  }
0x230: {  	s19 =	simm.s32 $0xC0;
	[bflag:$0x0] =	sbarrier.arrive $0xFFFF  }
0x231: {  	[tilespmem:s30], [sflag:$0x4] =	stream.indirect.gather [hbm4b:s7+s24], $0x80, s19, s24, $0xb8;
	[tilespmem:$0x1FC80] =	vst v63  }
0x232: {  	_ =	swait.ge [sflag:s31], $0x2000  }
0x233: {  	[sflag:s31] =	ssyncset.done $0x0  }
0x234: {  	s20 =	simm.s32 $0x1380;
	[sflag:s31] =	ssyncadd.s32 $0xFFFFE000  }
0x235: {  	[spmem:s2] =	stream.indirect.scatter.add.f32 [tilespmem:s25], [sflag:$0x7], $0x80, s20, s24, $0xb8;
	[tilespmem:$0x1FC80] =	vst v63  }
0x236: {  	_ =	swait.ge [sflag:s23], $0x2000  }
0x237: {  	[sflag:s23] =	ssyncset.done $0x0  }
0x238: {  	s28 =	simm.s32 $0x100;
	[sflag:s23] =	ssyncadd.s32 $0xFFFFE000  }
0x239: {  	[tilespmem:s25], [sflag:$0x1] =	stream.indirect.gather [hbm4b:s7+s24], $0x80, s28, s24, $0xb8;
	[tilespmem:$0x1FC80] =	vst v63  }
0x23a: {  	_ =	swait.ge [sflag:s0], $0x2000  }
0x23b: {  	[sflag:s0] =	ssyncset.done $0x0  }
0x23c: {  	s16 =	simm.s32 $0x1400;
	[sflag:s0] =	ssyncadd.s32 $0xFFFFE000  }
0x23d: {  	[spmem:s2] =	stream.indirect.scatter.add.f32 [tilespmem:s26], [sflag:$0x7], $0x80, s16, s24, $0xb8;
	[tilespmem:$0x1FC80] =	vst v63  }
0x23e: {  	_ =	swait.ge [sflag:s23], $0x2000  }
0x23f: {  	[sflag:s23] =	ssyncset.done $0x0  }
0x240: {  	s17 =	simm.s32 $0x140;
	[sflag:s23] =	ssyncadd.s32 $0xFFFFE000  }
0x241: {  	[tilespmem:s26], [sflag:$0x2] =	stream.indirect.gather [hbm4b:s7+s24], $0x80, s17, s24, $0xb8;
	[tilespmem:$0x1FC80] =	vst v63  }
0x242: {  	_ =	swait.ge [sflag:s1], $0x2000  }
0x243: {  	[sflag:s1] =	ssyncset.done $0x0  }
0x244: {  	s19 =	simm.s32 $0x1480;
	[sflag:s1] =	ssyncadd.s32 $0xFFFFE000  }
0x245: {  	[spmem:s2] =	stream.indirect.scatter.add.f32 [tilespmem:s29], [sflag:$0x7], $0x80, s19, s24, $0xb8;
	[tilespmem:$0x1FC80] =	vst v63  }
0x246: {  	_ =	swait.ge [sflag:s23], $0x2000  }
0x247: {  	[sflag:s23] =	ssyncset.done $0x0  }
0x248: {  	s20 =	simm.s32 $0x180;
	[sflag:s23] =	ssyncadd.s32 $0xFFFFE000  }
0x249: {  	[tilespmem:s29], [sflag:$0x3] =	stream.indirect.gather [hbm4b:s7+s24], $0x80, s20, s24, $0xb8;
	[tilespmem:$0x1FC80] =	vst v63  }
0x24a: {  	_ =	swait.ge [sflag:s8], $0x2000  }
0x24b: {  	[sflag:s8] =	ssyncset.done $0x0  }
0x24c: {  	s28 =	simm.s32 $0x1500;
	[sflag:s8] =	ssyncadd.s32 $0xFFFFE000  }
0x24d: {  	[spmem:s2] =	stream.indirect.scatter.add.f32 [tilespmem:s30], [sflag:$0x7], $0x80, s28, s24, $0xb8;
	[tilespmem:$0x1FC80] =	vst v63  }
0x24e: {  	s15 =	simm.s32 $0x1680;
	_ =	swait.ge [sflag:s23], $0x2000  }
0x24f: {  	s16 =	simm.s32 $0x100;
	s19 =	simm.s32 $0x800;
	[sflag:s23] =	ssyncset.done $0x0  }
.LBB2_12:
0x250: {  	s20 =	sadd.s32 $0xC0, s16  }
0x251: {  	[sflag:s23] =	ssyncadd.s32 $0xFFFFE000;
	s28 =	smov.u32 s19;
	s17 =	sadd.s32 $0x400, s19  }
0x252: {  	[tilespmem:s30], [sflag:$0x4] =	stream.indirect.gather [hbm4b:s7+s24], $0x80, s20, s24, $0xb8;
	[tilespmem:$0x1FC80] =	vst v63  }
0x253: {  	p0 =	sne.s32 s19, $0x4400;
	_ =	swait.ge [sflag:s31], $0x2000  }
0x254: {  	[sflag:s31] =	ssyncset.done $0x0  }
0x255: {  	s19 =	sadd.s32 $0xFFFFFF00, s15;
	[sflag:s31] =	ssyncadd.s32 $0xFFFFE000  }
0x256: {  	[spmem:s2] =	stream.indirect.scatter.add.f32 [tilespmem:s25], [sflag:$0x7], $0x80, s19, s24, $0xb8;
	[tilespmem:$0x1FC80] =	vst v63  }
0x257: {  	_ =	swait.ge [sflag:s23], $0x2000  }
0x258: {  	[sflag:s23] =	ssyncset.done $0x0  }
0x259: {  	s19 =	sadd.s32 $0x100, s16;
	[sflag:s23] =	ssyncadd.s32 $0xFFFFE000  }
0x25a: {  	[tilespmem:s25], [sflag:$0x1] =	stream.indirect.gather [hbm4b:s7+s24], $0x80, s19, s24, $0xb8;
	[tilespmem:$0x1FC80] =	vst v63  }
0x25b: {  	_ =	swait.ge [sflag:s0], $0x2000  }
0x25c: {  	[sflag:s0] =	ssyncset.done $0x0  }
0x25d: {  	s19 =	sadd.s32 $0xFFFFFF80, s15;
	[sflag:s0] =	ssyncadd.s32 $0xFFFFE000  }
0x25e: {  	[spmem:s2] =	stream.indirect.scatter.add.f32 [tilespmem:s26], [sflag:$0x7], $0x80, s19, s24, $0xb8;
	[tilespmem:$0x1FC80] =	vst v63  }
0x25f: {  	_ =	swait.ge [sflag:s23], $0x2000  }
0x260: {  	[sflag:s23] =	ssyncset.done $0x0  }
0x261: {  	s19 =	sadd.s32 $0x140, s16;
	[sflag:s23] =	ssyncadd.s32 $0xFFFFE000  }
0x262: {  	[tilespmem:s26], [sflag:$0x2] =	stream.indirect.gather [hbm4b:s7+s24], $0x80, s19, s24, $0xb8;
	[tilespmem:$0x1FC80] =	vst v63  }
0x263: {  	_ =	swait.ge [sflag:s1], $0x2000  }
0x264: {  	[sflag:s1] =	ssyncset.done $0x0  }
0x265: {  	[sflag:s1] =	ssyncadd.s32 $0xFFFFE000  }
0x266: {  	[spmem:s2] =	stream.indirect.scatter.add.f32 [tilespmem:s29], [sflag:$0x7], $0x80, s15, s24, $0xb8;
	[tilespmem:$0x1FC80] =	vst v63  }
0x267: {  	_ =	swait.ge [sflag:s23], $0x2000  }
0x268: {  	[sflag:s23] =	ssyncset.done $0x0  }
0x269: {  	s16 =	sadd.s32 $0x180, s16;
	[sflag:s23] =	ssyncadd.s32 $0xFFFFE000  }
0x26a: {  	[tilespmem:s29], [sflag:$0x3] =	stream.indirect.gather [hbm4b:s7+s24], $0x80, s16, s24, $0xb8;
	[tilespmem:$0x1FC80] =	vst v63  }
0x26b: {  	_ =	swait.ge [sflag:s8], $0x2000  }
.Ltmp5:
0x26c: {  	[sflag:s8] =	ssyncset.done $0x0;
	(pc) =	sbr.rel @p0 .LBB2_12-.Ltmp5, $4  }
0x26d: {  	s16 =	sadd.s32 $0x80, s15;
	[sflag:s8] =	ssyncadd.s32 $0xFFFFE000  }
0x26e: {  	[spmem:s2] =	stream.indirect.scatter.add.f32 [tilespmem:s30], [sflag:$0x7], $0x80, s16, s24, $0xb8;
	[tilespmem:$0x1FC80] =	vst v63  }
0x26f: {  	s19 =	smov.u32 s17;
	_ =	swait.ge [sflag:s23], $0x2000  }
0x270: {  	s15 =	sadd.s32 $0x200, s15;
	s16 =	sshra.s32 s28, $0x2;
	[sflag:s23] =	ssyncset.done $0x0  }
0x271: {  	s17 =	sadd.s32 $0xC0, s16;
	[sflag:s23] =	ssyncadd.s32 $0xFFFFE000  }
0x272: {  	[tilespmem:s30], [sflag:$0x4] =	stream.indirect.gather [hbm4b:s7+s24], $0x80, s17, s24, $0xb8;
	[tilespmem:$0x1FC80] =	vst v63  }
0x273: {  	_ =	swait.ge [sflag:s31], $0x2000  }
0x274: {  	[sflag:s31] =	ssyncset.done $0x0  }
0x275: {  	s20 =	sadd.s32 $0xFFFFFF00, s15;
	[sflag:s31] =	ssyncadd.s32 $0xFFFFE000  }
0x276: {  	[spmem:s2] =	stream.indirect.scatter.add.f32 [tilespmem:s25], [sflag:$0x7], $0x80, s20, s24, $0xb8;
	[tilespmem:$0x1FC80] =	vst v63  }
0x277: {  	_ =	swait.ge [sflag:s23], $0x2000  }
0x278: {  	[sflag:s23] =	ssyncset.done $0x0  }
0x279: {  	s28 =	sadd.s32 $0x100, s16;
	[sflag:s23] =	ssyncadd.s32 $0xFFFFE000  }
0x27a: {  	[tilespmem:s25], [sflag:$0x1] =	stream.indirect.gather [hbm4b:s7+s24], $0x80, s28, s24, $0xb8;
	[tilespmem:$0x1FC80] =	vst v63  }
0x27b: {  	_ =	swait.ge [sflag:s0], $0x2000  }
0x27c: {  	[sflag:s0] =	ssyncset.done $0x0  }
0x27d: {  	s19 =	sadd.s32 $0xFFFFFF80, s15;
	[sflag:s0] =	ssyncadd.s32 $0xFFFFE000  }
0x27e: {  	[spmem:s2] =	stream.indirect.scatter.add.f32 [tilespmem:s26], [sflag:$0x7], $0x80, s19, s24, $0xb8;
	[tilespmem:$0x1FC80] =	vst v63  }
0x27f: {  	_ =	swait.ge [sflag:s23], $0x2000  }
0x280: {  	[sflag:s23] =	ssyncset.done $0x0  }
0x281: {  	s20 =	sadd.s32 $0x140, s16;
	[sflag:s23] =	ssyncadd.s32 $0xFFFFE000  }
0x282: {  	[tilespmem:s26], [sflag:$0x2] =	stream.indirect.gather [hbm4b:s7+s24], $0x80, s20, s24, $0xb8;
	[tilespmem:$0x1FC80] =	vst v63  }
0x283: {  	_ =	swait.ge [sflag:s1], $0x2000  }
0x284: {  	[sflag:s1] =	ssyncset.done $0x0  }
0x285: {  	[sflag:s1] =	ssyncadd.s32 $0xFFFFE000  }
0x286: {  	[spmem:s2] =	stream.indirect.scatter.add.f32 [tilespmem:s29], [sflag:$0x7], $0x80, s15, s24, $0xb8;
	[tilespmem:$0x1FC80] =	vst v63  }
0x287: {  	_ =	swait.ge [sflag:s23], $0x2000  }
0x288: {  	[sflag:s23] =	ssyncset.done $0x0  }
0x289: {  	s28 =	sadd.s32 $0x180, s16;
	[sflag:s23] =	ssyncadd.s32 $0xFFFFE000  }
0x28a: {  	[tilespmem:s29], [sflag:$0x3] =	stream.indirect.gather [hbm4b:s7+s24], $0x80, s28, s24, $0xb8;
	[tilespmem:$0x1FC80] =	vst v63  }
0x28b: {  	_ =	swait.ge [sflag:s8], $0x2000  }
0x28c: {  	[sflag:s8] =	ssyncset.done $0x0  }
0x28d: {  	s17 =	sadd.s32 $0x80, s15;
	[sflag:s8] =	ssyncadd.s32 $0xFFFFE000  }
0x28e: {  	[spmem:s2] =	stream.indirect.scatter.add.f32 [tilespmem:s30], [sflag:$0x7], $0x80, s17, s24, $0xb8;
	[tilespmem:$0x1FC80] =	vst v63  }
0x28f: {  	_ =	swait.ge [sflag:s23], $0x2000  }
0x290: {  	[sflag:s23] =	ssyncset.done $0x0  }
0x291: {  	s19 =	simm.s32 $0x12C0;
	[sflag:s23] =	ssyncadd.s32 $0xFFFFE000  }
0x292: {  	[tilespmem:s30], [sflag:$0x4] =	stream.indirect.gather [hbm4b:s7+s24], $0x80, s19, s24, $0xb8;
	[tilespmem:$0x1FC80] =	vst v63  }
0x293: {  	_ =	swait.ge [sflag:s31], $0x2000  }
0x294: {  	[sflag:s31] =	ssyncset.done $0x0  }
0x295: {  	s20 =	simm.s32 $0x3780;
	[sflag:s31] =	ssyncadd.s32 $0xFFFFE000  }
0x296: {  	[spmem:s2] =	stream.indirect.scatter.add.f32 [tilespmem:s25], [sflag:$0x7], $0x80, s20, s24, $0xb8;
	[tilespmem:$0x1FC80] =	vst v63  }
0x297: {  	_ =	swait.ge [sflag:s23], $0x2000  }
0x298: {  	[sflag:s23] =	ssyncset.done $0x0  }
0x299: {  	s28 =	simm.s32 $0x1300;
	[sflag:s23] =	ssyncadd.s32 $0xFFFFE000  }
0x29a: {  	[tilespmem:s25], [sflag:$0x1] =	stream.indirect.gather [hbm4b:s7+s24], $0x80, s28, s24, $0xb8;
	[tilespmem:$0x1FC80] =	vst v63  }
0x29b: {  	_ =	swait.ge [sflag:s0], $0x2000  }
0x29c: {  	[sflag:s0] =	ssyncset.done $0x0  }
0x29d: {  	s16 =	simm.s32 $0x3800;
	[sflag:s0] =	ssyncadd.s32 $0xFFFFE000  }
0x29e: {  	[spmem:s2] =	stream.indirect.scatter.add.f32 [tilespmem:s26], [sflag:$0x7], $0x80, s16, s24, $0xb8;
	[tilespmem:$0x1FC80] =	vst v63  }
0x29f: {  	_ =	swait.ge [sflag:s23], $0x2000  }
0x2a0: {  	[sflag:s23] =	ssyncset.done $0x0  }
0x2a1: {  	s17 =	simm.s32 $0x1340;
	[sflag:s23] =	ssyncadd.s32 $0xFFFFE000  }
0x2a2: {  	[tilespmem:s26], [sflag:$0x2] =	stream.indirect.gather [hbm4b:s7+s24], $0x80, s17, s24, $0xb8;
	[tilespmem:$0x1FC80] =	vst v63  }
0x2a3: {  	_ =	swait.ge [sflag:s1], $0x2000  }
0x2a4: {  	[sflag:s1] =	ssyncset.done $0x0  }
0x2a5: {  	s19 =	simm.s32 $0x3880;
	[sflag:s1] =	ssyncadd.s32 $0xFFFFE000  }
0x2a6: {  	[spmem:s2] =	stream.indirect.scatter.add.f32 [tilespmem:s29], [sflag:$0x7], $0x80, s19, s24, $0xb8;
	[tilespmem:$0x1FC80] =	vst v63  }
0x2a7: {  	_ =	swait.ge [sflag:s23], $0x2000  }
0x2a8: {  	[sflag:s23] =	ssyncset.done $0x0  }
0x2a9: {  	[sflag:s23] =	ssyncadd.s32 $0xFFFFE000  }
0x2aa: {  	_ =	swait.ge [sflag:s8], $0x2000  }
0x2ab: {  	[sflag:s8] =	ssyncset.done $0x0  }
0x2ac: {  	s20 =	simm.s32 $0x3900;
	[sflag:s8] =	ssyncadd.s32 $0xFFFFE000  }
0x2ad: {  	[spmem:s2] =	stream.indirect.scatter.add.f32 [tilespmem:s30], [sflag:$0x7], $0x80, s20, s24, $0xb8;
	[tilespmem:$0x1FC80] =	vst v63  }
0x2ae: {  	_ =	swait.ge [sflag:s23], $0x2000  }
0x2af: {  	[sflag:s23] =	ssyncset.done $0x0  }
0x2b0: {  	[sflag:s23] =	ssyncadd.s32 $0xFFFFE000  }
0x2b1: {  	_ =	swait.ge [sflag:s31], $0x2000  }
0x2b2: {  	[sflag:s31] =	ssyncset.done $0x0  }
0x2b3: {  	s28 =	simm.s32 $0x3980;
	[sflag:s31] =	ssyncadd.s32 $0xFFFFE000  }
0x2b4: {  	[spmem:s2] =	stream.indirect.scatter.add.f32 [tilespmem:s25], [sflag:$0x7], $0x80, s28, s24, $0xb8;
	[tilespmem:$0x1FC80] =	vst v63  }
0x2b5: {  	_ =	swait.ge [sflag:s23], $0x2000  }
0x2b6: {  	[sflag:s23] =	ssyncset.done $0x0  }
0x2b7: {  	[sflag:s23] =	ssyncadd.s32 $0xFFFFE000  }
0x2b8: {  	_ =	swait.ge [sflag:s0], $0x2000  }
0x2b9: {  	[sflag:s0] =	ssyncset.done $0x0  }
0x2ba: {  	s16 =	simm.s32 $0x3A00;
	[sflag:s0] =	ssyncadd.s32 $0xFFFFE000  }
0x2bb: {  	[spmem:s2] =	stream.indirect.scatter.add.f32 [tilespmem:s26], [sflag:$0x7], $0x80, s16, s24, $0xb8;
	[tilespmem:$0x1FC80] =	vst v63  }
0x2bc: {  	_ =	swait.ge [sflag:s23], $0x2000  }
0x2bd: {  	[sflag:s23] =	ssyncset.done $0x0  }
0x2be: {  	s17 =	simm.s32 $0xBB80;
	[sflag:s23] =	ssyncadd.s32 $0xFFFFE000  }
0x2bf: {  	[tilespmem:s10], [sflag:$0x6] =	stream.indirect.gather [hbm4b:s7+s9], $0x80, s17, s9, $0xb8;
	[tilespmem:$0x1FC80] =	vst v63  }
0x2c0: {  	_ =	swait.ge [sflag:s22], $0x400  }
0x2c1: {  	[sflag:s22] =	ssyncset.done $0x0  }
0x2c2: {  	s19 =	simm.s32 $0xBC00;
	[sflag:s22] =	ssyncadd.s32 $0xFFFFFC00  }
0x2c3: {  	[spmem:s2] =	stream.indirect.scatter.add.f32 [tilespmem:s10], [sflag:$0x7], $0x80, s19, s9, $0xb8;
	[tilespmem:$0x1FC80] =	vst v63  }
0x2c4: {  	_ =	swait.ge [sflag:s23], $0x400  }
0x2c5: {  	[sflag:s23] =	ssyncset.done $0x0  }
0x2c6: {  	[sflag:s23] =	ssyncadd.s32 $0xFFFFFC00  }
0x2c7: {  	[bflag:$0x0] =	sbarrier.arrive $0xFFFF  }
0x2c8: {  	s20 =	rddreg [dreg:$0xb]  }
0x2c9: {  	[hbm:s20], [sflag:s13] =	dma.local [spmem:s14], $0x2780  }
0x2ca: {  	_ =	swait.ge [sflag:s23], $0x2780  }
0x2cb: {  	s11 =	sadd.s32 $0x1, s11;
	s28 =	rddreg [dreg:$0xc]  }
0x2cc: {  	p0 =	sne.s32 s11, s28  }
.Ltmp6:
0x2cd: {  	_ = 	snop;
	(pc) =	sbr.rel @p0 .LBB2_1-.Ltmp6, $3  }
0x2ce: {  	_ =	sdelay $0x1  }
0x2cf: {  	[sflag:s23] =	ssyncset.done $0x0  }
0x2d0: {  	[sflag:s23] =	ssyncadd.s32 $0xFFFFD880  }
0x2d1: {  	_ =	sfence.sel $0x180000  }
0x2d2: {  	[bflag:$0x0] =	sbarrier.arrive $0xFFFF  }
0x2d3: {  	_ =	strace $0x9000004A  }
0x2d4: {  	s0 =	stileid.u32;
	[bflag:$0x2] =	sbarrier.arrive $0xFFFF  }
0x2d5: {  	p0 =	sne.s32 s0, $0x0;
	s0 =	rddreg [dreg:$0x3]  }
0x2d6: {  	s0 =	sadd.s32 @!p0 $0x100000, s0  }
0x2d7: {  	[sflag:s0] =	ssyncadd.tile.s32 @!p0 $0x1;
	_ =	shalt  }
.Lfunc_end2:
_tile_overlayer_lowered:
.L_overlay_start_2:
0x2d8: {  	(tag) =	ssettag $0x2  }
0x2d9: {  	s0 =	rddreg [dreg:$0x0];
	s2 =	stileid.u32  }
0x2da: {  	s1 =	rddreg [dreg:$0x1];
	p0 =	sne.s32 s2, $0x0  }
0x2db: {  	s3 =	rddreg [dreg:$0x2];
	[bflag:$0x3] =	sbarrier.arrive $0xFFFF;
	s2 =	simm.s32 @!p0 $0x1C07  }
0x2dc: {  	[timem:s3], [sflag:s2] =	dma.local @!p0 [hbm:s0], s1  }
0x2dd: {  	s0 =	simm.s32 @!p0 $0x7  }
0x2de: {  	_ =	swait.ge @!p0 [sflag:s0], s1  }
0x2df: {  	s1 =	ssub.s32 @!p0 $0x0, s1;
	[sflag:s0] =	ssyncset.done @!p0 $0x0  }
0x2e0: {  	[sflag:s0] =	ssyncadd.s32 @!p0 s1  }
0x2e1: {  	[bflag:$0x3] =	sbarrier.arrive $0xFFFF  }
0x2e2: {  	_ =	shalt  }

</sc_bundles>
